<compile_context>
chip_gen: v7x
topology: tpu7x:2x2x1
jax: 0.10.2.dev20260603
libtpu: 0.0.44.dev20260713+nightly
codegen_flags: <defaults>
</compile_context>

<pallas_src>
import functools

import jax
import jax.numpy as jnp
from jax import lax
from jax.experimental import pallas as pl
from jax.experimental.pallas import tpu as pltpu
from jax.experimental.pallas import tpu_sc as plsc

NUM_BUCKETS = 100000
EMBED_DIM = 128
MODEL_DIM = 2048

_NC = 2
_NS = 16
_NW = _NC * _NS
_LANES = 16

_IDX_CHUNK = 128


def _gather_kernel(tokens: int):
    b_per_w = tokens // _NW
    n_chunks = b_per_w // _IDX_CHUNK
    mesh = plsc.VectorSubcoreMesh(
        core_axis_name="c", subcore_axis_name="s",
        num_cores=_NC, num_subcores=_NS)

    @functools.partial(
        pl.kernel,
        out_type=jax.ShapeDtypeStruct((tokens, EMBED_DIM), jnp.float32),
        mesh=mesh,
        scratch_types=[
            pltpu.VMEM((b_per_w,), jnp.int32),
            pltpu.VMEM((b_per_w,), jnp.int32),
            pltpu.VMEM((n_chunks, _IDX_CHUNK), jnp.int32),
            pltpu.VMEM((b_per_w, EMBED_DIM), jnp.float32),
            pltpu.SemaphoreType.DMA,
        ],
    )
    def gather(ids_hbm, prev_hbm, table_hbm, out_hbm,
               ids_v, prev_v, idx_v, rows_v, sem):
        wid = lax.axis_index("s") * _NC + lax.axis_index("c")
        base = wid * b_per_w
        in_copies = [
            pltpu.async_copy(ids_hbm.at[pl.ds(base, b_per_w)], ids_v, sem),
            pltpu.async_copy(prev_hbm.at[pl.ds(base, b_per_w)], prev_v, sem),
        ]
        for c in in_copies:
            c.wait()
        for j in range(n_chunks):
            for k in range(_IDX_CHUNK // _LANES):
                off = j * _IDX_CHUNK + k * _LANES
                cur = ids_v[pl.ds(off, _LANES)]
                prev = prev_v[pl.ds(off, _LANES)]
                h = (prev * 1009 + cur) % NUM_BUCKETS
                idx_v[j, pl.ds(k * _LANES, _LANES)] = h
        copies = [
            pltpu.async_copy(
                table_hbm.at[idx_v.at[j]],
                rows_v.at[pl.ds(j * _IDX_CHUNK, _IDX_CHUNK)],
                sem)
            for j in range(n_chunks)
        ]
        for c in copies:
            c.wait()
        pltpu.sync_copy(rows_v, out_hbm.at[pl.ds(base, b_per_w)])

    return gather


def _matmul_kernel(x_ref, w_ref, o_ref):
    bm = o_ref.shape[0]
    i = pl.program_id(0)
    x = x_ref[pl.ds(i * bm, bm), :]
    o_ref[...] = jnp.dot(
        x.astype(jnp.bfloat16), w_ref[...],
        preferred_element_type=jnp.float32)


def _matmul_kernel_alias(x_ref, w_ref, prev_ref, o_ref):
    del prev_ref
    _matmul_kernel(x_ref, w_ref, o_ref)


def _project_chunk(e, w_t_bf16, out_prev, tokens: int, row0: int, bm: int):
    ctok = e.shape[0]
    grid = (ctok // bm,)
    blk0 = row0 // bm
    out_shape = jax.ShapeDtypeStruct((tokens, MODEL_DIM), jnp.float32)
    in_specs = [
        pl.BlockSpec((ctok, EMBED_DIM), lambda i: (0, 0)),
        pl.BlockSpec((EMBED_DIM, MODEL_DIM), lambda i: (0, 0)),
    ]
    out_specs = pl.BlockSpec((bm, MODEL_DIM), lambda i: (blk0 + i, 0))
    params = pltpu.CompilerParams(dimension_semantics=("arbitrary",))
    if out_prev is None:
        return pl.pallas_call(
            _matmul_kernel, grid=grid, in_specs=in_specs,
            out_specs=out_specs, out_shape=out_shape,
            compiler_params=params,
        )(e, w_t_bf16)
    in_specs.append(pl.BlockSpec(memory_space=pl.ANY))
    return pl.pallas_call(
        _matmul_kernel_alias, grid=grid, in_specs=in_specs,
        out_specs=out_specs, out_shape=out_shape,
        input_output_aliases={2: 0},
        compiler_params=params,
    )(e, w_t_bf16, out_prev)


def kernel(input_ids, embed_table, proj_w):
    batch, seq = input_ids.shape
    tokens = batch * seq
    ids = input_ids.astype(jnp.int32).reshape(tokens)
    prev = jnp.pad(
        input_ids[:, :-1].astype(jnp.int32), ((0, 0), (1, 0))).reshape(tokens)
    w_t = proj_w.T.astype(jnp.bfloat16)

    splits = (tokens // 4, tokens - tokens // 4)
    starts = [0]
    for s in splits[:-1]:
        starts.append(starts[-1] + s)
    es = [_gather_kernel(s)(ids[r0:r0 + s], prev[r0:r0 + s], embed_table)
          for r0, s in zip(starts, splits)]
    out = None
    for r0, e in zip(starts, es):
        out = _project_chunk(e, w_t, out, tokens, r0, bm=1024)
    return out.reshape(batch, seq, MODEL_DIM)

# --- scband reference (transcript-rebuilt; emitter-appended) ---
"""Pipeline reference for scband-bigram-hash-embedding-11811160064688 (READ-ONLY COPY).

The authoritative reference and input builder live on the scoring server;
editing this copy changes nothing except your own understanding.
"""

import jax, jax.numpy as jnp
import numpy as np

NUM_BUCKETS = 100000
EMBED_DIM = 128
MODEL_DIM = 2048
BATCH = 4
SEQ = 4096

def setup_inputs(seed: int = 0) -> dict:
    key = jax.random.key(seed)
    k1, k2, k3 = jax.random.split(key, 3)
    input_ids = jax.random.randint(k1, (BATCH, SEQ), 0, 50000, dtype=jnp.int64)
    embed_table = jax.random.normal(k2, (NUM_BUCKETS, EMBED_DIM), dtype=jnp.float32) * 0.01
    proj_w = jax.random.normal(k3, (MODEL_DIM, EMBED_DIM), dtype=jnp.float32) * 0.02
    return {"input_ids": input_ids, "embed_table": embed_table, "proj_w": proj_w}

def reference(input_ids, embed_table, proj_w):
    # prev_ids = left-pad input_ids[:, :-1] with 0
    prev_ids = jnp.pad(input_ids[:, :-1], ((0, 0), (1, 0)), constant_values=0)
    bigram_hash = (prev_ids * 1009 + input_ids) % NUM_BUCKETS
    e = jnp.take(embed_table, bigram_hash, axis=0)  # [B, S, embed_dim]
    out = jnp.einsum('bse,me->bsm', e, proj_w)       # F.linear: x @ W.T
    return out

if __name__ == "__main__":
    import jax
    _d = setup_inputs()
    print(jax.jit(kernel)(*tuple(_d.values())))

</pallas_src>

<mosaic_0001>
#map = affine_map<(d0, d1) -> (0)>
#map1 = affine_map<(d0, d1) -> (0, 0)>
module attributes {stable_mosaic.version = 14 : i64} {
  func.func @gather(%arg0: i32, %arg1: i32, %arg2: memref<12288xi32, #tpu.memory_space<hbm>>, %arg3: memref<12288xi32, #tpu.memory_space<hbm>>, %arg4: memref<100000x128xf32, #tpu.memory_space<hbm>>, %arg5: memref<12288x128xf32, #tpu.memory_space<hbm>>, %arg6: memref<384xi32, #tpu.memory_space<vmem>>, %arg7: memref<384xi32, #tpu.memory_space<vmem>>, %arg8: memref<3x128xi32, #tpu.memory_space<vmem>>, %arg9: memref<384x128xf32, #tpu.memory_space<vmem>>, %arg10: memref<!tpu.dma_semaphore, #tpu.memory_space<semaphore_mem>>) attributes {dimension_semantics = [#tpu.dimension_semantics<core_parallel>, #tpu.dimension_semantics<subcore_parallel>], iteration_bounds = array<i64: 2, 16>, scalar_prefetch = 0 : i64, scratch_operands = 5 : i64, tpu.core_type = #tpu.core_type<sc_vector_subcore>, window_params = [{transform_indices = #map}, {transform_indices = #map}, {transform_indices = #map1}, {transform_indices = #map1}]} {
    %mul3A = arith.constant 2 : i32
    %mul3A_0 = arith.muli %arg1, %mul3A : i32
    %add3A = arith.addi %mul3A_0, %arg0 : i32
    %mul3A_1 = arith.constant 384 : i32
    %mul3A_2 = arith.muli %add3A, %mul3A_1 : i32
    %dma_start3A = tpu.memref_slice %arg2[%mul3A_2] : memref<12288xi32, #tpu.memory_space<hbm>> -> memref<384xi32, #tpu.memory_space<hbm>>
    %dma_start3A_3 = tpu.memref_slice %arg2[%mul3A_2] : memref<12288xi32, #tpu.memory_space<hbm>> -> memref<384xi32, #tpu.memory_space<hbm>>
    tpu.enqueue_dma source(%dma_start3A_3 : memref<384xi32, #tpu.memory_space<hbm>>) target(%arg6 : memref<384xi32, #tpu.memory_space<vmem>>) target_semaphore(%arg10 : memref<!tpu.dma_semaphore, #tpu.memory_space<semaphore_mem>>)
    %dma_start3A_4 = tpu.memref_slice %arg3[%mul3A_2] : memref<12288xi32, #tpu.memory_space<hbm>> -> memref<384xi32, #tpu.memory_space<hbm>>
    %dma_start3A_5 = tpu.memref_slice %arg3[%mul3A_2] : memref<12288xi32, #tpu.memory_space<hbm>> -> memref<384xi32, #tpu.memory_space<hbm>>
    tpu.enqueue_dma source(%dma_start3A_5 : memref<384xi32, #tpu.memory_space<hbm>>) target(%arg7 : memref<384xi32, #tpu.memory_space<vmem>>) target_semaphore(%arg10 : memref<!tpu.dma_semaphore, #tpu.memory_space<semaphore_mem>>)
    %dma_wait3A = tpu.memref_slice %arg2[%mul3A_2] : memref<12288xi32, #tpu.memory_space<hbm>> -> memref<384xi32, #tpu.memory_space<hbm>>
    %dma_wait3A_6 = tpu.memref_slice %arg2[%mul3A_2] : memref<12288xi32, #tpu.memory_space<hbm>> -> memref<384xi32, #tpu.memory_space<hbm>>
    tpu.wait_dma2 semaphore(%arg10 : memref<!tpu.dma_semaphore, #tpu.memory_space<semaphore_mem>>) src(%dma_wait3A_6 : memref<384xi32, #tpu.memory_space<hbm>>) dst(%arg6 : memref<384xi32, #tpu.memory_space<vmem>>)
    %dma_wait3A_7 = tpu.memref_slice %arg3[%mul3A_2] : memref<12288xi32, #tpu.memory_space<hbm>> -> memref<384xi32, #tpu.memory_space<hbm>>
    %dma_wait3A_8 = tpu.memref_slice %arg3[%mul3A_2] : memref<12288xi32, #tpu.memory_space<hbm>> -> memref<384xi32, #tpu.memory_space<hbm>>
    tpu.wait_dma2 semaphore(%arg10 : memref<!tpu.dma_semaphore, #tpu.memory_space<semaphore_mem>>) src(%dma_wait3A_8 : memref<384xi32, #tpu.memory_space<hbm>>) dst(%arg7 : memref<384xi32, #tpu.memory_space<vmem>>)
    %get3A = arith.constant 0 : index
    %get3A_9 = tpu.vector_load %arg6[%get3A] {strides = array<i32>} : memref<384xi32, #tpu.memory_space<vmem>>, vector<16xi32>,
    %get3A_10 = vector.shape_cast %get3A_9 : vector<16xi32> to vector<16xi32>
    %get3A_11 = arith.constant 0 : index
    %get3A_12 = tpu.vector_load %arg7[%get3A_11] {strides = array<i32>} : memref<384xi32, #tpu.memory_space<vmem>>, vector<16xi32>,
    %get3A_13 = vector.shape_cast %get3A_12 : vector<16xi32> to vector<16xi32>
    %mul3A_14 = arith.constant 1009 : i32
    %mul3A_15 = vector.broadcast %mul3A_14 : i32 to vector<16xi32>
    %mul3A_16 = arith.muli %get3A_13, %mul3A_15 : vector<16xi32>
    %add3A_17 = arith.addi %mul3A_16, %get3A_10 : vector<16xi32>
    %jit3A = arith.constant 100000 : i32
    %eq3A = arith.constant 0 : i32
    %eq3A_18 = arith.cmpi eq, %jit3A, %eq3A : i32
    %jit3A_19 = arith.constant 1 : i32
    %select_n3A = arith.select %eq3A_18, %jit3A_19, %jit3A : i32
    %rem3A = vector.broadcast %select_n3A : i32 to vector<16xi32>
    %rem3A_20 = arith.remsi %add3A_17, %rem3A : vector<16xi32>
    %ne3A = arith.constant 0 : i32
    %ne3A_21 = vector.broadcast %ne3A : i32 to vector<16xi32>
    %ne3A_22 = arith.cmpi ne, %rem3A_20, %ne3A_21 : vector<16xi32>
    %lt3A = arith.constant 0 : i32
    %lt3A_23 = vector.broadcast %lt3A : i32 to vector<16xi32>
    %lt3A_24 = arith.cmpi slt, %rem3A_20, %lt3A_23 : vector<16xi32>
    %lt3A_25 = arith.constant 0 : i32
    %lt3A_26 = arith.cmpi slt, %select_n3A, %lt3A_25 : i32
    %ne3A_27 = vector.broadcast %lt3A_26 : i1 to vector<16xi1>
    %ne3A_28 = vector.broadcast %ne3A_27 : vector<16xi1> to vector<16xi1>
    %ne3A_29 = arith.xori %lt3A_24, %ne3A_28 : vector<16xi1>
    %and3A = arith.andi %ne3A_29, %ne3A_22 : vector<16xi1>
    %add3A_30 = vector.broadcast %select_n3A : i32 to vector<16xi32>
    %add3A_31 = arith.addi %rem3A_20, %add3A_30 : vector<16xi32>
    %select_n3A_32 = arith.select %and3A, %add3A_31, %rem3A_20 : vector<16xi1>, vector<16xi32>
    %swap3A = arith.constant 0 : i32
    %swap3A_33 = arith.index_cast %swap3A : i32 to index
    %swap3A_34 = arith.constant 0 : index
    %swap3A_35 = tpu.vector_load %arg8[%swap3A_33, %swap3A_34] {strides = array<i32>} : memref<3x128xi32, #tpu.memory_space<vmem>>, vector<1x16xi32>,
    %swap3A_36 = vector.shape_cast %swap3A_35 : vector<1x16xi32> to vector<16xi32>
    %swap3A_37 = vector.shape_cast %select_n3A_32 : vector<16xi32> to vector<1x16xi32>
    tpu.vector_store %arg8[%swap3A_33, %swap3A_34], %swap3A_37 {strides = array<i32>} : memref<3x128xi32, #tpu.memory_space<vmem>>, vector<1x16xi32>,
    %get3A_38 = arith.constant 16 : index
    %get3A_39 = tpu.vector_load %arg6[%get3A_38] {strides = array<i32>} : memref<384xi32, #tpu.memory_space<vmem>>, vector<16xi32>,
    %get3A_40 = vector.shape_cast %get3A_39 : vector<16xi32> to vector<16xi32>
    %get3A_41 = arith.constant 16 : index
    %get3A_42 = tpu.vector_load %arg7[%get3A_41] {strides = array<i32>} : memref<384xi32, #tpu.memory_space<vmem>>, vector<16xi32>,
    %get3A_43 = vector.shape_cast %get3A_42 : vector<16xi32> to vector<16xi32>
    %mul3A_44 = arith.constant 1009 : i32
    %mul3A_45 = vector.broadcast %mul3A_44 : i32 to vector<16xi32>
    %mul3A_46 = arith.muli %get3A_43, %mul3A_45 : vector<16xi32>
    %add3A_47 = arith.addi %mul3A_46, %get3A_40 : vector<16xi32>
    %jit3A_48 = arith.constant 100000 : i32
    %eq3A_49 = arith.constant 0 : i32
    %eq3A_50 = arith.cmpi eq, %jit3A_48, %eq3A_49 : i32
    %jit3A_51 = arith.constant 1 : i32
    %select_n3A_52 = arith.select %eq3A_50, %jit3A_51, %jit3A_48 : i32
    %rem3A_53 = vector.broadcast %select_n3A_52 : i32 to vector<16xi32>
    %rem3A_54 = arith.remsi %add3A_47, %rem3A_53 : vector<16xi32>
    %ne3A_55 = arith.constant 0 : i32
    %ne3A_56 = vector.broadcast %ne3A_55 : i32 to vector<16xi32>
    %ne3A_57 = arith.cmpi ne, %rem3A_54, %ne3A_56 : vector<16xi32>
    %lt3A_58 = arith.constant 0 : i32
    %lt3A_59 = vector.broadcast %lt3A_58 : i32 to vector<16xi32>
    %lt3A_60 = arith.cmpi slt, %rem3A_54, %lt3A_59 : vector<16xi32>
    %lt3A_61 = arith.constant 0 : i32
    %lt3A_62 = arith.cmpi slt, %select_n3A_52, %lt3A_61 : i32
    %ne3A_63 = vector.broadcast %lt3A_62 : i1 to vector<16xi1>
    %ne3A_64 = vector.broadcast %ne3A_63 : vector<16xi1> to vector<16xi1>
    %ne3A_65 = arith.xori %lt3A_60, %ne3A_64 : vector<16xi1>
    %and3A_66 = arith.andi %ne3A_65, %ne3A_57 : vector<16xi1>
    %add3A_67 = vector.broadcast %select_n3A_52 : i32 to vector<16xi32>
    %add3A_68 = arith.addi %rem3A_54, %add3A_67 : vector<16xi32>
    %select_n3A_69 = arith.select %and3A_66, %add3A_68, %rem3A_54 : vector<16xi1>, vector<16xi32>
    %swap3A_70 = arith.constant 0 : i32
    %swap3A_71 = arith.index_cast %swap3A_70 : i32 to index
    %swap3A_72 = arith.constant 16 : index
    %swap3A_73 = tpu.vector_load %arg8[%swap3A_71, %swap3A_72] {strides = array<i32>} : memref<3x128xi32, #tpu.memory_space<vmem>>, vector<1x16xi32>,
    %swap3A_74 = vector.shape_cast %swap3A_73 : vector<1x16xi32> to vector<16xi32>
    %swap3A_75 = vector.shape_cast %select_n3A_69 : vector<16xi32> to vector<1x16xi32>
    tpu.vector_store %arg8[%swap3A_71, %swap3A_72], %swap3A_75 {strides = array<i32>} : memref<3x128xi32, #tpu.memory_space<vmem>>, vector<1x16xi32>,
    %get3A_76 = arith.constant 32 : index
    %get3A_77 = tpu.vector_load %arg6[%get3A_76] {strides = array<i32>} : memref<384xi32, #tpu.memory_space<vmem>>, vector<16xi32>,
    %get3A_78 = vector.shape_cast %get3A_77 : vector<16xi32> to vector<16xi32>
    %get3A_79 = arith.constant 32 : index
    %get3A_80 = tpu.vector_load %arg7[%get3A_79] {strides = array<i32>} : memref<384xi32, #tpu.memory_space<vmem>>, vector<16xi32>,
    %get3A_81 = vector.shape_cast %get3A_80 : vector<16xi32> to vector<16xi32>
    %mul3A_82 = arith.constant 1009 : i32
    %mul3A_83 = vector.broadcast %mul3A_82 : i32 to vector<16xi32>
    %mul3A_84 = arith.muli %get3A_81, %mul3A_83 : vector<16xi32>
    %add3A_85 = arith.addi %mul3A_84, %get3A_78 : vector<16xi32>
    %jit3A_86 = arith.constant 100000 : i32
    %eq3A_87 = arith.constant 0 : i32
    %eq3A_88 = arith.cmpi eq, %jit3A_86, %eq3A_87 : i32
    %jit3A_89 = arith.constant 1 : i32
    %select_n3A_90 = arith.select %eq3A_88, %jit3A_89, %jit3A_86 : i32
    %rem3A_91 = vector.broadcast %select_n3A_90 : i32 to vector<16xi32>
    %rem3A_92 = arith.remsi %add3A_85, %rem3A_91 : vector<16xi32>
    %ne3A_93 = arith.constant 0 : i32
    %ne3A_94 = vector.broadcast %ne3A_93 : i32 to vector<16xi32>
    %ne3A_95 = arith.cmpi ne, %rem3A_92, %ne3A_94 : vector<16xi32>
    %lt3A_96 = arith.constant 0 : i32
    %lt3A_97 = vector.broadcast %lt3A_96 : i32 to vector<16xi32>
    %lt3A_98 = arith.cmpi slt, %rem3A_92, %lt3A_97 : vector<16xi32>
    %lt3A_99 = arith.constant 0 : i32
    %lt3A_100 = arith.cmpi slt, %select_n3A_90, %lt3A_99 : i32
    %ne3A_101 = vector.broadcast %lt3A_100 : i1 to vector<16xi1>
    %ne3A_102 = vector.broadcast %ne3A_101 : vector<16xi1> to vector<16xi1>
    %ne3A_103 = arith.xori %lt3A_98, %ne3A_102 : vector<16xi1>
    %and3A_104 = arith.andi %ne3A_103, %ne3A_95 : vector<16xi1>
    %add3A_105 = vector.broadcast %select_n3A_90 : i32 to vector<16xi32>
    %add3A_106 = arith.addi %rem3A_92, %add3A_105 : vector<16xi32>
    %select_n3A_107 = arith.select %and3A_104, %add3A_106, %rem3A_92 : vector<16xi1>, vector<16xi32>
    %swap3A_108 = arith.constant 0 : i32
    %swap3A_109 = arith.index_cast %swap3A_108 : i32 to index
    %swap3A_110 = arith.constant 32 : index
    %swap3A_111 = tpu.vector_load %arg8[%swap3A_109, %swap3A_110] {strides = array<i32>} : memref<3x128xi32, #tpu.memory_space<vmem>>, vector<1x16xi32>,
    %swap3A_112 = vector.shape_cast %swap3A_111 : vector<1x16xi32> to vector<16xi32>
    %swap3A_113 = vector.shape_cast %select_n3A_107 : vector<16xi32> to vector<1x16xi32>
    tpu.vector_store %arg8[%swap3A_109, %swap3A_110], %swap3A_113 {strides = array<i32>} : memref<3x128xi32, #tpu.memory_space<vmem>>, vector<1x16xi32>,
    %get3A_114 = arith.constant 48 : index
    %get3A_115 = tpu.vector_load %arg6[%get3A_114] {strides = array<i32>} : memref<384xi32, #tpu.memory_space<vmem>>, vector<16xi32>,
    %get3A_116 = vector.shape_cast %get3A_115 : vector<16xi32> to vector<16xi32>
    %get3A_117 = arith.constant 48 : index
    %get3A_118 = tpu.vector_load %arg7[%get3A_117] {strides = array<i32>} : memref<384xi32, #tpu.memory_space<vmem>>, vector<16xi32>,
    %get3A_119 = vector.shape_cast %get3A_118 : vector<16xi32> to vector<16xi32>
    %mul3A_120 = arith.constant 1009 : i32
    %mul3A_121 = vector.broadcast %mul3A_120 : i32 to vector<16xi32>
    %mul3A_122 = arith.muli %get3A_119, %mul3A_121 : vector<16xi32>
    %add3A_123 = arith.addi %mul3A_122, %get3A_116 : vector<16xi32>
    %jit3A_124 = arith.constant 100000 : i32
    %eq3A_125 = arith.constant 0 : i32
    %eq3A_126 = arith.cmpi eq, %jit3A_124, %eq3A_125 : i32
    %jit3A_127 = arith.constant 1 : i32
    %select_n3A_128 = arith.select %eq3A_126, %jit3A_127, %jit3A_124 : i32
    %rem3A_129 = vector.broadcast %select_n3A_128 : i32 to vector<16xi32>
    %rem3A_130 = arith.remsi %add3A_123, %rem3A_129 : vector<16xi32>
    %ne3A_131 = arith.constant 0 : i32
    %ne3A_132 = vector.broadcast %ne3A_131 : i32 to vector<16xi32>
    %ne3A_133 = arith.cmpi ne, %rem3A_130, %ne3A_132 : vector<16xi32>
    %lt3A_134 = arith.constant 0 : i32
    %lt3A_135 = vector.broadcast %lt3A_134 : i32 to vector<16xi32>
    %lt3A_136 = arith.cmpi slt, %rem3A_130, %lt3A_135 : vector<16xi32>
    %lt3A_137 = arith.constant 0 : i32
    %lt3A_138 = arith.cmpi slt, %select_n3A_128, %lt3A_137 : i32
    %ne3A_139 = vector.broadcast %lt3A_138 : i1 to vector<16xi1>
    %ne3A_140 = vector.broadcast %ne3A_139 : vector<16xi1> to vector<16xi1>
    %ne3A_141 = arith.xori %lt3A_136, %ne3A_140 : vector<16xi1>
    %and3A_142 = arith.andi %ne3A_141, %ne3A_133 : vector<16xi1>
    %add3A_143 = vector.broadcast %select_n3A_128 : i32 to vector<16xi32>
    %add3A_144 = arith.addi %rem3A_130, %add3A_143 : vector<16xi32>
    %select_n3A_145 = arith.select %and3A_142, %add3A_144, %rem3A_130 : vector<16xi1>, vector<16xi32>
    %swap3A_146 = arith.constant 0 : i32
    %swap3A_147 = arith.index_cast %swap3A_146 : i32 to index
    %swap3A_148 = arith.constant 48 : index
    %swap3A_149 = tpu.vector_load %arg8[%swap3A_147, %swap3A_148] {strides = array<i32>} : memref<3x128xi32, #tpu.memory_space<vmem>>, vector<1x16xi32>,
    %swap3A_150 = vector.shape_cast %swap3A_149 : vector<1x16xi32> to vector<16xi32>
    %swap3A_151 = vector.shape_cast %select_n3A_145 : vector<16xi32> to vector<1x16xi32>
    tpu.vector_store %arg8[%swap3A_147, %swap3A_148], %swap3A_151 {strides = array<i32>} : memref<3x128xi32, #tpu.memory_space<vmem>>, vector<1x16xi32>,
    %get3A_152 = arith.constant 64 : index
    %get3A_153 = tpu.vector_load %arg6[%get3A_152] {strides = array<i32>} : memref<384xi32, #tpu.memory_space<vmem>>, vector<16xi32>,
    %get3A_154 = vector.shape_cast %get3A_153 : vector<16xi32> to vector<16xi32>
    %get3A_155 = arith.constant 64 : index
    %get3A_156 = tpu.vector_load %arg7[%get3A_155] {strides = array<i32>} : memref<384xi32, #tpu.memory_space<vmem>>, vector<16xi32>,
    %get3A_157 = vector.shape_cast %get3A_156 : vector<16xi32> to vector<16xi32>
    %mul3A_158 = arith.constant 1009 : i32
    %mul3A_159 = vector.broadcast %mul3A_158 : i32 to vector<16xi32>
    %mul3A_160 = arith.muli %get3A_157, %mul3A_159 : vector<16xi32>
    %add3A_161 = arith.addi %mul3A_160, %get3A_154 : vector<16xi32>
    %jit3A_162 = arith.constant 100000 : i32
    %eq3A_163 = arith.constant 0 : i32
    %eq3A_164 = arith.cmpi eq, %jit3A_162, %eq3A_163 : i32
    %jit3A_165 = arith.constant 1 : i32
    %select_n3A_166 = arith.select %eq3A_164, %jit3A_165, %jit3A_162 : i32
    %rem3A_167 = vector.broadcast %select_n3A_166 : i32 to vector<16xi32>
    %rem3A_168 = arith.remsi %add3A_161, %rem3A_167 : vector<16xi32>
    %ne3A_169 = arith.constant 0 : i32
    %ne3A_170 = vector.broadcast %ne3A_169 : i32 to vector<16xi32>
    %ne3A_171 = arith.cmpi ne, %rem3A_168, %ne3A_170 : vector<16xi32>
    %lt3A_172 = arith.constant 0 : i32
    %lt3A_173 = vector.broadcast %lt3A_172 : i32 to vector<16xi32>
    %lt3A_174 = arith.cmpi slt, %rem3A_168, %lt3A_173 : vector<16xi32>
    %lt3A_175 = arith.constant 0 : i32
    %lt3A_176 = arith.cmpi slt, %select_n3A_166, %lt3A_175 : i32
    %ne3A_177 = vector.broadcast %lt3A_176 : i1 to vector<16xi1>
    %ne3A_178 = vector.broadcast %ne3A_177 : vector<16xi1> to vector<16xi1>
    %ne3A_179 = arith.xori %lt3A_174, %ne3A_178 : vector<16xi1>
    %and3A_180 = arith.andi %ne3A_179, %ne3A_171 : vector<16xi1>
    %add3A_181 = vector.broadcast %select_n3A_166 : i32 to vector<16xi32>
    %add3A_182 = arith.addi %rem3A_168, %add3A_181 : vector<16xi32>
    %select_n3A_183 = arith.select %and3A_180, %add3A_182, %rem3A_168 : vector<16xi1>, vector<16xi32>
    %swap3A_184 = arith.constant 0 : i32
    %swap3A_185 = arith.index_cast %swap3A_184 : i32 to index
    %swap3A_186 = arith.constant 64 : index
    %swap3A_187 = tpu.vector_load %arg8[%swap3A_185, %swap3A_186] {strides = array<i32>} : memref<3x128xi32, #tpu.memory_space<vmem>>, vector<1x16xi32>,
    %swap3A_188 = vector.shape_cast %swap3A_187 : vector<1x16xi32> to vector<16xi32>
    %swap3A_189 = vector.shape_cast %select_n3A_183 : vector<16xi32> to vector<1x16xi32>
    tpu.vector_store %arg8[%swap3A_185, %swap3A_186], %swap3A_189 {strides = array<i32>} : memref<3x128xi32, #tpu.memory_space<vmem>>, vector<1x16xi32>,
    %get3A_190 = arith.constant 80 : index
    %get3A_191 = tpu.vector_load %arg6[%get3A_190] {strides = array<i32>} : memref<384xi32, #tpu.memory_space<vmem>>, vector<16xi32>,
    %get3A_192 = vector.shape_cast %get3A_191 : vector<16xi32> to vector<16xi32>
    %get3A_193 = arith.constant 80 : index
    %get3A_194 = tpu.vector_load %arg7[%get3A_193] {strides = array<i32>} : memref<384xi32, #tpu.memory_space<vmem>>, vector<16xi32>,
    %get3A_195 = vector.shape_cast %get3A_194 : vector<16xi32> to vector<16xi32>
    %mul3A_196 = arith.constant 1009 : i32
    %mul3A_197 = vector.broadcast %mul3A_196 : i32 to vector<16xi32>
    %mul3A_198 = arith.muli %get3A_195, %mul3A_197 : vector<16xi32>
    %add3A_199 = arith.addi %mul3A_198, %get3A_192 : vector<16xi32>
    %jit3A_200 = arith.constant 100000 : i32
    %eq3A_201 = arith.constant 0 : i32
    %eq3A_202 = arith.cmpi eq, %jit3A_200, %eq3A_201 : i32
    %jit3A_203 = arith.constant 1 : i32
    %select_n3A_204 = arith.select %eq3A_202, %jit3A_203, %jit3A_200 : i32
    %rem3A_205 = vector.broadcast %select_n3A_204 : i32 to vector<16xi32>
    %rem3A_206 = arith.remsi %add3A_199, %rem3A_205 : vector<16xi32>
    %ne3A_207 = arith.constant 0 : i32
    %ne3A_208 = vector.broadcast %ne3A_207 : i32 to vector<16xi32>
    %ne3A_209 = arith.cmpi ne, %rem3A_206, %ne3A_208 : vector<16xi32>
    %lt3A_210 = arith.constant 0 : i32
    %lt3A_211 = vector.broadcast %lt3A_210 : i32 to vector<16xi32>
    %lt3A_212 = arith.cmpi slt, %rem3A_206, %lt3A_211 : vector<16xi32>
    %lt3A_213 = arith.constant 0 : i32
    %lt3A_214 = arith.cmpi slt, %select_n3A_204, %lt3A_213 : i32
    %ne3A_215 = vector.broadcast %lt3A_214 : i1 to vector<16xi1>
    %ne3A_216 = vector.broadcast %ne3A_215 : vector<16xi1> to vector<16xi1>
    %ne3A_217 = arith.xori %lt3A_212, %ne3A_216 : vector<16xi1>
    %and3A_218 = arith.andi %ne3A_217, %ne3A_209 : vector<16xi1>
    %add3A_219 = vector.broadcast %select_n3A_204 : i32 to vector<16xi32>
    %add3A_220 = arith.addi %rem3A_206, %add3A_219 : vector<16xi32>
    %select_n3A_221 = arith.select %and3A_218, %add3A_220, %rem3A_206 : vector<16xi1>, vector<16xi32>
    %swap3A_222 = arith.constant 0 : i32
    %swap3A_223 = arith.index_cast %swap3A_222 : i32 to index
    %swap3A_224 = arith.constant 80 : index
    %swap3A_225 = tpu.vector_load %arg8[%swap3A_223, %swap3A_224] {strides = array<i32>} : memref<3x128xi32, #tpu.memory_space<vmem>>, vector<1x16xi32>,
    %swap3A_226 = vector.shape_cast %swap3A_225 : vector<1x16xi32> to vector<16xi32>
    %swap3A_227 = vector.shape_cast %select_n3A_221 : vector<16xi32> to vector<1x16xi32>
    tpu.vector_store %arg8[%swap3A_223, %swap3A_224], %swap3A_227 {strides = array<i32>} : memref<3x128xi32, #tpu.memory_space<vmem>>, vector<1x16xi32>,
    %get3A_228 = arith.constant 96 : index
    %get3A_229 = tpu.vector_load %arg6[%get3A_228] {strides = array<i32>} : memref<384xi32, #tpu.memory_space<vmem>>, vector<16xi32>,
    %get3A_230 = vector.shape_cast %get3A_229 : vector<16xi32> to vector<16xi32>
    %get3A_231 = arith.constant 96 : index
    %get3A_232 = tpu.vector_load %arg7[%get3A_231] {strides = array<i32>} : memref<384xi32, #tpu.memory_space<vmem>>, vector<16xi32>,
    %get3A_233 = vector.shape_cast %get3A_232 : vector<16xi32> to vector<16xi32>
    %mul3A_234 = arith.constant 1009 : i32
    %mul3A_235 = vector.broadcast %mul3A_234 : i32 to vector<16xi32>
    %mul3A_236 = arith.muli %get3A_233, %mul3A_235 : vector<16xi32>
    %add3A_237 = arith.addi %mul3A_236, %get3A_230 : vector<16xi32>
    %jit3A_238 = arith.constant 100000 : i32
    %eq3A_239 = arith.constant 0 : i32
    %eq3A_240 = arith.cmpi eq, %jit3A_238, %eq3A_239 : i32
    %jit3A_241 = arith.constant 1 : i32
    %select_n3A_242 = arith.select %eq3A_240, %jit3A_241, %jit3A_238 : i32
    %rem3A_243 = vector.broadcast %select_n3A_242 : i32 to vector<16xi32>
    %rem3A_244 = arith.remsi %add3A_237, %rem3A_243 : vector<16xi32>
    %ne3A_245 = arith.constant 0 : i32
    %ne3A_246 = vector.broadcast %ne3A_245 : i32 to vector<16xi32>
    %ne3A_247 = arith.cmpi ne, %rem3A_244, %ne3A_246 : vector<16xi32>
    %lt3A_248 = arith.constant 0 : i32
    %lt3A_249 = vector.broadcast %lt3A_248 : i32 to vector<16xi32>
    %lt3A_250 = arith.cmpi slt, %rem3A_244, %lt3A_249 : vector<16xi32>
    %lt3A_251 = arith.constant 0 : i32
    %lt3A_252 = arith.cmpi slt, %select_n3A_242, %lt3A_251 : i32
    %ne3A_253 = vector.broadcast %lt3A_252 : i1 to vector<16xi1>
    %ne3A_254 = vector.broadcast %ne3A_253 : vector<16xi1> to vector<16xi1>
    %ne3A_255 = arith.xori %lt3A_250, %ne3A_254 : vector<16xi1>
    %and3A_256 = arith.andi %ne3A_255, %ne3A_247 : vector<16xi1>
    %add3A_257 = vector.broadcast %select_n3A_242 : i32 to vector<16xi32>
    %add3A_258 = arith.addi %rem3A_244, %add3A_257 : vector<16xi32>
    %select_n3A_259 = arith.select %and3A_256, %add3A_258, %rem3A_244 : vector<16xi1>, vector<16xi32>
    %swap3A_260 = arith.constant 0 : i32
    %swap3A_261 = arith.index_cast %swap3A_260 : i32 to index
    %swap3A_262 = arith.constant 96 : index
    %swap3A_263 = tpu.vector_load %arg8[%swap3A_261, %swap3A_262] {strides = array<i32>} : memref<3x128xi32, #tpu.memory_space<vmem>>, vector<1x16xi32>,
    %swap3A_264 = vector.shape_cast %swap3A_263 : vector<1x16xi32> to vector<16xi32>
    %swap3A_265 = vector.shape_cast %select_n3A_259 : vector<16xi32> to vector<1x16xi32>
    tpu.vector_store %arg8[%swap3A_261, %swap3A_262], %swap3A_265 {strides = array<i32>} : memref<3x128xi32, #tpu.memory_space<vmem>>, vector<1x16xi32>,
    %get3A_266 = arith.constant 112 : index
    %get3A_267 = tpu.vector_load %arg6[%get3A_266] {strides = array<i32>} : memref<384xi32, #tpu.memory_space<vmem>>, vector<16xi32>,
    %get3A_268 = vector.shape_cast %get3A_267 : vector<16xi32> to vector<16xi32>
    %get3A_269 = arith.constant 112 : index
    %get3A_270 = tpu.vector_load %arg7[%get3A_269] {strides = array<i32>} : memref<384xi32, #tpu.memory_space<vmem>>, vector<16xi32>,
    %get3A_271 = vector.shape_cast %get3A_270 : vector<16xi32> to vector<16xi32>
    %mul3A_272 = arith.constant 1009 : i32
    %mul3A_273 = vector.broadcast %mul3A_272 : i32 to vector<16xi32>
    %mul3A_274 = arith.muli %get3A_271, %mul3A_273 : vector<16xi32>
    %add3A_275 = arith.addi %mul3A_274, %get3A_268 : vector<16xi32>
    %jit3A_276 = arith.constant 100000 : i32
    %eq3A_277 = arith.constant 0 : i32
    %eq3A_278 = arith.cmpi eq, %jit3A_276, %eq3A_277 : i32
    %jit3A_279 = arith.constant 1 : i32
    %select_n3A_280 = arith.select %eq3A_278, %jit3A_279, %jit3A_276 : i32
    %rem3A_281 = vector.broadcast %select_n3A_280 : i32 to vector<16xi32>
    %rem3A_282 = arith.remsi %add3A_275, %rem3A_281 : vector<16xi32>
    %ne3A_283 = arith.constant 0 : i32
    %ne3A_284 = vector.broadcast %ne3A_283 : i32 to vector<16xi32>
    %ne3A_285 = arith.cmpi ne, %rem3A_282, %ne3A_284 : vector<16xi32>
    %lt3A_286 = arith.constant 0 : i32
    %lt3A_287 = vector.broadcast %lt3A_286 : i32 to vector<16xi32>
    %lt3A_288 = arith.cmpi slt, %rem3A_282, %lt3A_287 : vector<16xi32>
    %lt3A_289 = arith.constant 0 : i32
    %lt3A_290 = arith.cmpi slt, %select_n3A_280, %lt3A_289 : i32
    %ne3A_291 = vector.broadcast %lt3A_290 : i1 to vector<16xi1>
    %ne3A_292 = vector.broadcast %ne3A_291 : vector<16xi1> to vector<16xi1>
    %ne3A_293 = arith.xori %lt3A_288, %ne3A_292 : vector<16xi1>
    %and3A_294 = arith.andi %ne3A_293, %ne3A_285 : vector<16xi1>
    %add3A_295 = vector.broadcast %select_n3A_280 : i32 to vector<16xi32>
    %add3A_296 = arith.addi %rem3A_282, %add3A_295 : vector<16xi32>
    %select_n3A_297 = arith.select %and3A_294, %add3A_296, %rem3A_282 : vector<16xi1>, vector<16xi32>
    %swap3A_298 = arith.constant 0 : i32
    %swap3A_299 = arith.index_cast %swap3A_298 : i32 to index
    %swap3A_300 = arith.constant 112 : index
    %swap3A_301 = tpu.vector_load %arg8[%swap3A_299, %swap3A_300] {strides = array<i32>} : memref<3x128xi32, #tpu.memory_space<vmem>>, vector<1x16xi32>,
    %swap3A_302 = vector.shape_cast %swap3A_301 : vector<1x16xi32> to vector<16xi32>
    %swap3A_303 = vector.shape_cast %select_n3A_297 : vector<16xi32> to vector<1x16xi32>
    tpu.vector_store %arg8[%swap3A_299, %swap3A_300], %swap3A_303 {strides = array<i32>} : memref<3x128xi32, #tpu.memory_space<vmem>>, vector<1x16xi32>,
    %get3A_304 = arith.constant 128 : index
    %get3A_305 = tpu.vector_load %arg6[%get3A_304] {strides = array<i32>} : memref<384xi32, #tpu.memory_space<vmem>>, vector<16xi32>,
    %get3A_306 = vector.shape_cast %get3A_305 : vector<16xi32> to vector<16xi32>
    %get3A_307 = arith.constant 128 : index
    %get3A_308 = tpu.vector_load %arg7[%get3A_307] {strides = array<i32>} : memref<384xi32, #tpu.memory_space<vmem>>, vector<16xi32>,
    %get3A_309 = vector.shape_cast %get3A_308 : vector<16xi32> to vector<16xi32>
    %mul3A_310 = arith.constant 1009 : i32
    %mul3A_311 = vector.broadcast %mul3A_310 : i32 to vector<16xi32>
    %mul3A_312 = arith.muli %get3A_309, %mul3A_311 : vector<16xi32>
    %add3A_313 = arith.addi %mul3A_312, %get3A_306 : vector<16xi32>
    %jit3A_314 = arith.constant 100000 : i32
    %eq3A_315 = arith.constant 0 : i32
    %eq3A_316 = arith.cmpi eq, %jit3A_314, %eq3A_315 : i32
    %jit3A_317 = arith.constant 1 : i32
    %select_n3A_318 = arith.select %eq3A_316, %jit3A_317, %jit3A_314 : i32
    %rem3A_319 = vector.broadcast %select_n3A_318 : i32 to vector<16xi32>
    %rem3A_320 = arith.remsi %add3A_313, %rem3A_319 : vector<16xi32>
    %ne3A_321 = arith.constant 0 : i32
    %ne3A_322 = vector.broadcast %ne3A_321 : i32 to vector<16xi32>
    %ne3A_323 = arith.cmpi ne, %rem3A_320, %ne3A_322 : vector<16xi32>
    %lt3A_324 = arith.constant 0 : i32
    %lt3A_325 = vector.broadcast %lt3A_324 : i32 to vector<16xi32>
    %lt3A_326 = arith.cmpi slt, %rem3A_320, %lt3A_325 : vector<16xi32>
    %lt3A_327 = arith.constant 0 : i32
    %lt3A_328 = arith.cmpi slt, %select_n3A_318, %lt3A_327 : i32
    %ne3A_329 = vector.broadcast %lt3A_328 : i1 to vector<16xi1>
    %ne3A_330 = vector.broadcast %ne3A_329 : vector<16xi1> to vector<16xi1>
    %ne3A_331 = arith.xori %lt3A_326, %ne3A_330 : vector<16xi1>
    %and3A_332 = arith.andi %ne3A_331, %ne3A_323 : vector<16xi1>
    %add3A_333 = vector.broadcast %select_n3A_318 : i32 to vector<16xi32>
    %add3A_334 = arith.addi %rem3A_320, %add3A_333 : vector<16xi32>
    %select_n3A_335 = arith.select %and3A_332, %add3A_334, %rem3A_320 : vector<16xi1>, vector<16xi32>
    %swap3A_336 = arith.constant 1 : i32
    %swap3A_337 = arith.index_cast %swap3A_336 : i32 to index
    %swap3A_338 = arith.constant 0 : index
    %swap3A_339 = tpu.vector_load %arg8[%swap3A_337, %swap3A_338] {strides = array<i32>} : memref<3x128xi32, #tpu.memory_space<vmem>>, vector<1x16xi32>,
    %swap3A_340 = vector.shape_cast %swap3A_339 : vector<1x16xi32> to vector<16xi32>
    %swap3A_341 = vector.shape_cast %select_n3A_335 : vector<16xi32> to vector<1x16xi32>
    tpu.vector_store %arg8[%swap3A_337, %swap3A_338], %swap3A_341 {strides = array<i32>} : memref<3x128xi32, #tpu.memory_space<vmem>>, vector<1x16xi32>,
    %get3A_342 = arith.constant 144 : index
    %get3A_343 = tpu.vector_load %arg6[%get3A_342] {strides = array<i32>} : memref<384xi32, #tpu.memory_space<vmem>>, vector<16xi32>,
    %get3A_344 = vector.shape_cast %get3A_343 : vector<16xi32> to vector<16xi32>
    %get3A_345 = arith.constant 144 : index
    %get3A_346 = tpu.vector_load %arg7[%get3A_345] {strides = array<i32>} : memref<384xi32, #tpu.memory_space<vmem>>, vector<16xi32>,
    %get3A_347 = vector.shape_cast %get3A_346 : vector<16xi32> to vector<16xi32>
    %mul3A_348 = arith.constant 1009 : i32
    %mul3A_349 = vector.broadcast %mul3A_348 : i32 to vector<16xi32>
    %mul3A_350 = arith.muli %get3A_347, %mul3A_349 : vector<16xi32>
    %add3A_351 = arith.addi %mul3A_350, %get3A_344 : vector<16xi32>
    %jit3A_352 = arith.constant 100000 : i32
    %eq3A_353 = arith.constant 0 : i32
    %eq3A_354 = arith.cmpi eq, %jit3A_352, %eq3A_353 : i32
    %jit3A_355 = arith.constant 1 : i32
    %select_n3A_356 = arith.select %eq3A_354, %jit3A_355, %jit3A_352 : i32
    %rem3A_357 = vector.broadcast %select_n3A_356 : i32 to vector<16xi32>
    %rem3A_358 = arith.remsi %add3A_351, %rem3A_357 : vector<16xi32>
    %ne3A_359 = arith.constant 0 : i32
    %ne3A_360 = vector.broadcast %ne3A_359 : i32 to vector<16xi32>
    %ne3A_361 = arith.cmpi ne, %rem3A_358, %ne3A_360 : vector<16xi32>
    %lt3A_362 = arith.constant 0 : i32
    %lt3A_363 = vector.broadcast %lt3A_362 : i32 to vector<16xi32>
    %lt3A_364 = arith.cmpi slt, %rem3A_358, %lt3A_363 : vector<16xi32>
    %lt3A_365 = arith.constant 0 : i32
    %lt3A_366 = arith.cmpi slt, %select_n3A_356, %lt3A_365 : i32
    %ne3A_367 = vector.broadcast %lt3A_366 : i1 to vector<16xi1>
    %ne3A_368 = vector.broadcast %ne3A_367 : vector<16xi1> to vector<16xi1>
    %ne3A_369 = arith.xori %lt3A_364, %ne3A_368 : vector<16xi1>
    %and3A_370 = arith.andi %ne3A_369, %ne3A_361 : vector<16xi1>
    %add3A_371 = vector.broadcast %select_n3A_356 : i32 to vector<16xi32>
    %add3A_372 = arith.addi %rem3A_358, %add3A_371 : vector<16xi32>
    %select_n3A_373 = arith.select %and3A_370, %add3A_372, %rem3A_358 : vector<16xi1>, vector<16xi32>
    %swap3A_374 = arith.constant 1 : i32
    %swap3A_375 = arith.index_cast %swap3A_374 : i32 to index
    %swap3A_376 = arith.constant 16 : index
    %swap3A_377 = tpu.vector_load %arg8[%swap3A_375, %swap3A_376] {strides = array<i32>} : memref<3x128xi32, #tpu.memory_space<vmem>>, vector<1x16xi32>,
    %swap3A_378 = vector.shape_cast %swap3A_377 : vector<1x16xi32> to vector<16xi32>
    %swap3A_379 = vector.shape_cast %select_n3A_373 : vector<16xi32> to vector<1x16xi32>
    tpu.vector_store %arg8[%swap3A_375, %swap3A_376], %swap3A_379 {strides = array<i32>} : memref<3x128xi32, #tpu.memory_space<vmem>>, vector<1x16xi32>,
    %get3A_380 = arith.constant 160 : index
    %get3A_381 = tpu.vector_load %arg6[%get3A_380] {strides = array<i32>} : memref<384xi32, #tpu.memory_space<vmem>>, vector<16xi32>,
    %get3A_382 = vector.shape_cast %get3A_381 : vector<16xi32> to vector<16xi32>
    %get3A_383 = arith.constant 160 : index
    %get3A_384 = tpu.vector_load %arg7[%get3A_383] {strides = array<i32>} : memref<384xi32, #tpu.memory_space<vmem>>, vector<16xi32>,
    %get3A_385 = vector.shape_cast %get3A_384 : vector<16xi32> to vector<16xi32>
    %mul3A_386 = arith.constant 1009 : i32
    %mul3A_387 = vector.broadcast %mul3A_386 : i32 to vector<16xi32>
    %mul3A_388 = arith.muli %get3A_385, %mul3A_387 : vector<16xi32>
    %add3A_389 = arith.addi %mul3A_388, %get3A_382 : vector<16xi32>
    %jit3A_390 = arith.constant 100000 : i32
    %eq3A_391 = arith.constant 0 : i32
    %eq3A_392 = arith.cmpi eq, %jit3A_390, %eq3A_391 : i32
    %jit3A_393 = arith.constant 1 : i32
    %select_n3A_394 = arith.select %eq3A_392, %jit3A_393, %jit3A_390 : i32
    %rem3A_395 = vector.broadcast %select_n3A_394 : i32 to vector<16xi32>
    %rem3A_396 = arith.remsi %add3A_389, %rem3A_395 : vector<16xi32>
    %ne3A_397 = arith.constant 0 : i32
    %ne3A_398 = vector.broadcast %ne3A_397 : i32 to vector<16xi32>
    %ne3A_399 = arith.cmpi ne, %rem3A_396, %ne3A_398 : vector<16xi32>
    %lt3A_400 = arith.constant 0 : i32
    %lt3A_401 = vector.broadcast %lt3A_400 : i32 to vector<16xi32>
    %lt3A_402 = arith.cmpi slt, %rem3A_396, %lt3A_401 : vector<16xi32>
    %lt3A_403 = arith.constant 0 : i32
    %lt3A_404 = arith.cmpi slt, %select_n3A_394, %lt3A_403 : i32
    %ne3A_405 = vector.broadcast %lt3A_404 : i1 to vector<16xi1>
    %ne3A_406 = vector.broadcast %ne3A_405 : vector<16xi1> to vector<16xi1>
    %ne3A_407 = arith.xori %lt3A_402, %ne3A_406 : vector<16xi1>
    %and3A_408 = arith.andi %ne3A_407, %ne3A_399 : vector<16xi1>
    %add3A_409 = vector.broadcast %select_n3A_394 : i32 to vector<16xi32>
    %add3A_410 = arith.addi %rem3A_396, %add3A_409 : vector<16xi32>
    %select_n3A_411 = arith.select %and3A_408, %add3A_410, %rem3A_396 : vector<16xi1>, vector<16xi32>
    %swap3A_412 = arith.constant 1 : i32
    %swap3A_413 = arith.index_cast %swap3A_412 : i32 to index
    %swap3A_414 = arith.constant 32 : index
    %swap3A_415 = tpu.vector_load %arg8[%swap3A_413, %swap3A_414] {strides = array<i32>} : memref<3x128xi32, #tpu.memory_space<vmem>>, vector<1x16xi32>,
    %swap3A_416 = vector.shape_cast %swap3A_415 : vector<1x16xi32> to vector<16xi32>
    %swap3A_417 = vector.shape_cast %select_n3A_411 : vector<16xi32> to vector<1x16xi32>
    tpu.vector_store %arg8[%swap3A_413, %swap3A_414], %swap3A_417 {strides = array<i32>} : memref<3x128xi32, #tpu.memory_space<vmem>>, vector<1x16xi32>,
    %get3A_418 = arith.constant 176 : index
    %get3A_419 = tpu.vector_load %arg6[%get3A_418] {strides = array<i32>} : memref<384xi32, #tpu.memory_space<vmem>>, vector<16xi32>,
    %get3A_420 = vector.shape_cast %get3A_419 : vector<16xi32> to vector<16xi32>
    %get3A_421 = arith.constant 176 : index
    %get3A_422 = tpu.vector_load %arg7[%get3A_421] {strides = array<i32>} : memref<384xi32, #tpu.memory_space<vmem>>, vector<16xi32>,
    %get3A_423 = vector.shape_cast %get3A_422 : vector<16xi32> to vector<16xi32>
    %mul3A_424 = arith.constant 1009 : i32
    %mul3A_425 = vector.broadcast %mul3A_424 : i32 to vector<16xi32>
    %mul3A_426 = arith.muli %get3A_423, %mul3A_425 : vector<16xi32>
    %add3A_427 = arith.addi %mul3A_426, %get3A_420 : vector<16xi32>
    %jit3A_428 = arith.constant 100000 : i32
    %eq3A_429 = arith.constant 0 : i32
    %eq3A_430 = arith.cmpi eq, %jit3A_428, %eq3A_429 : i32
    %jit3A_431 = arith.constant 1 : i32
    %select_n3A_432 = arith.select %eq3A_430, %jit3A_431, %jit3A_428 : i32
    %rem3A_433 = vector.broadcast %select_n3A_432 : i32 to vector<16xi32>
    %rem3A_434 = arith.remsi %add3A_427, %rem3A_433 : vector<16xi32>
    %ne3A_435 = arith.constant 0 : i32
    %ne3A_436 = vector.broadcast %ne3A_435 : i32 to vector<16xi32>
    %ne3A_437 = arith.cmpi ne, %rem3A_434, %ne3A_436 : vector<16xi32>
    %lt3A_438 = arith.constant 0 : i32
    %lt3A_439 = vector.broadcast %lt3A_438 : i32 to vector<16xi32>
    %lt3A_440 = arith.cmpi slt, %rem3A_434, %lt3A_439 : vector<16xi32>
    %lt3A_441 = arith.constant 0 : i32
    %lt3A_442 = arith.cmpi slt, %select_n3A_432, %lt3A_441 : i32
    %ne3A_443 = vector.broadcast %lt3A_442 : i1 to vector<16xi1>
    %ne3A_444 = vector.broadcast %ne3A_443 : vector<16xi1> to vector<16xi1>
    %ne3A_445 = arith.xori %lt3A_440, %ne3A_444 : vector<16xi1>
    %and3A_446 = arith.andi %ne3A_445, %ne3A_437 : vector<16xi1>
    %add3A_447 = vector.broadcast %select_n3A_432 : i32 to vector<16xi32>
    %add3A_448 = arith.addi %rem3A_434, %add3A_447 : vector<16xi32>
    %select_n3A_449 = arith.select %and3A_446, %add3A_448, %rem3A_434 : vector<16xi1>, vector<16xi32>
    %swap3A_450 = arith.constant 1 : i32
    %swap3A_451 = arith.index_cast %swap3A_450 : i32 to index
    %swap3A_452 = arith.constant 48 : index
    %swap3A_453 = tpu.vector_load %arg8[%swap3A_451, %swap3A_452] {strides = array<i32>} : memref<3x128xi32, #tpu.memory_space<vmem>>, vector<1x16xi32>,
    %swap3A_454 = vector.shape_cast %swap3A_453 : vector<1x16xi32> to vector<16xi32>
    %swap3A_455 = vector.shape_cast %select_n3A_449 : vector<16xi32> to vector<1x16xi32>
    tpu.vector_store %arg8[%swap3A_451, %swap3A_452], %swap3A_455 {strides = array<i32>} : memref<3x128xi32, #tpu.memory_space<vmem>>, vector<1x16xi32>,
    %get3A_456 = arith.constant 192 : index
    %get3A_457 = tpu.vector_load %arg6[%get3A_456] {strides = array<i32>} : memref<384xi32, #tpu.memory_space<vmem>>, vector<16xi32>,
    %get3A_458 = vector.shape_cast %get3A_457 : vector<16xi32> to vector<16xi32>
    %get3A_459 = arith.constant 192 : index
    %get3A_460 = tpu.vector_load %arg7[%get3A_459] {strides = array<i32>} : memref<384xi32, #tpu.memory_space<vmem>>, vector<16xi32>,
    %get3A_461 = vector.shape_cast %get3A_460 : vector<16xi32> to vector<16xi32>
    %mul3A_462 = arith.constant 1009 : i32
    %mul3A_463 = vector.broadcast %mul3A_462 : i32 to vector<16xi32>
    %mul3A_464 = arith.muli %get3A_461, %mul3A_463 : vector<16xi32>
    %add3A_465 = arith.addi %mul3A_464, %get3A_458 : vector<16xi32>
    %jit3A_466 = arith.constant 100000 : i32
    %eq3A_467 = arith.constant 0 : i32
    %eq3A_468 = arith.cmpi eq, %jit3A_466, %eq3A_467 : i32
    %jit3A_469 = arith.constant 1 : i32
    %select_n3A_470 = arith.select %eq3A_468, %jit3A_469, %jit3A_466 : i32
    %rem3A_471 = vector.broadcast %select_n3A_470 : i32 to vector<16xi32>
    %rem3A_472 = arith.remsi %add3A_465, %rem3A_471 : vector<16xi32>
    %ne3A_473 = arith.constant 0 : i32
    %ne3A_474 = vector.broadcast %ne3A_473 : i32 to vector<16xi32>
    %ne3A_475 = arith.cmpi ne, %rem3A_472, %ne3A_474 : vector<16xi32>
    %lt3A_476 = arith.constant 0 : i32
    %lt3A_477 = vector.broadcast %lt3A_476 : i32 to vector<16xi32>
    %lt3A_478 = arith.cmpi slt, %rem3A_472, %lt3A_477 : vector<16xi32>
    %lt3A_479 = arith.constant 0 : i32
    %lt3A_480 = arith.cmpi slt, %select_n3A_470, %lt3A_479 : i32
    %ne3A_481 = vector.broadcast %lt3A_480 : i1 to vector<16xi1>
    %ne3A_482 = vector.broadcast %ne3A_481 : vector<16xi1> to vector<16xi1>
    %ne3A_483 = arith.xori %lt3A_478, %ne3A_482 : vector<16xi1>
    %and3A_484 = arith.andi %ne3A_483, %ne3A_475 : vector<16xi1>
    %add3A_485 = vector.broadcast %select_n3A_470 : i32 to vector<16xi32>
    %add3A_486 = arith.addi %rem3A_472, %add3A_485 : vector<16xi32>
    %select_n3A_487 = arith.select %and3A_484, %add3A_486, %rem3A_472 : vector<16xi1>, vector<16xi32>
    %swap3A_488 = arith.constant 1 : i32
    %swap3A_489 = arith.index_cast %swap3A_488 : i32 to index
    %swap3A_490 = arith.constant 64 : index
    %swap3A_491 = tpu.vector_load %arg8[%swap3A_489, %swap3A_490] {strides = array<i32>} : memref<3x128xi32, #tpu.memory_space<vmem>>, vector<1x16xi32>,
    %swap3A_492 = vector.shape_cast %swap3A_491 : vector<1x16xi32> to vector<16xi32>
    %swap3A_493 = vector.shape_cast %select_n3A_487 : vector<16xi32> to vector<1x16xi32>
    tpu.vector_store %arg8[%swap3A_489, %swap3A_490], %swap3A_493 {strides = array<i32>} : memref<3x128xi32, #tpu.memory_space<vmem>>, vector<1x16xi32>,
    %get3A_494 = arith.constant 208 : index
    %get3A_495 = tpu.vector_load %arg6[%get3A_494] {strides = array<i32>} : memref<384xi32, #tpu.memory_space<vmem>>, vector<16xi32>,
    %get3A_496 = vector.shape_cast %get3A_495 : vector<16xi32> to vector<16xi32>
    %get3A_497 = arith.constant 208 : index
    %get3A_498 = tpu.vector_load %arg7[%get3A_497] {strides = array<i32>} : memref<384xi32, #tpu.memory_space<vmem>>, vector<16xi32>,
    %get3A_499 = vector.shape_cast %get3A_498 : vector<16xi32> to vector<16xi32>
    %mul3A_500 = arith.constant 1009 : i32
    %mul3A_501 = vector.broadcast %mul3A_500 : i32 to vector<16xi32>
    %mul3A_502 = arith.muli %get3A_499, %mul3A_501 : vector<16xi32>
    %add3A_503 = arith.addi %mul3A_502, %get3A_496 : vector<16xi32>
    %jit3A_504 = arith.constant 100000 : i32
    %eq3A_505 = arith.constant 0 : i32
    %eq3A_506 = arith.cmpi eq, %jit3A_504, %eq3A_505 : i32
    %jit3A_507 = arith.constant 1 : i32
    %select_n3A_508 = arith.select %eq3A_506, %jit3A_507, %jit3A_504 : i32
    %rem3A_509 = vector.broadcast %select_n3A_508 : i32 to vector<16xi32>
    %rem3A_510 = arith.remsi %add3A_503, %rem3A_509 : vector<16xi32>
    %ne3A_511 = arith.constant 0 : i32
    %ne3A_512 = vector.broadcast %ne3A_511 : i32 to vector<16xi32>
    %ne3A_513 = arith.cmpi ne, %rem3A_510, %ne3A_512 : vector<16xi32>
    %lt3A_514 = arith.constant 0 : i32
    %lt3A_515 = vector.broadcast %lt3A_514 : i32 to vector<16xi32>
    %lt3A_516 = arith.cmpi slt, %rem3A_510, %lt3A_515 : vector<16xi32>
    %lt3A_517 = arith.constant 0 : i32
    %lt3A_518 = arith.cmpi slt, %select_n3A_508, %lt3A_517 : i32
    %ne3A_519 = vector.broadcast %lt3A_518 : i1 to vector<16xi1>
    %ne3A_520 = vector.broadcast %ne3A_519 : vector<16xi1> to vector<16xi1>
    %ne3A_521 = arith.xori %lt3A_516, %ne3A_520 : vector<16xi1>
    %and3A_522 = arith.andi %ne3A_521, %ne3A_513 : vector<16xi1>
    %add3A_523 = vector.broadcast %select_n3A_508 : i32 to vector<16xi32>
    %add3A_524 = arith.addi %rem3A_510, %add3A_523 : vector<16xi32>
    %select_n3A_525 = arith.select %and3A_522, %add3A_524, %rem3A_510 : vector<16xi1>, vector<16xi32>
    %swap3A_526 = arith.constant 1 : i32
    %swap3A_527 = arith.index_cast %swap3A_526 : i32 to index
    %swap3A_528 = arith.constant 80 : index
    %swap3A_529 = tpu.vector_load %arg8[%swap3A_527, %swap3A_528] {strides = array<i32>} : memref<3x128xi32, #tpu.memory_space<vmem>>, vector<1x16xi32>,
    %swap3A_530 = vector.shape_cast %swap3A_529 : vector<1x16xi32> to vector<16xi32>
    %swap3A_531 = vector.shape_cast %select_n3A_525 : vector<16xi32> to vector<1x16xi32>
    tpu.vector_store %arg8[%swap3A_527, %swap3A_528], %swap3A_531 {strides = array<i32>} : memref<3x128xi32, #tpu.memory_space<vmem>>, vector<1x16xi32>,
    %get3A_532 = arith.constant 224 : index
    %get3A_533 = tpu.vector_load %arg6[%get3A_532] {strides = array<i32>} : memref<384xi32, #tpu.memory_space<vmem>>, vector<16xi32>,
    %get3A_534 = vector.shape_cast %get3A_533 : vector<16xi32> to vector<16xi32>
    %get3A_535 = arith.constant 224 : index
    %get3A_536 = tpu.vector_load %arg7[%get3A_535] {strides = array<i32>} : memref<384xi32, #tpu.memory_space<vmem>>, vector<16xi32>,
    %get3A_537 = vector.shape_cast %get3A_536 : vector<16xi32> to vector<16xi32>
    %mul3A_538 = arith.constant 1009 : i32
    %mul3A_539 = vector.broadcast %mul3A_538 : i32 to vector<16xi32>
    %mul3A_540 = arith.muli %get3A_537, %mul3A_539 : vector<16xi32>
    %add3A_541 = arith.addi %mul3A_540, %get3A_534 : vector<16xi32>
    %jit3A_542 = arith.constant 100000 : i32
    %eq3A_543 = arith.constant 0 : i32
    %eq3A_544 = arith.cmpi eq, %jit3A_542, %eq3A_543 : i32
    %jit3A_545 = arith.constant 1 : i32
    %select_n3A_546 = arith.select %eq3A_544, %jit3A_545, %jit3A_542 : i32
    %rem3A_547 = vector.broadcast %select_n3A_546 : i32 to vector<16xi32>
    %rem3A_548 = arith.remsi %add3A_541, %rem3A_547 : vector<16xi32>
    %ne3A_549 = arith.constant 0 : i32
    %ne3A_550 = vector.broadcast %ne3A_549 : i32 to vector<16xi32>
    %ne3A_551 = arith.cmpi ne, %rem3A_548, %ne3A_550 : vector<16xi32>
    %lt3A_552 = arith.constant 0 : i32
    %lt3A_553 = vector.broadcast %lt3A_552 : i32 to vector<16xi32>
    %lt3A_554 = arith.cmpi slt, %rem3A_548, %lt3A_553 : vector<16xi32>
    %lt3A_555 = arith.constant 0 : i32
    %lt3A_556 = arith.cmpi slt, %select_n3A_546, %lt3A_555 : i32
    %ne3A_557 = vector.broadcast %lt3A_556 : i1 to vector<16xi1>
    %ne3A_558 = vector.broadcast %ne3A_557 : vector<16xi1> to vector<16xi1>
    %ne3A_559 = arith.xori %lt3A_554, %ne3A_558 : vector<16xi1>
    %and3A_560 = arith.andi %ne3A_559, %ne3A_551 : vector<16xi1>
    %add3A_561 = vector.broadcast %select_n3A_546 : i32 to vector<16xi32>
    %add3A_562 = arith.addi %rem3A_548, %add3A_561 : vector<16xi32>
    %select_n3A_563 = arith.select %and3A_560, %add3A_562, %rem3A_548 : vector<16xi1>, vector<16xi32>
    %swap3A_564 = arith.constant 1 : i32
    %swap3A_565 = arith.index_cast %swap3A_564 : i32 to index
    %swap3A_566 = arith.constant 96 : index
    %swap3A_567 = tpu.vector_load %arg8[%swap3A_565, %swap3A_566] {strides = array<i32>} : memref<3x128xi32, #tpu.memory_space<vmem>>, vector<1x16xi32>,
    %swap3A_568 = vector.shape_cast %swap3A_567 : vector<1x16xi32> to vector<16xi32>
    %swap3A_569 = vector.shape_cast %select_n3A_563 : vector<16xi32> to vector<1x16xi32>
    tpu.vector_store %arg8[%swap3A_565, %swap3A_566], %swap3A_569 {strides = array<i32>} : memref<3x128xi32, #tpu.memory_space<vmem>>, vector<1x16xi32>,
    %get3A_570 = arith.constant 240 : index
    %get3A_571 = tpu.vector_load %arg6[%get3A_570] {strides = array<i32>} : memref<384xi32, #tpu.memory_space<vmem>>, vector<16xi32>,
    %get3A_572 = vector.shape_cast %get3A_571 : vector<16xi32> to vector<16xi32>
    %get3A_573 = arith.constant 240 : index
    %get3A_574 = tpu.vector_load %arg7[%get3A_573] {strides = array<i32>} : memref<384xi32, #tpu.memory_space<vmem>>, vector<16xi32>,
    %get3A_575 = vector.shape_cast %get3A_574 : vector<16xi32> to vector<16xi32>
    %mul3A_576 = arith.constant 1009 : i32
    %mul3A_577 = vector.broadcast %mul3A_576 : i32 to vector<16xi32>
    %mul3A_578 = arith.muli %get3A_575, %mul3A_577 : vector<16xi32>
    %add3A_579 = arith.addi %mul3A_578, %get3A_572 : vector<16xi32>
    %jit3A_580 = arith.constant 100000 : i32
    %eq3A_581 = arith.constant 0 : i32
    %eq3A_582 = arith.cmpi eq, %jit3A_580, %eq3A_581 : i32
    %jit3A_583 = arith.constant 1 : i32
    %select_n3A_584 = arith.select %eq3A_582, %jit3A_583, %jit3A_580 : i32
    %rem3A_585 = vector.broadcast %select_n3A_584 : i32 to vector<16xi32>
    %rem3A_586 = arith.remsi %add3A_579, %rem3A_585 : vector<16xi32>
    %ne3A_587 = arith.constant 0 : i32
    %ne3A_588 = vector.broadcast %ne3A_587 : i32 to vector<16xi32>
    %ne3A_589 = arith.cmpi ne, %rem3A_586, %ne3A_588 : vector<16xi32>
    %lt3A_590 = arith.constant 0 : i32
    %lt3A_591 = vector.broadcast %lt3A_590 : i32 to vector<16xi32>
    %lt3A_592 = arith.cmpi slt, %rem3A_586, %lt3A_591 : vector<16xi32>
    %lt3A_593 = arith.constant 0 : i32
    %lt3A_594 = arith.cmpi slt, %select_n3A_584, %lt3A_593 : i32
    %ne3A_595 = vector.broadcast %lt3A_594 : i1 to vector<16xi1>
    %ne3A_596 = vector.broadcast %ne3A_595 : vector<16xi1> to vector<16xi1>
    %ne3A_597 = arith.xori %lt3A_592, %ne3A_596 : vector<16xi1>
    %and3A_598 = arith.andi %ne3A_597, %ne3A_589 : vector<16xi1>
    %add3A_599 = vector.broadcast %select_n3A_584 : i32 to vector<16xi32>
    %add3A_600 = arith.addi %rem3A_586, %add3A_599 : vector<16xi32>
    %select_n3A_601 = arith.select %and3A_598, %add3A_600, %rem3A_586 : vector<16xi1>, vector<16xi32>
    %swap3A_602 = arith.constant 1 : i32
    %swap3A_603 = arith.index_cast %swap3A_602 : i32 to index
    %swap3A_604 = arith.constant 112 : index
    %swap3A_605 = tpu.vector_load %arg8[%swap3A_603, %swap3A_604] {strides = array<i32>} : memref<3x128xi32, #tpu.memory_space<vmem>>, vector<1x16xi32>,
    %swap3A_606 = vector.shape_cast %swap3A_605 : vector<1x16xi32> to vector<16xi32>
    %swap3A_607 = vector.shape_cast %select_n3A_601 : vector<16xi32> to vector<1x16xi32>
    tpu.vector_store %arg8[%swap3A_603, %swap3A_604], %swap3A_607 {strides = array<i32>} : memref<3x128xi32, #tpu.memory_space<vmem>>, vector<1x16xi32>,
    %get3A_608 = arith.constant 256 : index
    %get3A_609 = tpu.vector_load %arg6[%get3A_608] {strides = array<i32>} : memref<384xi32, #tpu.memory_space<vmem>>, vector<16xi32>,
    %get3A_610 = vector.shape_cast %get3A_609 : vector<16xi32> to vector<16xi32>
    %get3A_611 = arith.constant 256 : index
    %get3A_612 = tpu.vector_load %arg7[%get3A_611] {strides = array<i32>} : memref<384xi32, #tpu.memory_space<vmem>>, vector<16xi32>,
    %get3A_613 = vector.shape_cast %get3A_612 : vector<16xi32> to vector<16xi32>
    %mul3A_614 = arith.constant 1009 : i32
    %mul3A_615 = vector.broadcast %mul3A_614 : i32 to vector<16xi32>
    %mul3A_616 = arith.muli %get3A_613, %mul3A_615 : vector<16xi32>
    %add3A_617 = arith.addi %mul3A_616, %get3A_610 : vector<16xi32>
    %jit3A_618 = arith.constant 100000 : i32
    %eq3A_619 = arith.constant 0 : i32
    %eq3A_620 = arith.cmpi eq, %jit3A_618, %eq3A_619 : i32
    %jit3A_621 = arith.constant 1 : i32
    %select_n3A_622 = arith.select %eq3A_620, %jit3A_621, %jit3A_618 : i32
    %rem3A_623 = vector.broadcast %select_n3A_622 : i32 to vector<16xi32>
    %rem3A_624 = arith.remsi %add3A_617, %rem3A_623 : vector<16xi32>
    %ne3A_625 = arith.constant 0 : i32
    %ne3A_626 = vector.broadcast %ne3A_625 : i32 to vector<16xi32>
    %ne3A_627 = arith.cmpi ne, %rem3A_624, %ne3A_626 : vector<16xi32>
    %lt3A_628 = arith.constant 0 : i32
    %lt3A_629 = vector.broadcast %lt3A_628 : i32 to vector<16xi32>
    %lt3A_630 = arith.cmpi slt, %rem3A_624, %lt3A_629 : vector<16xi32>
    %lt3A_631 = arith.constant 0 : i32
    %lt3A_632 = arith.cmpi slt, %select_n3A_622, %lt3A_631 : i32
    %ne3A_633 = vector.broadcast %lt3A_632 : i1 to vector<16xi1>
    %ne3A_634 = vector.broadcast %ne3A_633 : vector<16xi1> to vector<16xi1>
    %ne3A_635 = arith.xori %lt3A_630, %ne3A_634 : vector<16xi1>
    %and3A_636 = arith.andi %ne3A_635, %ne3A_627 : vector<16xi1>
    %add3A_637 = vector.broadcast %select_n3A_622 : i32 to vector<16xi32>
    %add3A_638 = arith.addi %rem3A_624, %add3A_637 : vector<16xi32>
    %select_n3A_639 = arith.select %and3A_636, %add3A_638, %rem3A_624 : vector<16xi1>, vector<16xi32>
    %swap3A_640 = arith.constant 2 : i32
    %swap3A_641 = arith.index_cast %swap3A_640 : i32 to index
    %swap3A_642 = arith.constant 0 : index
    %swap3A_643 = tpu.vector_load %arg8[%swap3A_641, %swap3A_642] {strides = array<i32>} : memref<3x128xi32, #tpu.memory_space<vmem>>, vector<1x16xi32>,
    %swap3A_644 = vector.shape_cast %swap3A_643 : vector<1x16xi32> to vector<16xi32>
    %swap3A_645 = vector.shape_cast %select_n3A_639 : vector<16xi32> to vector<1x16xi32>
    tpu.vector_store %arg8[%swap3A_641, %swap3A_642], %swap3A_645 {strides = array<i32>} : memref<3x128xi32, #tpu.memory_space<vmem>>, vector<1x16xi32>,
    %get3A_646 = arith.constant 272 : index
    %get3A_647 = tpu.vector_load %arg6[%get3A_646] {strides = array<i32>} : memref<384xi32, #tpu.memory_space<vmem>>, vector<16xi32>,
    %get3A_648 = vector.shape_cast %get3A_647 : vector<16xi32> to vector<16xi32>
    %get3A_649 = arith.constant 272 : index
    %get3A_650 = tpu.vector_load %arg7[%get3A_649] {strides = array<i32>} : memref<384xi32, #tpu.memory_space<vmem>>, vector<16xi32>,
    %get3A_651 = vector.shape_cast %get3A_650 : vector<16xi32> to vector<16xi32>
    %mul3A_652 = arith.constant 1009 : i32
    %mul3A_653 = vector.broadcast %mul3A_652 : i32 to vector<16xi32>
    %mul3A_654 = arith.muli %get3A_651, %mul3A_653 : vector<16xi32>
    %add3A_655 = arith.addi %mul3A_654, %get3A_648 : vector<16xi32>
    %jit3A_656 = arith.constant 100000 : i32
    %eq3A_657 = arith.constant 0 : i32
    %eq3A_658 = arith.cmpi eq, %jit3A_656, %eq3A_657 : i32
    %jit3A_659 = arith.constant 1 : i32
    %select_n3A_660 = arith.select %eq3A_658, %jit3A_659, %jit3A_656 : i32
    %rem3A_661 = vector.broadcast %select_n3A_660 : i32 to vector<16xi32>
    %rem3A_662 = arith.remsi %add3A_655, %rem3A_661 : vector<16xi32>
    %ne3A_663 = arith.constant 0 : i32
    %ne3A_664 = vector.broadcast %ne3A_663 : i32 to vector<16xi32>
    %ne3A_665 = arith.cmpi ne, %rem3A_662, %ne3A_664 : vector<16xi32>
    %lt3A_666 = arith.constant 0 : i32
    %lt3A_667 = vector.broadcast %lt3A_666 : i32 to vector<16xi32>
    %lt3A_668 = arith.cmpi slt, %rem3A_662, %lt3A_667 : vector<16xi32>
    %lt3A_669 = arith.constant 0 : i32
    %lt3A_670 = arith.cmpi slt, %select_n3A_660, %lt3A_669 : i32
    %ne3A_671 = vector.broadcast %lt3A_670 : i1 to vector<16xi1>
    %ne3A_672 = vector.broadcast %ne3A_671 : vector<16xi1> to vector<16xi1>
    %ne3A_673 = arith.xori %lt3A_668, %ne3A_672 : vector<16xi1>
    %and3A_674 = arith.andi %ne3A_673, %ne3A_665 : vector<16xi1>
    %add3A_675 = vector.broadcast %select_n3A_660 : i32 to vector<16xi32>
    %add3A_676 = arith.addi %rem3A_662, %add3A_675 : vector<16xi32>
    %select_n3A_677 = arith.select %and3A_674, %add3A_676, %rem3A_662 : vector<16xi1>, vector<16xi32>
    %swap3A_678 = arith.constant 2 : i32
    %swap3A_679 = arith.index_cast %swap3A_678 : i32 to index
    %swap3A_680 = arith.constant 16 : index
    %swap3A_681 = tpu.vector_load %arg8[%swap3A_679, %swap3A_680] {strides = array<i32>} : memref<3x128xi32, #tpu.memory_space<vmem>>, vector<1x16xi32>,
    %swap3A_682 = vector.shape_cast %swap3A_681 : vector<1x16xi32> to vector<16xi32>
    %swap3A_683 = vector.shape_cast %select_n3A_677 : vector<16xi32> to vector<1x16xi32>
    tpu.vector_store %arg8[%swap3A_679, %swap3A_680], %swap3A_683 {strides = array<i32>} : memref<3x128xi32, #tpu.memory_space<vmem>>, vector<1x16xi32>,
    %get3A_684 = arith.constant 288 : index
    %get3A_685 = tpu.vector_load %arg6[%get3A_684] {strides = array<i32>} : memref<384xi32, #tpu.memory_space<vmem>>, vector<16xi32>,
    %get3A_686 = vector.shape_cast %get3A_685 : vector<16xi32> to vector<16xi32>
    %get3A_687 = arith.constant 288 : index
    %get3A_688 = tpu.vector_load %arg7[%get3A_687] {strides = array<i32>} : memref<384xi32, #tpu.memory_space<vmem>>, vector<16xi32>,
    %get3A_689 = vector.shape_cast %get3A_688 : vector<16xi32> to vector<16xi32>
    %mul3A_690 = arith.constant 1009 : i32
    %mul3A_691 = vector.broadcast %mul3A_690 : i32 to vector<16xi32>
    %mul3A_692 = arith.muli %get3A_689, %mul3A_691 : vector<16xi32>
    %add3A_693 = arith.addi %mul3A_692, %get3A_686 : vector<16xi32>
    %jit3A_694 = arith.constant 100000 : i32
    %eq3A_695 = arith.constant 0 : i32
    %eq3A_696 = arith.cmpi eq, %jit3A_694, %eq3A_695 : i32
    %jit3A_697 = arith.constant 1 : i32
    %select_n3A_698 = arith.select %eq3A_696, %jit3A_697, %jit3A_694 : i32
    %rem3A_699 = vector.broadcast %select_n3A_698 : i32 to vector<16xi32>
    %rem3A_700 = arith.remsi %add3A_693, %rem3A_699 : vector<16xi32>
    %ne3A_701 = arith.constant 0 : i32
    %ne3A_702 = vector.broadcast %ne3A_701 : i32 to vector<16xi32>
    %ne3A_703 = arith.cmpi ne, %rem3A_700, %ne3A_702 : vector<16xi32>
    %lt3A_704 = arith.constant 0 : i32
    %lt3A_705 = vector.broadcast %lt3A_704 : i32 to vector<16xi32>
    %lt3A_706 = arith.cmpi slt, %rem3A_700, %lt3A_705 : vector<16xi32>
    %lt3A_707 = arith.constant 0 : i32
    %lt3A_708 = arith.cmpi slt, %select_n3A_698, %lt3A_707 : i32
    %ne3A_709 = vector.broadcast %lt3A_708 : i1 to vector<16xi1>
    %ne3A_710 = vector.broadcast %ne3A_709 : vector<16xi1> to vector<16xi1>
    %ne3A_711 = arith.xori %lt3A_706, %ne3A_710 : vector<16xi1>
    %and3A_712 = arith.andi %ne3A_711, %ne3A_703 : vector<16xi1>
    %add3A_713 = vector.broadcast %select_n3A_698 : i32 to vector<16xi32>
    %add3A_714 = arith.addi %rem3A_700, %add3A_713 : vector<16xi32>
    %select_n3A_715 = arith.select %and3A_712, %add3A_714, %rem3A_700 : vector<16xi1>, vector<16xi32>
    %swap3A_716 = arith.constant 2 : i32
    %swap3A_717 = arith.index_cast %swap3A_716 : i32 to index
    %swap3A_718 = arith.constant 32 : index
    %swap3A_719 = tpu.vector_load %arg8[%swap3A_717, %swap3A_718] {strides = array<i32>} : memref<3x128xi32, #tpu.memory_space<vmem>>, vector<1x16xi32>,
    %swap3A_720 = vector.shape_cast %swap3A_719 : vector<1x16xi32> to vector<16xi32>
    %swap3A_721 = vector.shape_cast %select_n3A_715 : vector<16xi32> to vector<1x16xi32>
    tpu.vector_store %arg8[%swap3A_717, %swap3A_718], %swap3A_721 {strides = array<i32>} : memref<3x128xi32, #tpu.memory_space<vmem>>, vector<1x16xi32>,
    %get3A_722 = arith.constant 304 : index
    %get3A_723 = tpu.vector_load %arg6[%get3A_722] {strides = array<i32>} : memref<384xi32, #tpu.memory_space<vmem>>, vector<16xi32>,
    %get3A_724 = vector.shape_cast %get3A_723 : vector<16xi32> to vector<16xi32>
    %get3A_725 = arith.constant 304 : index
    %get3A_726 = tpu.vector_load %arg7[%get3A_725] {strides = array<i32>} : memref<384xi32, #tpu.memory_space<vmem>>, vector<16xi32>,
    %get3A_727 = vector.shape_cast %get3A_726 : vector<16xi32> to vector<16xi32>
    %mul3A_728 = arith.constant 1009 : i32
    %mul3A_729 = vector.broadcast %mul3A_728 : i32 to vector<16xi32>
    %mul3A_730 = arith.muli %get3A_727, %mul3A_729 : vector<16xi32>
    %add3A_731 = arith.addi %mul3A_730, %get3A_724 : vector<16xi32>
    %jit3A_732 = arith.constant 100000 : i32
    %eq3A_733 = arith.constant 0 : i32
    %eq3A_734 = arith.cmpi eq, %jit3A_732, %eq3A_733 : i32
    %jit3A_735 = arith.constant 1 : i32
    %select_n3A_736 = arith.select %eq3A_734, %jit3A_735, %jit3A_732 : i32
    %rem3A_737 = vector.broadcast %select_n3A_736 : i32 to vector<16xi32>
    %rem3A_738 = arith.remsi %add3A_731, %rem3A_737 : vector<16xi32>
    %ne3A_739 = arith.constant 0 : i32
    %ne3A_740 = vector.broadcast %ne3A_739 : i32 to vector<16xi32>
    %ne3A_741 = arith.cmpi ne, %rem3A_738, %ne3A_740 : vector<16xi32>
    %lt3A_742 = arith.constant 0 : i32
    %lt3A_743 = vector.broadcast %lt3A_742 : i32 to vector<16xi32>
    %lt3A_744 = arith.cmpi slt, %rem3A_738, %lt3A_743 : vector<16xi32>
    %lt3A_745 = arith.constant 0 : i32
    %lt3A_746 = arith.cmpi slt, %select_n3A_736, %lt3A_745 : i32
    %ne3A_747 = vector.broadcast %lt3A_746 : i1 to vector<16xi1>
    %ne3A_748 = vector.broadcast %ne3A_747 : vector<16xi1> to vector<16xi1>
    %ne3A_749 = arith.xori %lt3A_744, %ne3A_748 : vector<16xi1>
    %and3A_750 = arith.andi %ne3A_749, %ne3A_741 : vector<16xi1>
    %add3A_751 = vector.broadcast %select_n3A_736 : i32 to vector<16xi32>
    %add3A_752 = arith.addi %rem3A_738, %add3A_751 : vector<16xi32>
    %select_n3A_753 = arith.select %and3A_750, %add3A_752, %rem3A_738 : vector<16xi1>, vector<16xi32>
    %swap3A_754 = arith.constant 2 : i32
    %swap3A_755 = arith.index_cast %swap3A_754 : i32 to index
    %swap3A_756 = arith.constant 48 : index
    %swap3A_757 = tpu.vector_load %arg8[%swap3A_755, %swap3A_756] {strides = array<i32>} : memref<3x128xi32, #tpu.memory_space<vmem>>, vector<1x16xi32>,
    %swap3A_758 = vector.shape_cast %swap3A_757 : vector<1x16xi32> to vector<16xi32>
    %swap3A_759 = vector.shape_cast %select_n3A_753 : vector<16xi32> to vector<1x16xi32>
    tpu.vector_store %arg8[%swap3A_755, %swap3A_756], %swap3A_759 {strides = array<i32>} : memref<3x128xi32, #tpu.memory_space<vmem>>, vector<1x16xi32>,
    %get3A_760 = arith.constant 320 : index
    %get3A_761 = tpu.vector_load %arg6[%get3A_760] {strides = array<i32>} : memref<384xi32, #tpu.memory_space<vmem>>, vector<16xi32>,
    %get3A_762 = vector.shape_cast %get3A_761 : vector<16xi32> to vector<16xi32>
    %get3A_763 = arith.constant 320 : index
    %get3A_764 = tpu.vector_load %arg7[%get3A_763] {strides = array<i32>} : memref<384xi32, #tpu.memory_space<vmem>>, vector<16xi32>,
    %get3A_765 = vector.shape_cast %get3A_764 : vector<16xi32> to vector<16xi32>
    %mul3A_766 = arith.constant 1009 : i32
    %mul3A_767 = vector.broadcast %mul3A_766 : i32 to vector<16xi32>
    %mul3A_768 = arith.muli %get3A_765, %mul3A_767 : vector<16xi32>
    %add3A_769 = arith.addi %mul3A_768, %get3A_762 : vector<16xi32>
    %jit3A_770 = arith.constant 100000 : i32
    %eq3A_771 = arith.constant 0 : i32
    %eq3A_772 = arith.cmpi eq, %jit3A_770, %eq3A_771 : i32
    %jit3A_773 = arith.constant 1 : i32
    %select_n3A_774 = arith.select %eq3A_772, %jit3A_773, %jit3A_770 : i32
    %rem3A_775 = vector.broadcast %select_n3A_774 : i32 to vector<16xi32>
    %rem3A_776 = arith.remsi %add3A_769, %rem3A_775 : vector<16xi32>
    %ne3A_777 = arith.constant 0 : i32
    %ne3A_778 = vector.broadcast %ne3A_777 : i32 to vector<16xi32>
    %ne3A_779 = arith.cmpi ne, %rem3A_776, %ne3A_778 : vector<16xi32>
    %lt3A_780 = arith.constant 0 : i32
    %lt3A_781 = vector.broadcast %lt3A_780 : i32 to vector<16xi32>
    %lt3A_782 = arith.cmpi slt, %rem3A_776, %lt3A_781 : vector<16xi32>
    %lt3A_783 = arith.constant 0 : i32
    %lt3A_784 = arith.cmpi slt, %select_n3A_774, %lt3A_783 : i32
    %ne3A_785 = vector.broadcast %lt3A_784 : i1 to vector<16xi1>
    %ne3A_786 = vector.broadcast %ne3A_785 : vector<16xi1> to vector<16xi1>
    %ne3A_787 = arith.xori %lt3A_782, %ne3A_786 : vector<16xi1>
    %and3A_788 = arith.andi %ne3A_787, %ne3A_779 : vector<16xi1>
    %add3A_789 = vector.broadcast %select_n3A_774 : i32 to vector<16xi32>
    %add3A_790 = arith.addi %rem3A_776, %add3A_789 : vector<16xi32>
    %select_n3A_791 = arith.select %and3A_788, %add3A_790, %rem3A_776 : vector<16xi1>, vector<16xi32>
    %swap3A_792 = arith.constant 2 : i32
    %swap3A_793 = arith.index_cast %swap3A_792 : i32 to index
    %swap3A_794 = arith.constant 64 : index
    %swap3A_795 = tpu.vector_load %arg8[%swap3A_793, %swap3A_794] {strides = array<i32>} : memref<3x128xi32, #tpu.memory_space<vmem>>, vector<1x16xi32>,
    %swap3A_796 = vector.shape_cast %swap3A_795 : vector<1x16xi32> to vector<16xi32>
    %swap3A_797 = vector.shape_cast %select_n3A_791 : vector<16xi32> to vector<1x16xi32>
    tpu.vector_store %arg8[%swap3A_793, %swap3A_794], %swap3A_797 {strides = array<i32>} : memref<3x128xi32, #tpu.memory_space<vmem>>, vector<1x16xi32>,
    %get3A_798 = arith.constant 336 : index
    %get3A_799 = tpu.vector_load %arg6[%get3A_798] {strides = array<i32>} : memref<384xi32, #tpu.memory_space<vmem>>, vector<16xi32>,
    %get3A_800 = vector.shape_cast %get3A_799 : vector<16xi32> to vector<16xi32>
    %get3A_801 = arith.constant 336 : index
    %get3A_802 = tpu.vector_load %arg7[%get3A_801] {strides = array<i32>} : memref<384xi32, #tpu.memory_space<vmem>>, vector<16xi32>,
    %get3A_803 = vector.shape_cast %get3A_802 : vector<16xi32> to vector<16xi32>
    %mul3A_804 = arith.constant 1009 : i32
    %mul3A_805 = vector.broadcast %mul3A_804 : i32 to vector<16xi32>
    %mul3A_806 = arith.muli %get3A_803, %mul3A_805 : vector<16xi32>
    %add3A_807 = arith.addi %mul3A_806, %get3A_800 : vector<16xi32>
    %jit3A_808 = arith.constant 100000 : i32
    %eq3A_809 = arith.constant 0 : i32
    %eq3A_810 = arith.cmpi eq, %jit3A_808, %eq3A_809 : i32
    %jit3A_811 = arith.constant 1 : i32
    %select_n3A_812 = arith.select %eq3A_810, %jit3A_811, %jit3A_808 : i32
    %rem3A_813 = vector.broadcast %select_n3A_812 : i32 to vector<16xi32>
    %rem3A_814 = arith.remsi %add3A_807, %rem3A_813 : vector<16xi32>
    %ne3A_815 = arith.constant 0 : i32
    %ne3A_816 = vector.broadcast %ne3A_815 : i32 to vector<16xi32>
    %ne3A_817 = arith.cmpi ne, %rem3A_814, %ne3A_816 : vector<16xi32>
    %lt3A_818 = arith.constant 0 : i32
    %lt3A_819 = vector.broadcast %lt3A_818 : i32 to vector<16xi32>
    %lt3A_820 = arith.cmpi slt, %rem3A_814, %lt3A_819 : vector<16xi32>
    %lt3A_821 = arith.constant 0 : i32
    %lt3A_822 = arith.cmpi slt, %select_n3A_812, %lt3A_821 : i32
    %ne3A_823 = vector.broadcast %lt3A_822 : i1 to vector<16xi1>
    %ne3A_824 = vector.broadcast %ne3A_823 : vector<16xi1> to vector<16xi1>
    %ne3A_825 = arith.xori %lt3A_820, %ne3A_824 : vector<16xi1>
    %and3A_826 = arith.andi %ne3A_825, %ne3A_817 : vector<16xi1>
    %add3A_827 = vector.broadcast %select_n3A_812 : i32 to vector<16xi32>
    %add3A_828 = arith.addi %rem3A_814, %add3A_827 : vector<16xi32>
    %select_n3A_829 = arith.select %and3A_826, %add3A_828, %rem3A_814 : vector<16xi1>, vector<16xi32>
    %swap3A_830 = arith.constant 2 : i32
    %swap3A_831 = arith.index_cast %swap3A_830 : i32 to index
    %swap3A_832 = arith.constant 80 : index
    %swap3A_833 = tpu.vector_load %arg8[%swap3A_831, %swap3A_832] {strides = array<i32>} : memref<3x128xi32, #tpu.memory_space<vmem>>, vector<1x16xi32>,
    %swap3A_834 = vector.shape_cast %swap3A_833 : vector<1x16xi32> to vector<16xi32>
    %swap3A_835 = vector.shape_cast %select_n3A_829 : vector<16xi32> to vector<1x16xi32>
    tpu.vector_store %arg8[%swap3A_831, %swap3A_832], %swap3A_835 {strides = array<i32>} : memref<3x128xi32, #tpu.memory_space<vmem>>, vector<1x16xi32>,
    %get3A_836 = arith.constant 352 : index
    %get3A_837 = tpu.vector_load %arg6[%get3A_836] {strides = array<i32>} : memref<384xi32, #tpu.memory_space<vmem>>, vector<16xi32>,
    %get3A_838 = vector.shape_cast %get3A_837 : vector<16xi32> to vector<16xi32>
    %get3A_839 = arith.constant 352 : index
    %get3A_840 = tpu.vector_load %arg7[%get3A_839] {strides = array<i32>} : memref<384xi32, #tpu.memory_space<vmem>>, vector<16xi32>,
    %get3A_841 = vector.shape_cast %get3A_840 : vector<16xi32> to vector<16xi32>
    %mul3A_842 = arith.constant 1009 : i32
    %mul3A_843 = vector.broadcast %mul3A_842 : i32 to vector<16xi32>
    %mul3A_844 = arith.muli %get3A_841, %mul3A_843 : vector<16xi32>
    %add3A_845 = arith.addi %mul3A_844, %get3A_838 : vector<16xi32>
    %jit3A_846 = arith.constant 100000 : i32
    %eq3A_847 = arith.constant 0 : i32
    %eq3A_848 = arith.cmpi eq, %jit3A_846, %eq3A_847 : i32
    %jit3A_849 = arith.constant 1 : i32
    %select_n3A_850 = arith.select %eq3A_848, %jit3A_849, %jit3A_846 : i32
    %rem3A_851 = vector.broadcast %select_n3A_850 : i32 to vector<16xi32>
    %rem3A_852 = arith.remsi %add3A_845, %rem3A_851 : vector<16xi32>
    %ne3A_853 = arith.constant 0 : i32
    %ne3A_854 = vector.broadcast %ne3A_853 : i32 to vector<16xi32>
    %ne3A_855 = arith.cmpi ne, %rem3A_852, %ne3A_854 : vector<16xi32>
    %lt3A_856 = arith.constant 0 : i32
    %lt3A_857 = vector.broadcast %lt3A_856 : i32 to vector<16xi32>
    %lt3A_858 = arith.cmpi slt, %rem3A_852, %lt3A_857 : vector<16xi32>
    %lt3A_859 = arith.constant 0 : i32
    %lt3A_860 = arith.cmpi slt, %select_n3A_850, %lt3A_859 : i32
    %ne3A_861 = vector.broadcast %lt3A_860 : i1 to vector<16xi1>
    %ne3A_862 = vector.broadcast %ne3A_861 : vector<16xi1> to vector<16xi1>
    %ne3A_863 = arith.xori %lt3A_858, %ne3A_862 : vector<16xi1>
    %and3A_864 = arith.andi %ne3A_863, %ne3A_855 : vector<16xi1>
    %add3A_865 = vector.broadcast %select_n3A_850 : i32 to vector<16xi32>
    %add3A_866 = arith.addi %rem3A_852, %add3A_865 : vector<16xi32>
    %select_n3A_867 = arith.select %and3A_864, %add3A_866, %rem3A_852 : vector<16xi1>, vector<16xi32>
    %swap3A_868 = arith.constant 2 : i32
    %swap3A_869 = arith.index_cast %swap3A_868 : i32 to index
    %swap3A_870 = arith.constant 96 : index
    %swap3A_871 = tpu.vector_load %arg8[%swap3A_869, %swap3A_870] {strides = array<i32>} : memref<3x128xi32, #tpu.memory_space<vmem>>, vector<1x16xi32>,
    %swap3A_872 = vector.shape_cast %swap3A_871 : vector<1x16xi32> to vector<16xi32>
    %swap3A_873 = vector.shape_cast %select_n3A_867 : vector<16xi32> to vector<1x16xi32>
    tpu.vector_store %arg8[%swap3A_869, %swap3A_870], %swap3A_873 {strides = array<i32>} : memref<3x128xi32, #tpu.memory_space<vmem>>, vector<1x16xi32>,
    %get3A_874 = arith.constant 368 : index
    %get3A_875 = tpu.vector_load %arg6[%get3A_874] {strides = array<i32>} : memref<384xi32, #tpu.memory_space<vmem>>, vector<16xi32>,
    %get3A_876 = vector.shape_cast %get3A_875 : vector<16xi32> to vector<16xi32>
    %get3A_877 = arith.constant 368 : index
    %get3A_878 = tpu.vector_load %arg7[%get3A_877] {strides = array<i32>} : memref<384xi32, #tpu.memory_space<vmem>>, vector<16xi32>,
    %get3A_879 = vector.shape_cast %get3A_878 : vector<16xi32> to vector<16xi32>
    %mul3A_880 = arith.constant 1009 : i32
    %mul3A_881 = vector.broadcast %mul3A_880 : i32 to vector<16xi32>
    %mul3A_882 = arith.muli %get3A_879, %mul3A_881 : vector<16xi32>
    %add3A_883 = arith.addi %mul3A_882, %get3A_876 : vector<16xi32>
    %jit3A_884 = arith.constant 100000 : i32
    %eq3A_885 = arith.constant 0 : i32
    %eq3A_886 = arith.cmpi eq, %jit3A_884, %eq3A_885 : i32
    %jit3A_887 = arith.constant 1 : i32
    %select_n3A_888 = arith.select %eq3A_886, %jit3A_887, %jit3A_884 : i32
    %rem3A_889 = vector.broadcast %select_n3A_888 : i32 to vector<16xi32>
    %rem3A_890 = arith.remsi %add3A_883, %rem3A_889 : vector<16xi32>
    %ne3A_891 = arith.constant 0 : i32
    %ne3A_892 = vector.broadcast %ne3A_891 : i32 to vector<16xi32>
    %ne3A_893 = arith.cmpi ne, %rem3A_890, %ne3A_892 : vector<16xi32>
    %lt3A_894 = arith.constant 0 : i32
    %lt3A_895 = vector.broadcast %lt3A_894 : i32 to vector<16xi32>
    %lt3A_896 = arith.cmpi slt, %rem3A_890, %lt3A_895 : vector<16xi32>
    %lt3A_897 = arith.constant 0 : i32
    %lt3A_898 = arith.cmpi slt, %select_n3A_888, %lt3A_897 : i32
    %ne3A_899 = vector.broadcast %lt3A_898 : i1 to vector<16xi1>
    %ne3A_900 = vector.broadcast %ne3A_899 : vector<16xi1> to vector<16xi1>
    %ne3A_901 = arith.xori %lt3A_896, %ne3A_900 : vector<16xi1>
    %and3A_902 = arith.andi %ne3A_901, %ne3A_893 : vector<16xi1>
    %add3A_903 = vector.broadcast %select_n3A_888 : i32 to vector<16xi32>
    %add3A_904 = arith.addi %rem3A_890, %add3A_903 : vector<16xi32>
    %select_n3A_905 = arith.select %and3A_902, %add3A_904, %rem3A_890 : vector<16xi1>, vector<16xi32>
    %swap3A_906 = arith.constant 2 : i32
    %swap3A_907 = arith.index_cast %swap3A_906 : i32 to index
    %swap3A_908 = arith.constant 112 : index
    %swap3A_909 = tpu.vector_load %arg8[%swap3A_907, %swap3A_908] {strides = array<i32>} : memref<3x128xi32, #tpu.memory_space<vmem>>, vector<1x16xi32>,
    %swap3A_910 = vector.shape_cast %swap3A_909 : vector<1x16xi32> to vector<16xi32>
    %swap3A_911 = vector.shape_cast %select_n3A_905 : vector<16xi32> to vector<1x16xi32>
    tpu.vector_store %arg8[%swap3A_907, %swap3A_908], %swap3A_911 {strides = array<i32>} : memref<3x128xi32, #tpu.memory_space<vmem>>, vector<1x16xi32>,
    %dma_start3A_912 = arith.constant 0 : i32
    %dma_start3A_913 = arith.constant 0 : i32
    %dma_start3A_914 = arith.constant 0 : i32
    %dma_start3A_915 = tpu.memref_slice %arg9[%dma_start3A_913, %dma_start3A_914] : memref<384x128xf32, #tpu.memory_space<vmem>> -> memref<128x128xf32, #tpu.memory_space<vmem>>
    %dma_start3A_916 = arith.constant 0 : i32
    %dma_start3A_917 = tpu.memref_slice %arg8[%dma_start3A_912, %dma_start3A_916] : memref<3x128xi32, #tpu.memory_space<vmem>> -> memref<1x128xi32, #tpu.memory_space<vmem>>
    %dma_start3A_918 = tpu.memref_squeeze %dma_start3A_917 : memref<1x128xi32, #tpu.memory_space<vmem>> -> memref<128xi32, #tpu.memory_space<vmem>>
    %dma_start3A_919 = arith.constant 0 : i32
    %dma_start3A_920 = arith.constant 0 : i32
    %dma_start3A_921 = tpu.memref_slice %arg4[%dma_start3A_919, %dma_start3A_920] : memref<100000x128xf32, #tpu.memory_space<hbm>> -> memref<100000x128xf32, #tpu.memory_space<hbm>>
    tpu.enqueue_indirect_dma source(%dma_start3A_921 : memref<100000x128xf32, #tpu.memory_space<hbm>>) target(%dma_start3A_915 : memref<128x128xf32, #tpu.memory_space<vmem>>) offsets(%dma_start3A_918 : memref<128xi32, #tpu.memory_space<vmem>>) semaphore(%arg10 : memref<!tpu.dma_semaphore, #tpu.memory_space<semaphore_mem>>)
    %dma_start3A_922 = arith.constant 1 : i32
    %dma_start3A_923 = arith.constant 128 : i32
    %dma_start3A_924 = arith.constant 0 : i32
    %dma_start3A_925 = tpu.memref_slice %arg9[%dma_start3A_923, %dma_start3A_924] : memref<384x128xf32, #tpu.memory_space<vmem>> -> memref<128x128xf32, #tpu.memory_space<vmem>>
    %dma_start3A_926 = arith.constant 0 : i32
    %dma_start3A_927 = tpu.memref_slice %arg8[%dma_start3A_922, %dma_start3A_926] : memref<3x128xi32, #tpu.memory_space<vmem>> -> memref<1x128xi32, #tpu.memory_space<vmem>>
    %dma_start3A_928 = tpu.memref_squeeze %dma_start3A_927 : memref<1x128xi32, #tpu.memory_space<vmem>> -> memref<128xi32, #tpu.memory_space<vmem>>
    %dma_start3A_929 = arith.constant 0 : i32
    %dma_start3A_930 = arith.constant 0 : i32
    %dma_start3A_931 = tpu.memref_slice %arg4[%dma_start3A_929, %dma_start3A_930] : memref<100000x128xf32, #tpu.memory_space<hbm>> -> memref<100000x128xf32, #tpu.memory_space<hbm>>
    tpu.enqueue_indirect_dma source(%dma_start3A_931 : memref<100000x128xf32, #tpu.memory_space<hbm>>) target(%dma_start3A_925 : memref<128x128xf32, #tpu.memory_space<vmem>>) offsets(%dma_start3A_928 : memref<128xi32, #tpu.memory_space<vmem>>) semaphore(%arg10 : memref<!tpu.dma_semaphore, #tpu.memory_space<semaphore_mem>>)
    %dma_start3A_932 = arith.constant 2 : i32
    %dma_start3A_933 = arith.constant 256 : i32
    %dma_start3A_934 = arith.constant 0 : i32
    %dma_start3A_935 = tpu.memref_slice %arg9[%dma_start3A_933, %dma_start3A_934] : memref<384x128xf32, #tpu.memory_space<vmem>> -> memref<128x128xf32, #tpu.memory_space<vmem>>
    %dma_start3A_936 = arith.constant 0 : i32
    %dma_start3A_937 = tpu.memref_slice %arg8[%dma_start3A_932, %dma_start3A_936] : memref<3x128xi32, #tpu.memory_space<vmem>> -> memref<1x128xi32, #tpu.memory_space<vmem>>
    %dma_start3A_938 = tpu.memref_squeeze %dma_start3A_937 : memref<1x128xi32, #tpu.memory_space<vmem>> -> memref<128xi32, #tpu.memory_space<vmem>>
    %dma_start3A_939 = arith.constant 0 : i32
    %dma_start3A_940 = arith.constant 0 : i32
    %dma_start3A_941 = tpu.memref_slice %arg4[%dma_start3A_939, %dma_start3A_940] : memref<100000x128xf32, #tpu.memory_space<hbm>> -> memref<100000x128xf32, #tpu.memory_space<hbm>>
    tpu.enqueue_indirect_dma source(%dma_start3A_941 : memref<100000x128xf32, #tpu.memory_space<hbm>>) target(%dma_start3A_935 : memref<128x128xf32, #tpu.memory_space<vmem>>) offsets(%dma_start3A_938 : memref<128xi32, #tpu.memory_space<vmem>>) semaphore(%arg10 : memref<!tpu.dma_semaphore, #tpu.memory_space<semaphore_mem>>)
    %dma_wait3A_942 = arith.constant 0 : i32
    %dma_wait3A_943 = arith.constant 0 : i32
    %dma_wait3A_944 = arith.constant 0 : i32
    %dma_wait3A_945 = tpu.memref_slice %arg9[%dma_wait3A_943, %dma_wait3A_944] : memref<384x128xf32, #tpu.memory_space<vmem>> -> memref<128x128xf32, #tpu.memory_space<vmem>>
    %dma_wait3A_946 = arith.constant 0 : i32
    %dma_wait3A_947 = tpu.memref_slice %arg8[%dma_wait3A_942, %dma_wait3A_946] : memref<3x128xi32, #tpu.memory_space<vmem>> -> memref<1x128xi32, #tpu.memory_space<vmem>>
    %dma_wait3A_948 = tpu.memref_squeeze %dma_wait3A_947 : memref<1x128xi32, #tpu.memory_space<vmem>> -> memref<128xi32, #tpu.memory_space<vmem>>
    %dma_wait3A_949 = arith.constant 0 : i32
    %dma_wait3A_950 = arith.constant 0 : i32
    %dma_wait3A_951 = tpu.memref_slice %arg4[%dma_wait3A_949, %dma_wait3A_950] : memref<100000x128xf32, #tpu.memory_space<hbm>> -> memref<100000x128xf32, #tpu.memory_space<hbm>>
    tpu.wait_indirect_dma semaphore(%arg10 : memref<!tpu.dma_semaphore, #tpu.memory_space<semaphore_mem>>) src(%dma_wait3A_951 : memref<100000x128xf32, #tpu.memory_space<hbm>>) dst(%dma_wait3A_945 : memref<128x128xf32, #tpu.memory_space<vmem>>)
    %dma_wait3A_952 = arith.constant 1 : i32
    %dma_wait3A_953 = arith.constant 128 : i32
    %dma_wait3A_954 = arith.constant 0 : i32
    %dma_wait3A_955 = tpu.memref_slice %arg9[%dma_wait3A_953, %dma_wait3A_954] : memref<384x128xf32, #tpu.memory_space<vmem>> -> memref<128x128xf32, #tpu.memory_space<vmem>>
    %dma_wait3A_956 = arith.constant 0 : i32
    %dma_wait3A_957 = tpu.memref_slice %arg8[%dma_wait3A_952, %dma_wait3A_956] : memref<3x128xi32, #tpu.memory_space<vmem>> -> memref<1x128xi32, #tpu.memory_space<vmem>>
    %dma_wait3A_958 = tpu.memref_squeeze %dma_wait3A_957 : memref<1x128xi32, #tpu.memory_space<vmem>> -> memref<128xi32, #tpu.memory_space<vmem>>
    %dma_wait3A_959 = arith.constant 0 : i32
    %dma_wait3A_960 = arith.constant 0 : i32
    %dma_wait3A_961 = tpu.memref_slice %arg4[%dma_wait3A_959, %dma_wait3A_960] : memref<100000x128xf32, #tpu.memory_space<hbm>> -> memref<100000x128xf32, #tpu.memory_space<hbm>>
    tpu.wait_indirect_dma semaphore(%arg10 : memref<!tpu.dma_semaphore, #tpu.memory_space<semaphore_mem>>) src(%dma_wait3A_961 : memref<100000x128xf32, #tpu.memory_space<hbm>>) dst(%dma_wait3A_955 : memref<128x128xf32, #tpu.memory_space<vmem>>)
    %dma_wait3A_962 = arith.constant 2 : i32
    %dma_wait3A_963 = arith.constant 256 : i32
    %dma_wait3A_964 = arith.constant 0 : i32
    %dma_wait3A_965 = tpu.memref_slice %arg9[%dma_wait3A_963, %dma_wait3A_964] : memref<384x128xf32, #tpu.memory_space<vmem>> -> memref<128x128xf32, #tpu.memory_space<vmem>>
    %dma_wait3A_966 = arith.constant 0 : i32
    %dma_wait3A_967 = tpu.memref_slice %arg8[%dma_wait3A_962, %dma_wait3A_966] : memref<3x128xi32, #tpu.memory_space<vmem>> -> memref<1x128xi32, #tpu.memory_space<vmem>>
    %dma_wait3A_968 = tpu.memref_squeeze %dma_wait3A_967 : memref<1x128xi32, #tpu.memory_space<vmem>> -> memref<128xi32, #tpu.memory_space<vmem>>
    %dma_wait3A_969 = arith.constant 0 : i32
    %dma_wait3A_970 = arith.constant 0 : i32
    %dma_wait3A_971 = tpu.memref_slice %arg4[%dma_wait3A_969, %dma_wait3A_970] : memref<100000x128xf32, #tpu.memory_space<hbm>> -> memref<100000x128xf32, #tpu.memory_space<hbm>>
    tpu.wait_indirect_dma semaphore(%arg10 : memref<!tpu.dma_semaphore, #tpu.memory_space<semaphore_mem>>) src(%dma_wait3A_971 : memref<100000x128xf32, #tpu.memory_space<hbm>>) dst(%dma_wait3A_965 : memref<128x128xf32, #tpu.memory_space<vmem>>)
    "tpu.region"() ({
      %run_scoped3A = tpu.sem_alloc : memref<!tpu.dma_semaphore, #tpu.memory_space<semaphore_mem>>
      %dma_start3A_972 = arith.constant 0 : i32
      %dma_start3A_973 = tpu.memref_slice %arg5[%mul3A_2, %dma_start3A_972] : memref<12288x128xf32, #tpu.memory_space<hbm>> -> memref<384x128xf32, #tpu.memory_space<hbm>>
      %dma_start3A_974 = arith.constant 0 : i32
      %dma_start3A_975 = tpu.memref_slice %arg5[%mul3A_2, %dma_start3A_974] : memref<12288x128xf32, #tpu.memory_space<hbm>> -> memref<384x128xf32, #tpu.memory_space<hbm>>
      tpu.enqueue_dma source(%arg9 : memref<384x128xf32, #tpu.memory_space<vmem>>) target(%dma_start3A_975 : memref<384x128xf32, #tpu.memory_space<hbm>>) target_semaphore(%run_scoped3A : memref<!tpu.dma_semaphore, #tpu.memory_space<semaphore_mem>>)
      %dma_wait3A_976 = arith.constant 0 : i32
      %dma_wait3A_977 = tpu.memref_slice %arg5[%mul3A_2, %dma_wait3A_976] : memref<12288x128xf32, #tpu.memory_space<hbm>> -> memref<384x128xf32, #tpu.memory_space<hbm>>
      %dma_wait3A_978 = arith.constant 0 : i32
      %dma_wait3A_979 = tpu.memref_slice %arg5[%mul3A_2, %dma_wait3A_978] : memref<12288x128xf32, #tpu.memory_space<hbm>> -> memref<384x128xf32, #tpu.memory_space<hbm>>
      tpu.wait_dma2 semaphore(%run_scoped3A : memref<!tpu.dma_semaphore, #tpu.memory_space<semaphore_mem>>) src(%arg9 : memref<384x128xf32, #tpu.memory_space<vmem>>) dst(%dma_wait3A_979 : memref<384x128xf32, #tpu.memory_space<hbm>>)
      tpu.yield
    }) : () -> ()
    return
  }
}

#map = affine_map<(d0, d1) -> (0)>
#map1 = affine_map<(d0, d1) -> (0, 0)>
module attributes {stable_mosaic.version = 14 : i64} {
  func.func @gather(%arg0: i32, %arg1: i32, %arg2: memref<4096xi32, #tpu.memory_space<hbm>>, %arg3: memref<4096xi32, #tpu.memory_space<hbm>>, %arg4: memref<100000x128xf32, #tpu.memory_space<hbm>>, %arg5: memref<4096x128xf32, #tpu.memory_space<hbm>>, %arg6: memref<128xi32, #tpu.memory_space<vmem>>, %arg7: memref<128xi32, #tpu.memory_space<vmem>>, %arg8: memref<1x128xi32, #tpu.memory_space<vmem>>, %arg9: memref<128x128xf32, #tpu.memory_space<vmem>>, %arg10: memref<!tpu.dma_semaphore, #tpu.memory_space<semaphore_mem>>) attributes {dimension_semantics = [#tpu.dimension_semantics<core_parallel>, #tpu.dimension_semantics<subcore_parallel>], iteration_bounds = array<i64: 2, 16>, scalar_prefetch = 0 : i64, scratch_operands = 5 : i64, tpu.core_type = #tpu.core_type<sc_vector_subcore>, window_params = [{transform_indices = #map}, {transform_indices = #map}, {transform_indices = #map1}, {transform_indices = #map1}]} {
    %mul3A = arith.constant 2 : i32
    %mul3A_0 = arith.muli %arg1, %mul3A : i32
    %add3A = arith.addi %mul3A_0, %arg0 : i32
    %mul3A_1 = arith.constant 128 : i32
    %mul3A_2 = arith.muli %add3A, %mul3A_1 : i32
    %dma_start3A = tpu.memref_slice %arg2[%mul3A_2] : memref<4096xi32, #tpu.memory_space<hbm>> -> memref<128xi32, #tpu.memory_space<hbm>>
    %dma_start3A_3 = tpu.memref_slice %arg2[%mul3A_2] : memref<4096xi32, #tpu.memory_space<hbm>> -> memref<128xi32, #tpu.memory_space<hbm>>
    tpu.enqueue_dma source(%dma_start3A_3 : memref<128xi32, #tpu.memory_space<hbm>>) target(%arg6 : memref<128xi32, #tpu.memory_space<vmem>>) target_semaphore(%arg10 : memref<!tpu.dma_semaphore, #tpu.memory_space<semaphore_mem>>)
    %dma_start3A_4 = tpu.memref_slice %arg3[%mul3A_2] : memref<4096xi32, #tpu.memory_space<hbm>> -> memref<128xi32, #tpu.memory_space<hbm>>
    %dma_start3A_5 = tpu.memref_slice %arg3[%mul3A_2] : memref<4096xi32, #tpu.memory_space<hbm>> -> memref<128xi32, #tpu.memory_space<hbm>>
    tpu.enqueue_dma source(%dma_start3A_5 : memref<128xi32, #tpu.memory_space<hbm>>) target(%arg7 : memref<128xi32, #tpu.memory_space<vmem>>) target_semaphore(%arg10 : memref<!tpu.dma_semaphore, #tpu.memory_space<semaphore_mem>>)
    %dma_wait3A = tpu.memref_slice %arg2[%mul3A_2] : memref<4096xi32, #tpu.memory_space<hbm>> -> memref<128xi32, #tpu.memory_space<hbm>>
    %dma_wait3A_6 = tpu.memref_slice %arg2[%mul3A_2] : memref<4096xi32, #tpu.memory_space<hbm>> -> memref<128xi32, #tpu.memory_space<hbm>>
    tpu.wait_dma2 semaphore(%arg10 : memref<!tpu.dma_semaphore, #tpu.memory_space<semaphore_mem>>) src(%dma_wait3A_6 : memref<128xi32, #tpu.memory_space<hbm>>) dst(%arg6 : memref<128xi32, #tpu.memory_space<vmem>>)
    %dma_wait3A_7 = tpu.memref_slice %arg3[%mul3A_2] : memref<4096xi32, #tpu.memory_space<hbm>> -> memref<128xi32, #tpu.memory_space<hbm>>
    %dma_wait3A_8 = tpu.memref_slice %arg3[%mul3A_2] : memref<4096xi32, #tpu.memory_space<hbm>> -> memref<128xi32, #tpu.memory_space<hbm>>
    tpu.wait_dma2 semaphore(%arg10 : memref<!tpu.dma_semaphore, #tpu.memory_space<semaphore_mem>>) src(%dma_wait3A_8 : memref<128xi32, #tpu.memory_space<hbm>>) dst(%arg7 : memref<128xi32, #tpu.memory_space<vmem>>)
    %get3A = arith.constant 0 : index
    %get3A_9 = tpu.vector_load %arg6[%get3A] {strides = array<i32>} : memref<128xi32, #tpu.memory_space<vmem>>, vector<16xi32>,
    %get3A_10 = vector.shape_cast %get3A_9 : vector<16xi32> to vector<16xi32>
    %get3A_11 = arith.constant 0 : index
    %get3A_12 = tpu.vector_load %arg7[%get3A_11] {strides = array<i32>} : memref<128xi32, #tpu.memory_space<vmem>>, vector<16xi32>,
    %get3A_13 = vector.shape_cast %get3A_12 : vector<16xi32> to vector<16xi32>
    %mul3A_14 = arith.constant 1009 : i32
    %mul3A_15 = vector.broadcast %mul3A_14 : i32 to vector<16xi32>
    %mul3A_16 = arith.muli %get3A_13, %mul3A_15 : vector<16xi32>
    %add3A_17 = arith.addi %mul3A_16, %get3A_10 : vector<16xi32>
    %jit3A = arith.constant 100000 : i32
    %eq3A = arith.constant 0 : i32
    %eq3A_18 = arith.cmpi eq, %jit3A, %eq3A : i32
    %jit3A_19 = arith.constant 1 : i32
    %select_n3A = arith.select %eq3A_18, %jit3A_19, %jit3A : i32
    %rem3A = vector.broadcast %select_n3A : i32 to vector<16xi32>
    %rem3A_20 = arith.remsi %add3A_17, %rem3A : vector<16xi32>
    %ne3A = arith.constant 0 : i32
    %ne3A_21 = vector.broadcast %ne3A : i32 to vector<16xi32>
    %ne3A_22 = arith.cmpi ne, %rem3A_20, %ne3A_21 : vector<16xi32>
    %lt3A = arith.constant 0 : i32
    %lt3A_23 = vector.broadcast %lt3A : i32 to vector<16xi32>
    %lt3A_24 = arith.cmpi slt, %rem3A_20, %lt3A_23 : vector<16xi32>
    %lt3A_25 = arith.constant 0 : i32
    %lt3A_26 = arith.cmpi slt, %select_n3A, %lt3A_25 : i32
    %ne3A_27 = vector.broadcast %lt3A_26 : i1 to vector<16xi1>
    %ne3A_28 = vector.broadcast %ne3A_27 : vector<16xi1> to vector<16xi1>
    %ne3A_29 = arith.xori %lt3A_24, %ne3A_28 : vector<16xi1>
    %and3A = arith.andi %ne3A_29, %ne3A_22 : vector<16xi1>
    %add3A_30 = vector.broadcast %select_n3A : i32 to vector<16xi32>
    %add3A_31 = arith.addi %rem3A_20, %add3A_30 : vector<16xi32>
    %select_n3A_32 = arith.select %and3A, %add3A_31, %rem3A_20 : vector<16xi1>, vector<16xi32>
    %swap3A = arith.constant 0 : i32
    %swap3A_33 = arith.index_cast %swap3A : i32 to index
    %swap3A_34 = arith.constant 0 : index
    %swap3A_35 = tpu.vector_load %arg8[%swap3A_33, %swap3A_34] {strides = array<i32>} : memref<1x128xi32, #tpu.memory_space<vmem>>, vector<1x16xi32>,
    %swap3A_36 = vector.shape_cast %swap3A_35 : vector<1x16xi32> to vector<16xi32>
    %swap3A_37 = vector.shape_cast %select_n3A_32 : vector<16xi32> to vector<1x16xi32>
    tpu.vector_store %arg8[%swap3A_33, %swap3A_34], %swap3A_37 {strides = array<i32>} : memref<1x128xi32, #tpu.memory_space<vmem>>, vector<1x16xi32>,
    %get3A_38 = arith.constant 16 : index
    %get3A_39 = tpu.vector_load %arg6[%get3A_38] {strides = array<i32>} : memref<128xi32, #tpu.memory_space<vmem>>, vector<16xi32>,
    %get3A_40 = vector.shape_cast %get3A_39 : vector<16xi32> to vector<16xi32>
    %get3A_41 = arith.constant 16 : index
    %get3A_42 = tpu.vector_load %arg7[%get3A_41] {strides = array<i32>} : memref<128xi32, #tpu.memory_space<vmem>>, vector<16xi32>,
    %get3A_43 = vector.shape_cast %get3A_42 : vector<16xi32> to vector<16xi32>
    %mul3A_44 = arith.constant 1009 : i32
    %mul3A_45 = vector.broadcast %mul3A_44 : i32 to vector<16xi32>
    %mul3A_46 = arith.muli %get3A_43, %mul3A_45 : vector<16xi32>
    %add3A_47 = arith.addi %mul3A_46, %get3A_40 : vector<16xi32>
    %jit3A_48 = arith.constant 100000 : i32
    %eq3A_49 = arith.constant 0 : i32
    %eq3A_50 = arith.cmpi eq, %jit3A_48, %eq3A_49 : i32
    %jit3A_51 = arith.constant 1 : i32
    %select_n3A_52 = arith.select %eq3A_50, %jit3A_51, %jit3A_48 : i32
    %rem3A_53 = vector.broadcast %select_n3A_52 : i32 to vector<16xi32>
    %rem3A_54 = arith.remsi %add3A_47, %rem3A_53 : vector<16xi32>
    %ne3A_55 = arith.constant 0 : i32
    %ne3A_56 = vector.broadcast %ne3A_55 : i32 to vector<16xi32>
    %ne3A_57 = arith.cmpi ne, %rem3A_54, %ne3A_56 : vector<16xi32>
    %lt3A_58 = arith.constant 0 : i32
    %lt3A_59 = vector.broadcast %lt3A_58 : i32 to vector<16xi32>
    %lt3A_60 = arith.cmpi slt, %rem3A_54, %lt3A_59 : vector<16xi32>
    %lt3A_61 = arith.constant 0 : i32
    %lt3A_62 = arith.cmpi slt, %select_n3A_52, %lt3A_61 : i32
    %ne3A_63 = vector.broadcast %lt3A_62 : i1 to vector<16xi1>
    %ne3A_64 = vector.broadcast %ne3A_63 : vector<16xi1> to vector<16xi1>
    %ne3A_65 = arith.xori %lt3A_60, %ne3A_64 : vector<16xi1>
    %and3A_66 = arith.andi %ne3A_65, %ne3A_57 : vector<16xi1>
    %add3A_67 = vector.broadcast %select_n3A_52 : i32 to vector<16xi32>
    %add3A_68 = arith.addi %rem3A_54, %add3A_67 : vector<16xi32>
    %select_n3A_69 = arith.select %and3A_66, %add3A_68, %rem3A_54 : vector<16xi1>, vector<16xi32>
    %swap3A_70 = arith.constant 0 : i32
    %swap3A_71 = arith.index_cast %swap3A_70 : i32 to index
    %swap3A_72 = arith.constant 16 : index
    %swap3A_73 = tpu.vector_load %arg8[%swap3A_71, %swap3A_72] {strides = array<i32>} : memref<1x128xi32, #tpu.memory_space<vmem>>, vector<1x16xi32>,
    %swap3A_74 = vector.shape_cast %swap3A_73 : vector<1x16xi32> to vector<16xi32>
    %swap3A_75 = vector.shape_cast %select_n3A_69 : vector<16xi32> to vector<1x16xi32>
    tpu.vector_store %arg8[%swap3A_71, %swap3A_72], %swap3A_75 {strides = array<i32>} : memref<1x128xi32, #tpu.memory_space<vmem>>, vector<1x16xi32>,
    %get3A_76 = arith.constant 32 : index
    %get3A_77 = tpu.vector_load %arg6[%get3A_76] {strides = array<i32>} : memref<128xi32, #tpu.memory_space<vmem>>, vector<16xi32>,
    %get3A_78 = vector.shape_cast %get3A_77 : vector<16xi32> to vector<16xi32>
    %get3A_79 = arith.constant 32 : index
    %get3A_80 = tpu.vector_load %arg7[%get3A_79] {strides = array<i32>} : memref<128xi32, #tpu.memory_space<vmem>>, vector<16xi32>,
    %get3A_81 = vector.shape_cast %get3A_80 : vector<16xi32> to vector<16xi32>
    %mul3A_82 = arith.constant 1009 : i32
    %mul3A_83 = vector.broadcast %mul3A_82 : i32 to vector<16xi32>
    %mul3A_84 = arith.muli %get3A_81, %mul3A_83 : vector<16xi32>
    %add3A_85 = arith.addi %mul3A_84, %get3A_78 : vector<16xi32>
    %jit3A_86 = arith.constant 100000 : i32
    %eq3A_87 = arith.constant 0 : i32
    %eq3A_88 = arith.cmpi eq, %jit3A_86, %eq3A_87 : i32
    %jit3A_89 = arith.constant 1 : i32
    %select_n3A_90 = arith.select %eq3A_88, %jit3A_89, %jit3A_86 : i32
    %rem3A_91 = vector.broadcast %select_n3A_90 : i32 to vector<16xi32>
    %rem3A_92 = arith.remsi %add3A_85, %rem3A_91 : vector<16xi32>
    %ne3A_93 = arith.constant 0 : i32
    %ne3A_94 = vector.broadcast %ne3A_93 : i32 to vector<16xi32>
    %ne3A_95 = arith.cmpi ne, %rem3A_92, %ne3A_94 : vector<16xi32>
    %lt3A_96 = arith.constant 0 : i32
    %lt3A_97 = vector.broadcast %lt3A_96 : i32 to vector<16xi32>
    %lt3A_98 = arith.cmpi slt, %rem3A_92, %lt3A_97 : vector<16xi32>
    %lt3A_99 = arith.constant 0 : i32
    %lt3A_100 = arith.cmpi slt, %select_n3A_90, %lt3A_99 : i32
    %ne3A_101 = vector.broadcast %lt3A_100 : i1 to vector<16xi1>
    %ne3A_102 = vector.broadcast %ne3A_101 : vector<16xi1> to vector<16xi1>
    %ne3A_103 = arith.xori %lt3A_98, %ne3A_102 : vector<16xi1>
    %and3A_104 = arith.andi %ne3A_103, %ne3A_95 : vector<16xi1>
    %add3A_105 = vector.broadcast %select_n3A_90 : i32 to vector<16xi32>
    %add3A_106 = arith.addi %rem3A_92, %add3A_105 : vector<16xi32>
    %select_n3A_107 = arith.select %and3A_104, %add3A_106, %rem3A_92 : vector<16xi1>, vector<16xi32>
    %swap3A_108 = arith.constant 0 : i32
    %swap3A_109 = arith.index_cast %swap3A_108 : i32 to index
    %swap3A_110 = arith.constant 32 : index
    %swap3A_111 = tpu.vector_load %arg8[%swap3A_109, %swap3A_110] {strides = array<i32>} : memref<1x128xi32, #tpu.memory_space<vmem>>, vector<1x16xi32>,
    %swap3A_112 = vector.shape_cast %swap3A_111 : vector<1x16xi32> to vector<16xi32>
    %swap3A_113 = vector.shape_cast %select_n3A_107 : vector<16xi32> to vector<1x16xi32>
    tpu.vector_store %arg8[%swap3A_109, %swap3A_110], %swap3A_113 {strides = array<i32>} : memref<1x128xi32, #tpu.memory_space<vmem>>, vector<1x16xi32>,
    %get3A_114 = arith.constant 48 : index
    %get3A_115 = tpu.vector_load %arg6[%get3A_114] {strides = array<i32>} : memref<128xi32, #tpu.memory_space<vmem>>, vector<16xi32>,
    %get3A_116 = vector.shape_cast %get3A_115 : vector<16xi32> to vector<16xi32>
    %get3A_117 = arith.constant 48 : index
    %get3A_118 = tpu.vector_load %arg7[%get3A_117] {strides = array<i32>} : memref<128xi32, #tpu.memory_space<vmem>>, vector<16xi32>,
    %get3A_119 = vector.shape_cast %get3A_118 : vector<16xi32> to vector<16xi32>
    %mul3A_120 = arith.constant 1009 : i32
    %mul3A_121 = vector.broadcast %mul3A_120 : i32 to vector<16xi32>
    %mul3A_122 = arith.muli %get3A_119, %mul3A_121 : vector<16xi32>
    %add3A_123 = arith.addi %mul3A_122, %get3A_116 : vector<16xi32>
    %jit3A_124 = arith.constant 100000 : i32
    %eq3A_125 = arith.constant 0 : i32
    %eq3A_126 = arith.cmpi eq, %jit3A_124, %eq3A_125 : i32
    %jit3A_127 = arith.constant 1 : i32
    %select_n3A_128 = arith.select %eq3A_126, %jit3A_127, %jit3A_124 : i32
    %rem3A_129 = vector.broadcast %select_n3A_128 : i32 to vector<16xi32>
    %rem3A_130 = arith.remsi %add3A_123, %rem3A_129 : vector<16xi32>
    %ne3A_131 = arith.constant 0 : i32
    %ne3A_132 = vector.broadcast %ne3A_131 : i32 to vector<16xi32>
    %ne3A_133 = arith.cmpi ne, %rem3A_130, %ne3A_132 : vector<16xi32>
    %lt3A_134 = arith.constant 0 : i32
    %lt3A_135 = vector.broadcast %lt3A_134 : i32 to vector<16xi32>
    %lt3A_136 = arith.cmpi slt, %rem3A_130, %lt3A_135 : vector<16xi32>
    %lt3A_137 = arith.constant 0 : i32
    %lt3A_138 = arith.cmpi slt, %select_n3A_128, %lt3A_137 : i32
    %ne3A_139 = vector.broadcast %lt3A_138 : i1 to vector<16xi1>
    %ne3A_140 = vector.broadcast %ne3A_139 : vector<16xi1> to vector<16xi1>
    %ne3A_141 = arith.xori %lt3A_136, %ne3A_140 : vector<16xi1>
    %and3A_142 = arith.andi %ne3A_141, %ne3A_133 : vector<16xi1>
    %add3A_143 = vector.broadcast %select_n3A_128 : i32 to vector<16xi32>
    %add3A_144 = arith.addi %rem3A_130, %add3A_143 : vector<16xi32>
    %select_n3A_145 = arith.select %and3A_142, %add3A_144, %rem3A_130 : vector<16xi1>, vector<16xi32>
    %swap3A_146 = arith.constant 0 : i32
    %swap3A_147 = arith.index_cast %swap3A_146 : i32 to index
    %swap3A_148 = arith.constant 48 : index
    %swap3A_149 = tpu.vector_load %arg8[%swap3A_147, %swap3A_148] {strides = array<i32>} : memref<1x128xi32, #tpu.memory_space<vmem>>, vector<1x16xi32>,
    %swap3A_150 = vector.shape_cast %swap3A_149 : vector<1x16xi32> to vector<16xi32>
    %swap3A_151 = vector.shape_cast %select_n3A_145 : vector<16xi32> to vector<1x16xi32>
    tpu.vector_store %arg8[%swap3A_147, %swap3A_148], %swap3A_151 {strides = array<i32>} : memref<1x128xi32, #tpu.memory_space<vmem>>, vector<1x16xi32>,
    %get3A_152 = arith.constant 64 : index
    %get3A_153 = tpu.vector_load %arg6[%get3A_152] {strides = array<i32>} : memref<128xi32, #tpu.memory_space<vmem>>, vector<16xi32>,
    %get3A_154 = vector.shape_cast %get3A_153 : vector<16xi32> to vector<16xi32>
    %get3A_155 = arith.constant 64 : index
    %get3A_156 = tpu.vector_load %arg7[%get3A_155] {strides = array<i32>} : memref<128xi32, #tpu.memory_space<vmem>>, vector<16xi32>,
    %get3A_157 = vector.shape_cast %get3A_156 : vector<16xi32> to vector<16xi32>
    %mul3A_158 = arith.constant 1009 : i32
    %mul3A_159 = vector.broadcast %mul3A_158 : i32 to vector<16xi32>
    %mul3A_160 = arith.muli %get3A_157, %mul3A_159 : vector<16xi32>
    %add3A_161 = arith.addi %mul3A_160, %get3A_154 : vector<16xi32>
    %jit3A_162 = arith.constant 100000 : i32
    %eq3A_163 = arith.constant 0 : i32
    %eq3A_164 = arith.cmpi eq, %jit3A_162, %eq3A_163 : i32
    %jit3A_165 = arith.constant 1 : i32
    %select_n3A_166 = arith.select %eq3A_164, %jit3A_165, %jit3A_162 : i32
    %rem3A_167 = vector.broadcast %select_n3A_166 : i32 to vector<16xi32>
    %rem3A_168 = arith.remsi %add3A_161, %rem3A_167 : vector<16xi32>
    %ne3A_169 = arith.constant 0 : i32
    %ne3A_170 = vector.broadcast %ne3A_169 : i32 to vector<16xi32>
    %ne3A_171 = arith.cmpi ne, %rem3A_168, %ne3A_170 : vector<16xi32>
    %lt3A_172 = arith.constant 0 : i32
    %lt3A_173 = vector.broadcast %lt3A_172 : i32 to vector<16xi32>
    %lt3A_174 = arith.cmpi slt, %rem3A_168, %lt3A_173 : vector<16xi32>
    %lt3A_175 = arith.constant 0 : i32
    %lt3A_176 = arith.cmpi slt, %select_n3A_166, %lt3A_175 : i32
    %ne3A_177 = vector.broadcast %lt3A_176 : i1 to vector<16xi1>
    %ne3A_178 = vector.broadcast %ne3A_177 : vector<16xi1> to vector<16xi1>
    %ne3A_179 = arith.xori %lt3A_174, %ne3A_178 : vector<16xi1>
    %and3A_180 = arith.andi %ne3A_179, %ne3A_171 : vector<16xi1>
    %add3A_181 = vector.broadcast %select_n3A_166 : i32 to vector<16xi32>
    %add3A_182 = arith.addi %rem3A_168, %add3A_181 : vector<16xi32>
    %select_n3A_183 = arith.select %and3A_180, %add3A_182, %rem3A_168 : vector<16xi1>, vector<16xi32>
    %swap3A_184 = arith.constant 0 : i32
    %swap3A_185 = arith.index_cast %swap3A_184 : i32 to index
    %swap3A_186 = arith.constant 64 : index
    %swap3A_187 = tpu.vector_load %arg8[%swap3A_185, %swap3A_186] {strides = array<i32>} : memref<1x128xi32, #tpu.memory_space<vmem>>, vector<1x16xi32>,
    %swap3A_188 = vector.shape_cast %swap3A_187 : vector<1x16xi32> to vector<16xi32>
    %swap3A_189 = vector.shape_cast %select_n3A_183 : vector<16xi32> to vector<1x16xi32>
    tpu.vector_store %arg8[%swap3A_185, %swap3A_186], %swap3A_189 {strides = array<i32>} : memref<1x128xi32, #tpu.memory_space<vmem>>, vector<1x16xi32>,
    %get3A_190 = arith.constant 80 : index
    %get3A_191 = tpu.vector_load %arg6[%get3A_190] {strides = array<i32>} : memref<128xi32, #tpu.memory_space<vmem>>, vector<16xi32>,
    %get3A_192 = vector.shape_cast %get3A_191 : vector<16xi32> to vector<16xi32>
    %get3A_193 = arith.constant 80 : index
    %get3A_194 = tpu.vector_load %arg7[%get3A_193] {strides = array<i32>} : memref<128xi32, #tpu.memory_space<vmem>>, vector<16xi32>,
    %get3A_195 = vector.shape_cast %get3A_194 : vector<16xi32> to vector<16xi32>
    %mul3A_196 = arith.constant 1009 : i32
    %mul3A_197 = vector.broadcast %mul3A_196 : i32 to vector<16xi32>
    %mul3A_198 = arith.muli %get3A_195, %mul3A_197 : vector<16xi32>
    %add3A_199 = arith.addi %mul3A_198, %get3A_192 : vector<16xi32>
    %jit3A_200 = arith.constant 100000 : i32
    %eq3A_201 = arith.constant 0 : i32
    %eq3A_202 = arith.cmpi eq, %jit3A_200, %eq3A_201 : i32
    %jit3A_203 = arith.constant 1 : i32
    %select_n3A_204 = arith.select %eq3A_202, %jit3A_203, %jit3A_200 : i32
    %rem3A_205 = vector.broadcast %select_n3A_204 : i32 to vector<16xi32>
    %rem3A_206 = arith.remsi %add3A_199, %rem3A_205 : vector<16xi32>
    %ne3A_207 = arith.constant 0 : i32
    %ne3A_208 = vector.broadcast %ne3A_207 : i32 to vector<16xi32>
    %ne3A_209 = arith.cmpi ne, %rem3A_206, %ne3A_208 : vector<16xi32>
    %lt3A_210 = arith.constant 0 : i32
    %lt3A_211 = vector.broadcast %lt3A_210 : i32 to vector<16xi32>
    %lt3A_212 = arith.cmpi slt, %rem3A_206, %lt3A_211 : vector<16xi32>
    %lt3A_213 = arith.constant 0 : i32
    %lt3A_214 = arith.cmpi slt, %select_n3A_204, %lt3A_213 : i32
    %ne3A_215 = vector.broadcast %lt3A_214 : i1 to vector<16xi1>
    %ne3A_216 = vector.broadcast %ne3A_215 : vector<16xi1> to vector<16xi1>
    %ne3A_217 = arith.xori %lt3A_212, %ne3A_216 : vector<16xi1>
    %and3A_218 = arith.andi %ne3A_217, %ne3A_209 : vector<16xi1>
    %add3A_219 = vector.broadcast %select_n3A_204 : i32 to vector<16xi32>
    %add3A_220 = arith.addi %rem3A_206, %add3A_219 : vector<16xi32>
    %select_n3A_221 = arith.select %and3A_218, %add3A_220, %rem3A_206 : vector<16xi1>, vector<16xi32>
    %swap3A_222 = arith.constant 0 : i32
    %swap3A_223 = arith.index_cast %swap3A_222 : i32 to index
    %swap3A_224 = arith.constant 80 : index
    %swap3A_225 = tpu.vector_load %arg8[%swap3A_223, %swap3A_224] {strides = array<i32>} : memref<1x128xi32, #tpu.memory_space<vmem>>, vector<1x16xi32>,
    %swap3A_226 = vector.shape_cast %swap3A_225 : vector<1x16xi32> to vector<16xi32>
    %swap3A_227 = vector.shape_cast %select_n3A_221 : vector<16xi32> to vector<1x16xi32>
    tpu.vector_store %arg8[%swap3A_223, %swap3A_224], %swap3A_227 {strides = array<i32>} : memref<1x128xi32, #tpu.memory_space<vmem>>, vector<1x16xi32>,
    %get3A_228 = arith.constant 96 : index
    %get3A_229 = tpu.vector_load %arg6[%get3A_228] {strides = array<i32>} : memref<128xi32, #tpu.memory_space<vmem>>, vector<16xi32>,
    %get3A_230 = vector.shape_cast %get3A_229 : vector<16xi32> to vector<16xi32>
    %get3A_231 = arith.constant 96 : index
    %get3A_232 = tpu.vector_load %arg7[%get3A_231] {strides = array<i32>} : memref<128xi32, #tpu.memory_space<vmem>>, vector<16xi32>,
    %get3A_233 = vector.shape_cast %get3A_232 : vector<16xi32> to vector<16xi32>
    %mul3A_234 = arith.constant 1009 : i32
    %mul3A_235 = vector.broadcast %mul3A_234 : i32 to vector<16xi32>
    %mul3A_236 = arith.muli %get3A_233, %mul3A_235 : vector<16xi32>
    %add3A_237 = arith.addi %mul3A_236, %get3A_230 : vector<16xi32>
    %jit3A_238 = arith.constant 100000 : i32
    %eq3A_239 = arith.constant 0 : i32
    %eq3A_240 = arith.cmpi eq, %jit3A_238, %eq3A_239 : i32
    %jit3A_241 = arith.constant 1 : i32
    %select_n3A_242 = arith.select %eq3A_240, %jit3A_241, %jit3A_238 : i32
    %rem3A_243 = vector.broadcast %select_n3A_242 : i32 to vector<16xi32>
    %rem3A_244 = arith.remsi %add3A_237, %rem3A_243 : vector<16xi32>
    %ne3A_245 = arith.constant 0 : i32
    %ne3A_246 = vector.broadcast %ne3A_245 : i32 to vector<16xi32>
    %ne3A_247 = arith.cmpi ne, %rem3A_244, %ne3A_246 : vector<16xi32>
    %lt3A_248 = arith.constant 0 : i32
    %lt3A_249 = vector.broadcast %lt3A_248 : i32 to vector<16xi32>
    %lt3A_250 = arith.cmpi slt, %rem3A_244, %lt3A_249 : vector<16xi32>
    %lt3A_251 = arith.constant 0 : i32
    %lt3A_252 = arith.cmpi slt, %select_n3A_242, %lt3A_251 : i32
    %ne3A_253 = vector.broadcast %lt3A_252 : i1 to vector<16xi1>
    %ne3A_254 = vector.broadcast %ne3A_253 : vector<16xi1> to vector<16xi1>
    %ne3A_255 = arith.xori %lt3A_250, %ne3A_254 : vector<16xi1>
    %and3A_256 = arith.andi %ne3A_255, %ne3A_247 : vector<16xi1>
    %add3A_257 = vector.broadcast %select_n3A_242 : i32 to vector<16xi32>
    %add3A_258 = arith.addi %rem3A_244, %add3A_257 : vector<16xi32>
    %select_n3A_259 = arith.select %and3A_256, %add3A_258, %rem3A_244 : vector<16xi1>, vector<16xi32>
    %swap3A_260 = arith.constant 0 : i32
    %swap3A_261 = arith.index_cast %swap3A_260 : i32 to index
    %swap3A_262 = arith.constant 96 : index
    %swap3A_263 = tpu.vector_load %arg8[%swap3A_261, %swap3A_262] {strides = array<i32>} : memref<1x128xi32, #tpu.memory_space<vmem>>, vector<1x16xi32>,
    %swap3A_264 = vector.shape_cast %swap3A_263 : vector<1x16xi32> to vector<16xi32>
    %swap3A_265 = vector.shape_cast %select_n3A_259 : vector<16xi32> to vector<1x16xi32>
    tpu.vector_store %arg8[%swap3A_261, %swap3A_262], %swap3A_265 {strides = array<i32>} : memref<1x128xi32, #tpu.memory_space<vmem>>, vector<1x16xi32>,
    %get3A_266 = arith.constant 112 : index
    %get3A_267 = tpu.vector_load %arg6[%get3A_266] {strides = array<i32>} : memref<128xi32, #tpu.memory_space<vmem>>, vector<16xi32>,
    %get3A_268 = vector.shape_cast %get3A_267 : vector<16xi32> to vector<16xi32>
    %get3A_269 = arith.constant 112 : index
    %get3A_270 = tpu.vector_load %arg7[%get3A_269] {strides = array<i32>} : memref<128xi32, #tpu.memory_space<vmem>>, vector<16xi32>,
    %get3A_271 = vector.shape_cast %get3A_270 : vector<16xi32> to vector<16xi32>
    %mul3A_272 = arith.constant 1009 : i32
    %mul3A_273 = vector.broadcast %mul3A_272 : i32 to vector<16xi32>
    %mul3A_274 = arith.muli %get3A_271, %mul3A_273 : vector<16xi32>
    %add3A_275 = arith.addi %mul3A_274, %get3A_268 : vector<16xi32>
    %jit3A_276 = arith.constant 100000 : i32
    %eq3A_277 = arith.constant 0 : i32
    %eq3A_278 = arith.cmpi eq, %jit3A_276, %eq3A_277 : i32
    %jit3A_279 = arith.constant 1 : i32
    %select_n3A_280 = arith.select %eq3A_278, %jit3A_279, %jit3A_276 : i32
    %rem3A_281 = vector.broadcast %select_n3A_280 : i32 to vector<16xi32>
    %rem3A_282 = arith.remsi %add3A_275, %rem3A_281 : vector<16xi32>
    %ne3A_283 = arith.constant 0 : i32
    %ne3A_284 = vector.broadcast %ne3A_283 : i32 to vector<16xi32>
    %ne3A_285 = arith.cmpi ne, %rem3A_282, %ne3A_284 : vector<16xi32>
    %lt3A_286 = arith.constant 0 : i32
    %lt3A_287 = vector.broadcast %lt3A_286 : i32 to vector<16xi32>
    %lt3A_288 = arith.cmpi slt, %rem3A_282, %lt3A_287 : vector<16xi32>
    %lt3A_289 = arith.constant 0 : i32
    %lt3A_290 = arith.cmpi slt, %select_n3A_280, %lt3A_289 : i32
    %ne3A_291 = vector.broadcast %lt3A_290 : i1 to vector<16xi1>
    %ne3A_292 = vector.broadcast %ne3A_291 : vector<16xi1> to vector<16xi1>
    %ne3A_293 = arith.xori %lt3A_288, %ne3A_292 : vector<16xi1>
    %and3A_294 = arith.andi %ne3A_293, %ne3A_285 : vector<16xi1>
    %add3A_295 = vector.broadcast %select_n3A_280 : i32 to vector<16xi32>
    %add3A_296 = arith.addi %rem3A_282, %add3A_295 : vector<16xi32>
    %select_n3A_297 = arith.select %and3A_294, %add3A_296, %rem3A_282 : vector<16xi1>, vector<16xi32>
    %swap3A_298 = arith.constant 0 : i32
    %swap3A_299 = arith.index_cast %swap3A_298 : i32 to index
    %swap3A_300 = arith.constant 112 : index
    %swap3A_301 = tpu.vector_load %arg8[%swap3A_299, %swap3A_300] {strides = array<i32>} : memref<1x128xi32, #tpu.memory_space<vmem>>, vector<1x16xi32>,
    %swap3A_302 = vector.shape_cast %swap3A_301 : vector<1x16xi32> to vector<16xi32>
    %swap3A_303 = vector.shape_cast %select_n3A_297 : vector<16xi32> to vector<1x16xi32>
    tpu.vector_store %arg8[%swap3A_299, %swap3A_300], %swap3A_303 {strides = array<i32>} : memref<1x128xi32, #tpu.memory_space<vmem>>, vector<1x16xi32>,
    %dma_start3A_304 = arith.constant 0 : i32
    %dma_start3A_305 = arith.constant 0 : i32
    %dma_start3A_306 = arith.constant 0 : i32
    %dma_start3A_307 = tpu.memref_slice %arg9[%dma_start3A_305, %dma_start3A_306] : memref<128x128xf32, #tpu.memory_space<vmem>> -> memref<128x128xf32, #tpu.memory_space<vmem>>
    %dma_start3A_308 = arith.constant 0 : i32
    %dma_start3A_309 = tpu.memref_slice %arg8[%dma_start3A_304, %dma_start3A_308] : memref<1x128xi32, #tpu.memory_space<vmem>> -> memref<1x128xi32, #tpu.memory_space<vmem>>
    %dma_start3A_310 = tpu.memref_squeeze %dma_start3A_309 : memref<1x128xi32, #tpu.memory_space<vmem>> -> memref<128xi32, #tpu.memory_space<vmem>>
    %dma_start3A_311 = arith.constant 0 : i32
    %dma_start3A_312 = arith.constant 0 : i32
    %dma_start3A_313 = tpu.memref_slice %arg4[%dma_start3A_311, %dma_start3A_312] : memref<100000x128xf32, #tpu.memory_space<hbm>> -> memref<100000x128xf32, #tpu.memory_space<hbm>>
    tpu.enqueue_indirect_dma source(%dma_start3A_313 : memref<100000x128xf32, #tpu.memory_space<hbm>>) target(%dma_start3A_307 : memref<128x128xf32, #tpu.memory_space<vmem>>) offsets(%dma_start3A_310 : memref<128xi32, #tpu.memory_space<vmem>>) semaphore(%arg10 : memref<!tpu.dma_semaphore, #tpu.memory_space<semaphore_mem>>)
    %dma_wait3A_314 = arith.constant 0 : i32
    %dma_wait3A_315 = arith.constant 0 : i32
    %dma_wait3A_316 = arith.constant 0 : i32
    %dma_wait3A_317 = tpu.memref_slice %arg9[%dma_wait3A_315, %dma_wait3A_316] : memref<128x128xf32, #tpu.memory_space<vmem>> -> memref<128x128xf32, #tpu.memory_space<vmem>>
    %dma_wait3A_318 = arith.constant 0 : i32
    %dma_wait3A_319 = tpu.memref_slice %arg8[%dma_wait3A_314, %dma_wait3A_318] : memref<1x128xi32, #tpu.memory_space<vmem>> -> memref<1x128xi32, #tpu.memory_space<vmem>>
    %dma_wait3A_320 = tpu.memref_squeeze %dma_wait3A_319 : memref<1x128xi32, #tpu.memory_space<vmem>> -> memref<128xi32, #tpu.memory_space<vmem>>
    %dma_wait3A_321 = arith.constant 0 : i32
    %dma_wait3A_322 = arith.constant 0 : i32
    %dma_wait3A_323 = tpu.memref_slice %arg4[%dma_wait3A_321, %dma_wait3A_322] : memref<100000x128xf32, #tpu.memory_space<hbm>> -> memref<100000x128xf32, #tpu.memory_space<hbm>>
    tpu.wait_indirect_dma semaphore(%arg10 : memref<!tpu.dma_semaphore, #tpu.memory_space<semaphore_mem>>) src(%dma_wait3A_323 : memref<100000x128xf32, #tpu.memory_space<hbm>>) dst(%dma_wait3A_317 : memref<128x128xf32, #tpu.memory_space<vmem>>)
    "tpu.region"() ({
      %run_scoped3A = tpu.sem_alloc : memref<!tpu.dma_semaphore, #tpu.memory_space<semaphore_mem>>
      %dma_start3A_324 = arith.constant 0 : i32
      %dma_start3A_325 = tpu.memref_slice %arg5[%mul3A_2, %dma_start3A_324] : memref<4096x128xf32, #tpu.memory_space<hbm>> -> memref<128x128xf32, #tpu.memory_space<hbm>>
      %dma_start3A_326 = arith.constant 0 : i32
      %dma_start3A_327 = tpu.memref_slice %arg5[%mul3A_2, %dma_start3A_326] : memref<4096x128xf32, #tpu.memory_space<hbm>> -> memref<128x128xf32, #tpu.memory_space<hbm>>
      tpu.enqueue_dma source(%arg9 : memref<128x128xf32, #tpu.memory_space<vmem>>) target(%dma_start3A_327 : memref<128x128xf32, #tpu.memory_space<hbm>>) target_semaphore(%run_scoped3A : memref<!tpu.dma_semaphore, #tpu.memory_space<semaphore_mem>>)
      %dma_wait3A_328 = arith.constant 0 : i32
      %dma_wait3A_329 = tpu.memref_slice %arg5[%mul3A_2, %dma_wait3A_328] : memref<4096x128xf32, #tpu.memory_space<hbm>> -> memref<128x128xf32, #tpu.memory_space<hbm>>
      %dma_wait3A_330 = arith.constant 0 : i32
      %dma_wait3A_331 = tpu.memref_slice %arg5[%mul3A_2, %dma_wait3A_330] : memref<4096x128xf32, #tpu.memory_space<hbm>> -> memref<128x128xf32, #tpu.memory_space<hbm>>
      tpu.wait_dma2 semaphore(%run_scoped3A : memref<!tpu.dma_semaphore, #tpu.memory_space<semaphore_mem>>) src(%arg9 : memref<128x128xf32, #tpu.memory_space<vmem>>) dst(%dma_wait3A_331 : memref<128x128xf32, #tpu.memory_space<hbm>>)
      tpu.yield
    }) : () -> ()
    return
  }
}

module attributes {stable_mosaic.version = 14 : i64} {
  func.func @_matmul_kernel_alias(%arg0: i32, %arg1: memref<12288x128xf32, #tpu.memory_space<vmem>>, %arg2: memref<128x2048xbf16, #tpu.memory_space<vmem>>, %arg3: memref<16384x2048xf32, #tpu.memory_space<any>>, %arg4: memref<1024x2048xf32, #tpu.memory_space<vmem>>) attributes {dimension_semantics = [#tpu.dimension_semantics<arbitrary>], iteration_bounds = array<i64: 12>, scalar_prefetch = 0 : i64, scratch_operands = 0 : i64, tpu.core_type = #tpu.core_type<tc>, window_params = [{pipeline_mode = #tpu.pipeline_mode<synchronous>, transform_indices = @transform_0, window_bounds = array<i64: 12288, 128>}, {pipeline_mode = #tpu.pipeline_mode<synchronous>, transform_indices = @transform_1, window_bounds = array<i64: 128, 2048>}, {}, {transform_indices = @transform_3, window_bounds = array<i64: 1024, 2048>}]} {
    %mul3A = arith.constant 1024 : i32
    %mul3A_0 = arith.muli %arg0, %mul3A : i32
    %get3A = arith.index_cast %mul3A_0 : i32 to index
    %get3A_1 = arith.constant 0 : index
    %get3A_2 = vector.load %arg1[%get3A, %get3A_1] : memref<12288x128xf32, #tpu.memory_space<vmem>>, vector<1024x128xf32>
    %convert_element_type3A = arith.truncf %get3A_2 : vector<1024x128xf32> to vector<1024x128xbf16>
    %get3A_3 = arith.constant 0 : index
    %get3A_4 = arith.constant 0 : index
    %get3A_5 = vector.load %arg2[%get3A_3, %get3A_4] : memref<128x2048xbf16, #tpu.memory_space<vmem>>, vector<128x2048xbf16>
    %dot_general3A = arith.constant dense<0.000000e+00> : vector<1024x2048xf32>
    %dot_general3A_6 = tpu.matmul %convert_element_type3A, %get3A_5, %dot_general3A {dimension_numbers = #tpu.dot_dimension_numbers<[1], [0], [0], [1], [0, 0, 1, 1], [], []>, transpose_lhs_hint = false} : vector<1024x128xbf16>, vector<128x2048xbf16>, vector<1024x2048xf32> -> vector<1024x2048xf32>
    %swap3A = arith.constant 0 : index
    %swap3A_7 = arith.constant 0 : index
    %swap3A_8 = vector.load %arg4[%swap3A, %swap3A_7] : memref<1024x2048xf32, #tpu.memory_space<vmem>>, vector<1024x2048xf32>
    tpu.vector_store %arg4[%swap3A, %swap3A_7], %dot_general3A_6 {strides = array<i32>} : memref<1024x2048xf32, #tpu.memory_space<vmem>>, vector<1024x2048xf32>,
    return
  }
  func.func @transform_0(%arg0: i32) -> (i32, i32) {
    %c0_i32 = arith.constant 0 : i32
    %c0_i32_0 = arith.constant 0 : i32
    %c0_i32_1 = arith.constant 0 : i32
    return %c0_i32, %c0_i32_0 : i32, i32
  }
  func.func @transform_1(%arg0: i32) -> (i32, i32) {
    %c0_i32 = arith.constant 0 : i32
    %c0_i32_0 = arith.constant 0 : i32
    %c0_i32_1 = arith.constant 0 : i32
    return %c0_i32, %c0_i32_0 : i32, i32
  }
  func.func @transform_3(%arg0: i32) -> (i32, i32) {
    %add3A = arith.constant 4 : i32
    %add3A_0 = arith.addi %add3A, %arg0 : i32
    %c0_i32 = arith.constant 0 : i32
    %c0_i32_1 = arith.constant 0 : i32
    return %add3A_0, %c0_i32 : i32, i32
  }
}

module attributes {stable_mosaic.version = 14 : i64} {
  func.func @_matmul_kernel(%arg0: i32, %arg1: memref<4096x128xf32, #tpu.memory_space<vmem>>, %arg2: memref<128x2048xbf16, #tpu.memory_space<vmem>>, %arg3: memref<1024x2048xf32, #tpu.memory_space<vmem>>) attributes {dimension_semantics = [#tpu.dimension_semantics<arbitrary>], iteration_bounds = array<i64: 4>, scalar_prefetch = 0 : i64, scratch_operands = 0 : i64, tpu.core_type = #tpu.core_type<tc>, window_params = [{pipeline_mode = #tpu.pipeline_mode<synchronous>, transform_indices = @transform_0, window_bounds = array<i64: 4096, 128>}, {pipeline_mode = #tpu.pipeline_mode<synchronous>, transform_indices = @transform_1, window_bounds = array<i64: 128, 2048>}, {transform_indices = @transform_2, window_bounds = array<i64: 1024, 2048>}]} {
    %mul3A = arith.constant 1024 : i32
    %mul3A_0 = arith.muli %arg0, %mul3A : i32
    %get3A = arith.index_cast %mul3A_0 : i32 to index
    %get3A_1 = arith.constant 0 : index
    %get3A_2 = vector.load %arg1[%get3A, %get3A_1] : memref<4096x128xf32, #tpu.memory_space<vmem>>, vector<1024x128xf32>
    %convert_element_type3A = arith.truncf %get3A_2 : vector<1024x128xf32> to vector<1024x128xbf16>
    %get3A_3 = arith.constant 0 : index
    %get3A_4 = arith.constant 0 : index
    %get3A_5 = vector.load %arg2[%get3A_3, %get3A_4] : memref<128x2048xbf16, #tpu.memory_space<vmem>>, vector<128x2048xbf16>
    %dot_general3A = arith.constant dense<0.000000e+00> : vector<1024x2048xf32>
    %dot_general3A_6 = tpu.matmul %convert_element_type3A, %get3A_5, %dot_general3A {dimension_numbers = #tpu.dot_dimension_numbers<[1], [0], [0], [1], [0, 0, 1, 1], [], []>, transpose_lhs_hint = false} : vector<1024x128xbf16>, vector<128x2048xbf16>, vector<1024x2048xf32> -> vector<1024x2048xf32>
    %swap3A = arith.constant 0 : index
    %swap3A_7 = arith.constant 0 : index
    %swap3A_8 = vector.load %arg3[%swap3A, %swap3A_7] : memref<1024x2048xf32, #tpu.memory_space<vmem>>, vector<1024x2048xf32>
    tpu.vector_store %arg3[%swap3A, %swap3A_7], %dot_general3A_6 {strides = array<i32>} : memref<1024x2048xf32, #tpu.memory_space<vmem>>, vector<1024x2048xf32>,
    return
  }
  func.func @transform_0(%arg0: i32) -> (i32, i32) {
    %c0_i32 = arith.constant 0 : i32
    %c0_i32_0 = arith.constant 0 : i32
    %c0_i32_1 = arith.constant 0 : i32
    return %c0_i32, %c0_i32_0 : i32, i32
  }
  func.func @transform_1(%arg0: i32) -> (i32, i32) {
    %c0_i32 = arith.constant 0 : i32
    %c0_i32_0 = arith.constant 0 : i32
    %c0_i32_1 = arith.constant 0 : i32
    return %c0_i32, %c0_i32_0 : i32, i32
  }
  func.func @transform_2(%arg0: i32) -> (i32, i32) {
    %add3A = arith.constant 0 : i32
    %add3A_0 = arith.addi %add3A, %arg0 : i32
    %c0_i32 = arith.constant 0 : i32
    %c0_i32_1 = arith.constant 0 : i32
    return %add3A_0, %c0_i32 : i32, i32
  }
}

</mosaic_0001>

<sc_bundles>
// kernel: kernel.6.cloned.1.call-start
scs
__scs_entry_jumppad:
0x0: {  	(pc) =	sbr.rel $0x88, $3  }
0x1: {  	(tag) =	ssettag $0x0;
	lr =	simm.s32 $0x1  }
0x2: {  	[smem:$0x3F9E] =	sst lr;
	_ =	strace $0xD0000000  }
0x3: {  	_ = 	snop  }
0x4: {  	_ = 	snop  }
0x5: {  	_ = 	snop  }
0x6: {  	_ = 	snop  }
0x7: {  	_ = 	snop  }
__scs_overlays_trampoline_lowered:
0x8: {  	[smem:$0x3FAD] =	sst s0  }
0x9: {  	[smem:$0x3FAE] =	sst s1  }
0xa: {  	[smem:$0x3FAF] =	sst s2  }
0xb: {  	[smem:$0x3FB0] =	sst s3  }
0xc: {  	[smem:$0x3FB1] =	sst s4  }
0xd: {  	[smem:$0x3FB2] =	sst s5  }
0xe: {  	[smem:$0x3FB3] =	sst s6  }
0xf: {  	[smem:$0x3FB4] =	sst s7  }
0x10: {  	[smem:$0x3FB5] =	sst s8  }
0x11: {  	[smem:$0x3FB6] =	sst s9;
	s0 =	simm.s32 @!p0 $0x0  }
0x12: {  	s1 =	sld [smem:$0x3F9C];
	s0 =	simm.s32 @p0 $0x1  }
0x13: {  	[smem:$0x3FB7] =	sst s0;
	s0 =	simm.s32 @!p1 $0x0  }
0x14: {  	s2 =	sld [smem:$0x3F9B];
	s0 =	simm.s32 @p1 $0x1  }
0x15: {  	[smem:$0x3FB8] =	sst s0;
	s0 =	simm.s32 @!p2 $0x0  }
0x16: {  	s3 =	sld [smem:$0x3FDB];
	s0 =	simm.s32 @p2 $0x1  }
0x17: {  	s4 =	simm.s32 $0x1BF5;
	[smem:$0x3FBA] =	sst s0  }
0x18: {  	s0 =	sld [smem:$0x3F9D];
	_ =	swait.ge [sflag:s4], $0x0  }
0x19: {  	s7 =	sld [smem:$0x3F9E]  }
0x1a: {  	s8 =	sadd.s32 $0xFFFFE003, lr  }
0x1b: {  	s9 =	sadd.s32 $0xFFFFFEF7, lr;
	s5 =	simm.s32 $0xFFFFFFFF;
	p2 =	slt.u32 s8, $0xFFFFF086  }
0x1c: {  	p1 =	slt.u32 s9, $0xF7A;
	s5 =	simm.s32 @!p2 $0x0  }
0x1d: {  	s5 =	simm.s32 @p1 $0x1;
	p0 =	seq.s32 s7, s2  }
0x1e: {  	s7 =	smul.u32 @!p0 $0xF7A, s2;
	p2 =	seq.s32 @!p0 s5, $0x0  }
0x1f: {  	s9 =	smul.u32 $0xF7A, s1;
	s8 =	simm.s32 @!p0 $0x1BF5;
	p2 =	por !p2, p0  }
0x20: {  	[sflag:s8] =	ssyncset.s32 @!p0 $0xFFFFF086;
	s6 =	sadd.s32 @!p0 s3, s7;
	s7 =	simm.s32 @!p0 $0x108  }
0x21: {  	s3 =	sadd.s32 s3, s9;
	s6 =	sadd.s32 @!p0 $0x88, s6;
	s7 =	simm.s32 @p2 $0x1082  }
0x22: {  	[simem:s7], [sflag:s8] =	dma.local @!p0 [hbm:s6], $0xF7A  }
0x23: {  	s9 =	sor.u32 $0xD0000000, s2;
	s6 =	simm.s32 $0x108;
	_ =	swait.ge @!p0 [sflag:s8], $0x0  }
0x24: {  	s3 =	sadd.s32 $0x88, s3;
	s6 =	simm.s32 @!p1 $0x1082;
	[sflag:s4] =	ssyncset.s32 $0xFFFFF086  }
0x25: {  	[simem:s6], [sflag:s4] =	dma.local [hbm:s3], $0xF7A  }
0x26: {  	[smem:$0x3F9E] =	sst s1;
	(tag) =	ssettag s2;
	_ =	strace s9  }
0x27: {  	s1 =	sld [smem:$0x3FAE]  }
0x28: {  	s2 =	sld [smem:$0x3FAF]  }
0x29: {  	s4 =	sld [smem:$0x3FB1]  }
0x2a: {  	p0 =	seq.s32 s5, $0x0;
	s5 =	sld [smem:$0x3FB2]  }
0x2b: {  	s6 =	sld [smem:$0x3FB3]  }
0x2c: {  	s7 =	sld [smem:$0x3FB4]  }
0x2d: {  	s3 =	simm.s32 $0x108;
	s8 =	sld [smem:$0x3FB5]  }
0x2e: {  	s3 =	simm.s32 @!p0 $0x1082;
	s9 =	sld [smem:$0x3FB6]  }
0x2f: {  	lr =	sadd.s32 s0, s3;
	s0 =	sld [smem:$0x3FAD]  }
0x30: {  	s3 =	sld [smem:$0x3FB0]  }
0x31: {  	[smem:$0x3FB9] =	sst s10  }
0x32: {  	s10 =	sld [smem:$0x3FB7];
	_ =	sdelay $0x3  }
0x33: {  	p0 =	seq.s32 s10, $0x1;
	s10 =	sld [smem:$0x3FB9];
	_ =	sdelay $0x3  }
0x34: {  	[smem:$0x3FB9] =	sst s10  }
0x35: {  	s10 =	sld [smem:$0x3FB8];
	_ =	sdelay $0x3  }
0x36: {  	p1 =	seq.s32 s10, $0x1;
	s10 =	sld [smem:$0x3FB9];
	_ =	sdelay $0x3  }
0x37: {  	[smem:$0x3FB9] =	sst s10  }
0x38: {  	s10 =	sld [smem:$0x3FBA]  }
0x39: {  	_ = 	snop;
	(pc) =	sbr.ind lr, $3  }
0x3a: {  	_ = 	snop  }
0x3b: {  	_ = 	snop  }
0x3c: {  	p2 =	seq.s32 s10, $0x1;
	s10 =	sld [smem:$0x3FB9]  }
0x3d: {  	_ =	shalt  }
0x3e: {  	_ =	shalt  }
0x3f: {  	_ =	shalt  }
0x40: {  	_ =	shalt  }
0x41: {  	_ =	shalt  }
0x42: {  	_ =	shalt  }
0x43: {  	_ =	shalt  }
0x44: {  	_ =	shalt  }
0x45: {  	_ =	shalt  }
0x46: {  	_ =	shalt  }
0x47: {  	_ =	shalt  }
0x48: {  	_ =	shalt  }
0x49: {  	_ =	shalt  }
0x4a: {  	_ =	shalt  }
0x4b: {  	_ =	shalt  }
0x4c: {  	_ =	shalt  }
0x4d: {  	_ =	shalt  }
0x4e: {  	_ =	shalt  }
0x4f: {  	_ =	shalt  }
0x50: {  	_ =	shalt  }
0x51: {  	_ =	shalt  }
0x52: {  	_ =	shalt  }
0x53: {  	_ =	shalt  }
0x54: {  	_ =	shalt  }
0x55: {  	_ =	shalt  }
0x56: {  	_ =	shalt  }
0x57: {  	_ =	shalt  }
0x58: {  	_ =	shalt  }
0x59: {  	_ =	shalt  }
0x5a: {  	_ =	shalt  }
0x5b: {  	_ =	shalt  }
0x5c: {  	_ =	shalt  }
0x5d: {  	_ =	shalt  }
0x5e: {  	_ =	shalt  }
0x5f: {  	_ =	shalt  }
0x60: {  	_ =	shalt  }
0x61: {  	_ =	shalt  }
0x62: {  	_ =	shalt  }
0x63: {  	_ =	shalt  }
0x64: {  	_ =	shalt  }
0x65: {  	_ =	shalt  }
0x66: {  	_ =	shalt  }
0x67: {  	_ =	shalt  }
0x68: {  	_ =	shalt  }
0x69: {  	_ =	shalt  }
0x6a: {  	_ =	shalt  }
0x6b: {  	_ =	shalt  }
0x6c: {  	_ =	shalt  }
0x6d: {  	_ =	shalt  }
0x6e: {  	_ =	shalt  }
0x6f: {  	_ =	shalt  }
0x70: {  	_ =	shalt  }
0x71: {  	_ =	shalt  }
0x72: {  	_ =	shalt  }
0x73: {  	_ =	shalt  }
0x74: {  	_ =	shalt  }
0x75: {  	_ =	shalt  }
0x76: {  	_ =	shalt  }
0x77: {  	_ =	shalt  }
0x78: {  	_ =	shalt  }
0x79: {  	_ =	shalt  }
0x7a: {  	_ =	shalt  }
0x7b: {  	_ =	shalt  }
0x7c: {  	_ =	shalt  }
0x7d: {  	_ =	shalt  }
0x7e: {  	_ =	shalt  }
0x7f: {  	_ =	shalt  }
0x80: {  	_ =	shalt  }
0x81: {  	_ =	shalt  }
0x82: {  	_ =	shalt  }
0x83: {  	_ =	shalt  }
0x84: {  	_ =	shalt  }
0x85: {  	_ =	shalt  }
0x86: {  	_ =	shalt  }
0x87: {  	_ =	shalt  }
.Lfunc_end0:
.L_simem_size_0:
called_computation_lowered:
.L_overlay_start_0:
0x88: {  	s2 =	sld [smem:$0x3FD9]  }
0x89: {  	s3 =	sld [smem:$0x3FFE];
	_ =	sdelay $0x1  }
0x8a: {  	s1 =	srdreg.scid  }
0x8b: {  	s0 =	sand.u32 $0x1, s1  }
0x8c: {  	s17 =	sshll.u32 s0, $0xA;
	s2 =	sadd.s32 s3, s2  }
0x8d: {  	s2 =	sadd.s32 s2, s17  }
0x8e: {  	[smem:$0x3FC5] =	sst s2  }
0x8f: {  	_ = 	snop  }
0x90: {  	s2 =	sld [smem:$0x3FC8]  }
0x91: {  	s18 =	sld [smem:$0x3FD0];
	(tm) =	ssettm $0x1  }
0x92: {  	s4 =	sld [smem:$0x3FFB];
	_ =	sdelay $0x3  }
0x93: {  	_ =	strace s4  }
0x94: {  	s4 =	sld [smem:$0x3FFC];
	_ =	sdelay $0x3  }
0x95: {  	_ =	strace s4  }
0x96: {  	s4 =	sld [smem:$0x3FFD];
	_ =	sdelay $0x3  }
0x97: {  	_ =	strace s4  }
0x98: {  	_ =	strace $0x8FFFFFFF  }
0x99: {  	s19 =	sld [smem:$0x3FDB];
	_ =	sdelay $0x1  }
0x9a: {  	s5 =	simm.s32 $_scs_section_size  }
0x9b: {  	s6 =	simm.s32 $_size__tile_overlayer_lowered;
	s7 =	simm.s32 $_tile_overlayer_lowered  }
0x9c: {  	s22 =	simm.s32 $0x1BFF;
	s21 =	sshll.u32 s7, $0x1;
	s4 =	sadd.s32 s5, s19  }
0x9d: {  	s8 =	simm.s32 $0x0;
	s20 =	sshll.u32 s6, $0x1;
	s6 =	sadd.s32 s21, s4  }
0x9e: {  	[timem:s8], [sflag:s22] =	dma.local [hbm:s6], s20  }
0x9f: {  	_ =	swait.ge [sflag:s22], s20  }
0xa0: {  	s5 =	ssub.s32 $0x0, s20;
	[sflag:s22] =	ssyncset.done $0x0  }
0xa1: {  	[sflag:s22] =	ssyncadd.s32 s5;
	_ =	sdelay $0x1  }
0xa2: {  	s23 =	simm.s32 $0x1B8B  }
0xa3: {  	_ =	swait.ge [sflag:s23], $0x1  }
0xa4: {  	[sflag:s23] =	ssyncset.done $0x0  }
0xa5: {  	s25 =	simm.s32 $0x1B8E;
	s24 =	sld [smem:$0x3FFE];
	[sflag:s23] =	ssyncadd.s32 $0xFFFFFFFF  }
0xa6: {  	s26 =	simm.s32 $execute0_lowered;
	[smem:$0x3FD2] =	sst s25  }
0xa7: {  	s6 =	sshll.u32 s26, $0x1;
	_ =	strace $0x80000046;
	[dreg:$0x1] =	wrdreg $0xFFFFFFFF  }
0xa8: {  	s28 =	simm.s32 $_size_execute0_lowered;
	s4 =	sadd.s32 s4, s6;
	[dreg:$0x0] =	wrdreg $0x0  }
0xa9: {  	s6 =	sshll.u32 s28, $0x1;
	[dreg:$0x2] =	wrdreg s4  }
0xaa: {  	[dreg:$0x3] =	wrdreg s6  }
0xab: {  	[dreg:$0x4] =	wrdreg $0xC0  }
0xac: {  	_ =	task [dreg:s8], $0x5FFFF  }
0xad: {  	[dreg:$0x1] =	wrdreg $0xFFFFFFFF  }
0xae: {  	[dreg:$0x0] =	wrdreg $0x60  }
0xaf: {  	[dreg:$0x2] =	wrdreg s24  }
0xb0: {  	[dreg:$0x3] =	wrdreg s2  }
0xb1: {  	[dreg:$0x4] =	wrdreg s18  }
0xb2: {  	[dreg:$0x5] =	wrdreg $0x9  }
0xb3: {  	_ =	task.clear_ibuf [dreg:s8], $0x6FFFF;
	_ =	strace $0x90000046  }
0xb4: {  	s29 =	simm.s32 $0x9;
	_ =	strace $0x80000048  }
0xb5: {  	_ =	swait.ge [sflag:s29], $0x1  }
0xb6: {  	[sflag:s29] =	ssyncadd.s32 $0xFFFFFFFF  }
0xb7: {  	_ =	strace $0x90000048  }
0xb8: {  	_ =	sfence  }
0xb9: {  	s30 =	sld [smem:$0x0];
	_ =	sdelay $0x2  }
0xba: {  	s31 =	sshll.u32 s1, $0xD;
	s1 =	sshrl.u32 s1, $0x2  }
0xbb: {  	s3 =	sand.u32 $0x4000, s31;
	s1 =	sadd.s32 s1, s30  }
0xbc: {  	s0 =	sor.u32 s3, s0;
	s1 =	sshll.u32 s1, $0x11  }
0xbd: {  	s0 =	sor.u32 s1, s0  }
0xbe: {  	s0 =	sadd.s32 $0x8F2B, s0  }
0xbf: {  	[sflag:s0] =	ssyncadd.remote.s32 $0x1  }
0xc0: {  	_ =	sfence.sel $0xFFFF  }
0xc1: {  	[dreg:$0x0] =	wrdreg $0xFFFFFFFF;
	(pc) =	sbr.abs _section_cstart, $3  }
0xc2: {  	[dreg:$0x1] =	wrdreg $0xFFFFFFFF  }
0xc3: {  	_ =	task.clear_ibuf [dreg:s8], $0x2FFFF;
	_ =	strace $0x9FFFFFFF  }
0xc4: {  	(tm) =	ssettm $0x7FFFFFFF  }
0xc5: {  	_ =	shalt  }
tec
execute0_lowered:
.L_overlay_start_1:
0x0: {  	(tag) =	ssettag $0x1  }
0x1: {  	s0 =	rddreg [dreg:$0x0]  }
0x2: {  	s1 =	srdreg.scid;
	s2 =	rddreg [dreg:$0x1]  }
0x3: {  	s3 =	stileid.u32;
	s4 =	rddreg [dreg:$0x2]  }
0x4: {  	s5 =	simm.s32 $0x0;
	s1 =	sand.u32 $0x1, s1;
	[dreg:$0x6] =	wrdreg s2  }
0x5: {  	s26 =	sshll.u32 s3, $0x8;
	[smem:$0x7FF] =	sst s5;
	s28 =	sshll.u32 s1, $0x7  }
0x6: {  	v0 =	vimm.s32 $0xECA86420;
	v1 =	vlaneseq.u32;
	vm0 =	vmmov $0xff;
	s31 =	simm.s32 $0x100;
	_ =	strace $0x80000047;
	s2 =	sor.u32 s28, s26  }
0x7: {  	v2 =	vimm.s32 $0x0;
	vm2 =	vcmask $0x1310;
	vm12 =	vcmask $0xF0C;
	s1 =	ssub.s32 $0x2, s1;
	s3 =	sshrl.u32 s2, $0x3;
	s2 =	sshll.u32 s2, $0x4  }
0x8: {  	vm5 =	vcmask $0x2320;
	vm13 =	vcmask $0x1714;
	vm6 =	vcmask $0x2B28;
	[dreg:$0x7] =	wrdreg s31;
	s0 =	sadd.s32 s3, s0;
	s30 =	sadd.s32 s4, s2  }
0x9: {  	vm7 =	vcmask $0x3330;
	vm14 =	vcmask $0x1F1C;
	v0 =	vunpack.c.l.s4.s8 v0;
	s29 =	sshrl.u32 s1, $0x1;
	s3 =	sadd.s32 $0x1000, s0;
	[dreg:$0x8] =	wrdreg s30  }
0xa: {  	vm8 =	vcmask $0x3B38;
	vm15 =	vcmask $0x2724;
	v2 =	vsel vm0, $0xFFFFFFFF, v2;
	s1 =	ssub.s32 s1, s29;
	s0 =	sadd.s32 $0x1200, s0;
	[dreg:$0x4] =	wrdreg s3  }
0xb: {  	vm3 =	vcmask $0x3734;
	v1 =	vmul.u32 $0x2, v1;
	[tilespmem:$0x1FFF0] =	vst v2;
	v0 =	vunpack.c.0.s8.s32 v0;
	s1 =	smax.u32 s1, $0x1;
	[dreg:$0x5] =	wrdreg s0  }
.LBB2_1:
0xc: {  	[dreg:$0x9] =	wrdreg s1  }
0xd: {  	s0 =	rddreg [dreg:$0x4];
	s2 =	simm.s32 $0x0  }
0xe: {  	[tilespmem:s2], [sflag:$0x1] =	stream.linear.gather [hbm4b:s0+s2], $0x80, $0x38;
	[tilespmem:$0x4180] =	vst v63  }
0xf: {  	s26 =	rddreg [dreg:$0x5];
	s28 =	simm.s32 $0x80;
	s29 =	simm.s32 $0x1  }
0x10: {  	[tilespmem:s28], [sflag:$0x1] =	stream.linear.gather [hbm4b:s26+s2], $0x80, $0x38;
	[tilespmem:$0x4180] =	vst v63  }
0x11: {  	_ =	swait.ge [sflag:s29], $0x80  }
0x12: {  	[sflag:s29] =	ssyncset.done $0x0  }
0x13: {  	[sflag:s29] =	ssyncadd.s32 $0xFFFFFF80  }
0x14: {  	_ =	swait.ge [sflag:s29], $0x80  }
0x15: {  	[sflag:s29] =	ssyncset.done $0x0  }
0x16: {  	[sflag:s29] =	ssyncadd.s32 $0xFFFFFF80  }
0x17: {  	v2 =	vld [tilespmem:$0x80];
	_ =	sdelay $0x1  }
0x18: {  	v3 =	vld [tilespmem:$0x0];
	_ =	sdelay $0x2  }
0x19: {  	v2 =	vmul.u32 $0x3F1, v2;
	_ =	sdelay $0x1  }
0x1a: {  	v3 =	vadd.s32 v3, v2  }
0x1b: {  	(v2sf) =	vpush v3, $0xD;
	_ =	sdelay $0x1  }
0x1c: {  	(v2sf) =	vpush v3, $0xC;
	_ =	sdelay $0x1  }
0x1d: {  	(v2sf) =	vpush v3, $0xE;
	_ =	sdelay $0x1  }
0x1e: {  	(v2sf) =	vpush v3, $0xF;
	_ =	sdelay $0x1  }
0x1f: {  	(v2sf) =	vpush v3, $0x9;
	_ =	sdelay $0x1  }
0x20: {  	(v2sf) =	vpush v3, $0x8;
	_ =	sdelay $0x1  }
0x21: {  	(v2sf) =	vpush v3, $0xA;
	_ =	sdelay $0x1  }
0x22: {  	(v2sf) =	vpush v3, $0xB  }
0x23: {  	s30 =	spop (v2sf)  }
0x24: {  	(v2sf) =	vpush v3, $0x0;
	s31 =	smulhi.u32 $0x14F8B589, s30;
	s0 =	sshra.s32 s30, $0x1F  }
0x25: {  	s2 =	spop (v2sf);
	s16 =	smul.u32 $0x14F8B589, s0  }
0x26: {  	(v2sf) =	vpush v3, $0x1;
	s14 =	smulhi.u32 $0x14F8B589, s2;
	s0 =	sshra.s32 s2, $0x1F  }
0x27: {  	s3 =	spop (v2sf);
	s17 =	smul.u32 $0x14F8B589, s0  }
0x28: {  	(v2sf) =	vpush v3, $0x2;
	s15 =	smulhi.u32 $0x14F8B589, s3;
	s0 =	sshra.s32 s3, $0x1F  }
0x29: {  	s4 =	spop (v2sf);
	s19 =	smul.u32 $0x14F8B589, s0  }
0x2a: {  	(v2sf) =	vpush v3, $0x3;
	s18 =	smulhi.u32 $0x14F8B589, s4;
	s0 =	sshra.s32 s4, $0x1F  }
0x2b: {  	v2 =	vld [tilespmem:$0x90];
	s5 =	spop (v2sf);
	(v2sf) =	vpush v3, $0x4;
	s21 =	smul.u32 $0x14F8B589, s0  }
0x2c: {  	s20 =	smulhi.u32 $0x14F8B589, s5;
	s0 =	sshra.s32 s5, $0x1F  }
0x2d: {  	v4 =	vld [tilespmem:$0x10];
	s6 =	spop (v2sf);
	(v2sf) =	vpush v3, $0x5;
	s23 =	smul.u32 $0x14F8B589, s0  }
0x2e: {  	s22 =	smulhi.u32 $0x14F8B589, s6;
	s0 =	sshra.s32 s6, $0x1F  }
0x2f: {  	s7 =	spop (v2sf);
	(v2sf) =	vpush v3, $0x6;
	s25 =	smul.u32 $0x14F8B589, s0  }
0x30: {  	v2 =	vmul.u32 $0x3F1, v2;
	s24 =	smulhi.u32 $0x14F8B589, s7;
	s0 =	sshra.s32 s7, $0x1F  }
0x31: {  	s8 =	spop (v2sf);
	(v2sf) =	vpush v3, $0x7;
	s26 =	smul.u32 $0x14F8B589, s0  }
0x32: {  	v2 =	vadd.s32 v4, v2;
	s28 =	smulhi.u32 $0x14F8B589, s8;
	s0 =	sshra.s32 s8, $0x1F  }
0x33: {  	s9 =	spop (v2sf);
	(v2sf) =	vpush v2, $0xD;
	s30 =	smul.u32 $0x14F8B589, s0  }
0x34: {  	s29 =	smulhi.u32 $0x14F8B589, s9;
	s0 =	sshra.s32 s9, $0x1F  }
0x35: {  	s6 =	smul.u32 $0x14F8B589, s0;
	s10 =	spop (v2sf)  }
0x36: {  	[smem:$0x743] =	sst s31;
	(v2sf) =	vpush v2, $0xC;
	s31 =	smulhi.u32 $0x14F8B589, s10;
	s0 =	sshra.s32 s10, $0x1F  }
0x37: {  	s11 =	spop (v2sf);
	s2 =	smul.u32 $0x14F8B589, s0  }
0x38: {  	(v2sf) =	vpush v2, $0xE;
	s12 =	smulhi.u32 $0x14F8B589, s11;
	s0 =	sshra.s32 s11, $0x1F  }
0x39: {  	s13 =	spop (v2sf);
	s4 =	smul.u32 $0x14F8B589, s0  }
0x3a: {  	(v2sf) =	vpush v2, $0xF;
	s3 =	smulhi.u32 $0x14F8B589, s13;
	s0 =	sshra.s32 s13, $0x1F;
	s5 =	spop (v2sf)  }
0x3b: {  	[smem:$0x744] =	sst s12;
	s7 =	smul.u32 $0x14F8B589, s0  }
0x3c: {  	s8 =	smulhi.u32 $0x14F8B589, s5;
	s0 =	sshra.s32 s5, $0x1F;
	s9 =	spop (v2sf)  }
0x3d: {  	(v2sf) =	vpush v2, $0x9;
	[smem:$0x745] =	sst s3;
	s1 =	smul.u32 $0x14F8B589, s0  }
0x3e: {  	s3 =	smulhi.u32 $0x14F8B589, s9;
	s0 =	sshra.s32 s9, $0x1F;
	s10 =	spop (v2sf)  }
0x3f: {  	[smem:$0x746] =	sst s8;
	s8 =	smul.u32 $0x14F8B589, s0  }
0x40: {  	s11 =	smulhi.u32 $0x14F8B589, s10;
	s0 =	sshra.s32 s10, $0x1F;
	s12 =	spop (v2sf)  }
0x41: {  	[smem:$0x747] =	sst s3;
	s3 =	smul.u32 $0x14F8B589, s0  }
0x42: {  	(v2sf) =	vpush v2, $0x8;
	s5 =	smulhi.u32 $0x14F8B589, s12;
	s0 =	sshra.s32 s12, $0x1F;
	s13 =	spop (v2sf)  }
0x43: {  	(v2sf) =	vpush v2, $0xA;
	s9 =	smul.u32 $0x14F8B589, s0;
	s0 =	sshra.s32 s13, $0x1F  }
0x44: {  	[smem:$0x748] =	sst s11;
	s0 =	smul.u32 $0x14F8B589, s0  }
0x45: {  	s10 =	smulhi.u32 $0x14F8B589, s13;
	s11 =	spop (v2sf)  }
0x46: {  	[smem:$0x74B] =	sst s0;
	s12 =	smulhi.u32 $0x14F8B589, s11;
	s0 =	sshra.s32 s11, $0x1F  }
0x47: {  	s13 =	spop (v2sf);
	s0 =	smul.u32 $0x14F8B589, s0  }
0x48: {  	(v2sf) =	vpush v2, $0xB;
	[smem:$0x74A] =	sst s10;
	s10 =	smulhi.u32 $0x14F8B589, s13  }
0x49: {  	(v2sf) =	vpush v2, $0x0;
	s11 =	spop (v2sf);
	[smem:$0x74C] =	sst s12  }
0x4a: {  	s12 =	smulhi.u32 $0x14F8B589, s11;
	[smem:$0x74D] =	sst s0;
	s0 =	sshra.s32 s13, $0x1F  }
0x4b: {  	s0 =	smul.u32 $0x14F8B589, s0  }
0x4c: {  	(v2sf) =	vpush v2, $0x1;
	[smem:$0x74E] =	sst s10;
	s13 =	spop (v2sf)  }
0x4d: {  	s10 =	smulhi.u32 $0x14F8B589, s13;
	[smem:$0x74F] =	sst s0;
	s0 =	sshra.s32 s11, $0x1F  }
0x4e: {  	(v2sf) =	vpush v2, $0x2;
	[smem:$0x750] =	sst s12;
	s0 =	smul.u32 $0x14F8B589, s0  }
0x4f: {  	[smem:$0x752] =	sst s10  }
0x50: {  	[smem:$0x751] =	sst s0;
	s0 =	sshra.s32 s13, $0x1F  }
0x51: {  	(v2sf) =	vpush v2, $0x3;
	s11 =	spop (v2sf);
	s0 =	smul.u32 $0x14F8B589, s0  }
0x52: {  	s12 =	smulhi.u32 $0x14F8B589, s11;
	s13 =	spop (v2sf)  }
0x53: {  	(v2sf) =	vpush v2, $0x4;
	s10 =	smulhi.u32 $0x14F8B589, s13;
	[smem:$0x753] =	sst s0;
	s0 =	sshra.s32 s11, $0x1F  }
0x54: {  	[smem:$0x754] =	sst s12;
	s0 =	smul.u32 $0x14F8B589, s0  }
0x55: {  	[smem:$0x756] =	sst s10  }
0x56: {  	[smem:$0x755] =	sst s0;
	s0 =	sshra.s32 s13, $0x1F  }
0x57: {  	(v2sf) =	vpush v2, $0x5;
	s11 =	spop (v2sf);
	s0 =	smul.u32 $0x14F8B589, s0  }
0x58: {  	s12 =	smulhi.u32 $0x14F8B589, s11;
	s13 =	spop (v2sf)  }
0x59: {  	v51 =	vld [tilespmem:$0xA0];
	s10 =	smulhi.u32 $0x14F8B589, s13;
	[smem:$0x757] =	sst s0;
	s0 =	sshra.s32 s11, $0x1F  }
0x5a: {  	[smem:$0x758] =	sst s12;
	s0 =	smul.u32 $0x14F8B589, s0  }
0x5b: {  	v5 =	vld [tilespmem:$0x20];
	(v2sf) =	vpush v2, $0x6;
	[smem:$0x75A] =	sst s10;
	s11 =	spop (v2sf)  }
0x5c: {  	s12 =	smulhi.u32 $0x14F8B589, s11;
	[smem:$0x759] =	sst s0;
	s0 =	sshra.s32 s13, $0x1F  }
0x5d: {  	(v2sf) =	vpush v2, $0x7;
	s13 =	spop (v2sf);
	s10 =	smul.u32 $0x14F8B589, s0  }
0x5e: {  	v4 =	vmul.u32 $0x3F1, v51;
	[smem:$0x75B] =	sst s12;
	s0 =	sshra.s32 s11, $0x1F;
	s12 =	smulhi.u32 $0x14F8B589, s13  }
0x5f: {  	s11 =	smul.u32 $0x14F8B589, s0;
	s0 =	sshra.s32 s13, $0x1F  }
0x60: {  	v4 =	vadd.s32 v5, v4;
	s13 =	spop (v2sf);
	s0 =	smul.u32 $0x14F8B589, s0  }
0x61: {  	(v2sf) =	vpush v4, $0xD;
	[smem:$0x75C] =	sst s12;
	s12 =	smulhi.u32 $0x14F8B589, s13  }
0x62: {  	[smem:$0x75D] =	sst s0;
	s0 =	sshra.s32 s13, $0x1F;
	s13 =	spop (v2sf)  }
0x63: {  	[smem:$0x749] =	sst s5;
	s5 =	smul.u32 $0x14F8B589, s0;
	s0 =	sshra.s32 s13, $0x1F  }
0x64: {  	s0 =	smul.u32 $0x14F8B589, s0  }
0x65: {  	(v2sf) =	vpush v4, $0xC;
	[smem:$0x75E] =	sst s12;
	s12 =	smulhi.u32 $0x14F8B589, s13  }
0x66: {  	[smem:$0x760] =	sst s0;
	s0 =	spop (v2sf)  }
0x67: {  	s13 =	smulhi.u32 $0x14F8B589, s0;
	s0 =	sshra.s32 s0, $0x1F  }
0x68: {  	s0 =	smul.u32 $0x14F8B589, s0  }
0x69: {  	(v2sf) =	vpush v4, $0xE  }
0x6a: {  	[smem:$0x762] =	sst s0;
	s0 =	spop (v2sf)  }
0x6b: {  	[smem:$0x761] =	sst s13;
	s13 =	smulhi.u32 $0x14F8B589, s0  }
0x6c: {  	[smem:$0x75F] =	sst s12;
	s12 =	spop (v2sf)  }
0x6d: {  	(v2sf) =	vpush v4, $0xF;
	[smem:$0x763] =	sst s13;
	s13 =	smulhi.u32 $0x14F8B589, s12;
	s12 =	sshra.s32 s12, $0x1F  }
0x6e: {  	s12 =	smul.u32 $0x14F8B589, s12;
	_ =	sdelay $0x1  }
0x6f: {  	[smem:$0x765] =	sst s12;
	s12 =	spop (v2sf)  }
0x70: {  	(v2sf) =	vpush v4, $0x9;
	[smem:$0x764] =	sst s13;
	s13 =	smulhi.u32 $0x14F8B589, s12;
	s12 =	sshra.s32 s12, $0x1F  }
0x71: {  	s12 =	smul.u32 $0x14F8B589, s12;
	_ =	sdelay $0x1  }
0x72: {  	[smem:$0x767] =	sst s12;
	s12 =	spop (v2sf)  }
0x73: {  	(v2sf) =	vpush v4, $0x8;
	[smem:$0x766] =	sst s13;
	s13 =	smulhi.u32 $0x14F8B589, s12;
	s12 =	sshra.s32 s12, $0x1F  }
0x74: {  	s12 =	smul.u32 $0x14F8B589, s12;
	_ =	sdelay $0x1  }
0x75: {  	[smem:$0x769] =	sst s12;
	s12 =	spop (v2sf)  }
0x76: {  	(v2sf) =	vpush v4, $0xA;
	[smem:$0x768] =	sst s13;
	s13 =	smulhi.u32 $0x14F8B589, s12;
	s12 =	sshra.s32 s12, $0x1F  }
0x77: {  	s12 =	smul.u32 $0x14F8B589, s12;
	_ =	sdelay $0x1  }
0x78: {  	[smem:$0x76B] =	sst s12;
	s12 =	spop (v2sf)  }
0x79: {  	(v2sf) =	vpush v4, $0xB;
	[smem:$0x76A] =	sst s13;
	s13 =	smulhi.u32 $0x14F8B589, s12;
	s12 =	sshra.s32 s12, $0x1F  }
0x7a: {  	s12 =	smul.u32 $0x14F8B589, s12;
	_ =	sdelay $0x1  }
0x7b: {  	[smem:$0x76D] =	sst s12;
	s12 =	spop (v2sf)  }
0x7c: {  	(v2sf) =	vpush v4, $0x0;
	[smem:$0x76C] =	sst s13;
	s13 =	smulhi.u32 $0x14F8B589, s12;
	s12 =	sshra.s32 s12, $0x1F  }
0x7d: {  	s12 =	smul.u32 $0x14F8B589, s12;
	_ =	sdelay $0x1  }
0x7e: {  	[smem:$0x76F] =	sst s12;
	s12 =	spop (v2sf)  }
0x7f: {  	(v2sf) =	vpush v4, $0x1;
	[smem:$0x76E] =	sst s13;
	s13 =	smulhi.u32 $0x14F8B589, s12;
	s12 =	sshra.s32 s12, $0x1F  }
0x80: {  	s12 =	smul.u32 $0x14F8B589, s12;
	_ =	sdelay $0x1  }
0x81: {  	[smem:$0x771] =	sst s12;
	s12 =	spop (v2sf)  }
0x82: {  	(v2sf) =	vpush v4, $0x2;
	[smem:$0x770] =	sst s13;
	s13 =	smulhi.u32 $0x14F8B589, s12;
	s12 =	sshra.s32 s12, $0x1F  }
0x83: {  	s12 =	smul.u32 $0x14F8B589, s12;
	_ =	sdelay $0x1  }
0x84: {  	[smem:$0x773] =	sst s12;
	s12 =	spop (v2sf)  }
0x85: {  	(v2sf) =	vpush v4, $0x3;
	[smem:$0x772] =	sst s13;
	s13 =	smulhi.u32 $0x14F8B589, s12;
	s12 =	sshra.s32 s12, $0x1F  }
0x86: {  	s12 =	smul.u32 $0x14F8B589, s12;
	_ =	sdelay $0x1  }
0x87: {  	[smem:$0x775] =	sst s12;
	s12 =	spop (v2sf)  }
0x88: {  	(v2sf) =	vpush v4, $0x4;
	[smem:$0x774] =	sst s13;
	s13 =	smulhi.u32 $0x14F8B589, s12;
	s12 =	sshra.s32 s12, $0x1F  }
0x89: {  	s12 =	smul.u32 $0x14F8B589, s12;
	_ =	sdelay $0x1  }
0x8a: {  	[smem:$0x777] =	sst s12;
	s12 =	spop (v2sf)  }
0x8b: {  	(v2sf) =	vpush v4, $0x5;
	[smem:$0x776] =	sst s13;
	s13 =	smulhi.u32 $0x14F8B589, s12;
	s12 =	sshra.s32 s12, $0x1F  }
0x8c: {  	s12 =	smul.u32 $0x14F8B589, s12;
	_ =	sdelay $0x1  }
0x8d: {  	[smem:$0x779] =	sst s12;
	s12 =	spop (v2sf)  }
0x8e: {  	v52 =	vld [tilespmem:$0xB0];
	(v2sf) =	vpush v4, $0x6;
	[smem:$0x778] =	sst s13;
	s13 =	smulhi.u32 $0x14F8B589, s12;
	s12 =	sshra.s32 s12, $0x1F  }
0x8f: {  	s12 =	smul.u32 $0x14F8B589, s12  }
0x90: {  	v6 =	vld [tilespmem:$0x30]  }
0x91: {  	[smem:$0x77B] =	sst s12;
	s12 =	spop (v2sf)  }
0x92: {  	(v2sf) =	vpush v4, $0x7;
	[smem:$0x77A] =	sst s13;
	s13 =	smulhi.u32 $0x14F8B589, s12;
	s12 =	sshra.s32 s12, $0x1F  }
0x93: {  	v5 =	vmul.u32 $0x3F1, v52;
	s12 =	smul.u32 $0x14F8B589, s12;
	_ =	sdelay $0x1  }
0x94: {  	v6 =	vadd.s32 v6, v5;
	[smem:$0x77D] =	sst s12;
	s12 =	spop (v2sf)  }
0x95: {  	(v2sf) =	vpush v6, $0xD;
	[smem:$0x77C] =	sst s13;
	s13 =	smulhi.u32 $0x14F8B589, s12;
	s12 =	sshra.s32 s12, $0x1F  }
0x96: {  	s12 =	smul.u32 $0x14F8B589, s12;
	_ =	sdelay $0x1  }
0x97: {  	[smem:$0x77F] =	sst s12;
	s12 =	spop (v2sf)  }
0x98: {  	(v2sf) =	vpush v6, $0xC;
	[smem:$0x77E] =	sst s13;
	s13 =	smulhi.u32 $0x14F8B589, s12;
	s12 =	sshra.s32 s12, $0x1F  }
0x99: {  	s12 =	smul.u32 $0x14F8B589, s12;
	_ =	sdelay $0x1  }
0x9a: {  	[smem:$0x781] =	sst s12;
	s12 =	spop (v2sf)  }
0x9b: {  	(v2sf) =	vpush v6, $0xE;
	[smem:$0x780] =	sst s13;
	s13 =	smulhi.u32 $0x14F8B589, s12;
	s12 =	sshra.s32 s12, $0x1F  }
0x9c: {  	s12 =	smul.u32 $0x14F8B589, s12;
	_ =	sdelay $0x1  }
0x9d: {  	[smem:$0x783] =	sst s12;
	s12 =	spop (v2sf)  }
0x9e: {  	(v2sf) =	vpush v6, $0xF;
	[smem:$0x782] =	sst s13;
	s13 =	smulhi.u32 $0x14F8B589, s12;
	s12 =	sshra.s32 s12, $0x1F  }
0x9f: {  	s12 =	smul.u32 $0x14F8B589, s12;
	_ =	sdelay $0x1  }
0xa0: {  	[smem:$0x785] =	sst s12;
	s12 =	spop (v2sf)  }
0xa1: {  	(v2sf) =	vpush v6, $0x9;
	[smem:$0x784] =	sst s13;
	s13 =	smulhi.u32 $0x14F8B589, s12;
	s12 =	sshra.s32 s12, $0x1F  }
0xa2: {  	s12 =	smul.u32 $0x14F8B589, s12;
	_ =	sdelay $0x1  }
0xa3: {  	[smem:$0x787] =	sst s12;
	s12 =	spop (v2sf)  }
0xa4: {  	(v2sf) =	vpush v6, $0x8;
	[smem:$0x786] =	sst s13;
	s13 =	smulhi.u32 $0x14F8B589, s12;
	s12 =	sshra.s32 s12, $0x1F  }
0xa5: {  	s12 =	smul.u32 $0x14F8B589, s12;
	_ =	sdelay $0x1  }
0xa6: {  	[smem:$0x789] =	sst s12;
	s12 =	spop (v2sf)  }
0xa7: {  	(v2sf) =	vpush v6, $0xA;
	[smem:$0x788] =	sst s13;
	s13 =	smulhi.u32 $0x14F8B589, s12;
	s12 =	sshra.s32 s12, $0x1F  }
0xa8: {  	s12 =	smul.u32 $0x14F8B589, s12;
	_ =	sdelay $0x1  }
0xa9: {  	[smem:$0x78B] =	sst s12;
	s12 =	spop (v2sf)  }
0xaa: {  	[smem:$0x78A] =	sst s13;
	s13 =	smulhi.u32 $0x14F8B589, s12;
	s12 =	sshra.s32 s12, $0x1F  }
0xab: {  	(v2sf) =	vpush v6, $0xB;
	s12 =	smul.u32 $0x14F8B589, s12;
	_ =	sdelay $0x1  }
0xac: {  	[smem:$0x78D] =	sst s12;
	s12 =	spop (v2sf)  }
0xad: {  	[smem:$0x78C] =	sst s13;
	s13 =	smulhi.u32 $0x14F8B589, s12;
	s12 =	sshra.s32 s12, $0x1F  }
0xae: {  	s12 =	smul.u32 $0x14F8B589, s12;
	_ =	sdelay $0x1  }
0xaf: {  	[smem:$0x78F] =	sst s12;
	s12 =	spop (v2sf)  }
0xb0: {  	[smem:$0x78E] =	sst s13;
	s13 =	smulhi.u32 $0x14F8B589, s12;
	s12 =	sshra.s32 s12, $0x1F  }
0xb1: {  	(v2sf) =	vpush v6, $0x0;
	s12 =	smul.u32 $0x14F8B589, s12  }
0xb2: {  	(v2sf) =	vpush v6, $0x1  }
0xb3: {  	(v2sf) =	vpush v6, $0x2;
	[smem:$0x791] =	sst s12;
	s12 =	spop (v2sf)  }
0xb4: {  	(v2sf) =	vpush v6, $0x3;
	[smem:$0x790] =	sst s13;
	s13 =	smulhi.u32 $0x14F8B589, s12;
	s12 =	sshra.s32 s12, $0x1F  }
0xb5: {  	(v2sf) =	vpush v6, $0x4;
	s12 =	smul.u32 $0x14F8B589, s12  }
0xb6: {  	(v2sf) =	vpush v6, $0x5;
	[smem:$0x792] =	sst s13  }
0xb7: {  	v53 =	vld [tilespmem:$0xC0];
	s14 =	sadd.s32 s17, s14;
	(v2sf) =	vpush v6, $0x6;
	[smem:$0x793] =	sst s12  }
0xb8: {  	v7 =	vld [tilespmem:$0x40];
	s17 =	sadd.s32 s19, s15;
	s12 =	spop (v2sf);
	[smem:$0x7B6] =	sst s14  }
0xb9: {  	s19 =	sadd.s32 s21, s18;
	[smem:$0x7B9] =	sst s17  }
0xba: {  	s20 =	sadd.s32 s23, s20;
	[smem:$0x7BA] =	sst s19  }
0xbb: {  	s23 =	sadd.s32 s25, s22;
	[smem:$0x7BF] =	sst s20  }
0xbc: {  	s25 =	sadd.s32 s26, s24;
	[smem:$0x7BD] =	sst s23  }
0xbd: {  	s28 =	sadd.s32 s30, s28;
	[smem:$0x7C1] =	sst s25  }
0xbe: {  	s6 =	sadd.s32 s6, s29;
	[smem:$0x7C3] =	sst s28  }
0xbf: {  	s2 =	sadd.s32 s2, s31;
	[smem:$0x7B8] =	sst s6  }
0xc0: {  	[smem:$0x7BB] =	sst s2  }
0xc1: {  	s13 =	smulhi.u32 $0x14F8B589, s12;
	s23 =	sld [smem:$0x744]  }
0xc2: {  	s25 =	sld [smem:$0x745]  }
0xc3: {  	[smem:$0x794] =	sst s13  }
0xc4: {  	s13 =	sld [smem:$0x743]  }
0xc5: {  	s31 =	sld [smem:$0x748];
	s4 =	sadd.s32 s4, s23  }
0xc6: {  	s12 =	sshra.s32 s12, $0x1F;
	[smem:$0x7BC] =	sst s4;
	s4 =	sadd.s32 s7, s25  }
0xc7: {  	s13 =	sadd.s32 s16, s13;
	s16 =	smul.u32 $0x14F8B589, s12;
	s12 =	spop (v2sf)  }
0xc8: {  	s25 =	sld [smem:$0x74D];
	s14 =	smulhi.u32 $0x14F8B589, s12;
	s12 =	sshra.s32 s12, $0x1F  }
0xc9: {  	s15 =	smul.u32 $0x14F8B589, s12;
	s12 =	spop (v2sf)  }
0xca: {  	[smem:$0x7BE] =	sst s4;
	s17 =	smulhi.u32 $0x14F8B589, s12;
	s12 =	sshra.s32 s12, $0x1F  }
0xcb: {  	s21 =	spop (v2sf);
	s19 =	smul.u32 $0x14F8B589, s12  }
0xcc: {  	[smem:$0x7B5] =	sst s13;
	s18 =	smulhi.u32 $0x14F8B589, s21;
	s12 =	sshra.s32 s21, $0x1F  }
0xcd: {  	s26 =	spop (v2sf);
	s20 =	smul.u32 $0x14F8B589, s12  }
0xce: {  	s13 =	smulhi.u32 $0x14F8B589, s26;
	s12 =	sshra.s32 s26, $0x1F;
	s30 =	spop (v2sf)  }
0xcf: {  	(v2sf) =	vpush v6, $0x7;
	s15 =	sadd.s32 s15, s14;
	s26 =	sld [smem:$0x746];
	s21 =	smul.u32 $0x14F8B589, s12  }
0xd0: {  	[smem:$0x7E8] =	sst s15;
	s12 =	smulhi.u32 $0x14F8B589, s30  }
0xd1: {  	s22 =	sshra.s32 s30, $0x1F;
	s24 =	spop (v2sf);
	s30 =	sld [smem:$0x747]  }
0xd2: {  	v5 =	vmul.u32 $0x3F1, v53;
	s6 =	smul.u32 $0x14F8B589, s22;
	s22 =	sld [smem:$0x74B]  }
0xd3: {  	s7 =	smulhi.u32 $0x14F8B589, s24;
	s2 =	sshra.s32 s24, $0x1F;
	s24 =	sld [smem:$0x74C]  }
0xd4: {  	v5 =	vadd.s32 v7, v5;
	s1 =	sadd.s32 s1, s26;
	s26 =	sld [smem:$0x74E]  }
0xd5: {  	(v2sf) =	vpush v5, $0xD;
	[smem:$0x7C0] =	sst s1  }
0xd6: {  	s28 =	smul.u32 $0x14F8B589, s2;
	s2 =	sadd.s32 s8, s30;
	s8 =	sld [smem:$0x749]  }
0xd7: {  	s30 =	sld [smem:$0x750]  }
0xd8: {  	[smem:$0x795] =	sst s28  }
0xd9: {  	s29 =	spop (v2sf);
	[smem:$0x7C2] =	sst s2  }
0xda: {  	s1 =	sshra.s32 s29, $0x1F;
	s28 =	sld [smem:$0x74F]  }
0xdb: {  	s6 =	sadd.s32 s6, s12;
	s2 =	sadd.s32 s3, s31;
	s31 =	sld [smem:$0x751]  }
0xdc: {  	s1 =	smul.u32 $0x14F8B589, s1;
	[smem:$0x7F0] =	sst s6  }
0xdd: {  	(v2sf) =	vpush v5, $0xC;
	[smem:$0x7C4] =	sst s2  }
0xde: {  	s3 =	spop (v2sf);
	[smem:$0x796] =	sst s1  }
0xdf: {  	s2 =	sadd.s32 s9, s8;
	s1 =	sshra.s32 s3, $0x1F;
	s9 =	sld [smem:$0x74A]  }
0xe0: {  	[smem:$0x7B7] =	sst s2;
	s1 =	smul.u32 $0x14F8B589, s1  }
0xe1: {  	s14 =	sld [smem:$0x796]  }
0xe2: {  	(v2sf) =	vpush v5, $0xE;
	[smem:$0x797] =	sst s1  }
0xe3: {  	s2 =	sadd.s32 s22, s9;
	s22 =	sld [smem:$0x752]  }
0xe4: {  	(v2sf) =	vpush v5, $0xF;
	s23 =	spop (v2sf);
	[smem:$0x7C8] =	sst s2  }
0xe5: {  	s9 =	smulhi.u32 $0x14F8B589, s23;
	s1 =	sshra.s32 s23, $0x1F;
	s23 =	sld [smem:$0x753]  }
0xe6: {  	s2 =	sadd.s32 s25, s24;
	s25 =	sld [smem:$0x754]  }
0xe7: {  	[smem:$0x7C6] =	sst s2  }
0xe8: {  	s2 =	sadd.s32 s28, s26;
	s26 =	sld [smem:$0x755]  }
0xe9: {  	s1 =	smul.u32 $0x14F8B589, s1;
	[smem:$0x7C9] =	sst s2  }
0xea: {  	s4 =	smulhi.u32 $0x14F8B589, s29;
	s2 =	sadd.s32 s31, s30;
	s30 =	sld [smem:$0x757]  }
0xeb: {  	s8 =	smulhi.u32 $0x14F8B589, s3;
	[smem:$0x798] =	sst s1  }
0xec: {  	s29 =	spop (v2sf);
	[smem:$0x7CB] =	sst s2  }
0xed: {  	s3 =	smulhi.u32 $0x14F8B589, s29;
	s1 =	sshra.s32 s29, $0x1F;
	s29 =	sld [smem:$0x756]  }
0xee: {  	s2 =	sadd.s32 s23, s22;
	s22 =	sld [smem:$0x759]  }
0xef: {  	[smem:$0x799] =	sst s3  }
0xf0: {  	[smem:$0x7CE] =	sst s2  }
0xf1: {  	s24 =	spop (v2sf);
	s3 =	sld [smem:$0x758]  }
0xf2: {  	s28 =	smulhi.u32 $0x14F8B589, s24;
	s2 =	sadd.s32 s26, s25;
	s26 =	sld [smem:$0x75B]  }
0xf3: {  	s31 =	spop (v2sf);
	[smem:$0x7CC] =	sst s2  }
0xf4: {  	s1 =	smul.u32 $0x14F8B589, s1;
	[smem:$0x79B] =	sst s28  }
0xf5: {  	(v2sf) =	vpush v5, $0x9;
	s23 =	smulhi.u32 $0x14F8B589, s31;
	s28 =	sld [smem:$0x75C]  }
0xf6: {  	(v2sf) =	vpush v5, $0x8;
	[smem:$0x79A] =	sst s1  }
0xf7: {  	(v2sf) =	vpush v5, $0xA;
	[smem:$0x79D] =	sst s23  }
0xf8: {  	s1 =	sshra.s32 s24, $0x1F;
	s24 =	sld [smem:$0x75A]  }
0xf9: {  	(v2sf) =	vpush v5, $0xB;
	s2 =	sadd.s32 s30, s29;
	s29 =	sld [smem:$0x75D]  }
0xfa: {  	[smem:$0x7CF] =	sst s2  }
0xfb: {  	s2 =	sadd.s32 s22, s3;
	s3 =	sld [smem:$0x75F]  }
0xfc: {  	s22 =	sld [smem:$0x760]  }
0xfd: {  	s1 =	smul.u32 $0x14F8B589, s1;
	s6 =	sld [smem:$0x79A]  }
0xfe: {  	[smem:$0x7D1] =	sst s2  }
0xff: {  	[smem:$0x79C] =	sst s1  }
0x100: {  	s1 =	sshra.s32 s31, $0x1F;
	s31 =	sld [smem:$0x75E]  }
0x101: {  	s0 =	sshra.s32 s0, $0x1F;
	s2 =	sadd.s32 s10, s24;
	s24 =	sld [smem:$0x761]  }
0x102: {  	s0 =	smul.u32 $0x14F8B589, s0;
	[smem:$0x7C7] =	sst s2  }
0x103: {  	s1 =	smul.u32 $0x14F8B589, s1;
	s2 =	sadd.s32 s11, s26;
	s26 =	sld [smem:$0x763]  }
0x104: {  	(v2sf) =	vpush v5, $0x0;
	s25 =	spop (v2sf);
	[smem:$0x7CA] =	sst s2  }
0x105: {  	s30 =	spop (v2sf);
	s2 =	sadd.s32 s29, s28;
	[smem:$0x79E] =	sst s1  }
0x106: {  	s23 =	spop (v2sf);
	[smem:$0x7CD] =	sst s2  }
0x107: {  	s10 =	smulhi.u32 $0x14F8B589, s25;
	s1 =	sshra.s32 s25, $0x1F;
	s25 =	sld [smem:$0x762]  }
0x108: {  	s29 =	spop (v2sf);
	s2 =	sadd.s32 s5, s31;
	s31 =	sld [smem:$0x765]  }
0x109: {  	s5 =	smulhi.u32 $0x14F8B589, s30;
	[smem:$0x7D0] =	sst s2  }
0x10a: {  	(v2sf) =	vpush v5, $0x1;
	s11 =	smul.u32 $0x14F8B589, s1;
	s1 =	sshra.s32 s30, $0x1F;
	s30 =	sld [smem:$0x764]  }
0x10b: {  	s2 =	sadd.s32 s22, s3;
	s0 =	sadd.s32 s0, s26;
	s26 =	sld [smem:$0x768]  }
0x10c: {  	s22 =	smulhi.u32 $0x14F8B589, s29;
	[smem:$0x7D2] =	sst s2  }
0x10d: {  	[smem:$0x7D4] =	sst s0  }
0x10e: {  	s1 =	smul.u32 $0x14F8B589, s1;
	[smem:$0x7A1] =	sst s22  }
0x10f: {  	(v2sf) =	vpush v5, $0x2;
	s2 =	sadd.s32 s25, s24;
	s24 =	sld [smem:$0x767]  }
0x110: {  	s0 =	sshra.s32 s29, $0x1F;
	[smem:$0x79F] =	sst s1  }
0x111: {  	s0 =	smul.u32 $0x14F8B589, s0;
	[smem:$0x7D3] =	sst s2  }
0x112: {  	s3 =	smulhi.u32 $0x14F8B589, s23;
	s1 =	sshra.s32 s23, $0x1F;
	s23 =	sld [smem:$0x766]  }
0x113: {  	s25 =	spop (v2sf);
	[smem:$0x7A2] =	sst s0  }
0x114: {  	s28 =	smul.u32 $0x14F8B589, s1;
	s1 =	sadd.s32 s31, s30;
	s30 =	sld [smem:$0x76A]  }
0x115: {  	s29 =	smulhi.u32 $0x14F8B589, s25;
	s31 =	sld [smem:$0x76B]  }
0x116: {  	[smem:$0x7C5] =	sst s1  }
0x117: {  	[smem:$0x7A3] =	sst s29  }
0x118: {  	[smem:$0x7A0] =	sst s28  }
0x119: {  	s22 =	spop (v2sf);
	s0 =	sshra.s32 s25, $0x1F;
	s28 =	sld [smem:$0x769]  }
0x11a: {  	(v2sf) =	vpush v5, $0x3;
	s25 =	smulhi.u32 $0x14F8B589, s22;
	s1 =	sadd.s32 s24, s23;
	s23 =	sld [smem:$0x76C]  }
0x11b: {  	s24 =	sld [smem:$0x76D]  }
0x11c: {  	s0 =	smul.u32 $0x14F8B589, s0;
	[smem:$0x7A5] =	sst s25  }
0x11d: {  	[smem:$0x7D9] =	sst s1  }
0x11e: {  	s29 =	spop (v2sf);
	[smem:$0x7A4] =	sst s0;
	s0 =	sshra.s32 s22, $0x1F  }
0x11f: {  	s22 =	smulhi.u32 $0x14F8B589, s29;
	s1 =	sadd.s32 s28, s26;
	s26 =	sld [smem:$0x76E]  }
0x120: {  	s28 =	sld [smem:$0x76F]  }
0x121: {  	s0 =	smul.u32 $0x14F8B589, s0;
	[smem:$0x7A7] =	sst s22  }
0x122: {  	[smem:$0x7D7] =	sst s1  }
0x123: {  	(v2sf) =	vpush v5, $0x4;
	[smem:$0x7A6] =	sst s0  }
0x124: {  	s1 =	sadd.s32 s31, s30;
	s30 =	sld [smem:$0x770]  }
0x125: {  	s31 =	sld [smem:$0x771]  }
0x126: {  	(v2sf) =	vpush v5, $0x5;
	[smem:$0x7DA] =	sst s1  }
0x127: {  	s1 =	sadd.s32 s24, s23;
	s23 =	sld [smem:$0x772]  }
0x128: {  	s24 =	sld [smem:$0x773]  }
0x129: {  	s25 =	spop (v2sf);
	s0 =	sshra.s32 s29, $0x1F;
	[smem:$0x7DC] =	sst s1  }
0x12a: {  	s29 =	smulhi.u32 $0x14F8B589, s25;
	s1 =	sadd.s32 s28, s26;
	s26 =	sld [smem:$0x774]  }
0x12b: {  	s28 =	sld [smem:$0x775]  }
0x12c: {  	s0 =	smul.u32 $0x14F8B589, s0;
	[smem:$0x7A9] =	sst s29  }
0x12d: {  	[smem:$0x7DF] =	sst s1  }
0x12e: {  	[smem:$0x7A8] =	sst s0  }
0x12f: {  	s1 =	sadd.s32 s31, s30;
	s30 =	sld [smem:$0x776]  }
0x130: {  	s31 =	sld [smem:$0x777]  }
0x131: {  	[smem:$0x7DD] =	sst s1  }
0x132: {  	s22 =	spop (v2sf);
	s1 =	sadd.s32 s24, s23;
	s23 =	sld [smem:$0x778]  }
0x133: {  	s0 =	sshra.s32 s25, $0x1F;
	s25 =	smulhi.u32 $0x14F8B589, s22;
	s24 =	sld [smem:$0x779]  }
0x134: {  	[smem:$0x7E1] =	sst s1  }
0x135: {  	s29 =	spop (v2sf);
	[smem:$0x7AB] =	sst s25  }
0x136: {  	(v2sf) =	vpush v5, $0x6;
	s2 =	smulhi.u32 $0x14F8B589, s29;
	s1 =	sadd.s32 s28, s26;
	s26 =	sld [smem:$0x77A]  }
0x137: {  	s28 =	sld [smem:$0x77B]  }
0x138: {  	v54 =	vld [tilespmem:$0xD0];
	[smem:$0x7AD] =	sst s2  }
0x139: {  	s0 =	smul.u32 $0x14F8B589, s0;
	s25 =	sld [smem:$0x780]  }
0x13a: {  	v8 =	vld [tilespmem:$0x50];
	[smem:$0x7E3] =	sst s1  }
0x13b: {  	[smem:$0x7AA] =	sst s0  }
0x13c: {  	s1 =	sadd.s32 s31, s30;
	s30 =	sld [smem:$0x77C]  }
0x13d: {  	v7 =	vmul.u32 $0x3F1, v54;
	s31 =	sld [smem:$0x77D]  }
0x13e: {  	s0 =	sshra.s32 s22, $0x1F;
	s22 =	sld [smem:$0x77E]  }
0x13f: {  	v7 =	vadd.s32 v8, v7;
	(v2sf) =	vpush v5, $0x7;
	[smem:$0x7D6] =	sst s1  }
0x140: {  	(v2sf) =	vpush v7, $0xD;
	s1 =	sadd.s32 s24, s23;
	s23 =	sld [smem:$0x77F]  }
0x141: {  	[smem:$0x7D8] =	sst s1  }
0x142: {  	s0 =	smul.u32 $0x14F8B589, s0;
	s1 =	sadd.s32 s28, s26;
	s26 =	sld [smem:$0x781]  }
0x143: {  	[smem:$0x7DB] =	sst s1  }
0x144: {  	[smem:$0x7AC] =	sst s0  }
0x145: {  	s24 =	spop (v2sf);
	s0 =	sshra.s32 s29, $0x1F;
	s29 =	sld [smem:$0x782]  }
0x146: {  	s28 =	smulhi.u32 $0x14F8B589, s24;
	s1 =	sadd.s32 s31, s30;
	s30 =	sld [smem:$0x783]  }
0x147: {  	[smem:$0x7DE] =	sst s1  }
0x148: {  	[smem:$0x7AF] =	sst s28  }
0x149: {  	s1 =	sadd.s32 s23, s22;
	s22 =	sld [smem:$0x784]  }
0x14a: {  	(v2sf) =	vpush v7, $0xC;
	s23 =	sld [smem:$0x785]  }
0x14b: {  	[smem:$0x7E0] =	sst s1  }
0x14c: {  	s0 =	smul.u32 $0x14F8B589, s0;
	s1 =	sadd.s32 s26, s25;
	s25 =	sld [smem:$0x786]  }
0x14d: {  	s26 =	sld [smem:$0x787]  }
0x14e: {  	s31 =	spop (v2sf);
	[smem:$0x7AE] =	sst s0  }
0x14f: {  	s28 =	spop (v2sf);
	[smem:$0x7E2] =	sst s1  }
0x150: {  	s2 =	smulhi.u32 $0x14F8B589, s28;
	s1 =	sadd.s32 s30, s29;
	s30 =	sld [smem:$0x788]  }
0x151: {  	[smem:$0x7E4] =	sst s1  }
0x152: {  	[smem:$0x7B2] =	sst s2  }
0x153: {  	s1 =	sadd.s32 s23, s22;
	s22 =	sld [smem:$0x78A]  }
0x154: {  	s23 =	sld [smem:$0x78B]  }
0x155: {  	s0 =	sshra.s32 s24, $0x1F;
	s24 =	smulhi.u32 $0x14F8B589, s31;
	s2 =	sld [smem:$0x794]  }
0x156: {  	(v2sf) =	vpush v7, $0xE;
	[smem:$0x7D5] =	sst s1  }
0x157: {  	s0 =	smul.u32 $0x14F8B589, s0;
	[smem:$0x7B1] =	sst s24  }
0x158: {  	s1 =	sadd.s32 s26, s25;
	s25 =	sld [smem:$0x78C]  }
0x159: {  	s24 =	spop (v2sf);
	[smem:$0x7B0] =	sst s0;
	s0 =	sshra.s32 s31, $0x1F  }
0x15a: {  	(v2sf) =	vpush v7, $0xF;
	s26 =	sld [smem:$0x78D];
	s29 =	smul.u32 $0x14F8B589, s0  }
0x15b: {  	s31 =	sld [smem:$0x789];
	s0 =	sshra.s32 s28, $0x1F;
	s28 =	smulhi.u32 $0x14F8B589, s24  }
0x15c: {  	[smem:$0x7E5] =	sst s1  }
0x15d: {  	[smem:$0x7B4] =	sst s28  }
0x15e: {  	s1 =	sadd.s32 s31, s30;
	s30 =	sld [smem:$0x78E]  }
0x15f: {  	s0 =	smul.u32 $0x14F8B589, s0;
	s31 =	sld [smem:$0x78F]  }
0x160: {  	(v2sf) =	vpush v7, $0x9;
	[smem:$0x7E7] =	sst s1  }
0x161: {  	[smem:$0x7B3] =	sst s0  }
0x162: {  	(v2sf) =	vpush v7, $0x8;
	s1 =	sadd.s32 s23, s22;
	s23 =	sld [smem:$0x790]  }
0x163: {  	s0 =	sshra.s32 s24, $0x1F;
	s24 =	sld [smem:$0x791]  }
0x164: {  	[smem:$0x7E9] =	sst s1  }
0x165: {  	(v2sf) =	vpush v7, $0xA;
	s22 =	spop (v2sf);
	s1 =	sadd.s32 s26, s25;
	s25 =	sld [smem:$0x792]  }
0x166: {  	s26 =	smul.u32 $0x14F8B589, s0;
	[smem:$0x7EB] =	sst s1  }
0x167: {  	(v2sf) =	vpush v7, $0xB;
	s28 =	smulhi.u32 $0x14F8B589, s22;
	s1 =	sadd.s32 s31, s30;
	s30 =	sld [smem:$0x793]  }
0x168: {  	s0 =	sshra.s32 s22, $0x1F;
	[smem:$0x7EF] =	sst s1;
	s1 =	sadd.s32 s24, s23  }
0x169: {  	(v2sf) =	vpush v7, $0x0;
	s31 =	spop (v2sf);
	s23 =	sadd.s32 s19, s17;
	[smem:$0x7ED] =	sst s1  }
0x16a: {  	s24 =	smul.u32 $0x14F8B589, s0;
	[smem:$0x7EA] =	sst s23;
	s1 =	sadd.s32 s30, s25  }
0x16b: {  	s0 =	sshra.s32 s31, $0x1F;
	s30 =	sadd.s32 s20, s18;
	[smem:$0x7F1] =	sst s1  }
0x16c: {  	s22 =	smul.u32 $0x14F8B589, s0;
	[smem:$0x7EC] =	sst s30  }
0x16d: {  	s1 =	sadd.s32 s16, s2;
	s2 =	sadd.s32 s21, s13;
	s13 =	sld [smem:$0x795]  }
0x16e: {  	s25 =	smulhi.u32 $0x14F8B589, s31;
	s24 =	sadd.s32 s24, s28;
	s30 =	sld [smem:$0x798]  }
0x16f: {  	s16 =	spop (v2sf);
	[dreg:$0x18] =	wrdreg s24  }
0x170: {  	[dreg:$0x1e] =	wrdreg s1;
	s23 =	smulhi.u32 $0x14F8B589, s16  }
0x171: {  	s0 =	sshra.s32 s16, $0x1F;
	s31 =	spop (v2sf);
	[smem:$0x7EE] =	sst s2  }
0x172: {  	s16 =	sld [smem:$0x797];
	s22 =	sadd.s32 s22, s25;
	s20 =	smul.u32 $0x14F8B589, s0  }
0x173: {  	(v2sf) =	vpush v7, $0x1;
	s21 =	smulhi.u32 $0x14F8B589, s31;
	s0 =	sshra.s32 s31, $0x1F;
	[dreg:$0x14] =	wrdreg s22  }
0x174: {  	s12 =	spop (v2sf);
	s1 =	sadd.s32 s13, s7;
	s7 =	sld [smem:$0x79B]  }
0x175: {  	s18 =	smul.u32 $0x14F8B589, s0;
	s0 =	sshra.s32 s12, $0x1F;
	s13 =	sld [smem:$0x79D]  }
0x176: {  	(v2sf) =	vpush v7, $0x2;
	s15 =	spop (v2sf);
	[smem:$0x7F2] =	sst s1;
	s1 =	sadd.s32 s14, s4  }
0x177: {  	s17 =	smul.u32 $0x14F8B589, s0;
	s0 =	sshra.s32 s15, $0x1F;
	s4 =	sld [smem:$0x799]  }
0x178: {  	s31 =	spop (v2sf);
	s20 =	sadd.s32 s20, s23;
	[smem:$0x7F3] =	sst s1  }
0x179: {  	s1 =	sadd.s32 s16, s8;
	s16 =	smulhi.u32 $0x14F8B589, s15;
	s8 =	sld [smem:$0x79C]  }
0x17a: {  	s15 =	smul.u32 $0x14F8B589, s0;
	[dreg:$0x15] =	wrdreg s20  }
0x17b: {  	s14 =	smulhi.u32 $0x14F8B589, s31;
	s0 =	sshra.s32 s31, $0x1F;
	[smem:$0x7E6] =	sst s1  }
0x17c: {  	s31 =	sadd.s32 s11, s10;
	s1 =	sadd.s32 s30, s9;
	s30 =	sld [smem:$0x79E]  }
0x17d: {  	[dreg:$0x1a] =	wrdreg s31  }
0x17e: {  	(v2sf) =	vpush v7, $0x3;
	s31 =	sld [smem:$0x7A2]  }
0x17f: {  	[dreg:$0x1f] =	wrdreg s1  }
0x180: {  	s1 =	sadd.s32 s6, s4;
	s4 =	sld [smem:$0x79F]  }
0x181: {  	s19 =	smulhi.u32 $0x14F8B589, s12;
	s6 =	sld [smem:$0x7A0]  }
0x182: {  	(v2sf) =	vpush v7, $0x4;
	s9 =	spop (v2sf);
	[smem:$0x7F4] =	sst s1;
	s1 =	sadd.s32 s8, s7  }
0x183: {  	s12 =	smul.u32 $0x14F8B589, s0;
	s0 =	sshra.s32 s9, $0x1F;
	[smem:$0x7F6] =	sst s1  }
0x184: {  	(v2sf) =	vpush v7, $0x5;
	s10 =	smul.u32 $0x14F8B589, s0;
	s1 =	sadd.s32 s30, s13;
	s30 =	sld [smem:$0x7A1]  }
0x185: {  	s2 =	spop (v2sf);
	[dreg:$0x1c] =	wrdreg s1  }
0x186: {  	s11 =	smulhi.u32 $0x14F8B589, s2;
	s0 =	sshra.s32 s2, $0x1F;
	s2 =	sld [smem:$0x7A3]  }
0x187: {  	s1 =	sadd.s32 s4, s5;
	s5 =	sld [smem:$0x7A5]  }
0x188: {  	[dreg:$0x1d] =	wrdreg s1  }
0x189: {  	s1 =	sadd.s32 s6, s3;
	s3 =	sld [smem:$0x7A4]  }
0x18a: {  	s6 =	sld [smem:$0x7A6]  }
0x18b: {  	s13 =	smulhi.u32 $0x14F8B589, s9;
	[dreg:$0x1b] =	wrdreg s1  }
0x18c: {  	s8 =	smul.u32 $0x14F8B589, s0;
	s1 =	sadd.s32 s31, s30;
	s30 =	sld [smem:$0x7A7]  }
0x18d: {  	s7 =	spop (v2sf);
	s31 =	sld [smem:$0x7A8]  }
0x18e: {  	s9 =	smulhi.u32 $0x14F8B589, s7;
	[dreg:$0x19] =	wrdreg s1  }
0x18f: {  	s0 =	sshra.s32 s7, $0x1F;
	s1 =	sadd.s32 s3, s2;
	s2 =	sld [smem:$0x7AB]  }
0x190: {  	s7 =	smul.u32 $0x14F8B589, s0;
	[smem:$0x7F5] =	sst s1;
	s1 =	sadd.s32 s6, s5  }
0x191: {  	s4 =	spop (v2sf);
	[smem:$0x7F7] =	sst s1  }
0x192: {  	v55 =	vld [tilespmem:$0xE0];
	s6 =	smulhi.u32 $0x14F8B589, s4;
	s1 =	sadd.s32 s31, s30;
	s30 =	sld [smem:$0x7A9]  }
0x193: {  	s0 =	sshra.s32 s4, $0x1F;
	s3 =	spop (v2sf);
	s31 =	sld [smem:$0x7AA]  }
0x194: {  	v9 =	vld [tilespmem:$0x60];
	(v2sf) =	vpush v7, $0x6;
	[smem:$0x7F9] =	sst s1;
	s5 =	smul.u32 $0x14F8B589, s0  }
0x195: {  	s4 =	smulhi.u32 $0x14F8B589, s3;
	s0 =	sshra.s32 s3, $0x1F;
	s3 =	sld [smem:$0x7AC]  }
0x196: {  	s1 =	sadd.s32 s31, s30;
	s30 =	sld [smem:$0x7AD]  }
0x197: {  	v8 =	vmul.u32 $0x3F1, v55;
	(v2sf) =	vpush v7, $0x7;
	s31 =	sld [smem:$0x7AE]  }
0x198: {  	[smem:$0x7FA] =	sst s1;
	s1 =	sadd.s32 s3, s2  }
0x199: {  	v8 =	vadd.s32 v9, v8;
	[smem:$0x7FB] =	sst s1  }
0x19a: {  	(v2sf) =	vpush v8, $0xD;
	s1 =	sadd.s32 s31, s30;
	s30 =	sld [smem:$0x7B0]  }
0x19b: {  	[smem:$0x7FC] =	sst s1  }
0x19c: {  	s18 =	sadd.s32 s18, s21;
	(v2sf) =	vpush v8, $0xC;
	s1 =	sld [smem:$0x7AF]  }
0x19d: {  	[dreg:$0x13] =	wrdreg s18;
	s17 =	sadd.s32 s17, s19  }
0x19e: {  	[dreg:$0x11] =	wrdreg s17;
	(v2sf) =	vpush v8, $0xE  }
0x19f: {  	s15 =	sadd.s32 s15, s16;
	s1 =	sadd.s32 s30, s1;
	s30 =	sld [smem:$0x7B1]  }
0x1a0: {  	[dreg:$0x12] =	wrdreg s15;
	s12 =	sadd.s32 s12, s14;
	(v2sf) =	vpush v8, $0xF  }
0x1a1: {  	[dreg:$0x10] =	wrdreg s12  }
0x1a2: {  	(v2sf) =	vpush v8, $0x9;
	s3 =	smul.u32 $0x14F8B589, s0;
	s31 =	sadd.s32 s29, s30;
	s29 =	sld [smem:$0x7B2]  }
0x1a3: {  	s10 =	sadd.s32 s10, s13;
	s0 =	spop (v2sf);
	s30 =	sld [smem:$0x7B3]  }
0x1a4: {  	[dreg:$0xf] =	wrdreg s10;
	(v2sf) =	vpush v8, $0x8;
	s2 =	smulhi.u32 $0x14F8B589, s0;
	s0 =	sshra.s32 s0, $0x1F  }
0x1a5: {  	s8 =	sadd.s32 s8, s11;
	[smem:$0x7FD] =	sst s1;
	s1 =	smul.u32 $0x14F8B589, s0  }
0x1a6: {  	(v2sf) =	vpush v8, $0xA;
	s0 =	spop (v2sf);
	s29 =	sadd.s32 s30, s29;
	s30 =	sld [smem:$0x7B4]  }
0x1a7: {  	[smem:$0x7F8] =	sst s31;
	s31 =	smulhi.u32 $0x14F8B589, s0;
	s0 =	sshra.s32 s0, $0x1F  }
0x1a8: {  	[dreg:$0xe] =	wrdreg s8;
	(v2sf) =	vpush v8, $0xB;
	s0 =	smul.u32 $0x14F8B589, s0  }
0x1a9: {  	[dreg:$0x17] =	wrdreg s29;
	s29 =	spop (v2sf);
	s26 =	sadd.s32 s26, s30  }
0x1aa: {  	[dreg:$0x16] =	wrdreg s26;
	s26 =	smulhi.u32 $0x14F8B589, s29;
	s29 =	sshra.s32 s29, $0x1F  }
0x1ab: {  	s7 =	sadd.s32 s7, s9;
	s24 =	smul.u32 $0x14F8B589, s29;
	s29 =	spop (v2sf)  }
0x1ac: {  	[dreg:$0xd] =	wrdreg s7;
	s22 =	smulhi.u32 $0x14F8B589, s29;
	s30 =	sshra.s32 s29, $0x1F  }
0x1ad: {  	s5 =	sadd.s32 s5, s6;
	s25 =	spop (v2sf);
	s20 =	smul.u32 $0x14F8B589, s30  }
0x1ae: {  	[dreg:$0xc] =	wrdreg s5;
	s18 =	smulhi.u32 $0x14F8B589, s25;
	s28 =	sshra.s32 s25, $0x1F  }
0x1af: {  	s3 =	sadd.s32 s3, s4;
	(v2sf) =	vpush v8, $0x0;
	s29 =	spop (v2sf);
	s17 =	smul.u32 $0x14F8B589, s28  }
0x1b0: {  	[dreg:$0xb] =	wrdreg s3;
	s15 =	smulhi.u32 $0x14F8B589, s29;
	s30 =	sshra.s32 s29, $0x1F  }
0x1b1: {  	s1 =	sadd.s32 s1, s2;
	s16 =	spop (v2sf);
	s12 =	smul.u32 $0x14F8B589, s30  }
0x1b2: {  	[dreg:$0xa] =	wrdreg s1;
	s10 =	smulhi.u32 $0x14F8B589, s16;
	s19 =	sshra.s32 s16, $0x1F  }
0x1b3: {  	s25 =	sadd.s32 s24, s26;
	s21 =	spop (v2sf);
	s8 =	smul.u32 $0x14F8B589, s19  }
0x1b4: {  	s30 =	sadd.s32 s0, s31;
	s23 =	smulhi.u32 $0x14F8B589, s21;
	s11 =	sshra.s32 s21, $0x1F  }
0x1b5: {  	s28 =	sadd.s32 s20, s22;
	s14 =	spop (v2sf);
	s13 =	smul.u32 $0x14F8B589, s11  }
0x1b6: {  	s16 =	smulhi.u32 $0x14F8B589, s14;
	s24 =	sadd.s32 s12, s15;
	s12 =	sld [smem:$0x7B6]  }
0x1b7: {  	s19 =	sshra.s32 s14, $0x1F;
	s29 =	spop (v2sf);
	s14 =	sld [smem:$0x7B7]  }
0x1b8: {  	s21 =	smul.u32 $0x14F8B589, s19;
	s22 =	sadd.s32 s8, s10;
	s10 =	sld [smem:$0x7B5]  }
0x1b9: {  	s31 =	smulhi.u32 $0x14F8B589, s29;
	s2 =	sshra.s32 s29, $0x1F;
	s29 =	sld [smem:$0x7B9]  }
0x1ba: {  	s26 =	sadd.s32 s17, s18;
	s8 =	sld [smem:$0x7BA];
	s2 =	smul.u32 $0x14F8B589, s2  }
0x1bb: {  	s23 =	sadd.s32 s13, s23;
	s19 =	sadd.s32 s21, s16;
	s13 =	sshrl.u32 s12, $0x1F  }
0x1bc: {  	s15 =	sshra.s32 s14, $0x1F;
	s3 =	sshra.s32 s12, $0xD;
	s16 =	sld [smem:$0x7B8]  }
0x1bd: {  	s20 =	sadd.s32 s2, s31;
	s11 =	sshrl.u32 s10, $0x1F;
	s1 =	sshra.s32 s10, $0xD  }
0x1be: {  	s31 =	sshrl.u32 s29, $0x1F;
	s10 =	sld [smem:$0x7BB];
	s6 =	spop (v2sf)  }
0x1bf: {  	v56 =	vmov s15;
	s2 =	sshra.s32 s8, $0xD;
	s15 =	sld [smem:$0x7BC];
	s9 =	smulhi.u32 $0x14F8B589, s6  }
0x1c0: {  	vm11 =	vcmask $0x300;
	vm1 =	vcmask $0xB08;
	(v2sf) =	vpush v8, $0x1;
	s4 =	sshra.s32 s6, $0x1F;
	s17 =	sshrl.u32 s16, $0x1F;
	s18 =	sshra.s32 s16, $0xD  }
0x1c1: {  	vm10 =	vcmask $0x704;
	v10 =	vmov s13;
	s7 =	sshra.s32 s16, $0x1F;
	s6 =	sld [smem:$0x7CB];
	s4 =	smul.u32 $0x14F8B589, s4;
	v9 =	vsel vm11, s18, v56  }
0x1c2: {  	v10 =	vsel vm1, s11, v10;
	s11 =	sshrl.u32 s10, $0x1F;
	s12 =	sshra.s32 s10, $0xD;
	s18 =	sld [smem:$0x7BE];
	v9 =	vsel vm10, s7, v9  }
0x1c3: {  	vm4 =	vcmask $0x1B18;
	v11 =	vmov s17;
	s13 =	sshra.s32 s10, $0x1F;
	s16 =	sshrl.u32 s15, $0x1F;
	s7 =	sld [smem:$0x7BD];
	v12 =	vsel vm1, s12, v9  }
0x1c4: {  	v10 =	vsel vm2, s31, v10;
	v11 =	vnsel vm11, $0x0, v11;
	s21 =	sadd.s32 s4, s9;
	s9 =	sshrl.u32 s8, $0x1F;
	v58 =	vsel vm12, s13, v12;
	s13 =	sld [smem:$0x7C0]  }
0x1c5: {  	s31 =	sshra.s32 s15, $0xD;
	s10 =	sshra.s32 s15, $0x1F;
	v11 =	vsel vm1, s11, v11;
	v9 =	vsel vm4, s9, v10;
	s9 =	sld [smem:$0x7BF]  }
0x1c6: {  	s4 =	sshra.s32 s29, $0xD;
	s8 =	sld [smem:$0x7C3];
	v57 =	vsel vm2, s16, v11;
	s29 =	sshrl.u32 s18, $0x1F;
	v11 =	vsel vm2, s31, v58  }
0x1c7: {  	s17 =	sshrl.u32 s7, $0x1F;
	v10 =	vsel vm4, s29, v57;
	v11 =	vsel vm13, s10, v11;
	s10 =	sld [smem:$0x7C1];
	s12 =	sshrl.u32 s13, $0x1F  }
0x1c8: {  	v59 =	vmov s17;
	s11 =	sshrl.u32 s9, $0x1F;
	v10 =	vsel vm5, s12, v10;
	s12 =	sld [smem:$0x7C2]  }
0x1c9: {  	s17 =	sshra.s32 s18, $0xD;
	v12 =	vsel vm1, s11, v59;
	s11 =	sld [smem:$0x7C4]  }
0x1ca: {  	s18 =	sshra.s32 s18, $0x1F;
	s29 =	sshrl.u32 s8, $0x1F;
	v13 =	vsel vm4, s17, v11;
	s17 =	sshra.s32 s13, $0xD  }
0x1cb: {  	v61 =	vsel vm14, s18, v13;
	s18 =	sshra.s32 s7, $0xD;
	s15 =	sshrl.u32 s10, $0x1F;
	s16 =	sshrl.u32 s12, $0x1F  }
0x1cc: {  	s7 =	sshra.s32 s8, $0xD;
	v14 =	vmov s18;
	v12 =	vsel vm2, s15, v12;
	s15 =	sshra.s32 s9, $0xD;
	s31 =	sshrl.u32 s11, $0x1F;
	v10 =	vsel vm6, s16, v10  }
0x1cd: {  	v60 =	vsel vm4, s29, v12;
	v12 =	vsel vm5, s17, v61;
	s29 =	sshra.s32 s10, $0xD;
	s8 =	sshra.s32 s12, $0xD;
	v10 =	vsel vm7, s31, v10;
	s31 =	sshra.s32 s13, $0x1F  }
0x1ce: {  	vm9 =	vcmask $0x2F2C;
	s9 =	sshra.s32 s12, $0x1F;
	v15 =	vsel vm1, s15, v14;
	s10 =	sshra.s32 s11, $0xD;
	s13 =	sld [smem:$0x7C5];
	v12 =	vsel vm15, s31, v12  }
0x1cf: {  	v62 =	vmov s3;
	s11 =	sshra.s32 s11, $0x1F;
	s12 =	spop (v2sf);
	v27 =	vsel vm2, s29, v15;
	s29 =	sld [smem:$0x7C7];
	v12 =	vsel vm6, s8, v12  }
0x1d0: {  	v13 =	vsel vm1, s1, v62;
	s16 =	sshrl.u32 s14, $0x1F;
	s14 =	sshra.s32 s14, $0xD;
	v15 =	vsel vm4, s7, v27;
	s7 =	sld [smem:$0x7C8];
	v12 =	vsel vm9, s9, v12  }
0x1d1: {  	v13 =	vsel vm2, s4, v13;
	s17 =	sshra.s32 s12, $0x1F;
	s15 =	sshra.s32 s13, $0x1F;
	v12 =	vsel vm7, s10, v12;
	s10 =	sld [smem:$0x7C6]  }
0x1d2: {  	v63 =	vsel vm4, s2, v13;
	s0 =	smul.u32 $0x14F8B589, s17;
	s31 =	sshra.s32 s29, $0xD;
	s8 =	sld [smem:$0x7C9];
	v28 =	vmov s15  }
0x1d3: {  	v10 =	vsel vm8, s16, v10;
	s16 =	smulhi.u32 $0x14F8B589, s12;
	s4 =	sshra.s32 s29, $0x1F;
	v12 =	vsel vm3, s11, v12;
	v13 =	vsel vm11, s31, v28;
	s11 =	sld [smem:$0x7CA]  }
0x1d4: {  	s5 =	sshrl.u32 s29, $0x1F;
	v13 =	vsel vm10, s4, v13;
	s4 =	sld [smem:$0x7CE];
	s18 =	sshrl.u32 s10, $0x1F  }
0x1d5: {  	s3 =	sshrl.u32 s7, $0x1F;
	s29 =	sadd.s32 s0, s16;
	v17 =	vmov s18;
	s18 =	sld [smem:$0x7CD]  }
0x1d6: {  	s9 =	sshrl.u32 s8, $0x1F;
	v16 =	vsel vm8, s14, v12;
	s14 =	sshrl.u32 s6, $0x1F;
	v29 =	vsel vm1, s3, v17;
	s3 =	sld [smem:$0x7D1]  }
0x1d7: {  	s12 =	sshra.s32 s11, $0xD;
	s15 =	sshra.s32 s11, $0x1F;
	v12 =	vsel vm2, s9, v29;
	s9 =	sld [smem:$0x7CC]  }
0x1d8: {  	s16 =	sshrl.u32 s11, $0x1F;
	v13 =	vsel vm1, s12, v13;
	s11 =	sshrl.u32 s4, $0x1F;
	v12 =	vsel vm4, s14, v12;
	s14 =	sld [smem:$0x7D0]  }
0x1d9: {  	v30 =	vmov s5;
	s2 =	sshra.s32 s4, $0xD;
	v13 =	vsel vm12, s15, v13;
	s31 =	sshra.s32 s18, $0xD;
	s1 =	sshrl.u32 s18, $0x1F  }
0x1da: {  	v17 =	vnsel vm11, $0x0, v30;
	s5 =	sshra.s32 s18, $0x1F;
	v13 =	vsel vm2, s31, v13;
	s31 =	sld [smem:$0x7D2];
	s17 =	sshrl.u32 s9, $0x1F  }
0x1db: {  	v17 =	vsel vm1, s16, v17;
	s18 =	sshrl.u32 s3, $0x1F;
	v13 =	vsel vm13, s5, v13;
	s5 =	sld [smem:$0x7CF];
	v18 =	vmov s17;
	s15 =	sshrl.u32 s14, $0x1F  }
0x1dc: {  	v17 =	vsel vm2, s1, v17;
	s16 =	sshra.s32 s14, $0xD;
	s17 =	sshra.s32 s14, $0x1F;
	v18 =	vsel vm1, s11, v18;
	s11 =	sld [smem:$0x7D3]  }
0x1dd: {  	v19 =	vsel vm4, s15, v17;
	v13 =	vsel vm4, s16, v13;
	s14 =	sshrl.u32 s31, $0x1F;
	s15 =	sshra.s32 s10, $0xD;
	s10 =	sld [smem:$0x7D4]  }
0x1de: {  	s12 =	sshrl.u32 s5, $0x1F;
	v13 =	vsel vm14, s17, v13;
	s17 =	sshra.s32 s31, $0xD;
	s31 =	sshra.s32 s31, $0x1F  }
0x1df: {  	v31 =	vsel vm5, s14, v19;
	v32 =	vmov s15;
	s14 =	smov.u32 s13;
	s15 =	sshrl.u32 s13, $0x1F;
	s13 =	sld [smem:$0x7D5]  }
0x1e0: {  	v18 =	vsel vm2, s12, v18;
	v13 =	vsel vm5, s17, v13;
	s12 =	sshra.s32 s8, $0xD;
	s17 =	sshra.s32 s6, $0xD;
	s16 =	sshrl.u32 s11, $0x1F  }
0x1e1: {  	v17 =	vsel vm4, s18, v18;
	s18 =	sshra.s32 s7, $0xD;
	s7 =	sshrl.u32 s10, $0x1F;
	s4 =	sshra.s32 s10, $0xD  }
0x1e2: {  	v18 =	vsel vm6, s16, v31;
	v19 =	vsel vm1, s18, v32;
	s18 =	sshra.s32 s9, $0xD;
	s9 =	sshra.s32 s10, $0x1F;
	s10 =	sld [smem:$0x7D6]  }
0x1e3: {  	s8 =	sshra.s32 s5, $0xD;
	s14 =	sshra.s32 s14, $0xD;
	v18 =	vsel vm7, s7, v18;
	s7 =	sld [smem:$0x7D7]  }
0x1e4: {  	v13 =	vsel vm15, s31, v13;
	s31 =	sshra.s32 s11, $0x1F;
	s6 =	sshra.s32 s13, $0x1F;
	v20 =	vmov s18;
	s18 =	sld [smem:$0x7D8]  }
0x1e5: {  	s16 =	sshra.s32 s11, $0xD;
	v21 =	vmov s6;
	s6 =	sld [smem:$0x7D9];
	s11 =	sshra.s32 s10, $0xD  }
0x1e6: {  	v19 =	vsel vm2, s12, v19;
	v13 =	vsel vm6, s16, v13;
	v18 =	vsel vm8, s15, v18;
	s15 =	sshra.s32 s10, $0x1F;
	s16 =	sshrl.u32 s10, $0x1F;
	s10 =	sld [smem:$0x7DB]  }
0x1e7: {  	s12 =	sshra.s32 s3, $0xD;
	v19 =	vsel vm4, s17, v19;
	v13 =	vsel vm9, s31, v13;
	v20 =	vsel vm1, s2, v20;
	s17 =	sshrl.u32 s7, $0x1F;
	s31 =	sshra.s32 s18, $0xD  }
0x1e8: {  	v13 =	vsel vm7, s4, v13;
	v20 =	vsel vm2, s8, v20;
	v21 =	vsel vm11, s11, v21;
	s8 =	sshrl.u32 s6, $0x1F;
	s1 =	sshra.s32 s6, $0xD;
	s6 =	sld [smem:$0x7DF]  }
0x1e9: {  	v13 =	vsel vm3, s9, v13;
	s5 =	sshra.s32 s18, $0x1F;
	v33 =	vsel vm10, s15, v21;
	v34 =	vmov s17;
	s17 =	sld [smem:$0x7DE];
	s11 =	sshra.s32 s10, $0xD  }
0x1ea: {  	v22 =	vsel vm4, s12, v20;
	v20 =	vsel vm8, s14, v13;
	v13 =	vsel vm1, s31, v33;
	s12 =	sshrl.u32 s10, $0x1F;
	s14 =	sshra.s32 s10, $0x1F;
	s10 =	sld [smem:$0x7DD]  }
0x1eb: {  	v23 =	vmov s16;
	v13 =	vsel vm12, s5, v13;
	s5 =	sld [smem:$0x7DA]  }
0x1ec: {  	s4 =	sshrl.u32 s18, $0x1F;
	v23 =	vnsel vm11, $0x0, v23;
	v13 =	vsel vm2, s11, v13;
	s11 =	sld [smem:$0x7E0]  }
0x1ed: {  	v23 =	vsel vm1, s4, v23;
	s4 =	sld [smem:$0x7DC];
	s31 =	sshra.s32 s17, $0xD;
	v13 =	vsel vm13, s14, v13  }
0x1ee: {  	v21 =	vsel vm1, s8, v34;
	s18 =	sshrl.u32 s17, $0x1F;
	s8 =	sshra.s32 s17, $0x1F;
	s16 =	sshrl.u32 s10, $0x1F;
	v13 =	vsel vm4, s31, v13  }
0x1ef: {  	v23 =	vsel vm2, s12, v23;
	s9 =	sshrl.u32 s5, $0x1F;
	s12 =	sshrl.u32 s11, $0x1F;
	v13 =	vsel vm14, s8, v13;
	s8 =	sld [smem:$0x7E1]  }
0x1f0: {  	v23 =	vsel vm4, s18, v23;
	v24 =	vmov s16;
	s16 =	sshra.s32 s11, $0xD;
	s17 =	sshra.s32 s11, $0x1F;
	s11 =	sld [smem:$0x7E4]  }
0x1f1: {  	v21 =	vsel vm2, s9, v21;
	s9 =	sshrl.u32 s6, $0x1F;
	v23 =	vsel vm5, s12, v23;
	s12 =	sld [smem:$0x7E2]  }
0x1f2: {  	s15 =	sshrl.u32 s4, $0x1F;
	v24 =	vsel vm1, s9, v24;
	v13 =	vsel vm5, s16, v13;
	s9 =	sld [smem:$0x7E3]  }
0x1f3: {  	v13 =	vsel vm15, s17, v13;
	s17 =	sshra.s32 s5, $0xD;
	s5 =	sshra.s32 s6, $0xD;
	s14 =	sshrl.u32 s8, $0x1F  }
0x1f4: {  	v21 =	vsel vm4, s15, v21;
	s31 =	sshrl.u32 s11, $0x1F;
	s6 =	sshra.s32 s11, $0xD;
	s15 =	sshrl.u32 s12, $0x1F  }
0x1f5: {  	v24 =	vsel vm2, s14, v24;
	s18 =	sshrl.u32 s9, $0x1F;
	s14 =	sshra.s32 s7, $0xD;
	s7 =	sshra.s32 s8, $0xD  }
0x1f6: {  	s8 =	sshra.s32 s9, $0xD;
	s9 =	sshra.s32 s11, $0x1F;
	s11 =	sld [smem:$0x7E5];
	v23 =	vsel vm6, s15, v23  }
0x1f7: {  	v24 =	vsel vm4, s18, v24;
	s15 =	sshrl.u32 s13, $0x1F;
	v25 =	vmov s14;
	s18 =	sshra.s32 s10, $0xD;
	s14 =	sld [smem:$0x7E6];
	v23 =	vsel vm7, s31, v23  }
0x1f8: {  	v25 =	vsel vm1, s1, v25;
	v26 =	vmov s18;
	v23 =	vsel vm8, s15, v23;
	s15 =	sld [smem:$0x7E7]  }
0x1f9: {  	s16 =	sshra.s32 s12, $0xD;
	v25 =	vsel vm2, s17, v25;
	v26 =	vsel vm1, s5, v26;
	s17 =	sld [smem:$0x7E8]  }
0x1fa: {  	s4 =	sshra.s32 s4, $0xD;
	v13 =	vsel vm6, s16, v13;
	s31 =	sshra.s32 s12, $0x1F;
	v35 =	vsel vm2, s7, v26;
	s7 =	sld [smem:$0x7EA]  }
0x1fb: {  	s10 =	sshra.s32 s13, $0xD;
	v13 =	vsel vm9, s31, v13;
	s13 =	sshra.s32 s14, $0x1F;
	v28 =	vsel vm4, s8, v35;
	s8 =	sld [smem:$0x7E9]  }
0x1fc: {  	s12 =	sshrl.u32 s11, $0x1F;
	s0 =	sshra.s32 s11, $0xD;
	v13 =	vsel vm7, s6, v13;
	v36 =	vmov s13;
	s13 =	sld [smem:$0x7EC]  }
0x1fd: {  	v13 =	vsel vm3, s9, v13;
	s16 =	sshrl.u32 s15, $0x1F;
	s18 =	sshrl.u32 s17, $0x1F;
	s31 =	sshra.s32 s17, $0xD  }
0x1fe: {  	v27 =	vsel vm4, s4, v25;
	v25 =	vsel vm8, s10, v13;
	s2 =	sshra.s32 s15, $0xD;
	v37 =	vmov s16;
	s9 =	sshrl.u32 s7, $0x1F;
	s10 =	sshra.s32 s7, $0xD  }
0x1ff: {  	s11 =	sshra.s32 s7, $0x1F;
	s7 =	sld [smem:$0x7EE];
	v26 =	vsel vm1, s12, v37;
	s6 =	sshrl.u32 s8, $0x1F  }
0x200: {  	s5 =	sshra.s32 s17, $0x1F;
	v29 =	vmov s18;
	s15 =	sshrl.u32 s13, $0x1F;
	v26 =	vsel vm2, s6, v26;
	s6 =	sld [smem:$0x7EB]  }
0x201: {  	v13 =	vsel vm11, s31, v36;
	v29 =	vnsel vm11, $0x0, v29;
	s18 =	sshra.s32 s13, $0xD;
	s31 =	sshra.s32 s13, $0x1F;
	s13 =	sld [smem:$0x7F0]  }
0x202: {  	v13 =	vsel vm10, s5, v13;
	v30 =	vsel vm1, s9, v29  }
0x203: {  	v13 =	vsel vm1, s10, v13;
	s10 =	sld [smem:$0x7ED];
	v38 =	vsel vm2, s15, v30;
	s17 =	sshrl.u32 s7, $0x1F;
	s12 =	sshrl.u32 s6, $0x1F  }
0x204: {  	s5 =	sld [smem:$0x7EF];
	s9 =	sshrl.u32 s13, $0x1F;
	v29 =	vsel vm4, s12, v26;
	v26 =	vsel vm4, s17, v38  }
0x205: {  	v26 =	vsel vm5, s9, v26;
	s9 =	sld [smem:$0x7F1]  }
0x206: {  	s1 =	sld [smem:$0x7F6];
	v13 =	vsel vm12, s11, v13;
	s16 =	sshrl.u32 s10, $0x1F  }
0x207: {  	v13 =	vsel vm2, s18, v13;
	s4 =	sshrl.u32 s5, $0x1F;
	v39 =	vmov s16;
	s12 =	sld [smem:$0x7F2];
	s16 =	sshra.s32 s7, $0xD  }
0x208: {  	v13 =	vsel vm13, s31, v13;
	s17 =	sshra.s32 s7, $0x1F;
	s7 =	rddreg [dreg:$0x1e];
	v30 =	vsel vm1, s4, v39;
	s11 =	sshrl.u32 s9, $0x1F  }
0x209: {  	s8 =	sshra.s32 s8, $0xD;
	v13 =	vsel vm4, s16, v13;
	s18 =	sshrl.u32 s7, $0x1F;
	v30 =	vsel vm2, s11, v30;
	s11 =	sld [smem:$0x7F3]  }
0x20a: {  	s16 =	sshra.s32 s13, $0xD;
	s4 =	sshra.s32 s5, $0xD;
	v13 =	vsel vm14, s17, v13;
	s17 =	sshra.s32 s6, $0xD  }
0x20b: {  	s15 =	sshrl.u32 s12, $0x1F;
	s6 =	sshra.s32 s12, $0xD;
	v34 =	vsel vm4, s18, v30;
	s18 =	sshra.s32 s10, $0xD  }
0x20c: {  	v13 =	vsel vm5, s16, v13;
	s16 =	rddreg [dreg:$0x1f];
	v26 =	vsel vm6, s15, v26;
	s15 =	sshrl.u32 s14, $0x1F;
	v41 =	vmov s18;
	s31 =	sshrl.u32 s11, $0x1F  }
0x20d: {  	v40 =	vmov s2;
	v30 =	vsel vm1, s4, v41;
	v26 =	vsel vm7, s31, v26;
	s31 =	sshra.s32 s13, $0x1F;
	s13 =	sshra.s32 s14, $0xD;
	s14 =	sld [smem:$0x7F4]  }
0x20e: {  	s5 =	sshra.s32 s9, $0xD;
	s9 =	sshra.s32 s12, $0x1F;
	s18 =	sld [smem:$0x7F5];
	v32 =	vsel vm8, s15, v26;
	v26 =	vsel vm1, s0, v40;
	v13 =	vsel vm15, s31, v13  }
0x20f: {  	s3 =	sshra.s32 s16, $0xD;
	v42 =	vsel vm2, s5, v30;
	v26 =	vsel vm2, s8, v26;
	v13 =	vsel vm6, s6, v13;
	s8 =	sshra.s32 s7, $0xD;
	s6 =	rddreg [dreg:$0x1a]  }
0x210: {  	s10 =	sshra.s32 s11, $0xD;
	v13 =	vsel vm9, s9, v13;
	s15 =	sshrl.u32 s14, $0x1F;
	v35 =	vsel vm4, s8, v42;
	s8 =	sld [smem:$0x7F7]  }
0x211: {  	s12 =	sshra.s32 s11, $0x1F;
	v33 =	vsel vm4, s17, v26;
	s17 =	sshrl.u32 s16, $0x1F;
	v13 =	vsel vm7, s10, v13;
	v43 =	vmov s15;
	s10 =	rddreg [dreg:$0x1c]  }
0x212: {  	s5 =	sshrl.u32 s1, $0x1F;
	s31 =	sshrl.u32 s18, $0x1F;
	s15 =	sld [smem:$0x7F9];
	v26 =	vsel vm1, s17, v43  }
0x213: {  	s4 =	sshra.s32 s1, $0xD;
	v44 =	vmov s31;
	v13 =	vsel vm3, s12, v13;
	s7 =	sshrl.u32 s10, $0x1F;
	s12 =	sld [smem:$0x7F8];
	v45 =	vsel vm2, s5, v26  }
0x214: {  	s0 =	sshra.s32 s14, $0xD;
	v30 =	vnsel vm11, $0x0, v44;
	s9 =	sshrl.u32 s8, $0x1F;
	v26 =	vsel vm4, s7, v45;
	s7 =	rddreg [dreg:$0x1d]  }
0x215: {  	s16 =	sshra.s32 s18, $0xD;
	v46 =	vsel vm1, s9, v30;
	s14 =	sshrl.u32 s15, $0x1F;
	s9 =	rddreg [dreg:$0x1b]  }
0x216: {  	v36 =	vsel vm8, s13, v13;
	s11 =	sshra.s32 s12, $0x1F;
	s13 =	sshrl.u32 s7, $0x1F;
	v13 =	vsel vm2, s14, v46;
	s14 =	sld [smem:$0x7FA]  }
0x217: {  	s17 =	sshra.s32 s18, $0x1F;
	s18 =	sshrl.u32 s6, $0x1F;
	v47 =	vmov s11;
	v31 =	vmov s13;
	s13 =	sld [smem:$0x7FB]  }
0x218: {  	s1 =	sshra.s32 s10, $0xD;
	s10 =	sld [smem:$0x7FD];
	s5 =	sshrl.u32 s9, $0x1F;
	v30 =	vsel vm11, s16, v47  }
0x219: {  	v31 =	vsel vm1, s18, v31;
	s16 =	sshra.s32 s8, $0xD;
	s31 =	sshrl.u32 s14, $0x1F;
	v30 =	vsel vm10, s17, v30;
	s17 =	sshra.s32 s8, $0x1F  }
0x21a: {  	v31 =	vsel vm2, s5, v31;
	s8 =	rddreg [dreg:$0x19];
	s5 =	sshra.s32 s6, $0xD;
	v13 =	vsel vm4, s31, v13;
	s11 =	sshrl.u32 s13, $0x1F  }
0x21b: {  	s6 =	sshra.s32 s9, $0xD;
	v37 =	vsel vm1, s16, v30;
	s18 =	sshrl.u32 s8, $0x1F;
	v13 =	vsel vm5, s11, v13;
	s11 =	sld [smem:$0x7FC]  }
0x21c: {  	s16 =	sshrl.u32 s10, $0x1F;
	s8 =	sshra.s32 s8, $0xD;
	v48 =	vsel vm12, s17, v37;
	s17 =	sshra.s32 s15, $0xD  }
0x21d: {  	v30 =	vsel vm4, s18, v31;
	s18 =	sshra.s32 s15, $0x1F;
	s15 =	sshra.s32 s7, $0xD;
	v38 =	vsel vm2, s17, v48;
	s17 =	sshra.s32 s14, $0xD  }
0x21e: {  	v49 =	vld [tilespmem:$0xF0];
	v38 =	vsel vm13, s18, v38;
	s18 =	sshra.s32 s14, $0x1F;
	s31 =	sshrl.u32 s11, $0x1F;
	s7 =	sshra.s32 s11, $0xD  }
0x21f: {  	v38 =	vsel vm4, s17, v38;
	s9 =	sshra.s32 s11, $0x1F;
	s11 =	sshra.s32 s12, $0xD;
	s17 =	rddreg [dreg:$0x16];
	v13 =	vsel vm6, s31, v13  }
0x220: {  	v39 =	vld [tilespmem:$0x70];
	v50 =	vmov s0;
	s31 =	sshrl.u32 s12, $0x1F;
	v38 =	vsel vm14, s18, v38;
	s18 =	sshrl.u32 s17, $0x1F;
	v13 =	vsel vm7, s16, v13;
	s16 =	rddreg [dreg:$0x17]  }
0x221: {  	v53 =	vmov s18;
	s18 =	rddreg [dreg:$0x11];
	v31 =	vsel vm8, s31, v13;
	v13 =	vsel vm1, s3, v50;
	s31 =	sshra.s32 s13, $0xD;
	s12 =	sshrl.u32 s16, $0x1F  }
0x222: {  	(v2sf) =	vpush v8, $0x2;
	s2 =	sshra.s32 s16, $0xD;
	v13 =	vsel vm2, s4, v13;
	s4 =	sshra.s32 s13, $0x1F;
	v38 =	vsel vm5, s31, v38;
	s31 =	rddreg [dreg:$0x18]  }
0x223: {  	v40 =	vmul.u32 $0x3F1, v49;
	s13 =	sshra.s32 s10, $0xD;
	s10 =	sshra.s32 s10, $0x1F;
	v37 =	vsel vm4, s1, v13;
	s1 =	rddreg [dreg:$0x14]  }
0x224: {  	(v2sf) =	vpush v8, $0x3;
	v52 =	vmov s15;
	v51 =	vsel vm15, s4, v38;
	s4 =	sshra.s32 s17, $0xD;
	s14 =	sshrl.u32 s31, $0x1F;
	s17 =	rddreg [dreg:$0x13]  }
0x225: {  	(v2sf) =	vpush v8, $0x4;
	v62 =	vld [tilespmem:$0x1FFF0];
	s3 =	sshra.s32 s31, $0xD;
	v13 =	vadd.s32 v39, v40;
	v39 =	vsel vm1, s5, v52;
	s31 =	rddreg [dreg:$0x12];
	s15 =	sshrl.u32 s1, $0x1F  }
0x226: {  	(v2sf) =	vpush v8, $0x5;
	v38 =	vsel vm6, s7, v51;
	s0 =	sshra.s32 s1, $0xD;
	s7 =	rddreg [dreg:$0x15];
	v39 =	vsel vm2, s6, v39;
	s6 =	sshra.s32 s18, $0xD  }
0x227: {  	(v2sf) =	vpush v8, $0x6;
	s5 =	sshra.s32 s31, $0xD;
	s16 =	sshrl.u32 s7, $0x1F;
	s1 =	sshra.s32 s7, $0xD  }
0x228: {  	(v2sf) =	vpush v8, $0x7;
	v40 =	vsel vm1, s12, v53;
	v38 =	vsel vm9, s9, v38;
	s9 =	sshrl.u32 s17, $0x1F;
	s7 =	sshra.s32 s17, $0xD;
	s17 =	rddreg [dreg:$0x10]  }
0x229: {  	v11 =	vcombine.low v60, v9;
	v40 =	vsel vm2, s14, v40;
	v38 =	vsel vm7, s13, v38;
	s13 =	sshrl.u32 s31, $0x1F;
	s31 =	sshra.s32 s30, $0x1F;
	s14 =	sshra.s32 s17, $0xD  }
0x22a: {  	vm0 =	vnez.u8 v62;
	v38 =	vsel vm3, s10, v38;
	s10 =	sshrl.u32 s18, $0x1F;
	s18 =	sshrl.u32 s17, $0x1F;
	v42 =	vmov s31;
	s31 =	rddreg [dreg:$0xe]  }
0x22b: {  	v14 =	vcombine.low v15, v63;
	v11 =	vperm.xlane v11, v0;
	v38 =	vsel vm8, s11, v38;
	s11 =	sshra.s32 s17, $0x1F;
	s17 =	rddreg [dreg:$0xf];
	s12 =	sshra.s32 s31, $0x1F  }
0x22c: {  	v39 =	vsel vm4, s8, v39;
	v41 =	vmov s18;
	v42 =	vsel vm11, s14, v42;
	s18 =	sshrl.u32 s17, $0x1F;
	s8 =	sshra.s32 s17, $0xD;
	s14 =	sshra.s32 s17, $0x1F  }
0x22d: {  	v10 =	vperm.xlane v10, v1;
	(v2sf) =	vpush v13, $0xD;
	s17 =	sshrl.u32 s31, $0x1F;
	v42 =	vsel vm10, s11, v42;
	s11 =	sshra.s32 s31, $0xD;
	s31 =	rddreg [dreg:$0xd]  }
0x22e: {  	(v2sf) =	vpush v13, $0xC;
	v40 =	vsel vm4, s15, v40;
	v41 =	vnsel vm11, $0x0, v41;
	s15 =	sshrl.u32 s31, $0x1F  }
0x22f: {  	v43 =	vmov s9;
	v41 =	vsel vm1, s18, v41;
	v42 =	vsel vm1, s8, v42;
	s8 =	sshra.s32 s31, $0xD;
	s9 =	sshra.s32 s31, $0x1F;
	s31 =	rddreg [dreg:$0xc]  }
0x230: {  	v14 =	vperm.xlane v14, v0;
	(v2sf) =	vpush v13, $0xE;
	v41 =	vsel vm2, s17, v41;
	s17 =	sshrl.u32 s31, $0x1F  }
0x231: {  	v43 =	vsel vm1, s16, v43;
	v42 =	vsel vm12, s14, v42;
	s14 =	sshra.s32 s31, $0xD;
	v41 =	vsel vm4, s15, v41;
	s15 =	sshra.s32 s31, $0x1F;
	s31 =	spop (v2sf)  }
0x232: {  	v43 =	vsel vm2, s10, v43;
	v42 =	vsel vm2, s11, v42;
	(v2sf) =	vpush v13, $0xF;
	s11 =	smulhi.u32 $0x14F8B589, s31;
	s16 =	sshra.s32 s31, $0x1F;
	s31 =	rddreg [dreg:$0xb]  }
0x233: {  	v41 =	vsel vm5, s17, v41;
	v42 =	vsel vm13, s12, v42;
	(v2sf) =	vpush v13, $0x9;
	s18 =	sshrl.u32 s31, $0x1F;
	s10 =	smul.u32 $0x14F8B589, s16  }
0x234: {  	v10 =	vsel vm0, v10, v11;
	s12 =	sshrl.u32 s30, $0x1F;
	s16 =	spop (v2sf);
	v44 =	vsel vm4, s8, v42;
	v41 =	vsel vm6, s18, v41;
	s18 =	rddreg [dreg:$0xa]  }
0x235: {  	v16 =	vperm.xlane v16, v1;
	v55 =	vmov s4;
	s8 =	spop (v2sf);
	v54 =	vsel vm14, s9, v44;
	s9 =	sshra.s32 s31, $0x1F;
	s17 =	sshrl.u32 s18, $0x1F  }
0x236: {  	v42 =	vsel vm4, s13, v43;
	v44 =	vsel vm1, s2, v55;
	s13 =	spop (v2sf);
	v43 =	vsel vm5, s14, v54;
	s14 =	sshra.s32 s16, $0x1F;
	s2 =	sshra.s32 s18, $0x1F  }
0x237: {  	v12 =	vcombine.low v17, v12;
	v45 =	vmov s7;
	v44 =	vsel vm2, s3, v44;
	s3 =	sshra.s32 s30, $0xD;
	s7 =	sshra.s32 s8, $0x1F;
	s30 =	sshrl.u32 s26, $0x1F  }
0x238: {  	v63 =	vsel vm0, v16, v14;
	v41 =	vsel vm7, s17, v41;
	s17 =	sshra.s32 s31, $0xD;
	s31 =	sshra.s32 s18, $0xD;
	v43 =	vsel vm15, s15, v43;
	s15 =	smul.u32 $0x14F8B589, s14  }
0x239: {  	v12 =	vperm.xlane v12, v0;
	v56 =	vsel vm1, s1, v45;
	s14 =	sshrl.u32 s28, $0x1F;
	v41 =	vsel vm8, s12, v41;
	s12 =	smulhi.u32 $0x14F8B589, s16;
	s16 =	spop (v2sf)  }
0x23a: {  	(v2sf) =	vpush v13, $0x8;
	v43 =	vsel vm6, s17, v43;
	s17 =	smulhi.u32 $0x14F8B589, s8;
	v47 =	vmov s14;
	s14 =	sshrl.u32 s21, $0x1F;
	s18 =	spop (v2sf)  }
0x23b: {  	v46 =	vsel vm9, s9, v43;
	s9 =	sshrl.u32 s25, $0x1F;
	v43 =	vsel vm4, s0, v44;
	v44 =	vsel vm2, s6, v56;
	s0 =	smul.u32 $0x14F8B589, s7;
	s6 =	sshrl.u32 s22, $0x1F  }
0x23c: {  	v52 =	vcombine.low v22, v19;
	(v2sf) =	vpush v13, $0xA;
	s7 =	sshrl.u32 s23, $0x1F;
	s4 =	spop (v2sf);
	v57 =	vsel vm7, s31, v46;
	s31 =	sshrl.u32 s24, $0x1F  }
0x23d: {  	(v2sf) =	vpush v13, $0xB;
	v45 =	vsel vm4, s5, v44;
	v58 =	vsel vm1, s9, v47;
	s5 =	sadd.s32 s10, s11;
	s9 =	smulhi.u32 $0x14F8B589, s13;
	s13 =	sshra.s32 s13, $0x1F  }
0x23e: {  	v17 =	vperm.xlane v52, v0;
	(v2sf) =	vpush v13, $0x0;
	s11 =	sshrl.u32 s20, $0x1F;
	v60 =	vmov s7;
	s7 =	sadd.s32 s15, s12;
	s12 =	smulhi.u32 $0x14F8B589, s16  }
0x23f: {  	v61 =	vmov s14;
	s8 =	spop (v2sf);
	v46 =	vsel vm3, s2, v57;
	v59 =	vsel vm2, s30, v58;
	s1 =	smul.u32 $0x14F8B589, s13;
	s30 =	sshrl.u32 s29, $0x1F  }
0x240: {  	(v2sf) =	vpush v13, $0x1;
	s2 =	sadd.s32 s0, s17;
	s15 =	sshrl.u32 s5, $0x1F;
	v44 =	vsel vm8, s3, v46;
	s10 =	spop (v2sf);
	v46 =	vnsel vm11, $0x0, v61  }
0x241: {  	s17 =	smulhi.u32 $0x14F8B589, s18;
	(v2sf) =	vpush v13, $0x2;
	v9 =	vsel vm4, s31, v59;
	s31 =	sshra.s32 s16, $0x1F;
	v46 =	vsel vm1, s30, v46;
	s14 =	spop (v2sf)  }
0x242: {  	v55 =	vperm.xlane v20, v1;
	s18 =	sshra.s32 s18, $0x1F;
	s16 =	smul.u32 $0x14F8B589, s31;
	v46 =	vsel vm2, s15, v46;
	s15 =	spop (v2sf);
	(v2sf) =	vpush v13, $0x3  }
0x243: {  	v62 =	vcombine.low v28, v27;
	v48 =	vadd.s32 v10, v63;
	s20 =	sshra.s32 s20, $0xD;
	v15 =	vsel vm1, s6, v60;
	s3 =	sshrl.u32 s19, $0x1F;
	s31 =	smul.u32 $0x14F8B589, s18  }
0x244: {  	v54 =	vperm.xlane v18, v1;
	v17 =	vsel vm0, v55, v17;
	s13 =	sshrl.u32 s2, $0x1F;
	v15 =	vsel vm2, s3, v15;
	s3 =	sadd.s32 s1, s9;
	s30 =	sshrl.u32 s7, $0x1F  }
0x245: {  	v55 =	vperm.xlane v32, v1;
	v57 =	vmul.u32 $0x186A0, v48;
	v60 =	vcombine.low v24, v21;
	s1 =	sadd.s32 s16, s12;
	s0 =	sadd.s32 s31, s17;
	s16 =	sshrl.u32 s3, $0x1F  }
0x246: {  	v12 =	vsel vm0, v54, v12;
	v48 =	vcombine.low v34, v29;
	v34 =	vcombine.low v30, v26;
	s17 =	sshra.s32 s28, $0xD;
	s28 =	sshra.s32 s25, $0xD;
	s31 =	sshra.s32 s26, $0xD  }
0x247: {  	v61 =	vadd.s32 v12, v17;
	v3 =	vsub.s32 v3, v57;
	v46 =	vsel vm4, s30, v46;
	s25 =	sshra.s32 s21, $0x1F;
	s26 =	smulhi.u32 $0x14F8B589, s4;
	s4 =	sshra.s32 s4, $0x1F  }
0x248: {  	v63 =	vperm.xlane v60, v0;
	v47 =	vsel vm5, s13, v46;
	v50 =	vmov s17;
	s18 =	sshrl.u32 s1, $0x1F;
	s30 =	sshrl.u32 s0, $0x1F;
	s17 =	sshra.s32 s0, $0x1F  }
0x249: {  	v60 =	vperm.xlane v36, v1;
	v36 =	vcombine.low v42, v40;
	s4 =	smul.u32 $0x14F8B589, s4;
	v49 =	vsel vm6, s16, v47;
	s16 =	sshra.s32 s24, $0xD;
	s24 =	sshra.s32 s19, $0xD  }
0x24a: {  	v40 =	vperm.xlane v38, v1;
	v51 =	vsel vm1, s28, v50;
	s28 =	sshra.s32 s29, $0xD;
	v10 =	vsel vm7, s18, v49;
	s18 =	sshra.s32 s22, $0xD;
	s22 =	sshra.s32 s23, $0xD  }
0x24b: {  	v42 =	vcombine.low v45, v43;
	v14 =	vsel vm4, s11, v15;
	vm9 =	vlt.s32 v3, $0x0;
	s23 =	sshra.s32 s21, $0xD;
	s21 =	smulhi.u32 $0x14F8B589, s14;
	s13 =	spop (v2sf)  }
0x24c: {  	v54 =	vadd.s32 $0x186A0, v3;
	v53 =	vsel vm2, s31, v51;
	s31 =	sshra.s32 s29, $0x1F;
	v11 =	vsel vm8, s30, v10;
	s30 =	smulhi.u32 $0x14F8B589, s8;
	s12 =	spop (v2sf)  }
0x24d: {  	v15 =	vmul.u32 $0x186A0, v61;
	v56 =	vmov s17;
	v59 =	vmov s22;
	s8 =	sshra.s32 s8, $0x1F;
	s22 =	smulhi.u32 $0x14F8B589, s10;
	s9 =	spop (v2sf)  }
0x24e: {  	v3 =	vsel vm9, v54, v3;
	(v2sf) =	vpush v13, $0x4;
	v58 =	vsel vm11, s23, v56;
	s10 =	sshra.s32 s10, $0x1F;
	s8 =	smul.u32 $0x14F8B589, s8;
	s6 =	spop (v2sf)  }
0x24f: {  	v9 =	vcombine.low v14, v9;
	s23 =	sshra.s32 s15, $0x1F;
	v16 =	vsel vm10, s25, v58;
	s29 =	smul.u32 $0x14F8B589, s10;
	(v2sf) =	vpush v13, $0x5;
	s11 =	spop (v2sf)  }
0x250: {  	s14 =	sshra.s32 s14, $0x1F;
	v18 =	vsel vm1, s18, v59;
	s18 =	smul.u32 $0x14F8B589, s23;
	v16 =	vsel vm1, s28, v16;
	(v2sf) =	vpush v13, $0x6;
	s10 =	spop (v2sf)  }
0x251: {  	v45 =	vperm.xlane v36, v0;
	s28 =	sshra.s32 s5, $0xD;
	v16 =	vsel vm12, s31, v16;
	s31 =	smul.u32 $0x14F8B589, s14;
	s14 =	spop (v2sf);
	(v2sf) =	vpush v13, $0x7  }
0x252: {  	v46 =	vperm.xlane v23, v1;
	v2 =	vsub.s32 v2, v15;
	s5 =	sshra.s32 s5, $0x1F;
	v52 =	vsel vm2, s24, v18;
	s8 =	sadd.s32 s8, s30;
	s30 =	sshra.s32 s7, $0xD  }
0x253: {  	v47 =	vperm.xlane v62, v0;
	s7 =	sshra.s32 s7, $0x1F;
	v57 =	vsel vm4, s20, v52;
	s17 =	sadd.s32 s29, s22;
	v16 =	vsel vm2, s28, v16;
	s20 =	smulhi.u32 $0x14F8B589, s12  }
0x254: {  	v50 =	vperm.xlane v48, v0;
	vm9 =	vlt.s32 v2, $0x0;
	s24 =	sshrl.u32 s8, $0x1F;
	s28 =	sshra.s32 s2, $0xD;
	v51 =	vsel vm13, s5, v16;
	s5 =	smulhi.u32 $0x14F8B589, s15  }
0x255: {  	v27 =	vadd.s32 $0x186A0, v2;
	v48 =	vperm.xlane v44, v1;
	v9 =	vperm.xlane v9, v0;
	s29 =	sshra.s32 s12, $0x1F;
	s15 =	sadd.s32 s4, s26;
	s26 =	smulhi.u32 $0x14F8B589, s13  }
0x256: {  	v49 =	vperm.xlane v25, v1;
	v17 =	vsel vm0, v46, v63;
	v46 =	vperm.xlane v41, v1;
	s8 =	sshra.s32 s8, $0xD;
	s12 =	sadd.s32 s31, s21;
	s31 =	smul.u32 $0x14F8B589, s29  }
0x257: {  	v10 =	vsel vm4, s16, v53;
	v56 =	vcombine.low v35, v33;
	v62 =	vsel vm0, v55, v50;
	s2 =	sshra.s32 s2, $0x1F;
	s13 =	sshra.s32 s13, $0x1F;
	s23 =	smulhi.u32 $0x14F8B589, s9  }
0x258: {  	v35 =	vcombine.low v39, v37;
	v61 =	vsel vm0, v49, v47;
	v59 =	vmov s24;
	s24 =	sshra.s32 s9, $0x1F;
	s25 =	sshrl.u32 s15, $0x1F;
	s13 =	smul.u32 $0x14F8B589, s13  }
0x259: {  	v11 =	vperm.xlane v11, v1;
	v25 =	vperm.xlane v56, v0;
	v53 =	vsel vm4, s30, v51;
	s30 =	sshrl.u32 s17, $0x1F;
	s29 =	smulhi.u32 $0x14F8B589, s6;
	s6 =	sshra.s32 s6, $0x1F  }
0x25a: {  	v39 =	vperm.xlane v31, v1;
	v47 =	vperm.xlane v42, v0;
	v23 =	vadd.s32 v17, v61;
	s15 =	sshra.s32 s15, $0xD;
	s17 =	sshra.s32 s17, $0xD;
	s6 =	smul.u32 $0x14F8B589, s6  }
0x25b: {  	v15 =	vmul.u32 $0x186A0, v23;
	v9 =	vsel vm0, v11, v9;
	v63 =	vsel vm0, v60, v25;
	s9 =	sadd.s32 s18, s5;
	s16 =	sadd.s32 s31, s20;
	s20 =	smulhi.u32 $0x14F8B589, s11  }
0x25c: {  	v10 =	vcombine.low v57, v10;
	v58 =	vsel vm14, s7, v53;
	v18 =	vsel vm1, s25, v59;
	s31 =	sshra.s32 s11, $0x1F;
	s13 =	sadd.s32 s13, s26;
	s26 =	smul.u32 $0x14F8B589, s24  }
0x25d: {  	v24 =	vadd.s32 v62, v63;
	v16 =	vsel vm5, s28, v58;
	v18 =	vsel vm2, s30, v18;
	s28 =	sshrl.u32 s9, $0x1F;
	s30 =	sshrl.u32 s12, $0x1F;
	s4 =	spop (v2sf)  }
0x25e: {  	v15 =	vsub.s32 v4, v15;
	v4 =	vsel vm9, v27, v2;
	v37 =	vmov s8;
	s19 =	sshrl.u32 s16, $0x1F;
	s21 =	smul.u32 $0x14F8B589, s31;
	s5 =	spop (v2sf)  }
0x25f: {  	v17 =	vmul.u32 $0x186A0, v24;
	vm10 =	vlt.s32 v15, $0x0;
	v28 =	vadd.s32 $0x186A0, v15;
	s24 =	smulhi.u32 $0x14F8B589, s10;
	s25 =	sshrl.u32 s13, $0x1F;
	s7 =	spop (v2sf)  }
0x260: {  	v10 =	vperm.xlane v10, v0;
	v2 =	vsel vm10, v28, v15;
	v25 =	vmov s25;
	s11 =	sadd.s32 s26, s23;
	s25 =	smulhi.u32 $0x14F8B589, s14;
	s26 =	spop (v2sf)  }
0x261: {  	v15 =	vperm.xlane v34, v0;
	v21 =	vsel vm1, s15, v37;
	s10 =	sshra.s32 s10, $0x1F;
	v19 =	vsel vm1, s28, v25;
	s28 =	smulhi.u32 $0x14F8B589, s26;
	s15 =	sshra.s32 s26, $0x1F  }
0x262: {  	v6 =	vsub.s32 v6, v17;
	v21 =	vsel vm2, s17, v21;
	s12 =	sshra.s32 s12, $0xD;
	v32 =	vsel vm4, s30, v18;
	s14 =	sshra.s32 s14, $0x1F;
	s30 =	smul.u32 $0x14F8B589, s15  }
0x263: {  	s9 =	sshra.s32 s9, $0xD;
	vm9 =	vlt.s32 v6, $0x0;
	v29 =	vadd.s32 $0x186A0, v6;
	s29 =	sadd.s32 s6, s29;
	v15 =	vsel vm0, v39, v15;
	s14 =	smul.u32 $0x14F8B589, s14  }
0x264: {  	s13 =	sshra.s32 s13, $0xD;
	v49 =	vsel vm4, s12, v21;
	s12 =	sshra.s32 s3, $0xD;
	v16 =	vsel vm15, s2, v16;
	v6 =	vsel vm9, v29, v6;
	s6 =	sadd.s32 s30, s28  }
0x265: {  	v50 =	vmov s13;
	s22 =	sshrl.u32 s29, $0x1F;
	vm9 =	vcmask $0x704;
	v16 =	vsel vm6, s12, v16;
	s8 =	sadd.s32 s14, s25;
	s14 =	sshra.s32 s6, $0x1F  }
0x266: {  	s10 =	smul.u32 $0x14F8B589, s10;
	s31 =	sadd.s32 s21, s20;
	s17 =	sshra.s32 s29, $0xD;
	v21 =	vsel vm1, s9, v50;
	v57 =	vmov s22;
	v51 =	vmov s14  }
0x267: {  	s20 =	sshra.s32 s29, $0x1F;
	s23 =	sshrl.u32 s11, $0x1F;
	v33 =	vsel vm2, s19, v19;
	v19 =	vperm.xlane v35, v0;
	s19 =	sshra.s32 s16, $0xD;
	v22 =	vsel vm11, s17, v51  }
0x268: {  	s10 =	sadd.s32 s10, s24;
	s24 =	sshra.s32 s31, $0xD;
	s11 =	sshra.s32 s11, $0xD;
	v18 =	vsel vm4, s23, v33;
	v52 =	vsel vm2, s19, v21;
	v53 =	vsel vm9, s20, v22  }
0x269: {  	s23 =	sshrl.u32 s31, $0x1F;
	v43 =	vsel vm0, v40, v19;
	v19 =	vsel vm0, v46, v45;
	s25 =	sshrl.u32 s10, $0x1F;
	s15 =	sshra.s32 s31, $0x1F;
	v54 =	vsel vm1, s24, v53  }
0x26a: {  	v55 =	vcombine.low v18, v32;
	v56 =	vsel vm4, s11, v52;
	s26 =	smulhi.u32 $0x14F8B589, s4;
	s4 =	sshra.s32 s4, $0x1F;
	s28 =	sshra.s32 s10, $0xD;
	v11 =	vsel vm12, s15, v54  }
0x26b: {  	v18 =	vnsel vm11, $0x0, v57;
	v14 =	vadd.s32 v15, v43;
	s29 =	sshrl.u32 s8, $0x1F;
	s4 =	smul.u32 $0x14F8B589, s4;
	s10 =	sshra.s32 s10, $0x1F;
	v11 =	vsel vm2, s28, v11  }
0x26c: {  	v15 =	vsel vm0, v48, v47;
	v17 =	vcombine.low v56, v49;
	s31 =	sshra.s32 s8, $0xD;
	s30 =	smulhi.u32 $0x14F8B589, s5;
	s5 =	sshra.s32 s5, $0x1F;
	v11 =	vsel vm13, s10, v11  }
0x26d: {  	v18 =	vsel vm1, s23, v18;
	v15 =	vadd.s32 v19, v15;
	s8 =	sshra.s32 s8, $0x1F;
	s4 =	sadd.s32 s4, s26;
	s5 =	smul.u32 $0x14F8B589, s5;
	v11 =	vsel vm4, s31, v11  }
0x26e: {  	v14 =	vmul.u32 $0x186A0, v14;
	v12 =	vperm.xlane v55, v0;
	s11 =	sshra.s32 s4, $0xD;
	s10 =	smulhi.u32 $0x14F8B589, s7;
	s7 =	sshra.s32 s7, $0x1F;
	v11 =	vsel vm14, s8, v11  }
0x26f: {  	v15 =	vmul.u32 $0x186A0, v15;
	v58 =	vperm.xlane v17, v0;
	s12 =	sshra.s32 s4, $0x1F;
	s5 =	sadd.s32 s5, s30;
	s7 =	smul.u32 $0x14F8B589, s7;
	v11 =	vsel vm5, s11, v11  }
0x270: {  	s18 =	sshra.s32 s1, $0xD;
	s3 =	sshra.s32 s3, $0x1F;
	v18 =	vsel vm2, s25, v18;
	s14 =	sshra.s32 s5, $0xD;
	vm1 =	vcmask $0x2F2C;
	v11 =	vsel vm15, s12, v11  }
0x271: {  	v18 =	vsel vm4, s29, v18;
	s13 =	sshrl.u32 s4, $0x1F;
	s16 =	sshra.s32 s5, $0x1F;
	v16 =	vsel vm1, s3, v16;
	s2 =	sadd.s32 s7, s10;
	v11 =	vsel vm6, s14, v11  }
0x272: {  	s1 =	sshra.s32 s1, $0x1F;
	v18 =	vsel vm5, s13, v18;
	s15 =	sshrl.u32 s5, $0x1F;
	v16 =	vsel vm7, s18, v16;
	s18 =	sshra.s32 s2, $0xD;
	v11 =	vsel vm1, s16, v11  }
0x273: {  	s0 =	sshra.s32 s0, $0xD;
	v18 =	vsel vm6, s15, v18;
	v16 =	vsel vm3, s1, v16;
	s17 =	sshrl.u32 s2, $0x1F;
	s20 =	sshra.s32 s2, $0x1F;
	v11 =	vsel vm7, s18, v11  }
0x274: {  	s19 =	sshrl.u32 s6, $0x1F;
	s21 =	sshra.s32 s6, $0xD;
	v16 =	vsel vm8, s0, v16;
	v18 =	vsel vm7, s17, v18;
	v11 =	vsel vm3, s20, v11  }
0x275: {  	v16 =	vperm.xlane v16, v1;
	v18 =	vsel vm8, s19, v18;
	v11 =	vsel vm8, s21, v11  }
0x276: {  	v5 =	vsub.s32 v5, v14;
	v18 =	vperm.xlane v18, v1;
	v11 =	vperm.xlane v11, v1  }
0x277: {  	v7 =	vsub.s32 v7, v15;
	v60 =	vadd.s32 $0x186A0, v5;
	v10 =	vsel vm0, v16, v10  }
0x278: {  	[tilespmem:$0x100] =	vst v3;
	v9 =	vadd.s32 v9, v10;
	v3 =	vsel vm0, v18, v12;
	v59 =	vsel vm0, v11, v58  }
0x279: {  	[tilespmem:$0x110] =	vst v4;
	vm10 =	vlt.s32 v7, $0x0;
	v9 =	vmul.u32 $0x186A0, v9;
	v3 =	vadd.s32 v3, v59  }
0x27a: {  	[tilespmem:$0x120] =	vst v2;
	v2 =	vadd.s32 $0x186A0, v7;
	vm9 =	vlt.s32 v5, $0x0;
	v3 =	vmul.u32 $0x186A0, v3  }
0x27b: {  	[tilespmem:$0x130] =	vst v6;
	v2 =	vsel vm10, v2, v7;
	v4 =	vsel vm9, v60, v5;
	v61 =	vsub.s32 v8, v9  }
0x27c: {  	[tilespmem:$0x150] =	vst v2;
	vm9 =	vlt.s32 v61, $0x0;
	v62 =	vadd.s32 $0x186A0, v61;
	v3 =	vsub.s32 v13, v3  }
0x27d: {  	s22 =	rddreg [dreg:$0x6];
	[tilespmem:$0x140] =	vst v4;
	v2 =	vsel vm9, v62, v61;
	vm9 =	vlt.s32 v3, $0x0;
	v63 =	vadd.s32 $0x186A0, v3  }
0x27e: {  	s23 =	rddreg [dreg:$0x7];
	s25 =	simm.s32 $0x80;
	[tilespmem:$0x160] =	vst v2;
	v3 =	vsel vm9, v63, v3  }
0x27f: {  	s26 =	rddreg [dreg:$0x9];
	s24 =	simm.s32 $0x180;
	s28 =	simm.s32 $0x1;
	[tilespmem:$0x170] =	vst v3  }
0x280: {  	[tilespmem:s24], [sflag:$0x1] =	stream.indirect.gather [hbm4b:s22+s25], $0x80, s23, s25, $0xb8;
	[tilespmem:$0x4180] =	vst v63  }
0x281: {  	p0 =	sne.s32 s26, $0x1;
	_ =	swait.ge [sflag:s28], $0x4000  }
0x282: {  	s30 =	simm.s32 $0x0;
	s31 =	simm.s32 $0x2;
	[sflag:s28] =	ssyncset.done $0x0  }
.Ltmp0:
0x283: {  	s29 =	rddreg [dreg:$0x8];
	[sflag:s28] =	ssyncadd.s32 $0xFFFFC000;
	(pc) =	sbr.rel @p0 .LBB2_1-.Ltmp0, $4  }
0x284: {  	[hbm4b:s29+s30] =	stream.linear.scatter [tilespmem:s24], [sflag:$0x2], $0x4000, $0x38;
	[tilespmem:$0x4180] =	vst v63  }
0x285: {  	_ =	swait.ge [sflag:s31], $0x4000  }
0x286: {  	[sflag:s31] =	ssyncset.done $0x0  }
0x287: {  	s1 =	sadd.s32 $0xFFFFFFFF, s26;
	[sflag:s31] =	ssyncadd.s32 $0xFFFFC000  }
0x288: {  	_ =	sfence.sel $0x180000  }
0x289: {  	[bflag:$0x0] =	sbarrier.arrive $0xFFFF  }
0x28a: {  	_ =	strace $0x90000047  }
0x28b: {  	s0 =	stileid.u32;
	[bflag:$0x2] =	sbarrier.arrive $0xFFFF  }
0x28c: {  	p0 =	sne.s32 s0, $0x0;
	s0 =	rddreg [dreg:$0x3]  }
0x28d: {  	s0 =	sadd.s32 @!p0 $0x100000, s0  }
0x28e: {  	[sflag:s0] =	ssyncadd.tile.s32 @!p0 $0x1;
	_ =	shalt  }
.Lfunc_end2:
_tile_overlayer_lowered:
.L_overlay_start_2:
0x28f: {  	(tag) =	ssettag $0x2  }
0x290: {  	s0 =	rddreg [dreg:$0x0];
	s2 =	stileid.u32  }
0x291: {  	s1 =	rddreg [dreg:$0x1];
	p0 =	sne.s32 s2, $0x0  }
0x292: {  	s3 =	rddreg [dreg:$0x2];
	[bflag:$0x3] =	sbarrier.arrive $0xFFFF;
	s2 =	simm.s32 @!p0 $0x1C02  }
0x293: {  	[timem:s3], [sflag:s2] =	dma.local @!p0 [hbm:s0], s1  }
0x294: {  	s0 =	simm.s32 @!p0 $0x2  }
0x295: {  	_ =	swait.ge @!p0 [sflag:s0], s1  }
0x296: {  	s1 =	ssub.s32 @!p0 $0x0, s1;
	[sflag:s0] =	ssyncset.done @!p0 $0x0  }
0x297: {  	[sflag:s0] =	ssyncadd.s32 @!p0 s1  }
0x298: {  	[bflag:$0x3] =	sbarrier.arrive $0xFFFF  }
0x299: {  	_ =	shalt  }

// kernel: kernel.9.cloned.1.call-start
scs
__scs_entry_jumppad:
0x0: {  	(pc) =	sbr.rel $0x88, $3  }
0x1: {  	(tag) =	ssettag $0x0;
	lr =	simm.s32 $0x1  }
0x2: {  	[smem:$0x3F9E] =	sst lr;
	_ =	strace $0xD0000000  }
0x3: {  	_ = 	snop  }
0x4: {  	_ = 	snop  }
0x5: {  	_ = 	snop  }
0x6: {  	_ = 	snop  }
0x7: {  	_ = 	snop  }
__scs_overlays_trampoline_lowered:
0x8: {  	[smem:$0x3FAD] =	sst s0  }
0x9: {  	[smem:$0x3FAE] =	sst s1  }
0xa: {  	[smem:$0x3FAF] =	sst s2  }
0xb: {  	[smem:$0x3FB0] =	sst s3  }
0xc: {  	[smem:$0x3FB1] =	sst s4  }
0xd: {  	[smem:$0x3FB2] =	sst s5  }
0xe: {  	[smem:$0x3FB3] =	sst s6  }
0xf: {  	[smem:$0x3FB4] =	sst s7  }
0x10: {  	[smem:$0x3FB5] =	sst s8  }
0x11: {  	[smem:$0x3FB6] =	sst s9;
	s0 =	simm.s32 @!p0 $0x0  }
0x12: {  	s1 =	sld [smem:$0x3F9C];
	s0 =	simm.s32 @p0 $0x1  }
0x13: {  	[smem:$0x3FB7] =	sst s0;
	s0 =	simm.s32 @!p1 $0x0  }
0x14: {  	s2 =	sld [smem:$0x3F9B];
	s0 =	simm.s32 @p1 $0x1  }
0x15: {  	[smem:$0x3FB8] =	sst s0;
	s0 =	simm.s32 @!p2 $0x0  }
0x16: {  	s3 =	sld [smem:$0x3FDB];
	s0 =	simm.s32 @p2 $0x1  }
0x17: {  	s4 =	simm.s32 $0x1BF5;
	[smem:$0x3FBA] =	sst s0  }
0x18: {  	s0 =	sld [smem:$0x3F9D];
	_ =	swait.ge [sflag:s4], $0x0  }
0x19: {  	s7 =	sld [smem:$0x3F9E]  }
0x1a: {  	s8 =	sadd.s32 $0xFFFFE003, lr  }
0x1b: {  	s9 =	sadd.s32 $0xFFFFFEF7, lr;
	s5 =	simm.s32 $0xFFFFFFFF;
	p2 =	slt.u32 s8, $0xFFFFF086  }
0x1c: {  	p1 =	slt.u32 s9, $0xF7A;
	s5 =	simm.s32 @!p2 $0x0  }
0x1d: {  	s5 =	simm.s32 @p1 $0x1;
	p0 =	seq.s32 s7, s2  }
0x1e: {  	s7 =	smul.u32 @!p0 $0xF7A, s2;
	p2 =	seq.s32 @!p0 s5, $0x0  }
0x1f: {  	s9 =	smul.u32 $0xF7A, s1;
	s8 =	simm.s32 @!p0 $0x1BF5;
	p2 =	por !p2, p0  }
0x20: {  	[sflag:s8] =	ssyncset.s32 @!p0 $0xFFFFF086;
	s6 =	sadd.s32 @!p0 s3, s7;
	s7 =	simm.s32 @!p0 $0x108  }
0x21: {  	s3 =	sadd.s32 s3, s9;
	s6 =	sadd.s32 @!p0 $0x88, s6;
	s7 =	simm.s32 @p2 $0x1082  }
0x22: {  	[simem:s7], [sflag:s8] =	dma.local @!p0 [hbm:s6], $0xF7A  }
0x23: {  	s9 =	sor.u32 $0xD0000000, s2;
	s6 =	simm.s32 $0x108;
	_ =	swait.ge @!p0 [sflag:s8], $0x0  }
0x24: {  	s3 =	sadd.s32 $0x88, s3;
	s6 =	simm.s32 @!p1 $0x1082;
	[sflag:s4] =	ssyncset.s32 $0xFFFFF086  }
0x25: {  	[simem:s6], [sflag:s4] =	dma.local [hbm:s3], $0xF7A  }
0x26: {  	[smem:$0x3F9E] =	sst s1;
	(tag) =	ssettag s2;
	_ =	strace s9  }
0x27: {  	s1 =	sld [smem:$0x3FAE]  }
0x28: {  	s2 =	sld [smem:$0x3FAF]  }
0x29: {  	s4 =	sld [smem:$0x3FB1]  }
0x2a: {  	p0 =	seq.s32 s5, $0x0;
	s5 =	sld [smem:$0x3FB2]  }
0x2b: {  	s6 =	sld [smem:$0x3FB3]  }
0x2c: {  	s7 =	sld [smem:$0x3FB4]  }
0x2d: {  	s3 =	simm.s32 $0x108;
	s8 =	sld [smem:$0x3FB5]  }
0x2e: {  	s3 =	simm.s32 @!p0 $0x1082;
	s9 =	sld [smem:$0x3FB6]  }
0x2f: {  	lr =	sadd.s32 s0, s3;
	s0 =	sld [smem:$0x3FAD]  }
0x30: {  	s3 =	sld [smem:$0x3FB0]  }
0x31: {  	[smem:$0x3FB9] =	sst s10  }
0x32: {  	s10 =	sld [smem:$0x3FB7];
	_ =	sdelay $0x3  }
0x33: {  	p0 =	seq.s32 s10, $0x1;
	s10 =	sld [smem:$0x3FB9];
	_ =	sdelay $0x3  }
0x34: {  	[smem:$0x3FB9] =	sst s10  }
0x35: {  	s10 =	sld [smem:$0x3FB8];
	_ =	sdelay $0x3  }
0x36: {  	p1 =	seq.s32 s10, $0x1;
	s10 =	sld [smem:$0x3FB9];
	_ =	sdelay $0x3  }
0x37: {  	[smem:$0x3FB9] =	sst s10  }
0x38: {  	s10 =	sld [smem:$0x3FBA]  }
0x39: {  	_ = 	snop;
	(pc) =	sbr.ind lr, $3  }
0x3a: {  	_ = 	snop  }
0x3b: {  	_ = 	snop  }
0x3c: {  	p2 =	seq.s32 s10, $0x1;
	s10 =	sld [smem:$0x3FB9]  }
0x3d: {  	_ =	shalt  }
0x3e: {  	_ =	shalt  }
0x3f: {  	_ =	shalt  }
0x40: {  	_ =	shalt  }
0x41: {  	_ =	shalt  }
0x42: {  	_ =	shalt  }
0x43: {  	_ =	shalt  }
0x44: {  	_ =	shalt  }
0x45: {  	_ =	shalt  }
0x46: {  	_ =	shalt  }
0x47: {  	_ =	shalt  }
0x48: {  	_ =	shalt  }
0x49: {  	_ =	shalt  }
0x4a: {  	_ =	shalt  }
0x4b: {  	_ =	shalt  }
0x4c: {  	_ =	shalt  }
0x4d: {  	_ =	shalt  }
0x4e: {  	_ =	shalt  }
0x4f: {  	_ =	shalt  }
0x50: {  	_ =	shalt  }
0x51: {  	_ =	shalt  }
0x52: {  	_ =	shalt  }
0x53: {  	_ =	shalt  }
0x54: {  	_ =	shalt  }
0x55: {  	_ =	shalt  }
0x56: {  	_ =	shalt  }
0x57: {  	_ =	shalt  }
0x58: {  	_ =	shalt  }
0x59: {  	_ =	shalt  }
0x5a: {  	_ =	shalt  }
0x5b: {  	_ =	shalt  }
0x5c: {  	_ =	shalt  }
0x5d: {  	_ =	shalt  }
0x5e: {  	_ =	shalt  }
0x5f: {  	_ =	shalt  }
0x60: {  	_ =	shalt  }
0x61: {  	_ =	shalt  }
0x62: {  	_ =	shalt  }
0x63: {  	_ =	shalt  }
0x64: {  	_ =	shalt  }
0x65: {  	_ =	shalt  }
0x66: {  	_ =	shalt  }
0x67: {  	_ =	shalt  }
0x68: {  	_ =	shalt  }
0x69: {  	_ =	shalt  }
0x6a: {  	_ =	shalt  }
0x6b: {  	_ =	shalt  }
0x6c: {  	_ =	shalt  }
0x6d: {  	_ =	shalt  }
0x6e: {  	_ =	shalt  }
0x6f: {  	_ =	shalt  }
0x70: {  	_ =	shalt  }
0x71: {  	_ =	shalt  }
0x72: {  	_ =	shalt  }
0x73: {  	_ =	shalt  }
0x74: {  	_ =	shalt  }
0x75: {  	_ =	shalt  }
0x76: {  	_ =	shalt  }
0x77: {  	_ =	shalt  }
0x78: {  	_ =	shalt  }
0x79: {  	_ =	shalt  }
0x7a: {  	_ =	shalt  }
0x7b: {  	_ =	shalt  }
0x7c: {  	_ =	shalt  }
0x7d: {  	_ =	shalt  }
0x7e: {  	_ =	shalt  }
0x7f: {  	_ =	shalt  }
0x80: {  	_ =	shalt  }
0x81: {  	_ =	shalt  }
0x82: {  	_ =	shalt  }
0x83: {  	_ =	shalt  }
0x84: {  	_ =	shalt  }
0x85: {  	_ =	shalt  }
0x86: {  	_ =	shalt  }
0x87: {  	_ =	shalt  }
.Lfunc_end0:
.L_simem_size_0:
called_computation.1_lowered:
.L_overlay_start_0:
0x88: {  	s2 =	sld [smem:$0x3FD9]  }
0x89: {  	s3 =	sld [smem:$0x3FFE];
	_ =	sdelay $0x1  }
0x8a: {  	s1 =	srdreg.scid  }
0x8b: {  	s0 =	sand.u32 $0x1, s1  }
0x8c: {  	s17 =	sshll.u32 s0, $0xA;
	s2 =	sadd.s32 s3, s2  }
0x8d: {  	s2 =	sadd.s32 s2, s17  }
0x8e: {  	[smem:$0x3FC5] =	sst s2  }
0x8f: {  	_ = 	snop  }
0x90: {  	s18 =	sld [smem:$0x3FC8];
	(tm) =	ssettm $0x1  }
0x91: {  	s19 =	sld [smem:$0x3FFB];
	_ =	sdelay $0x3  }
0x92: {  	_ =	strace s19  }
0x93: {  	s2 =	sld [smem:$0x3FFC];
	_ =	sdelay $0x3  }
0x94: {  	_ =	strace s2  }
0x95: {  	s2 =	sld [smem:$0x3FFD];
	_ =	sdelay $0x3  }
0x96: {  	_ =	strace s2  }
0x97: {  	_ =	strace $0x8FFFFFFF  }
0x98: {  	s20 =	sld [smem:$0x3FDB];
	_ =	sdelay $0x1  }
0x99: {  	s4 =	simm.s32 $_scs_section_size  }
0x9a: {  	s5 =	simm.s32 $_size__tile_overlayer_lowered;
	s6 =	simm.s32 $_tile_overlayer_lowered  }
0x9b: {  	s7 =	simm.s32 $0x1BFF;
	s21 =	sshll.u32 s6, $0x1;
	s4 =	sadd.s32 s4, s20  }
0x9c: {  	s22 =	simm.s32 $0x0;
	s5 =	sshll.u32 s5, $0x1;
	s6 =	sadd.s32 s21, s4  }
0x9d: {  	[timem:s22], [sflag:s7] =	dma.local [hbm:s6], s5  }
0x9e: {  	_ =	swait.ge [sflag:s7], s5  }
0x9f: {  	s5 =	ssub.s32 $0x0, s5;
	[sflag:s7] =	ssyncset.done $0x0  }
0xa0: {  	[sflag:s7] =	ssyncadd.s32 s5;
	_ =	sdelay $0x1  }
0xa1: {  	s23 =	simm.s32 $0x1B8B  }
0xa2: {  	_ =	swait.ge [sflag:s23], $0x1  }
0xa3: {  	[sflag:s23] =	ssyncset.done $0x0  }
0xa4: {  	[sflag:s23] =	ssyncadd.s32 $0xFFFFFFFF  }
0xa5: {  	s5 =	sld [smem:$0x0]  }
0xa6: {  	s6 =	sand.u32 $0xFFFFFFFE, s1  }
0xa7: {  	p0 =	sne.s32 s1, s6  }
0xa8: {  	s6 =	sshll.u32 @p0 s6, $0xE  }
0xa9: {  	s6 =	sadd.s32 @p0 $0x11B8D, s6;
	s7 =	sshll.u32 @p0 s5, $0x11  }
0xaa: {  	s6 =	sor.u32 @p0 s7, s6  }
0xab: {  	[sflag:s6] =	ssyncadd.remote.s32 @p0 $0x1;
	_ =	sdelay $0x1  }
0xac: {  	s6 =	simm.s32 @p0 $0x1B8D  }
0xad: {  	_ =	swait.eq @p0 [sflag:s6], $0x1  }
0xae: {  	[sflag:s6] =	ssyncadd.s32 @p0 $0xFFFFFFFF  }
0xaf: {  	s7 =	sshll.u32 @!p0 s1, $0xE  }
0xb0: {  	s7 =	sor.u32 @!p0 $0x4000, s7;
	s6 =	simm.s32 @!p0 $0x1B8D  }
0xb1: {  	s5 =	sshll.u32 @!p0 s5, $0x11;
	s7 =	sadd.s32 @!p0 $0x11B8D, s7;
	_ =	swait.eq @!p0 [sflag:s6], $0x1  }
0xb2: {  	s5 =	sor.u32 @!p0 s5, s7;
	[sflag:s6] =	ssyncadd.s32 @!p0 $0xFFFFFFFF  }
0xb3: {  	s25 =	simm.s32 $0x1B8E;
	s24 =	sld [smem:$0x3FFE];
	[sflag:s5] =	ssyncadd.remote.s32 @!p0 $0x1  }
0xb4: {  	s26 =	simm.s32 $execute0_lowered;
	[smem:$0x3FD2] =	sst s25  }
0xb5: {  	s6 =	sshll.u32 s26, $0x1;
	_ =	strace $0x80000049;
	[dreg:$0x1] =	wrdreg $0xFFFFFFFF  }
0xb6: {  	s28 =	simm.s32 $_size_execute0_lowered;
	s4 =	sadd.s32 s4, s6;
	[dreg:$0x0] =	wrdreg $0x0  }
0xb7: {  	s6 =	sshll.u32 s28, $0x1;
	[dreg:$0x2] =	wrdreg s4  }
0xb8: {  	[dreg:$0x3] =	wrdreg s6  }
0xb9: {  	[dreg:$0x4] =	wrdreg $0xC0  }
0xba: {  	_ =	task [dreg:s22], $0x5FFFF  }
0xbb: {  	[dreg:$0x1] =	wrdreg $0xFFFFFFFF  }
0xbc: {  	[dreg:$0x0] =	wrdreg $0x60  }
0xbd: {  	[dreg:$0x2] =	wrdreg s24  }
0xbe: {  	[dreg:$0x3] =	wrdreg s18  }
0xbf: {  	[dreg:$0x4] =	wrdreg $0xA  }
0xc0: {  	_ =	task.clear_ibuf [dreg:s22], $0x5FFFF;
	_ =	strace $0x90000049  }
0xc1: {  	s29 =	simm.s32 $0xA;
	_ =	strace $0x8000004B  }
0xc2: {  	_ =	swait.ge [sflag:s29], $0x1  }
0xc3: {  	[sflag:s29] =	ssyncadd.s32 $0xFFFFFFFF  }
0xc4: {  	_ =	strace $0x9000004B  }
0xc5: {  	_ =	sfence  }
0xc6: {  	s30 =	sld [smem:$0x0];
	_ =	sdelay $0x2  }
0xc7: {  	s31 =	sshll.u32 s1, $0xD;
	s1 =	sshrl.u32 s1, $0x2  }
0xc8: {  	s4 =	sand.u32 $0x4000, s31;
	s1 =	sadd.s32 s1, s30  }
0xc9: {  	s0 =	sor.u32 s4, s0;
	s1 =	sshll.u32 s1, $0x11  }
0xca: {  	s0 =	sor.u32 s1, s0  }
0xcb: {  	s0 =	sadd.s32 $0x8F2B, s0  }
0xcc: {  	[sflag:s0] =	ssyncadd.remote.s32 $0x1  }
0xcd: {  	_ =	sfence.sel $0xFFFF  }
0xce: {  	[dreg:$0x0] =	wrdreg $0xFFFFFFFF;
	(pc) =	sbr.abs _section_cstart, $3  }
0xcf: {  	[dreg:$0x1] =	wrdreg $0xFFFFFFFF  }
0xd0: {  	_ =	task.clear_ibuf [dreg:s22], $0x2FFFF;
	_ =	strace $0x9FFFFFFF  }
0xd1: {  	(tm) =	ssettm $0x7FFFFFFF  }
tec
execute0_lowered:
.L_overlay_start_1:
0x0: {  	(tag) =	ssettag $0x1  }
0x1: {  	s0 =	srdreg.scid  }
0x2: {  	s1 =	stileid.u32;
	s2 =	rddreg [dreg:$0x0]  }
0x3: {  	s4 =	simm.s32 $0x0;
	s24 =	simm.s32 $0x180;
	s26 =	simm.s32 $0x300  }
0x4: {  	s28 =	simm.s32 $0x380;
	s0 =	sand.u32 $0x1, s0;
	[smem:$0x7FF] =	sst s4  }
0x5: {  	s1 =	sshll.u32 s1, $0x1;
	_ =	strace $0x8000004A;
	[dreg:$0x4] =	wrdreg s24  }
0x6: {  	s29 =	simm.s32 $0x4500;
	s1 =	sor.u32 s0, s1;
	[dreg:$0x6] =	wrdreg s26  }
0x7: {  	s30 =	simm.s32 $0x400;
	[dreg:$0x8] =	wrdreg s28;
	s3 =	smul.u32 $0x30, s1  }
0x8: {  	v0 =	vimm.s32 $0xECA86420;
	s31 =	simm.s32 $0x8500;
	s0 =	ssub.s32 $0x2, s0;
	[dreg:$0x7] =	wrdreg s29  }
0x9: {  	v0 =	vunpack.c.l.s4.s8 v0;
	[dreg:$0xa] =	wrdreg s30;
	s1 =	smul.u32 $0x1800, s1;
	s3 =	sadd.s32 s3, s2  }
0xa: {  	[dreg:$0x9] =	wrdreg s31;
	s25 =	sshrl.u32 s0, $0x1;
	s22 =	sadd.s32 $0x1400, s3  }
0xb: {  	vm3 =	vmmov $0xff;
	v62 =	vunpack.c.0.s8.s32 v0;
	v0 =	vimm.s32 $0x0;
	s1 =	sadd.s32 s1, s2;
	s23 =	sadd.s32 $0x1A00, s3;
	[dreg:$0x3] =	wrdreg s22  }
0xc: {  	vm0 =	vcmask $0xB08;
	v1 =	vlaneseq.u32;
	s0 =	ssub.s32 s0, s25;
	v0 =	vsel vm3, $0xFFFFFFFF, v0;
	s1 =	sadd.s32 $0x2000, s1;
	[dreg:$0x5] =	wrdreg s23  }
0xd: {  	vm1 =	vcmask $0x1310;
	vm2 =	vcmask $0x1B18;
	v1 =	vmul.u32 $0x2, v1;
	s2 =	smax.u32 s0, $0x1;
	[tilespmem:$0x1FFF0] =	vst v0;
	[dreg:$0xb] =	wrdreg s1  }
.LBB2_1:
0xe: {  	[dreg:$0xc] =	wrdreg s2  }
0xf: {  	s0 =	rddreg [dreg:$0x3]  }
0x10: {  	s1 =	rddreg [dreg:$0x4];
	s3 =	simm.s32 $0x0  }
0x11: {  	[tilespmem:s3], [sflag:$0x1] =	stream.linear.gather [hbm4b:s0+s3], $0x180, $0x38;
	[tilespmem:$0xC500] =	vst v63  }
0x12: {  	s25 =	rddreg [dreg:$0x5];
	s26 =	simm.s32 $0x1  }
0x13: {  	[tilespmem:s1], [sflag:$0x1] =	stream.linear.gather [hbm4b:s25+s3], $0x180, $0x38;
	[tilespmem:$0xC500] =	vst v63  }
0x14: {  	_ =	swait.ge [sflag:s26], $0x180  }
0x15: {  	[sflag:s26] =	ssyncset.done $0x0  }
0x16: {  	[sflag:s26] =	ssyncadd.s32 $0xFFFFFE80  }
0x17: {  	_ =	swait.ge [sflag:s26], $0x180  }
0x18: {  	[sflag:s26] =	ssyncset.done $0x0  }
0x19: {  	[sflag:s26] =	ssyncadd.s32 $0xFFFFFE80  }
0x1a: {  	v2 =	vld [tilespmem:$0x180];
	_ =	sdelay $0x1  }
0x1b: {  	v3 =	vld [tilespmem:$0x0];
	_ =	sdelay $0x2  }
0x1c: {  	v2 =	vmul.u32 $0x3F1, v2;
	_ =	sdelay $0x1  }
0x1d: {  	v2 =	vadd.s32 v3, v2  }
0x1e: {  	(v2sf) =	vpush v2, $0xD;
	_ =	sdelay $0x1  }
0x1f: {  	(v2sf) =	vpush v2, $0xC;
	_ =	sdelay $0x1  }
0x20: {  	(v2sf) =	vpush v2, $0xE;
	_ =	sdelay $0x1  }
0x21: {  	(v2sf) =	vpush v2, $0xF;
	_ =	sdelay $0x1  }
0x22: {  	(v2sf) =	vpush v2, $0x9;
	_ =	sdelay $0x1  }
0x23: {  	(v2sf) =	vpush v2, $0x8;
	_ =	sdelay $0x1  }
0x24: {  	(v2sf) =	vpush v2, $0xA  }
0x25: {  	(v2sf) =	vpush v2, $0xB;
	_ =	sdelay $0x1  }
0x26: {  	s28 =	spop (v2sf)  }
0x27: {  	(v2sf) =	vpush v2, $0x0;
	s29 =	smulhi.u32 $0x14F8B589, s28;
	s0 =	sshra.s32 s28, $0x1F  }
0x28: {  	s30 =	spop (v2sf);
	s14 =	smul.u32 $0x14F8B589, s0  }
0x29: {  	(v2sf) =	vpush v2, $0x1;
	s13 =	smulhi.u32 $0x14F8B589, s30;
	s0 =	sshra.s32 s30, $0x1F  }
0x2a: {  	s31 =	spop (v2sf);
	s16 =	smul.u32 $0x14F8B589, s0  }
0x2b: {  	(v2sf) =	vpush v2, $0x2;
	s15 =	smulhi.u32 $0x14F8B589, s31;
	s0 =	sshra.s32 s31, $0x1F  }
0x2c: {  	s1 =	spop (v2sf);
	s19 =	smul.u32 $0x14F8B589, s0  }
0x2d: {  	(v2sf) =	vpush v2, $0x3;
	s17 =	smulhi.u32 $0x14F8B589, s1;
	s0 =	sshra.s32 s1, $0x1F  }
0x2e: {  	v3 =	vld [tilespmem:$0x190];
	s2 =	spop (v2sf);
	s20 =	smul.u32 $0x14F8B589, s0  }
0x2f: {  	(v2sf) =	vpush v2, $0x4;
	s18 =	smulhi.u32 $0x14F8B589, s2;
	s0 =	sshra.s32 s2, $0x1F  }
0x30: {  	v4 =	vld [tilespmem:$0x10];
	s3 =	spop (v2sf);
	(v2sf) =	vpush v2, $0x5;
	s22 =	smul.u32 $0x14F8B589, s0  }
0x31: {  	s21 =	smulhi.u32 $0x14F8B589, s3;
	s0 =	sshra.s32 s3, $0x1F  }
0x32: {  	s4 =	spop (v2sf);
	(v2sf) =	vpush v2, $0x6;
	s24 =	smul.u32 $0x14F8B589, s0  }
0x33: {  	v3 =	vmul.u32 $0x3F1, v3;
	s23 =	smulhi.u32 $0x14F8B589, s4;
	s0 =	sshra.s32 s4, $0x1F;
	s5 =	spop (v2sf);
	(v2sf) =	vpush v2, $0x7  }
0x34: {  	s25 =	smul.u32 $0x14F8B589, s0  }
0x35: {  	v3 =	vadd.s32 v4, v3;
	[smem:$0x56D] =	sst s29;
	s26 =	smulhi.u32 $0x14F8B589, s5;
	s0 =	sshra.s32 s5, $0x1F  }
0x36: {  	s29 =	smul.u32 $0x14F8B589, s0;
	s6 =	spop (v2sf);
	(v2sf) =	vpush v3, $0xD  }
0x37: {  	s28 =	smulhi.u32 $0x14F8B589, s6;
	s0 =	sshra.s32 s6, $0x1F  }
0x38: {  	s7 =	spop (v2sf);
	s3 =	smul.u32 $0x14F8B589, s0  }
0x39: {  	(v2sf) =	vpush v3, $0xC;
	s30 =	smulhi.u32 $0x14F8B589, s7;
	s0 =	sshra.s32 s7, $0x1F  }
0x3a: {  	s8 =	spop (v2sf);
	s2 =	smul.u32 $0x14F8B589, s0  }
0x3b: {  	s31 =	smulhi.u32 $0x14F8B589, s8;
	s0 =	sshra.s32 s8, $0x1F  }
0x3c: {  	(v2sf) =	vpush v3, $0xE;
	s9 =	spop (v2sf);
	s4 =	smul.u32 $0x14F8B589, s0  }
0x3d: {  	s10 =	smulhi.u32 $0x14F8B589, s9;
	s0 =	sshra.s32 s9, $0x1F  }
0x3e: {  	s11 =	spop (v2sf);
	s6 =	smul.u32 $0x14F8B589, s0  }
0x3f: {  	(v2sf) =	vpush v3, $0xF;
	s12 =	smulhi.u32 $0x14F8B589, s11;
	s0 =	sshra.s32 s11, $0x1F;
	s5 =	spop (v2sf)  }
0x40: {  	[smem:$0x56E] =	sst s10;
	s8 =	smul.u32 $0x14F8B589, s0  }
0x41: {  	s7 =	smulhi.u32 $0x14F8B589, s5;
	s9 =	spop (v2sf)  }
0x42: {  	(v2sf) =	vpush v3, $0x9;
	s0 =	sshra.s32 s5, $0x1F;
	s10 =	smulhi.u32 $0x14F8B589, s9;
	s11 =	spop (v2sf)  }
0x43: {  	[smem:$0x570] =	sst s7;
	s7 =	smul.u32 $0x14F8B589, s0  }
0x44: {  	[smem:$0x56F] =	sst s12;
	s0 =	sshra.s32 s9, $0x1F;
	s5 =	smulhi.u32 $0x14F8B589, s11  }
0x45: {  	(v2sf) =	vpush v3, $0x8;
	s1 =	smul.u32 $0x14F8B589, s0;
	s0 =	sshra.s32 s11, $0x1F;
	s12 =	spop (v2sf)  }
0x46: {  	[smem:$0x572] =	sst s5;
	s5 =	smul.u32 $0x14F8B589, s0;
	s0 =	sshra.s32 s12, $0x1F  }
0x47: {  	(v2sf) =	vpush v3, $0xA;
	s0 =	smul.u32 $0x14F8B589, s0  }
0x48: {  	[smem:$0x571] =	sst s10;
	s10 =	spop (v2sf)  }
0x49: {  	(v2sf) =	vpush v3, $0xB;
	s9 =	smulhi.u32 $0x14F8B589, s12;
	[smem:$0x574] =	sst s0;
	s0 =	sshra.s32 s10, $0x1F  }
0x4a: {  	s0 =	smul.u32 $0x14F8B589, s0  }
0x4b: {  	(v2sf) =	vpush v3, $0x0;
	s11 =	smulhi.u32 $0x14F8B589, s10;
	s12 =	spop (v2sf)  }
0x4c: {  	[smem:$0x576] =	sst s0;
	s0 =	sshra.s32 s12, $0x1F  }
0x4d: {  	[smem:$0x575] =	sst s11;
	s0 =	smul.u32 $0x14F8B589, s0  }
0x4e: {  	(v2sf) =	vpush v3, $0x1;
	s10 =	smulhi.u32 $0x14F8B589, s12;
	s11 =	spop (v2sf)  }
0x4f: {  	[smem:$0x578] =	sst s0;
	s0 =	sshra.s32 s11, $0x1F  }
0x50: {  	[smem:$0x577] =	sst s10;
	s0 =	smul.u32 $0x14F8B589, s0  }
0x51: {  	(v2sf) =	vpush v3, $0x2;
	s10 =	spop (v2sf);
	s12 =	smulhi.u32 $0x14F8B589, s11  }
0x52: {  	s11 =	smulhi.u32 $0x14F8B589, s10;
	[smem:$0x57A] =	sst s0;
	s0 =	sshra.s32 s10, $0x1F  }
0x53: {  	(v2sf) =	vpush v3, $0x3;
	[smem:$0x579] =	sst s12;
	s0 =	smul.u32 $0x14F8B589, s0  }
0x54: {  	s12 =	spop (v2sf);
	[smem:$0x57B] =	sst s11  }
0x55: {  	s10 =	smulhi.u32 $0x14F8B589, s12;
	[smem:$0x57C] =	sst s0;
	s0 =	sshra.s32 s12, $0x1F  }
0x56: {  	(v2sf) =	vpush v3, $0x4;
	s11 =	spop (v2sf);
	s0 =	smul.u32 $0x14F8B589, s0  }
0x57: {  	[smem:$0x57D] =	sst s10;
	s12 =	smulhi.u32 $0x14F8B589, s11  }
0x58: {  	s10 =	spop (v2sf);
	[smem:$0x57E] =	sst s0;
	s0 =	sshra.s32 s11, $0x1F  }
0x59: {  	[smem:$0x57F] =	sst s12;
	s0 =	smul.u32 $0x14F8B589, s0  }
0x5a: {  	(v2sf) =	vpush v3, $0x5;
	s12 =	spop (v2sf);
	s11 =	smulhi.u32 $0x14F8B589, s10  }
0x5b: {  	[smem:$0x580] =	sst s0;
	s0 =	sshra.s32 s10, $0x1F;
	s10 =	smulhi.u32 $0x14F8B589, s12  }
0x5c: {  	[smem:$0x581] =	sst s11;
	s0 =	smul.u32 $0x14F8B589, s0  }
0x5d: {  	s11 =	spop (v2sf);
	[smem:$0x583] =	sst s10  }
0x5e: {  	v23 =	vld [tilespmem:$0x1A0];
	(v2sf) =	vpush v3, $0x6;
	s10 =	smulhi.u32 $0x14F8B589, s11;
	[smem:$0x582] =	sst s0;
	s0 =	sshra.s32 s12, $0x1F  }
0x5f: {  	[smem:$0x573] =	sst s9;
	s9 =	smul.u32 $0x14F8B589, s0;
	s0 =	sshra.s32 s11, $0x1F  }
0x60: {  	v5 =	vld [tilespmem:$0x20];
	s12 =	spop (v2sf);
	s0 =	smul.u32 $0x14F8B589, s0  }
0x61: {  	s11 =	smulhi.u32 $0x14F8B589, s12  }
0x62: {  	(v2sf) =	vpush v3, $0x7;
	[smem:$0x585] =	sst s0;
	s0 =	sshra.s32 s12, $0x1F;
	s12 =	spop (v2sf)  }
0x63: {  	v4 =	vmul.u32 $0x3F1, v23;
	[smem:$0x586] =	sst s11;
	s11 =	smulhi.u32 $0x14F8B589, s12  }
0x64: {  	[smem:$0x584] =	sst s10;
	s10 =	smul.u32 $0x14F8B589, s0  }
0x65: {  	v4 =	vadd.s32 v5, v4;
	[smem:$0x587] =	sst s11;
	s11 =	spop (v2sf)  }
0x66: {  	(v2sf) =	vpush v4, $0xD;
	s0 =	sshra.s32 s12, $0x1F;
	s12 =	smulhi.u32 $0x14F8B589, s11;
	s11 =	sshra.s32 s11, $0x1F  }
0x67: {  	s11 =	smul.u32 $0x14F8B589, s11;
	_ =	sdelay $0x1  }
0x68: {  	[smem:$0x589] =	sst s11;
	s11 =	spop (v2sf)  }
0x69: {  	(v2sf) =	vpush v4, $0xC;
	[smem:$0x588] =	sst s12;
	s12 =	smulhi.u32 $0x14F8B589, s11;
	s11 =	sshra.s32 s11, $0x1F  }
0x6a: {  	s11 =	smul.u32 $0x14F8B589, s11;
	_ =	sdelay $0x1  }
0x6b: {  	[smem:$0x58B] =	sst s11;
	s11 =	spop (v2sf)  }
0x6c: {  	(v2sf) =	vpush v4, $0xE;
	[smem:$0x58A] =	sst s12;
	s12 =	smulhi.u32 $0x14F8B589, s11;
	s11 =	sshra.s32 s11, $0x1F  }
0x6d: {  	s11 =	smul.u32 $0x14F8B589, s11;
	_ =	sdelay $0x1  }
0x6e: {  	[smem:$0x58D] =	sst s11;
	s11 =	spop (v2sf)  }
0x6f: {  	(v2sf) =	vpush v4, $0xF;
	[smem:$0x58C] =	sst s12;
	s12 =	smulhi.u32 $0x14F8B589, s11;
	s11 =	sshra.s32 s11, $0x1F  }
0x70: {  	s11 =	smul.u32 $0x14F8B589, s11;
	_ =	sdelay $0x1  }
0x71: {  	[smem:$0x58F] =	sst s11;
	s11 =	spop (v2sf)  }
0x72: {  	(v2sf) =	vpush v4, $0x9;
	[smem:$0x58E] =	sst s12;
	s12 =	smulhi.u32 $0x14F8B589, s11;
	s11 =	sshra.s32 s11, $0x1F  }
0x73: {  	s11 =	smul.u32 $0x14F8B589, s11;
	_ =	sdelay $0x1  }
0x74: {  	[smem:$0x591] =	sst s11;
	s11 =	spop (v2sf)  }
0x75: {  	(v2sf) =	vpush v4, $0x8;
	[smem:$0x590] =	sst s12;
	s12 =	smulhi.u32 $0x14F8B589, s11;
	s11 =	sshra.s32 s11, $0x1F  }
0x76: {  	s11 =	smul.u32 $0x14F8B589, s11;
	_ =	sdelay $0x1  }
0x77: {  	[smem:$0x593] =	sst s11;
	s11 =	spop (v2sf)  }
0x78: {  	(v2sf) =	vpush v4, $0xA;
	[smem:$0x592] =	sst s12;
	s12 =	smulhi.u32 $0x14F8B589, s11;
	s11 =	sshra.s32 s11, $0x1F  }
0x79: {  	s11 =	smul.u32 $0x14F8B589, s11;
	_ =	sdelay $0x1  }
0x7a: {  	[smem:$0x595] =	sst s11;
	s11 =	spop (v2sf)  }
0x7b: {  	(v2sf) =	vpush v4, $0xB;
	[smem:$0x594] =	sst s12;
	s12 =	smulhi.u32 $0x14F8B589, s11;
	s11 =	sshra.s32 s11, $0x1F  }
0x7c: {  	s11 =	smul.u32 $0x14F8B589, s11;
	_ =	sdelay $0x1  }
0x7d: {  	[smem:$0x597] =	sst s11;
	s11 =	spop (v2sf)  }
0x7e: {  	(v2sf) =	vpush v4, $0x0;
	[smem:$0x596] =	sst s12;
	s12 =	smulhi.u32 $0x14F8B589, s11;
	s11 =	sshra.s32 s11, $0x1F  }
0x7f: {  	s11 =	smul.u32 $0x14F8B589, s11;
	_ =	sdelay $0x1  }
0x80: {  	[smem:$0x599] =	sst s11;
	s11 =	spop (v2sf)  }
0x81: {  	(v2sf) =	vpush v4, $0x1;
	[smem:$0x598] =	sst s12;
	s12 =	smulhi.u32 $0x14F8B589, s11;
	s11 =	sshra.s32 s11, $0x1F  }
0x82: {  	s11 =	smul.u32 $0x14F8B589, s11;
	_ =	sdelay $0x1  }
0x83: {  	[smem:$0x59B] =	sst s11;
	s11 =	spop (v2sf)  }
0x84: {  	(v2sf) =	vpush v4, $0x2;
	[smem:$0x59A] =	sst s12;
	s12 =	smulhi.u32 $0x14F8B589, s11;
	s11 =	sshra.s32 s11, $0x1F  }
0x85: {  	s11 =	smul.u32 $0x14F8B589, s11;
	_ =	sdelay $0x1  }
0x86: {  	[smem:$0x59D] =	sst s11;
	s11 =	spop (v2sf)  }
0x87: {  	(v2sf) =	vpush v4, $0x3;
	[smem:$0x59C] =	sst s12;
	s12 =	smulhi.u32 $0x14F8B589, s11;
	s11 =	sshra.s32 s11, $0x1F  }
0x88: {  	s11 =	smul.u32 $0x14F8B589, s11;
	_ =	sdelay $0x1  }
0x89: {  	[smem:$0x59F] =	sst s11;
	s11 =	spop (v2sf)  }
0x8a: {  	(v2sf) =	vpush v4, $0x4;
	[smem:$0x59E] =	sst s12;
	s12 =	smulhi.u32 $0x14F8B589, s11;
	s11 =	sshra.s32 s11, $0x1F  }
0x8b: {  	s11 =	smul.u32 $0x14F8B589, s11;
	_ =	sdelay $0x1  }
0x8c: {  	[smem:$0x5A1] =	sst s11;
	s11 =	spop (v2sf)  }
0x8d: {  	(v2sf) =	vpush v4, $0x5;
	[smem:$0x5A0] =	sst s12;
	s12 =	smulhi.u32 $0x14F8B589, s11;
	s11 =	sshra.s32 s11, $0x1F  }
0x8e: {  	s11 =	smul.u32 $0x14F8B589, s11;
	_ =	sdelay $0x1  }
0x8f: {  	[smem:$0x5A3] =	sst s11;
	s11 =	spop (v2sf)  }
0x90: {  	v24 =	vld [tilespmem:$0x1B0];
	(v2sf) =	vpush v4, $0x6;
	[smem:$0x5A2] =	sst s12;
	s12 =	smulhi.u32 $0x14F8B589, s11;
	s11 =	sshra.s32 s11, $0x1F  }
0x91: {  	s11 =	smul.u32 $0x14F8B589, s11  }
0x92: {  	v6 =	vld [tilespmem:$0x30]  }
0x93: {  	[smem:$0x5A5] =	sst s11;
	s11 =	spop (v2sf)  }
0x94: {  	(v2sf) =	vpush v4, $0x7;
	[smem:$0x5A4] =	sst s12;
	s12 =	smulhi.u32 $0x14F8B589, s11;
	s11 =	sshra.s32 s11, $0x1F  }
0x95: {  	v5 =	vmul.u32 $0x3F1, v24;
	s11 =	smul.u32 $0x14F8B589, s11;
	_ =	sdelay $0x1  }
0x96: {  	v5 =	vadd.s32 v6, v5;
	[smem:$0x5A7] =	sst s11;
	s11 =	spop (v2sf)  }
0x97: {  	(v2sf) =	vpush v5, $0xD;
	[smem:$0x5A6] =	sst s12;
	s12 =	smulhi.u32 $0x14F8B589, s11;
	s11 =	sshra.s32 s11, $0x1F  }
0x98: {  	s11 =	smul.u32 $0x14F8B589, s11;
	_ =	sdelay $0x1  }
0x99: {  	[smem:$0x5A9] =	sst s11;
	s11 =	spop (v2sf)  }
0x9a: {  	(v2sf) =	vpush v5, $0xC;
	[smem:$0x5A8] =	sst s12;
	s12 =	smulhi.u32 $0x14F8B589, s11;
	s11 =	sshra.s32 s11, $0x1F  }
0x9b: {  	s11 =	smul.u32 $0x14F8B589, s11;
	_ =	sdelay $0x1  }
0x9c: {  	[smem:$0x5AB] =	sst s11;
	s11 =	spop (v2sf)  }
0x9d: {  	(v2sf) =	vpush v5, $0xE;
	[smem:$0x5AA] =	sst s12;
	s12 =	smulhi.u32 $0x14F8B589, s11;
	s11 =	sshra.s32 s11, $0x1F  }
0x9e: {  	s11 =	smul.u32 $0x14F8B589, s11;
	_ =	sdelay $0x1  }
0x9f: {  	[smem:$0x5AD] =	sst s11;
	s11 =	spop (v2sf)  }
0xa0: {  	(v2sf) =	vpush v5, $0xF;
	[smem:$0x5AC] =	sst s12;
	s12 =	smulhi.u32 $0x14F8B589, s11;
	s11 =	sshra.s32 s11, $0x1F  }
0xa1: {  	s11 =	smul.u32 $0x14F8B589, s11;
	_ =	sdelay $0x1  }
0xa2: {  	[smem:$0x5AF] =	sst s11;
	s11 =	spop (v2sf)  }
0xa3: {  	(v2sf) =	vpush v5, $0x9;
	[smem:$0x5AE] =	sst s12;
	s12 =	smulhi.u32 $0x14F8B589, s11;
	s11 =	sshra.s32 s11, $0x1F  }
0xa4: {  	s11 =	smul.u32 $0x14F8B589, s11;
	_ =	sdelay $0x1  }
0xa5: {  	[smem:$0x5B1] =	sst s11;
	s11 =	spop (v2sf)  }
0xa6: {  	(v2sf) =	vpush v5, $0x8;
	[smem:$0x5B0] =	sst s12;
	s12 =	smulhi.u32 $0x14F8B589, s11;
	s11 =	sshra.s32 s11, $0x1F  }
0xa7: {  	s11 =	smul.u32 $0x14F8B589, s11;
	_ =	sdelay $0x1  }
0xa8: {  	[smem:$0x5B3] =	sst s11;
	s11 =	spop (v2sf)  }
0xa9: {  	(v2sf) =	vpush v5, $0xA;
	[smem:$0x5B2] =	sst s12;
	s12 =	smulhi.u32 $0x14F8B589, s11;
	s11 =	sshra.s32 s11, $0x1F  }
0xaa: {  	s11 =	smul.u32 $0x14F8B589, s11;
	_ =	sdelay $0x1  }
0xab: {  	[smem:$0x5B5] =	sst s11;
	s11 =	spop (v2sf)  }
0xac: {  	(v2sf) =	vpush v5, $0xB;
	[smem:$0x5B4] =	sst s12;
	s12 =	smulhi.u32 $0x14F8B589, s11;
	s11 =	sshra.s32 s11, $0x1F  }
0xad: {  	s11 =	smul.u32 $0x14F8B589, s11;
	_ =	sdelay $0x1  }
0xae: {  	[smem:$0x5B7] =	sst s11;
	s11 =	spop (v2sf)  }
0xaf: {  	(v2sf) =	vpush v5, $0x0;
	[smem:$0x5B6] =	sst s12;
	s12 =	smulhi.u32 $0x14F8B589, s11;
	s11 =	sshra.s32 s11, $0x1F  }
0xb0: {  	s11 =	smul.u32 $0x14F8B589, s11;
	_ =	sdelay $0x1  }
0xb1: {  	[smem:$0x5B9] =	sst s11;
	s11 =	spop (v2sf)  }
0xb2: {  	(v2sf) =	vpush v5, $0x1;
	[smem:$0x5B8] =	sst s12;
	s12 =	smulhi.u32 $0x14F8B589, s11;
	s11 =	sshra.s32 s11, $0x1F  }
0xb3: {  	s11 =	smul.u32 $0x14F8B589, s11;
	_ =	sdelay $0x1  }
0xb4: {  	[smem:$0x5BB] =	sst s11;
	s11 =	spop (v2sf)  }
0xb5: {  	(v2sf) =	vpush v5, $0x2;
	[smem:$0x5BA] =	sst s12;
	s12 =	smulhi.u32 $0x14F8B589, s11;
	s11 =	sshra.s32 s11, $0x1F  }
0xb6: {  	s11 =	smul.u32 $0x14F8B589, s11;
	_ =	sdelay $0x1  }
0xb7: {  	[smem:$0x5BD] =	sst s11;
	s11 =	spop (v2sf)  }
0xb8: {  	(v2sf) =	vpush v5, $0x3;
	[smem:$0x5BC] =	sst s12;
	s12 =	smulhi.u32 $0x14F8B589, s11;
	s11 =	sshra.s32 s11, $0x1F  }
0xb9: {  	s11 =	smul.u32 $0x14F8B589, s11;
	_ =	sdelay $0x1  }
0xba: {  	[smem:$0x5BF] =	sst s11;
	s11 =	spop (v2sf)  }
0xbb: {  	(v2sf) =	vpush v5, $0x4;
	[smem:$0x5BE] =	sst s12;
	s12 =	smulhi.u32 $0x14F8B589, s11;
	s11 =	sshra.s32 s11, $0x1F  }
0xbc: {  	s11 =	smul.u32 $0x14F8B589, s11;
	_ =	sdelay $0x1  }
0xbd: {  	[smem:$0x5C1] =	sst s11;
	s11 =	spop (v2sf)  }
0xbe: {  	(v2sf) =	vpush v5, $0x5;
	[smem:$0x5C0] =	sst s12;
	s12 =	smulhi.u32 $0x14F8B589, s11;
	s11 =	sshra.s32 s11, $0x1F  }
0xbf: {  	s11 =	smul.u32 $0x14F8B589, s11;
	_ =	sdelay $0x1  }
0xc0: {  	[smem:$0x5C3] =	sst s11;
	s11 =	spop (v2sf)  }
0xc1: {  	(v2sf) =	vpush v5, $0x6;
	[smem:$0x5C2] =	sst s12;
	s12 =	smulhi.u32 $0x14F8B589, s11;
	s11 =	sshra.s32 s11, $0x1F  }
0xc2: {  	s11 =	smul.u32 $0x14F8B589, s11;
	_ =	sdelay $0x1  }
0xc3: {  	[smem:$0x5C5] =	sst s11;
	s11 =	spop (v2sf)  }
0xc4: {  	(v2sf) =	vpush v5, $0x7;
	[smem:$0x5C4] =	sst s12;
	s12 =	smulhi.u32 $0x14F8B589, s11;
	s11 =	sshra.s32 s11, $0x1F  }
0xc5: {  	s11 =	smul.u32 $0x14F8B589, s11;
	_ =	sdelay $0x1  }
0xc6: {  	[smem:$0x5C7] =	sst s11;
	s11 =	spop (v2sf)  }
0xc7: {  	v25 =	vld [tilespmem:$0x1C0];
	[smem:$0x5C6] =	sst s12;
	s12 =	smulhi.u32 $0x14F8B589, s11;
	s11 =	sshra.s32 s11, $0x1F  }
0xc8: {  	s11 =	smul.u32 $0x14F8B589, s11  }
0xc9: {  	v7 =	vld [tilespmem:$0x40]  }
0xca: {  	[smem:$0x5C9] =	sst s11;
	s11 =	spop (v2sf)  }
0xcb: {  	[smem:$0x5C8] =	sst s12;
	s12 =	smulhi.u32 $0x14F8B589, s11;
	s11 =	sshra.s32 s11, $0x1F  }
0xcc: {  	v6 =	vmul.u32 $0x3F1, v25;
	s11 =	smul.u32 $0x14F8B589, s11;
	_ =	sdelay $0x1  }
0xcd: {  	v6 =	vadd.s32 v7, v6;
	[smem:$0x5CB] =	sst s11;
	s11 =	spop (v2sf)  }
0xce: {  	(v2sf) =	vpush v6, $0xD;
	[smem:$0x5CA] =	sst s12;
	s12 =	smulhi.u32 $0x14F8B589, s11;
	s11 =	sshra.s32 s11, $0x1F  }
0xcf: {  	(v2sf) =	vpush v6, $0xC;
	s11 =	smul.u32 $0x14F8B589, s11  }
0xd0: {  	(v2sf) =	vpush v6, $0xE  }
0xd1: {  	(v2sf) =	vpush v6, $0xF;
	[smem:$0x5CD] =	sst s11;
	s11 =	spop (v2sf)  }
0xd2: {  	(v2sf) =	vpush v6, $0x9;
	[smem:$0x5CC] =	sst s12;
	s12 =	smulhi.u32 $0x14F8B589, s11;
	s11 =	sshra.s32 s11, $0x1F  }
0xd3: {  	(v2sf) =	vpush v6, $0x8;
	s11 =	smul.u32 $0x14F8B589, s11  }
0xd4: {  	(v2sf) =	vpush v6, $0xA;
	[smem:$0x5CE] =	sst s12  }
0xd5: {  	s13 =	sadd.s32 s16, s13;
	(v2sf) =	vpush v6, $0xB;
	[smem:$0x5CF] =	sst s11  }
0xd6: {  	s16 =	sadd.s32 s19, s15;
	[smem:$0x609] =	sst s13  }
0xd7: {  	s19 =	sadd.s32 s20, s17;
	[smem:$0x60C] =	sst s16  }
0xd8: {  	s20 =	sadd.s32 s22, s18;
	[smem:$0x60D] =	sst s19  }
0xd9: {  	s18 =	sadd.s32 s24, s21;
	[smem:$0x611] =	sst s20  }
0xda: {  	s21 =	sadd.s32 s29, s26;
	[smem:$0x60F] =	sst s18  }
0xdb: {  	s3 =	sadd.s32 s3, s28;
	[smem:$0x615] =	sst s21  }
0xdc: {  	s2 =	sadd.s32 s2, s30;
	[smem:$0x608] =	sst s3  }
0xdd: {  	s24 =	sadd.s32 s4, s31;
	[smem:$0x60B] =	sst s2  }
0xde: {  	s19 =	sadd.s32 s25, s23;
	[smem:$0x60E] =	sst s24  }
0xdf: {  	[smem:$0x613] =	sst s19  }
0xe0: {  	s26 =	sld [smem:$0x56E]  }
0xe1: {  	s11 =	spop (v2sf);
	s28 =	sld [smem:$0x56F]  }
0xe2: {  	s30 =	sld [smem:$0x570];
	s12 =	smulhi.u32 $0x14F8B589, s11;
	s11 =	sshra.s32 s11, $0x1F  }
0xe3: {  	s31 =	sld [smem:$0x571];
	s11 =	smul.u32 $0x14F8B589, s11  }
0xe4: {  	s24 =	sld [smem:$0x574]  }
0xe5: {  	[smem:$0x5D1] =	sst s11;
	s11 =	spop (v2sf)  }
0xe6: {  	[smem:$0x5D0] =	sst s12;
	s12 =	smulhi.u32 $0x14F8B589, s11;
	s11 =	sshra.s32 s11, $0x1F  }
0xe7: {  	s3 =	sadd.s32 s6, s26;
	s26 =	sld [smem:$0x575];
	s11 =	smul.u32 $0x14F8B589, s11  }
0xe8: {  	[smem:$0x610] =	sst s3  }
0xe9: {  	[smem:$0x5D3] =	sst s11;
	s11 =	spop (v2sf)  }
0xea: {  	(v2sf) =	vpush v6, $0x0;
	s1 =	sadd.s32 s1, s31;
	[smem:$0x5D2] =	sst s12;
	s12 =	smulhi.u32 $0x14F8B589, s11  }
0xeb: {  	(v2sf) =	vpush v6, $0x1;
	[smem:$0x616] =	sst s1  }
0xec: {  	[smem:$0x5D4] =	sst s12  }
0xed: {  	s12 =	sld [smem:$0x56D]  }
0xee: {  	s3 =	sadd.s32 s8, s28;
	s28 =	sld [smem:$0x576];
	(v2sf) =	vpush v6, $0x2  }
0xef: {  	[smem:$0x612] =	sst s3;
	s3 =	sadd.s32 s7, s30;
	s11 =	sshra.s32 s11, $0x1F  }
0xf0: {  	s12 =	sadd.s32 s14, s12;
	s14 =	smul.u32 $0x14F8B589, s11;
	s11 =	spop (v2sf)  }
0xf1: {  	s30 =	sld [smem:$0x578];
	s13 =	smulhi.u32 $0x14F8B589, s11;
	s11 =	sshra.s32 s11, $0x1F  }
0xf2: {  	s16 =	smul.u32 $0x14F8B589, s11;
	s11 =	spop (v2sf)  }
0xf3: {  	[smem:$0x614] =	sst s3;
	s15 =	smulhi.u32 $0x14F8B589, s11;
	s11 =	sshra.s32 s11, $0x1F  }
0xf4: {  	s22 =	spop (v2sf);
	s17 =	smul.u32 $0x14F8B589, s11  }
0xf5: {  	[smem:$0x60A] =	sst s12;
	s18 =	smulhi.u32 $0x14F8B589, s22;
	s11 =	sshra.s32 s22, $0x1F  }
0xf6: {  	s20 =	spop (v2sf);
	s19 =	smul.u32 $0x14F8B589, s11  }
0xf7: {  	s16 =	sadd.s32 s16, s13;
	s12 =	smulhi.u32 $0x14F8B589, s20;
	s22 =	spop (v2sf)  }
0xf8: {  	s11 =	sshra.s32 s20, $0x1F;
	[smem:$0x64C] =	sst s16;
	s20 =	smulhi.u32 $0x14F8B589, s22  }
0xf9: {  	s23 =	sshra.s32 s22, $0x1F;
	s25 =	spop (v2sf);
	s22 =	sld [smem:$0x572]  }
0xfa: {  	s4 =	smul.u32 $0x14F8B589, s23;
	s2 =	sshra.s32 s25, $0x1F;
	s29 =	spop (v2sf)  }
0xfb: {  	(v2sf) =	vpush v6, $0x3;
	s23 =	sld [smem:$0x573];
	s8 =	smul.u32 $0x14F8B589, s2  }
0xfc: {  	s7 =	smulhi.u32 $0x14F8B589, s29;
	s2 =	sshra.s32 s29, $0x1F;
	s29 =	sld [smem:$0x577]  }
0xfd: {  	s21 =	smul.u32 $0x14F8B589, s2;
	s3 =	spop (v2sf);
	s2 =	sadd.s32 s5, s22  }
0xfe: {  	(v2sf) =	vpush v6, $0x4;
	[smem:$0x607] =	sst s2;
	s5 =	smulhi.u32 $0x14F8B589, s3  }
0xff: {  	s1 =	sshra.s32 s3, $0x1F;
	s2 =	sadd.s32 s24, s23;
	s3 =	sld [smem:$0x57D]  }
0x100: {  	(v2sf) =	vpush v6, $0x5;
	[smem:$0x618] =	sst s2  }
0x101: {  	s2 =	sadd.s32 s28, s26;
	s26 =	sld [smem:$0x579]  }
0x102: {  	s28 =	sld [smem:$0x57A]  }
0x103: {  	[smem:$0x619] =	sst s2  }
0x104: {  	(v2sf) =	vpush v6, $0x6;
	s2 =	sadd.s32 s30, s29;
	s29 =	sld [smem:$0x57B]  }
0x105: {  	s16 =	sadd.s32 s21, s7;
	s30 =	sld [smem:$0x57C]  }
0x106: {  	[smem:$0x64D] =	sst s16  }
0x107: {  	v26 =	vld [tilespmem:$0x1D0];
	[smem:$0x61B] =	sst s2  }
0x108: {  	s6 =	smulhi.u32 $0x14F8B589, s25;
	s2 =	sadd.s32 s28, s26;
	s26 =	sld [smem:$0x57E]  }
0x109: {  	v8 =	vld [tilespmem:$0x50];
	s23 =	smul.u32 $0x14F8B589, s1;
	[smem:$0x61D] =	sst s2  }
0x10a: {  	s25 =	spop (v2sf);
	s2 =	sadd.s32 s30, s29;
	s29 =	sld [smem:$0x57F]  }
0x10b: {  	s30 =	sld [smem:$0x580];
	s22 =	smulhi.u32 $0x14F8B589, s25;
	s1 =	sshra.s32 s25, $0x1F  }
0x10c: {  	v7 =	vmul.u32 $0x3F1, v26;
	(v2sf) =	vpush v6, $0x7;
	[smem:$0x620] =	sst s2;
	s25 =	smul.u32 $0x14F8B589, s1  }
0x10d: {  	s31 =	spop (v2sf);
	s2 =	sadd.s32 s26, s3;
	s26 =	sld [smem:$0x581]  }
0x10e: {  	v7 =	vadd.s32 v8, v7;
	s3 =	sld [smem:$0x584];
	s24 =	smulhi.u32 $0x14F8B589, s31  }
0x10f: {  	(v2sf) =	vpush v7, $0xD;
	s1 =	sshra.s32 s31, $0x1F;
	s31 =	spop (v2sf);
	[smem:$0x61E] =	sst s2  }
0x110: {  	s2 =	sadd.s32 s30, s29;
	s30 =	sld [smem:$0x583];
	s1 =	smul.u32 $0x14F8B589, s1  }
0x111: {  	s28 =	smulhi.u32 $0x14F8B589, s31;
	[smem:$0x622] =	sst s2  }
0x112: {  	[smem:$0x5D5] =	sst s1  }
0x113: {  	(v2sf) =	vpush v7, $0xC;
	[smem:$0x5D6] =	sst s28;
	s1 =	sshra.s32 s31, $0x1F;
	s31 =	spop (v2sf)  }
0x114: {  	s28 =	sld [smem:$0x582];
	s1 =	smul.u32 $0x14F8B589, s1  }
0x115: {  	s29 =	smulhi.u32 $0x14F8B589, s31;
	s21 =	sld [smem:$0x5D5]  }
0x116: {  	[smem:$0x5D7] =	sst s1  }
0x117: {  	[smem:$0x5D8] =	sst s29  }
0x118: {  	s2 =	sadd.s32 s28, s26;
	s26 =	sld [smem:$0x585]  }
0x119: {  	s28 =	sld [smem:$0x586]  }
0x11a: {  	s0 =	smul.u32 $0x14F8B589, s0;
	s1 =	sshra.s32 s31, $0x1F;
	[smem:$0x624] =	sst s2  }
0x11b: {  	(v2sf) =	vpush v7, $0xE;
	s31 =	spop (v2sf);
	s2 =	sadd.s32 s9, s30;
	s30 =	sld [smem:$0x587]  }
0x11c: {  	s9 =	smul.u32 $0x14F8B589, s1;
	s1 =	sshra.s32 s31, $0x1F;
	[smem:$0x61A] =	sst s2  }
0x11d: {  	s1 =	smul.u32 $0x14F8B589, s1;
	s2 =	sadd.s32 s26, s3;
	s26 =	sld [smem:$0x589]  }
0x11e: {  	s29 =	spop (v2sf);
	[smem:$0x61C] =	sst s2  }
0x11f: {  	s3 =	smulhi.u32 $0x14F8B589, s31;
	s31 =	sshra.s32 s29, $0x1F;
	[smem:$0x5D9] =	sst s1  }
0x120: {  	s2 =	sadd.s32 s10, s28;
	s10 =	smulhi.u32 $0x14F8B589, s29;
	s29 =	sld [smem:$0x58A]  }
0x121: {  	s0 =	sadd.s32 s0, s30;
	s30 =	sld [smem:$0x58B]  }
0x122: {  	s28 =	spop (v2sf);
	[smem:$0x61F] =	sst s2  }
0x123: {  	[smem:$0x621] =	sst s0;
	s0 =	smul.u32 $0x14F8B589, s31  }
0x124: {  	(v2sf) =	vpush v7, $0xF;
	s2 =	sld [smem:$0x588];
	s31 =	smulhi.u32 $0x14F8B589, s28  }
0x125: {  	[smem:$0x5DA] =	sst s0  }
0x126: {  	[smem:$0x5DB] =	sst s31  }
0x127: {  	s1 =	sadd.s32 s26, s2;
	s2 =	sld [smem:$0x58C]  }
0x128: {  	s26 =	sld [smem:$0x58D]  }
0x129: {  	s0 =	sshra.s32 s28, $0x1F;
	[smem:$0x623] =	sst s1  }
0x12a: {  	s28 =	spop (v2sf);
	s1 =	sadd.s32 s30, s29;
	s29 =	sld [smem:$0x58E]  }
0x12b: {  	s0 =	smul.u32 $0x14F8B589, s0;
	s30 =	sld [smem:$0x58F]  }
0x12c: {  	(v2sf) =	vpush v7, $0x9;
	s31 =	smulhi.u32 $0x14F8B589, s28;
	[smem:$0x625] =	sst s1  }
0x12d: {  	[smem:$0x5DC] =	sst s0  }
0x12e: {  	[smem:$0x5DD] =	sst s31  }
0x12f: {  	s1 =	sadd.s32 s26, s2;
	s2 =	sld [smem:$0x590]  }
0x130: {  	s26 =	sld [smem:$0x591]  }
0x131: {  	s7 =	sld [smem:$0x5DD]  }
0x132: {  	s0 =	sshra.s32 s28, $0x1F;
	[smem:$0x626] =	sst s1  }
0x133: {  	s28 =	spop (v2sf);
	s1 =	sadd.s32 s30, s29;
	s29 =	sld [smem:$0x592]  }
0x134: {  	(v2sf) =	vpush v7, $0x8;
	s0 =	smul.u32 $0x14F8B589, s0;
	s30 =	sld [smem:$0x593]  }
0x135: {  	s31 =	smulhi.u32 $0x14F8B589, s28;
	[smem:$0x617] =	sst s1  }
0x136: {  	[smem:$0x5DE] =	sst s0  }
0x137: {  	[smem:$0x5DF] =	sst s31  }
0x138: {  	s1 =	sadd.s32 s26, s2;
	s2 =	sld [smem:$0x594]  }
0x139: {  	s26 =	sld [smem:$0x595]  }
0x13a: {  	s0 =	sshra.s32 s28, $0x1F;
	[smem:$0x629] =	sst s1  }
0x13b: {  	s28 =	spop (v2sf);
	s1 =	sadd.s32 s30, s29;
	s29 =	sld [smem:$0x596]  }
0x13c: {  	(v2sf) =	vpush v7, $0xA;
	s0 =	smul.u32 $0x14F8B589, s0;
	s30 =	sld [smem:$0x597]  }
0x13d: {  	s31 =	smulhi.u32 $0x14F8B589, s28;
	[smem:$0x62A] =	sst s1  }
0x13e: {  	[smem:$0x5E0] =	sst s0  }
0x13f: {  	[smem:$0x5E1] =	sst s31  }
0x140: {  	s1 =	sadd.s32 s26, s2;
	s2 =	sld [smem:$0x598]  }
0x141: {  	s26 =	sld [smem:$0x599]  }
0x142: {  	s0 =	sshra.s32 s28, $0x1F;
	[smem:$0x62C] =	sst s1  }
0x143: {  	s28 =	spop (v2sf);
	s1 =	sadd.s32 s30, s29;
	s29 =	sld [smem:$0x59A]  }
0x144: {  	(v2sf) =	vpush v7, $0xB;
	s0 =	smul.u32 $0x14F8B589, s0;
	s30 =	sld [smem:$0x59B]  }
0x145: {  	s31 =	smulhi.u32 $0x14F8B589, s28;
	[smem:$0x62D] =	sst s1  }
0x146: {  	[smem:$0x5E2] =	sst s0  }
0x147: {  	[smem:$0x5E3] =	sst s31  }
0x148: {  	s1 =	sadd.s32 s26, s2;
	s2 =	sld [smem:$0x59C]  }
0x149: {  	s26 =	sld [smem:$0x59D]  }
0x14a: {  	s0 =	sshra.s32 s28, $0x1F;
	[smem:$0x630] =	sst s1  }
0x14b: {  	s28 =	spop (v2sf);
	s1 =	sadd.s32 s30, s29;
	s29 =	sld [smem:$0x59E]  }
0x14c: {  	(v2sf) =	vpush v7, $0x0;
	s0 =	smul.u32 $0x14F8B589, s0;
	s30 =	sld [smem:$0x59F]  }
0x14d: {  	s31 =	smulhi.u32 $0x14F8B589, s28;
	[smem:$0x62F] =	sst s1  }
0x14e: {  	[smem:$0x5E4] =	sst s0  }
0x14f: {  	[smem:$0x5E5] =	sst s31  }
0x150: {  	s1 =	sadd.s32 s26, s2;
	s2 =	sld [smem:$0x5A0]  }
0x151: {  	s26 =	sld [smem:$0x5A1]  }
0x152: {  	s0 =	sshra.s32 s28, $0x1F;
	[smem:$0x632] =	sst s1  }
0x153: {  	s28 =	spop (v2sf);
	s1 =	sadd.s32 s30, s29;
	s29 =	sld [smem:$0x5A2]  }
0x154: {  	(v2sf) =	vpush v7, $0x1;
	s0 =	smul.u32 $0x14F8B589, s0;
	s30 =	sld [smem:$0x5A3]  }
0x155: {  	s31 =	smulhi.u32 $0x14F8B589, s28;
	[smem:$0x634] =	sst s1  }
0x156: {  	[smem:$0x5E6] =	sst s0  }
0x157: {  	[smem:$0x5E7] =	sst s31  }
0x158: {  	s1 =	sadd.s32 s26, s2;
	s2 =	sld [smem:$0x5A4]  }
0x159: {  	s26 =	sld [smem:$0x5A5]  }
0x15a: {  	s0 =	sshra.s32 s28, $0x1F;
	[smem:$0x628] =	sst s1  }
0x15b: {  	s28 =	spop (v2sf);
	s1 =	sadd.s32 s30, s29;
	s29 =	sld [smem:$0x5A6]  }
0x15c: {  	(v2sf) =	vpush v7, $0x2;
	s0 =	smul.u32 $0x14F8B589, s0;
	s30 =	sld [smem:$0x5A7]  }
0x15d: {  	s31 =	smulhi.u32 $0x14F8B589, s28;
	[smem:$0x62B] =	sst s1  }
0x15e: {  	[smem:$0x5E8] =	sst s0  }
0x15f: {  	[smem:$0x5E9] =	sst s31  }
0x160: {  	s1 =	sadd.s32 s26, s2;
	s2 =	sld [smem:$0x5A8]  }
0x161: {  	s26 =	sld [smem:$0x5A9]  }
0x162: {  	s0 =	sshra.s32 s28, $0x1F;
	[smem:$0x62E] =	sst s1  }
0x163: {  	s28 =	spop (v2sf);
	s1 =	sadd.s32 s30, s29;
	s29 =	sld [smem:$0x5AA]  }
0x164: {  	(v2sf) =	vpush v7, $0x3;
	s0 =	smul.u32 $0x14F8B589, s0;
	s30 =	sld [smem:$0x5AB]  }
0x165: {  	s31 =	smulhi.u32 $0x14F8B589, s28;
	[smem:$0x631] =	sst s1  }
0x166: {  	[smem:$0x5EA] =	sst s0  }
0x167: {  	[smem:$0x5EB] =	sst s31  }
0x168: {  	s1 =	sadd.s32 s26, s2;
	s2 =	sld [smem:$0x5AC]  }
0x169: {  	s26 =	sld [smem:$0x5AD]  }
0x16a: {  	s0 =	sshra.s32 s28, $0x1F;
	[smem:$0x633] =	sst s1  }
0x16b: {  	s28 =	spop (v2sf);
	s1 =	sadd.s32 s30, s29;
	s29 =	sld [smem:$0x5AE]  }
0x16c: {  	(v2sf) =	vpush v7, $0x4;
	s0 =	smul.u32 $0x14F8B589, s0;
	s30 =	sld [smem:$0x5AF]  }
0x16d: {  	s31 =	smulhi.u32 $0x14F8B589, s28;
	[smem:$0x635] =	sst s1  }
0x16e: {  	[smem:$0x5EC] =	sst s0  }
0x16f: {  	[smem:$0x5ED] =	sst s31  }
0x170: {  	s1 =	sadd.s32 s26, s2;
	s2 =	sld [smem:$0x5B0]  }
0x171: {  	s26 =	sld [smem:$0x5B1]  }
0x172: {  	s0 =	sshra.s32 s28, $0x1F;
	[smem:$0x636] =	sst s1  }
0x173: {  	s28 =	spop (v2sf);
	s1 =	sadd.s32 s30, s29;
	s29 =	sld [smem:$0x5B2]  }
0x174: {  	(v2sf) =	vpush v7, $0x5;
	s0 =	smul.u32 $0x14F8B589, s0;
	s30 =	sld [smem:$0x5B3]  }
0x175: {  	s31 =	smulhi.u32 $0x14F8B589, s28;
	[smem:$0x627] =	sst s1  }
0x176: {  	[smem:$0x5EE] =	sst s0  }
0x177: {  	[smem:$0x5EF] =	sst s31  }
0x178: {  	s1 =	sadd.s32 s26, s2;
	s2 =	sld [smem:$0x5B4]  }
0x179: {  	s26 =	sld [smem:$0x5B5]  }
0x17a: {  	s0 =	sshra.s32 s28, $0x1F;
	[smem:$0x637] =	sst s1  }
0x17b: {  	s28 =	spop (v2sf);
	s1 =	sadd.s32 s30, s29;
	s29 =	sld [smem:$0x5B6]  }
0x17c: {  	(v2sf) =	vpush v7, $0x6;
	s0 =	smul.u32 $0x14F8B589, s0;
	s30 =	sld [smem:$0x5B7]  }
0x17d: {  	s31 =	smulhi.u32 $0x14F8B589, s28;
	[smem:$0x639] =	sst s1  }
0x17e: {  	[smem:$0x5F0] =	sst s0  }
0x17f: {  	[smem:$0x5F1] =	sst s31  }
0x180: {  	s1 =	sadd.s32 s26, s2;
	s2 =	sld [smem:$0x5B8]  }
0x181: {  	s26 =	sld [smem:$0x5B9]  }
0x182: {  	s0 =	sshra.s32 s28, $0x1F;
	[smem:$0x63B] =	sst s1  }
0x183: {  	s28 =	spop (v2sf);
	s1 =	sadd.s32 s30, s29;
	s29 =	sld [smem:$0x5BA]  }
0x184: {  	v27 =	vld [tilespmem:$0x1E0];
	(v2sf) =	vpush v7, $0x7;
	s0 =	smul.u32 $0x14F8B589, s0;
	s30 =	sld [smem:$0x5BB]  }
0x185: {  	s31 =	smulhi.u32 $0x14F8B589, s28;
	[smem:$0x63D] =	sst s1  }
0x186: {  	v9 =	vld [tilespmem:$0x60];
	[smem:$0x5F2] =	sst s0  }
0x187: {  	[smem:$0x5F3] =	sst s31  }
0x188: {  	s1 =	sadd.s32 s26, s2;
	s2 =	sld [smem:$0x5BC]  }
0x189: {  	v8 =	vmul.u32 $0x3F1, v27;
	s26 =	sld [smem:$0x5BD]  }
0x18a: {  	s0 =	sshra.s32 s28, $0x1F;
	[smem:$0x641] =	sst s1  }
0x18b: {  	v9 =	vadd.s32 v9, v8;
	s28 =	spop (v2sf);
	s1 =	sadd.s32 s30, s29;
	s29 =	sld [smem:$0x5BE]  }
0x18c: {  	(v2sf) =	vpush v9, $0xD;
	s0 =	smul.u32 $0x14F8B589, s0;
	s30 =	sld [smem:$0x5BF]  }
0x18d: {  	s31 =	smulhi.u32 $0x14F8B589, s28;
	[smem:$0x63F] =	sst s1  }
0x18e: {  	[smem:$0x5F4] =	sst s0  }
0x18f: {  	[smem:$0x5F5] =	sst s31  }
0x190: {  	s1 =	sadd.s32 s26, s2;
	s2 =	sld [smem:$0x5C0]  }
0x191: {  	s26 =	sld [smem:$0x5C1]  }
0x192: {  	s0 =	sshra.s32 s28, $0x1F;
	[smem:$0x643] =	sst s1  }
0x193: {  	s28 =	spop (v2sf);
	s1 =	sadd.s32 s30, s29;
	s29 =	sld [smem:$0x5C2]  }
0x194: {  	(v2sf) =	vpush v9, $0xC;
	s0 =	smul.u32 $0x14F8B589, s0;
	s30 =	sld [smem:$0x5C3]  }
0x195: {  	s31 =	smulhi.u32 $0x14F8B589, s28;
	[smem:$0x645] =	sst s1  }
0x196: {  	[smem:$0x5F6] =	sst s0  }
0x197: {  	[smem:$0x5F7] =	sst s31  }
0x198: {  	s1 =	sadd.s32 s26, s2;
	s2 =	sld [smem:$0x5C4]  }
0x199: {  	s26 =	sld [smem:$0x5C5]  }
0x19a: {  	s0 =	sshra.s32 s28, $0x1F;
	[smem:$0x63A] =	sst s1  }
0x19b: {  	s28 =	spop (v2sf);
	s1 =	sadd.s32 s30, s29;
	s29 =	sld [smem:$0x5C6]  }
0x19c: {  	(v2sf) =	vpush v9, $0xE;
	s0 =	smul.u32 $0x14F8B589, s0;
	s30 =	sld [smem:$0x5C7]  }
0x19d: {  	s31 =	smulhi.u32 $0x14F8B589, s28;
	[smem:$0x63C] =	sst s1  }
0x19e: {  	[smem:$0x5F8] =	sst s0  }
0x19f: {  	[smem:$0x5F9] =	sst s31  }
0x1a0: {  	s1 =	sadd.s32 s26, s2;
	s2 =	sld [smem:$0x5C8]  }
0x1a1: {  	s26 =	sld [smem:$0x5C9]  }
0x1a2: {  	s0 =	sshra.s32 s28, $0x1F;
	[smem:$0x63E] =	sst s1  }
0x1a3: {  	s28 =	spop (v2sf);
	s1 =	sadd.s32 s30, s29;
	s29 =	sld [smem:$0x5CA]  }
0x1a4: {  	(v2sf) =	vpush v9, $0xF;
	s0 =	smul.u32 $0x14F8B589, s0;
	s30 =	sld [smem:$0x5CB]  }
0x1a5: {  	s31 =	smulhi.u32 $0x14F8B589, s28;
	[smem:$0x640] =	sst s1  }
0x1a6: {  	[smem:$0x5FA] =	sst s0  }
0x1a7: {  	[smem:$0x5FB] =	sst s31  }
0x1a8: {  	s1 =	sadd.s32 s26, s2;
	s2 =	sld [smem:$0x5CC]  }
0x1a9: {  	s26 =	sld [smem:$0x5CD]  }
0x1aa: {  	s0 =	sshra.s32 s28, $0x1F;
	[smem:$0x642] =	sst s1  }
0x1ab: {  	s28 =	spop (v2sf);
	s1 =	sadd.s32 s30, s29;
	s29 =	sld [smem:$0x5CE]  }
0x1ac: {  	s0 =	smul.u32 $0x14F8B589, s0;
	s30 =	sld [smem:$0x5CF]  }
0x1ad: {  	s31 =	smulhi.u32 $0x14F8B589, s28;
	[smem:$0x644] =	sst s1  }
0x1ae: {  	[smem:$0x5FC] =	sst s0  }
0x1af: {  	[smem:$0x5FD] =	sst s31  }
0x1b0: {  	s1 =	sadd.s32 s26, s2;
	s2 =	sld [smem:$0x5D0]  }
0x1b1: {  	s26 =	sld [smem:$0x5D1]  }
0x1b2: {  	s0 =	sshra.s32 s28, $0x1F;
	[smem:$0x646] =	sst s1  }
0x1b3: {  	s28 =	spop (v2sf);
	s1 =	sadd.s32 s30, s29;
	s29 =	sld [smem:$0x5D2]  }
0x1b4: {  	s0 =	smul.u32 $0x14F8B589, s0;
	s30 =	sld [smem:$0x5D3]  }
0x1b5: {  	s31 =	smulhi.u32 $0x14F8B589, s28;
	[smem:$0x638] =	sst s1  }
0x1b6: {  	(v2sf) =	vpush v9, $0x9;
	[smem:$0x5FE] =	sst s0  }
0x1b7: {  	[smem:$0x5FF] =	sst s31;
	s0 =	sshra.s32 s28, $0x1F  }
0x1b8: {  	s28 =	sadd.s32 s17, s15;
	s1 =	sadd.s32 s26, s2;
	s2 =	sld [smem:$0x5D4]  }
0x1b9: {  	[smem:$0x650] =	sst s28  }
0x1ba: {  	[smem:$0x647] =	sst s1;
	s1 =	sadd.s32 s30, s29  }
0x1bb: {  	(v2sf) =	vpush v9, $0x8;
	s30 =	sadd.s32 s19, s18;
	s18 =	sadd.s32 s23, s5;
	s23 =	sld [smem:$0x5D6]  }
0x1bc: {  	s0 =	smul.u32 $0x14F8B589, s0;
	s5 =	sld [smem:$0x5DB]  }
0x1bd: {  	[smem:$0x648] =	sst s1  }
0x1be: {  	s11 =	smul.u32 $0x14F8B589, s11;
	[smem:$0x600] =	sst s0  }
0x1bf: {  	(v2sf) =	vpush v9, $0xA;
	[smem:$0x651] =	sst s30  }
0x1c0: {  	[smem:$0x64E] =	sst s18;
	s1 =	sadd.s32 s14, s2;
	s2 =	sadd.s32 s11, s12  }
0x1c1: {  	(v2sf) =	vpush v9, $0xB;
	s12 =	sadd.s32 s4, s20;
	s20 =	sadd.s32 s25, s22;
	s25 =	sld [smem:$0x5D7]  }
0x1c2: {  	[smem:$0x64B] =	sst s1  }
0x1c3: {  	[smem:$0x654] =	sst s2  }
0x1c4: {  	[smem:$0x656] =	sst s12  }
0x1c5: {  	(v2sf) =	vpush v9, $0x0;
	s14 =	spop (v2sf);
	[smem:$0x64F] =	sst s20  }
0x1c6: {  	s26 =	smulhi.u32 $0x14F8B589, s14;
	s2 =	sld [smem:$0x5D9]  }
0x1c7: {  	(v2sf) =	vpush v9, $0x1;
	s0 =	sshra.s32 s14, $0x1F;
	s14 =	sadd.s32 s8, s6;
	s6 =	sld [smem:$0x5DC]  }
0x1c8: {  	s8 =	sld [smem:$0x5DE]  }
0x1c9: {  	(v2sf) =	vpush v9, $0x2;
	s12 =	sld [smem:$0x5E1]  }
0x1ca: {  	s29 =	spop (v2sf);
	s1 =	sadd.s32 s21, s24;
	[smem:$0x64A] =	sst s14  }
0x1cb: {  	(v2sf) =	vpush v9, $0x3;
	s0 =	smul.u32 $0x14F8B589, s0;
	[smem:$0x652] =	sst s1  }
0x1cc: {  	s31 =	smulhi.u32 $0x14F8B589, s29;
	[smem:$0x601] =	sst s26  }
0x1cd: {  	[smem:$0x602] =	sst s0  }
0x1ce: {  	s11 =	spop (v2sf);
	s1 =	sadd.s32 s25, s23;
	[smem:$0x603] =	sst s31  }
0x1cf: {  	s13 =	smulhi.u32 $0x14F8B589, s11;
	[smem:$0x653] =	sst s1  }
0x1d0: {  	s15 =	spop (v2sf);
	s0 =	sshra.s32 s29, $0x1F;
	s29 =	sld [smem:$0x5D8]  }
0x1d1: {  	s17 =	smulhi.u32 $0x14F8B589, s15;
	[smem:$0x604] =	sst s13  }
0x1d2: {  	s30 =	smul.u32 $0x14F8B589, s0;
	s0 =	sshra.s32 s11, $0x1F;
	s11 =	sld [smem:$0x5E0]  }
0x1d3: {  	s13 =	sld [smem:$0x5E2]  }
0x1d4: {  	s19 =	spop (v2sf);
	[smem:$0x606] =	sst s17  }
0x1d5: {  	s0 =	smul.u32 $0x14F8B589, s0;
	s17 =	sld [smem:$0x5E4]  }
0x1d6: {  	s22 =	spop (v2sf);
	s1 =	sadd.s32 s9, s29;
	s29 =	sld [smem:$0x5E5]  }
0x1d7: {  	s25 =	smulhi.u32 $0x14F8B589, s22;
	[smem:$0x605] =	sst s0  }
0x1d8: {  	s31 =	spop (v2sf);
	[smem:$0x655] =	sst s1  }
0x1d9: {  	(v2sf) =	vpush v9, $0x4;
	s23 =	smulhi.u32 $0x14F8B589, s31;
	s1 =	sadd.s32 s2, s3;
	s3 =	sld [smem:$0x5DA]  }
0x1da: {  	s0 =	sshra.s32 s15, $0x1F;
	s4 =	spop (v2sf);
	s15 =	sld [smem:$0x5E3]  }
0x1db: {  	(v2sf) =	vpush v9, $0x5;
	s2 =	sld [smem:$0x5F5];
	s26 =	smul.u32 $0x14F8B589, s0;
	s0 =	sshra.s32 s19, $0x1F  }
0x1dc: {  	[smem:$0x649] =	sst s1;
	s24 =	smul.u32 $0x14F8B589, s0  }
0x1dd: {  	s0 =	sshra.s32 s22, $0x1F;
	s1 =	sadd.s32 s3, s10;
	s10 =	sld [smem:$0x5DF]  }
0x1de: {  	v28 =	vld [tilespmem:$0x1F0];
	(v2sf) =	vpush v9, $0x6;
	s22 =	smul.u32 $0x14F8B589, s0;
	s0 =	sshra.s32 s31, $0x1F;
	s31 =	sld [smem:$0x5E6]  }
0x1df: {  	s21 =	smulhi.u32 $0x14F8B589, s4;
	[smem:$0x657] =	sst s1  }
0x1e0: {  	v10 =	vld [tilespmem:$0x70];
	s20 =	smul.u32 $0x14F8B589, s0;
	s0 =	sshra.s32 s4, $0x1F;
	s4 =	sld [smem:$0x5E7]  }
0x1e1: {  	s1 =	sadd.s32 s6, s5;
	s5 =	sld [smem:$0x5E8]  }
0x1e2: {  	s28 =	smulhi.u32 $0x14F8B589, s19;
	s6 =	sld [smem:$0x5E9]  }
0x1e3: {  	v8 =	vmul.u32 $0x3F1, v28;
	[smem:$0x658] =	sst s1  }
0x1e4: {  	(v2sf) =	vpush v9, $0x7;
	s24 =	sadd.s32 s24, s28;
	s1 =	sadd.s32 s8, s7;
	s7 =	sld [smem:$0x5EA]  }
0x1e5: {  	v8 =	vadd.s32 v10, v8;
	[smem:$0x66D] =	sst s24  }
0x1e6: {  	(v2sf) =	vpush v8, $0xD;
	[smem:$0x659] =	sst s1  }
0x1e7: {  	s18 =	smul.u32 $0x14F8B589, s0;
	s1 =	sadd.s32 s11, s10;
	s10 =	sld [smem:$0x5EC]  }
0x1e8: {  	s11 =	sld [smem:$0x5ED];
	s9 =	spop (v2sf)  }
0x1e9: {  	[smem:$0x65B] =	sst s1;
	s1 =	sadd.s32 s13, s12;
	s19 =	smulhi.u32 $0x14F8B589, s9  }
0x1ea: {  	s0 =	sshra.s32 s9, $0x1F;
	[smem:$0x65D] =	sst s1;
	s14 =	spop (v2sf)  }
0x1eb: {  	s1 =	sadd.s32 s17, s15;
	s9 =	sld [smem:$0x5EB];
	s16 =	smul.u32 $0x14F8B589, s0  }
0x1ec: {  	[smem:$0x65F] =	sst s1;
	s17 =	smulhi.u32 $0x14F8B589, s14;
	s0 =	sshra.s32 s14, $0x1F  }
0x1ed: {  	s1 =	sadd.s32 s31, s29;
	s3 =	spop (v2sf);
	s29 =	sld [smem:$0x5EE]  }
0x1ee: {  	[smem:$0x661] =	sst s1;
	s14 =	smul.u32 $0x14F8B589, s0  }
0x1ef: {  	(v2sf) =	vpush v8, $0xC;
	s15 =	smulhi.u32 $0x14F8B589, s3;
	s0 =	sshra.s32 s3, $0x1F;
	s3 =	sld [smem:$0x5EF]  }
0x1f0: {  	s1 =	sadd.s32 s5, s4;
	s4 =	sld [smem:$0x5F0]  }
0x1f1: {  	s5 =	sld [smem:$0x5F1]  }
0x1f2: {  	[smem:$0x663] =	sst s1  }
0x1f3: {  	(v2sf) =	vpush v8, $0xE;
	s8 =	spop (v2sf);
	s1 =	sadd.s32 s7, s6;
	s6 =	sld [smem:$0x5F2]  }
0x1f4: {  	(v2sf) =	vpush v8, $0xF;
	s12 =	smul.u32 $0x14F8B589, s0;
	[smem:$0x65C] =	sst s1;
	s1 =	sadd.s32 s10, s9  }
0x1f5: {  	s0 =	sshra.s32 s8, $0x1F;
	s31 =	spop (v2sf);
	[smem:$0x65E] =	sst s1  }
0x1f6: {  	s10 =	smul.u32 $0x14F8B589, s0;
	s1 =	sadd.s32 s29, s11;
	s29 =	sld [smem:$0x5F3]  }
0x1f7: {  	s0 =	sshra.s32 s31, $0x1F;
	s11 =	smulhi.u32 $0x14F8B589, s31;
	s31 =	sld [smem:$0x5F4]  }
0x1f8: {  	[smem:$0x660] =	sst s1  }
0x1f9: {  	s1 =	sadd.s32 s4, s3;
	s3 =	sld [smem:$0x5F6]  }
0x1fa: {  	[smem:$0x662] =	sst s1  }
0x1fb: {  	s1 =	sadd.s32 s6, s5;
	s5 =	sld [smem:$0x5F7]  }
0x1fc: {  	s6 =	sld [smem:$0x5F8]  }
0x1fd: {  	s13 =	smulhi.u32 $0x14F8B589, s8;
	[smem:$0x664] =	sst s1  }
0x1fe: {  	s7 =	spop (v2sf);
	s1 =	sadd.s32 s31, s29;
	s29 =	sld [smem:$0x5F9]  }
0x1ff: {  	s8 =	smul.u32 $0x14F8B589, s0;
	s31 =	sld [smem:$0x5FA]  }
0x200: {  	s9 =	smulhi.u32 $0x14F8B589, s7;
	s0 =	sshra.s32 s7, $0x1F;
	[smem:$0x665] =	sst s1  }
0x201: {  	s7 =	smul.u32 $0x14F8B589, s0;
	s1 =	sadd.s32 s3, s2;
	s2 =	sld [smem:$0x5FD]  }
0x202: {  	s4 =	spop (v2sf);
	[smem:$0x666] =	sst s1;
	s1 =	sadd.s32 s6, s5  }
0x203: {  	s0 =	sshra.s32 s4, $0x1F;
	s3 =	spop (v2sf);
	[smem:$0x65A] =	sst s1  }
0x204: {  	s6 =	smulhi.u32 $0x14F8B589, s4;
	s1 =	sadd.s32 s31, s29;
	s29 =	sld [smem:$0x5FB]  }
0x205: {  	s5 =	smul.u32 $0x14F8B589, s0;
	s31 =	sld [smem:$0x5FC]  }
0x206: {  	s4 =	smulhi.u32 $0x14F8B589, s3;
	s0 =	sshra.s32 s3, $0x1F;
	s3 =	sld [smem:$0x5FE]  }
0x207: {  	[smem:$0x667] =	sst s1  }
0x208: {  	s1 =	sadd.s32 s31, s29;
	s29 =	sld [smem:$0x5FF]  }
0x209: {  	(v2sf) =	vpush v8, $0x9;
	s31 =	sld [smem:$0x600]  }
0x20a: {  	[smem:$0x668] =	sst s1;
	s1 =	sadd.s32 s3, s2  }
0x20b: {  	(v2sf) =	vpush v8, $0x8;
	[smem:$0x669] =	sst s1  }
0x20c: {  	(v2sf) =	vpush v8, $0xA;
	s1 =	sadd.s32 s31, s29;
	s29 =	sld [smem:$0x602]  }
0x20d: {  	[smem:$0x66A] =	sst s1  }
0x20e: {  	s22 =	sadd.s32 s22, s25;
	(v2sf) =	vpush v8, $0xB;
	s1 =	sld [smem:$0x601]  }
0x20f: {  	[smem:$0x670] =	sst s22;
	s20 =	sadd.s32 s20, s23  }
0x210: {  	[smem:$0x671] =	sst s20;
	(v2sf) =	vpush v8, $0x0  }
0x211: {  	s18 =	sadd.s32 s18, s21;
	s1 =	sadd.s32 s29, s1;
	s29 =	sld [smem:$0x603]  }
0x212: {  	[smem:$0x672] =	sst s18;
	s16 =	sadd.s32 s16, s19;
	(v2sf) =	vpush v8, $0x1  }
0x213: {  	[smem:$0x673] =	sst s16  }
0x214: {  	(v2sf) =	vpush v8, $0x2;
	s31 =	sadd.s32 s30, s29;
	s30 =	sld [smem:$0x604]  }
0x215: {  	s14 =	sadd.s32 s14, s17;
	s29 =	sld [smem:$0x605]  }
0x216: {  	[smem:$0x674] =	sst s14;
	s12 =	sadd.s32 s12, s15;
	(v2sf) =	vpush v8, $0x3  }
0x217: {  	[smem:$0x675] =	sst s12;
	s3 =	smul.u32 $0x14F8B589, s0  }
0x218: {  	s0 =	spop (v2sf);
	(v2sf) =	vpush v8, $0x4;
	s30 =	sadd.s32 s29, s30;
	s29 =	sld [smem:$0x606]  }
0x219: {  	s2 =	smulhi.u32 $0x14F8B589, s0;
	s0 =	sshra.s32 s0, $0x1F;
	[smem:$0x66B] =	sst s1  }
0x21a: {  	s1 =	smul.u32 $0x14F8B589, s0;
	s0 =	spop (v2sf);
	(v2sf) =	vpush v8, $0x5  }
0x21b: {  	[smem:$0x66E] =	sst s30;
	s30 =	spop (v2sf);
	s26 =	sadd.s32 s26, s29  }
0x21c: {  	[smem:$0x66F] =	sst s26;
	s26 =	smulhi.u32 $0x14F8B589, s30;
	s30 =	sshra.s32 s30, $0x1F  }
0x21d: {  	s19 =	sadd.s32 s10, s13;
	s24 =	smul.u32 $0x14F8B589, s30;
	s30 =	spop (v2sf)  }
0x21e: {  	s15 =	sadd.s32 s8, s11;
	(v2sf) =	vpush v8, $0x6;
	s22 =	smulhi.u32 $0x14F8B589, s30;
	s29 =	sshra.s32 s30, $0x1F  }
0x21f: {  	s5 =	sadd.s32 s5, s6;
	s30 =	spop (v2sf);
	s20 =	smul.u32 $0x14F8B589, s29  }
0x220: {  	[smem:$0x676] =	sst s5;
	(v2sf) =	vpush v8, $0x7;
	s18 =	smulhi.u32 $0x14F8B589, s30;
	s23 =	sshra.s32 s30, $0x1F  }
0x221: {  	s3 =	sadd.s32 s3, s4;
	s25 =	spop (v2sf);
	s16 =	smul.u32 $0x14F8B589, s23  }
0x222: {  	[smem:$0x677] =	sst s3;
	s14 =	smulhi.u32 $0x14F8B589, s25;
	s28 =	sshra.s32 s25, $0x1F  }
0x223: {  	s17 =	sadd.s32 s7, s9;
	s29 =	spop (v2sf);
	s12 =	smul.u32 $0x14F8B589, s28  }
0x224: {  	[smem:$0x66C] =	sst s31;
	s10 =	smulhi.u32 $0x14F8B589, s29;
	s30 =	sshra.s32 s29, $0x1F  }
0x225: {  	s1 =	sadd.s32 s1, s2;
	s13 =	spop (v2sf);
	s8 =	smul.u32 $0x14F8B589, s30  }
0x226: {  	[smem:$0x678] =	sst s1;
	s7 =	smulhi.u32 $0x14F8B589, s13;
	s21 =	sshra.s32 s13, $0x1F  }
0x227: {  	s23 =	spop (v2sf);
	s5 =	smul.u32 $0x14F8B589, s21  }
0x228: {  	s30 =	sadd.s32 s24, s26;
	s25 =	smulhi.u32 $0x14F8B589, s23;
	s28 =	sshra.s32 s23, $0x1F  }
0x229: {  	s4 =	spop (v2sf);
	s23 =	sadd.s32 s20, s22;
	s20 =	sadd.s32 s16, s18  }
0x22a: {  	s21 =	sadd.s32 s12, s14;
	s14 =	sld [smem:$0x607];
	s29 =	smul.u32 $0x14F8B589, s28  }
0x22b: {  	s12 =	sld [smem:$0x60A];
	s6 =	smulhi.u32 $0x14F8B589, s4;
	s2 =	sshra.s32 s4, $0x1F  }
0x22c: {  	s22 =	sadd.s32 s8, s10;
	s8 =	sld [smem:$0x608];
	s2 =	smul.u32 $0x14F8B589, s2  }
0x22d: {  	s24 =	sadd.s32 s5, s7;
	s5 =	sld [smem:$0x60C];
	s11 =	spop (v2sf)  }
0x22e: {  	s25 =	sadd.s32 s29, s25;
	s13 =	smulhi.u32 $0x14F8B589, s11;
	s4 =	sshra.s32 s11, $0x1F  }
0x22f: {  	s7 =	sshra.s32 s14, $0x1F;
	s4 =	smul.u32 $0x14F8B589, s4;
	s16 =	spop (v2sf)  }
0x230: {  	v29 =	vmov s7;
	s7 =	sld [smem:$0x609];
	s18 =	smulhi.u32 $0x14F8B589, s16;
	s9 =	sshra.s32 s16, $0x1F  }
0x231: {  	vm8 =	vcmask $0x300;
	s16 =	sld [smem:$0x60B];
	s28 =	smul.u32 $0x14F8B589, s9;
	s9 =	sshra.s32 s8, $0xD  }
0x232: {  	s29 =	sadd.s32 s2, s6;
	s10 =	sshrl.u32 s8, $0x1F;
	v10 =	vsel vm8, s9, v29;
	s9 =	sld [smem:$0x60E]  }
0x233: {  	s1 =	sshra.s32 s8, $0x1F;
	v12 =	vmov s10;
	s11 =	sshrl.u32 s7, $0x1F;
	s26 =	sadd.s32 s4, s13  }
0x234: {  	vm11 =	vcmask $0x704;
	v12 =	vnsel vm8, $0x0, v12;
	s28 =	sadd.s32 s28, s18;
	s18 =	sshra.s32 s16, $0xD;
	s2 =	sshrl.u32 s16, $0x1F  }
0x235: {  	vm12 =	vcmask $0xF0C;
	v10 =	vsel vm11, s1, v10;
	s4 =	sshra.s32 s16, $0x1F;
	s16 =	sld [smem:$0x610];
	v12 =	vsel vm0, s2, v12;
	s10 =	sshrl.u32 s9, $0x1F  }
0x236: {  	v11 =	vmov s11;
	s13 =	sshrl.u32 s12, $0x1F;
	v10 =	vsel vm0, s18, v10;
	v12 =	vsel vm1, s10, v12;
	s10 =	sld [smem:$0x60F]  }
0x237: {  	s6 =	sshrl.u32 s5, $0x1F;
	v11 =	vsel vm0, s13, v11;
	v10 =	vsel vm12, s4, v10;
	s4 =	sld [smem:$0x60D];
	s11 =	sshra.s32 s9, $0xD  }
0x238: {  	vm13 =	vcmask $0x1714;
	v11 =	vsel vm1, s6, v11;
	s6 =	sld [smem:$0x611];
	s1 =	sshra.s32 s12, $0xD;
	s12 =	sshra.s32 s9, $0x1F;
	v10 =	vsel vm1, s11, v10  }
0x239: {  	v10 =	vsel vm13, s12, v10;
	s12 =	sld [smem:$0x614];
	s13 =	sshrl.u32 s10, $0x1F  }
0x23a: {  	s9 =	sshra.s32 s16, $0xD;
	s8 =	sshrl.u32 s4, $0x1F;
	v13 =	vmov s13;
	s13 =	sld [smem:$0x612]  }
0x23b: {  	vm14 =	vcmask $0x1F1C;
	s11 =	sshra.s32 s16, $0x1F;
	v10 =	vsel vm2, s9, v10;
	v11 =	vsel vm2, s8, v11;
	s8 =	sld [smem:$0x613]  }
0x23c: {  	s31 =	smulhi.u32 $0x14F8B589, s0;
	s18 =	sshrl.u32 s16, $0x1F;
	v10 =	vsel vm14, s11, v10;
	s11 =	sld [smem:$0x616]  }
0x23d: {  	vm6 =	vcmask $0x2320;
	s2 =	sshrl.u32 s6, $0x1F;
	v12 =	vsel vm2, s18, v12;
	s9 =	sld [smem:$0x615];
	s3 =	sshrl.u32 s13, $0x1F  }
0x23e: {  	vm4 =	vcmask $0x2B28;
	s0 =	sshra.s32 s0, $0x1F;
	s18 =	sshrl.u32 s12, $0x1F;
	v13 =	vsel vm0, s2, v13;
	s16 =	sshrl.u32 s8, $0x1F;
	v12 =	vsel vm6, s3, v12  }
0x23f: {  	vm7 =	vcmask $0x3330;
	s0 =	smul.u32 $0x14F8B589, s0;
	v13 =	vsel vm1, s16, v13;
	s16 =	sshrl.u32 s11, $0x1F;
	v12 =	vsel vm4, s18, v12  }
0x240: {  	vm5 =	vcmask $0x3B38;
	vm15 =	vcmask $0x2724;
	s3 =	sshrl.u32 s9, $0x1F;
	s18 =	sshra.s32 s13, $0xD;
	v12 =	vsel vm7, s16, v12;
	s16 =	sshra.s32 s7, $0xD  }
0x241: {  	v14 =	vsel vm2, s3, v13;
	v10 =	vsel vm6, s18, v10;
	s18 =	sshra.s32 s13, $0x1F;
	s7 =	sshrl.u32 s14, $0x1F;
	v30 =	vmov s16;
	s16 =	sshra.s32 s10, $0xD  }
0x242: {  	s13 =	sshra.s32 s5, $0xD;
	s5 =	sshra.s32 s6, $0xD;
	s6 =	sshra.s32 s12, $0x1F;
	v12 =	vsel vm5, s7, v12;
	v13 =	vsel vm0, s1, v30;
	v15 =	vmov s16  }
0x243: {  	v10 =	vsel vm15, s18, v10;
	s18 =	sshra.s32 s12, $0xD;
	s7 =	sshra.s32 s8, $0xD;
	v13 =	vsel vm1, s13, v13;
	v15 =	vsel vm0, s5, v15;
	s13 =	sld [smem:$0x617]  }
0x244: {  	s8 =	sshra.s32 s9, $0xD;
	s9 =	sshra.s32 s11, $0xD;
	v31 =	vsel vm1, s7, v15;
	s7 =	sld [smem:$0x61A]  }
0x245: {  	vm10 =	vcmask $0x2F2C;
	s10 =	sshra.s32 s11, $0x1F;
	s11 =	sshra.s32 s14, $0xD;
	s14 =	sld [smem:$0x618];
	v10 =	vsel vm4, s18, v10  }
0x246: {  	vm9 =	vcmask $0x3734;
	s31 =	sadd.s32 s0, s31;
	s18 =	sld [smem:$0x619];
	v10 =	vsel vm10, s6, v10;
	s12 =	sshra.s32 s13, $0x1F  }
0x247: {  	s4 =	sshra.s32 s4, $0xD;
	v10 =	vsel vm7, s9, v10;
	v17 =	vsel vm2, s8, v31;
	v32 =	vmov s12;
	s8 =	sshra.s32 s7, $0xD;
	s12 =	sld [smem:$0x61C]  }
0x248: {  	v10 =	vsel vm9, s10, v10;
	s9 =	sshrl.u32 s7, $0x1F;
	s10 =	sshra.s32 s7, $0x1F;
	s7 =	sld [smem:$0x61D]  }
0x249: {  	v16 =	vsel vm2, s4, v13;
	s16 =	sshrl.u32 s14, $0x1F;
	s1 =	sshra.s32 s14, $0xD;
	v13 =	vsel vm8, s8, v32;
	s8 =	sld [smem:$0x61E]  }
0x24a: {  	s6 =	sshrl.u32 s18, $0x1F;
	v13 =	vsel vm11, s10, v13;
	s10 =	sld [smem:$0x61B];
	s14 =	sshra.s32 s12, $0xD  }
0x24b: {  	s0 =	sshra.s32 s18, $0xD;
	v18 =	vmov s9;
	s9 =	sld [smem:$0x61F];
	s18 =	sshra.s32 s12, $0x1F;
	v19 =	vsel vm0, s14, v13  }
0x24c: {  	v33 =	vmov s6;
	v35 =	vsel vm12, s18, v19;
	s18 =	sld [smem:$0x621]  }
0x24d: {  	v15 =	vsel vm5, s11, v10;
	v10 =	vsel vm0, s16, v33;
	v18 =	vnsel vm8, $0x0, v18;
	s16 =	sshrl.u32 s12, $0x1F;
	s11 =	sshrl.u32 s10, $0x1F  }
0x24e: {  	s5 =	sshrl.u32 s7, $0x1F;
	v34 =	vsel vm0, s16, v18;
	s6 =	sshrl.u32 s8, $0x1F;
	v10 =	vsel vm1, s11, v10;
	s11 =	sshrl.u32 s9, $0x1F  }
0x24f: {  	v36 =	vmov s6;
	v13 =	vsel vm2, s5, v10;
	v10 =	vsel vm1, s11, v34;
	s5 =	sld [smem:$0x620];
	s6 =	sshrl.u32 s18, $0x1F  }
0x250: {  	v10 =	vsel vm2, s6, v10;
	s6 =	sld [smem:$0x622]  }
0x251: {  	s12 =	sshra.s32 s9, $0xD  }
0x252: {  	v18 =	vsel vm1, s12, v35;
	s12 =	sld [smem:$0x623];
	s16 =	sshrl.u32 s5, $0x1F  }
0x253: {  	s14 =	sshra.s32 s9, $0x1F;
	s9 =	sld [smem:$0x624];
	v19 =	vsel vm0, s16, v36;
	s11 =	sshrl.u32 s6, $0x1F  }
0x254: {  	v20 =	vmov s0;
	s0 =	sshra.s32 s7, $0xD;
	v19 =	vsel vm1, s11, v19;
	s11 =	sld [smem:$0x625]  }
0x255: {  	s2 =	sshra.s32 s10, $0xD;
	s10 =	sld [smem:$0x626];
	v18 =	vsel vm13, s14, v18;
	s16 =	sshra.s32 s18, $0xD  }
0x256: {  	s14 =	sshrl.u32 s12, $0x1F;
	s4 =	sshrl.u32 s9, $0x1F;
	s18 =	sshra.s32 s18, $0x1F;
	v18 =	vsel vm2, s16, v18  }
0x257: {  	s7 =	sshra.s32 s12, $0x1F;
	v10 =	vsel vm6, s14, v10;
	v18 =	vsel vm14, s18, v18;
	s18 =	sshra.s32 s12, $0xD;
	s14 =	sshrl.u32 s11, $0x1F  }
0x258: {  	s16 =	sshrl.u32 s10, $0x1F;
	s12 =	smov.u32 s13;
	s13 =	sshrl.u32 s13, $0x1F;
	v21 =	vsel vm6, s18, v18;
	v10 =	vsel vm4, s14, v10  }
0x259: {  	v37 =	vsel vm0, s1, v20;
	v38 =	vsel vm15, s7, v21;
	s18 =	sshra.s32 s11, $0xD;
	s14 =	sshra.s32 s5, $0xD;
	v10 =	vsel vm7, s16, v10;
	s16 =	sshra.s32 s8, $0xD  }
0x25a: {  	v20 =	vsel vm4, s18, v38;
	s5 =	sshra.s32 s6, $0xD;
	s8 =	sshra.s32 s11, $0x1F;
	v18 =	vsel vm5, s13, v10;
	v22 =	vmov s16;
	s13 =	sld [smem:$0x627]  }
0x25b: {  	vm9 =	vmmov vm7;
	s6 =	sshra.s32 s9, $0xD;
	s9 =	sshra.s32 s10, $0xD;
	v20 =	vsel vm10, s8, v20;
	v39 =	vsel vm0, s14, v22;
	s14 =	sld [smem:$0x628]  }
0x25c: {  	v20 =	vsel vm9, s9, v20;
	s9 =	sld [smem:$0x62A]  }
0x25d: {  	s7 =	sld [smem:$0x629]  }
0x25e: {  	vm3 =	vmmov vm5;
	s12 =	sshra.s32 s12, $0xD;
	s10 =	sshra.s32 s10, $0x1F;
	v10 =	vsel vm1, s2, v37;
	vm5 =	vcmask $0x3734;
	s11 =	sshra.s32 s13, $0x1F  }
0x25f: {  	v21 =	vsel vm2, s0, v10;
	v41 =	vsel vm5, s10, v20;
	v40 =	vmov s11;
	s18 =	sshra.s32 s14, $0xD;
	s10 =	sshrl.u32 s9, $0x1F;
	s11 =	sld [smem:$0x62B]  }
0x260: {  	s8 =	sshrl.u32 s7, $0x1F;
	v10 =	vsel vm1, s5, v39;
	s16 =	sshrl.u32 s14, $0x1F;
	v42 =	vsel vm8, s18, v40;
	v43 =	vmov s10;
	s18 =	sld [smem:$0x62C]  }
0x261: {  	v24 =	vsel vm2, s6, v10;
	s6 =	sshra.s32 s14, $0x1F;
	s1 =	sshra.s32 s9, $0xD;
	v10 =	vsel vm0, s8, v43;
	s8 =	sld [smem:$0x62E]  }
0x262: {  	v22 =	vsel vm3, s12, v41;
	s9 =	sld [smem:$0x62D];
	s12 =	sshra.s32 s11, $0xD;
	s14 =	sshrl.u32 s11, $0x1F  }
0x263: {  	v20 =	vsel vm11, s6, v42;
	s6 =	sshrl.u32 s18, $0x1F;
	s3 =	sshra.s32 s18, $0xD;
	s18 =	sld [smem:$0x631]  }
0x264: {  	v23 =	vmov s16;
	s16 =	sshra.s32 s11, $0x1F;
	v10 =	vsel vm1, s6, v10;
	s10 =	sshra.s32 s8, $0xD;
	s6 =	sld [smem:$0x62F]  }
0x265: {  	v23 =	vnsel vm8, $0x0, v23;
	v20 =	vsel vm0, s12, v20;
	s11 =	sshrl.u32 s8, $0x1F;
	s12 =	sshra.s32 s8, $0x1F;
	s8 =	sld [smem:$0x630]  }
0x266: {  	s0 =	sshra.s32 s7, $0xD;
	s7 =	sshrl.u32 s9, $0x1F;
	s2 =	sshra.s32 s9, $0xD;
	v44 =	vsel vm0, s14, v23;
	v25 =	vsel vm12, s16, v20  }
0x267: {  	s9 =	sld [smem:$0x636];
	v20 =	vsel vm2, s7, v10;
	v45 =	vsel vm1, s10, v25;
	v10 =	vsel vm1, s11, v44;
	s10 =	sshrl.u32 s18, $0x1F;
	s14 =	sshrl.u32 s6, $0x1F  }
0x268: {  	s16 =	sshrl.u32 s8, $0x1F;
	v10 =	vsel vm2, s10, v10;
	s10 =	sld [smem:$0x632];
	v46 =	vmov s14  }
0x269: {  	v23 =	vsel vm13, s12, v45;
	s11 =	sshra.s32 s18, $0xD;
	v25 =	vsel vm0, s16, v46;
	s16 =	sld [smem:$0x633]  }
0x26a: {  	v23 =	vsel vm2, s11, v23;
	s11 =	sld [smem:$0x635]  }
0x26b: {  	s7 =	sld [smem:$0x634];
	s12 =	sshra.s32 s18, $0x1F  }
0x26c: {  	v19 =	vsel vm2, s4, v19;
	vm7 =	vmmov vm4;
	v26 =	vmov s1;
	s1 =	sshra.s32 s8, $0xD;
	s14 =	sshrl.u32 s10, $0x1F;
	s18 =	sshrl.u32 s16, $0x1F  }
0x26d: {  	s8 =	sshra.s32 s9, $0x1F;
	v23 =	vsel vm14, s12, v23;
	s5 =	sshrl.u32 s11, $0x1F;
	v25 =	vsel vm1, s14, v25;
	s14 =	sshra.s32 s16, $0xD;
	v10 =	vsel vm6, s18, v10  }
0x26e: {  	vm4 =	vmmov vm9;
	s4 =	sshrl.u32 s7, $0x1F;
	s16 =	sshra.s32 s16, $0x1F;
	v23 =	vsel vm6, s14, v23;
	s18 =	sshrl.u32 s9, $0x1F;
	v10 =	vsel vm7, s5, v10  }
0x26f: {  	s14 =	sshra.s32 s11, $0xD;
	v27 =	vsel vm15, s16, v23;
	v10 =	vsel vm4, s18, v10;
	s18 =	sshra.s32 s10, $0xD;
	s10 =	sld [smem:$0x637]  }
0x270: {  	v47 =	vsel vm0, s0, v26;
	s12 =	sshrl.u32 s13, $0x1F;
	s16 =	sshra.s32 s6, $0xD;
	v48 =	vsel vm7, s14, v27;
	s14 =	sld [smem:$0x638]  }
0x271: {  	s6 =	sshra.s32 s11, $0x1F;
	v23 =	vsel vm3, s12, v10;
	v10 =	vsel vm1, s3, v47;
	s3 =	sshra.s32 s7, $0xD;
	s12 =	sld [smem:$0x639]  }
0x272: {  	v49 =	vmov s16;
	s7 =	sshra.s32 s9, $0xD;
	s9 =	sshra.s32 s13, $0xD;
	s16 =	sld [smem:$0x63A]  }
0x273: {  	v26 =	vsel vm10, s6, v48;
	v28 =	vsel vm2, s2, v10;
	s6 =	sld [smem:$0x63D];
	s2 =	sshrl.u32 s10, $0x1F;
	s0 =	sshra.s32 s10, $0xD  }
0x274: {  	v50 =	vsel vm0, s1, v49;
	v26 =	vsel vm4, s7, v26;
	s10 =	sld [smem:$0x63B];
	s11 =	sshra.s32 s14, $0x1F;
	s13 =	sshrl.u32 s12, $0x1F  }
0x275: {  	v10 =	vsel vm1, s18, v50;
	v26 =	vsel vm5, s8, v26;
	v29 =	vmov s11;
	s18 =	sshra.s32 s16, $0xD;
	s1 =	sshra.s32 s12, $0xD;
	s12 =	sld [smem:$0x63C]  }
0x276: {  	s7 =	sld [smem:$0x63F];
	v30 =	vsel vm2, s3, v10;
	v27 =	vsel vm3, s9, v26;
	s8 =	sshrl.u32 s16, $0x1F;
	s9 =	sshra.s32 s16, $0x1F;
	v51 =	vsel vm8, s18, v29  }
0x277: {  	v52 =	vmov s13;
	v53 =	vmov s8;
	s11 =	sshrl.u32 s10, $0x1F;
	v10 =	vsel vm11, s9, v51;
	s9 =	sld [smem:$0x63E]  }
0x278: {  	v25 =	vsel vm2, s4, v25;
	s4 =	sshra.s32 s10, $0xD;
	s8 =	sshrl.u32 s6, $0x1F;
	v26 =	vsel vm0, s2, v52;
	v29 =	vnsel vm8, $0x0, v53;
	s16 =	sshrl.u32 s12, $0x1F  }
0x279: {  	s13 =	sshra.s32 s12, $0xD;
	s18 =	sshra.s32 s12, $0x1F;
	v26 =	vsel vm1, s11, v26;
	v29 =	vsel vm0, s16, v29;
	s16 =	sld [smem:$0x640]  }
0x27a: {  	v10 =	vsel vm0, s13, v10;
	v26 =	vsel vm2, s8, v26;
	s13 =	sshrl.u32 s7, $0x1F;
	s8 =	sld [smem:$0x645];
	s10 =	sshrl.u32 s9, $0x1F  }
0x27b: {  	s11 =	sshra.s32 s9, $0xD;
	s12 =	sshra.s32 s9, $0x1F;
	s9 =	sld [smem:$0x641]  }
0x27c: {  	s2 =	sshra.s32 s6, $0xD;
	v10 =	vsel vm12, s18, v10;
	v31 =	vmov s13;
	s13 =	sld [smem:$0x642]  }
0x27d: {  	vm9 =	vmmov vm13;
	v29 =	vsel vm1, s10, v29;
	v10 =	vsel vm1, s11, v10;
	s18 =	sshrl.u32 s16, $0x1F;
	s10 =	sshra.s32 s16, $0xD;
	s11 =	sshra.s32 s16, $0x1F  }
0x27e: {  	v32 =	vmov s1;
	v10 =	vsel vm9, s12, v10;
	s12 =	sld [smem:$0x644];
	s1 =	sshra.s32 s8, $0xD;
	s5 =	sshrl.u32 s9, $0x1F  }
0x27f: {  	v29 =	vsel vm2, s18, v29;
	s6 =	sshrl.u32 s13, $0x1F;
	v10 =	vsel vm2, s10, v10;
	s10 =	sld [smem:$0x643];
	s3 =	sshra.s32 s9, $0xD  }
0x280: {  	s9 =	sshra.s32 s7, $0xD;
	v29 =	vsel vm6, s6, v29;
	v10 =	vsel vm14, s11, v10;
	s6 =	sshrl.u32 s8, $0x1F;
	s11 =	sld [smem:$0x646]  }
0x281: {  	v33 =	vmov s9;
	s8 =	sshra.s32 s14, $0xD;
	s9 =	sld [smem:$0x647];
	s18 =	sshrl.u32 s12, $0x1F  }
0x282: {  	v32 =	vsel vm0, s0, v32;
	v31 =	vsel vm0, s5, v31;
	s5 =	sld [smem:$0x64B];
	s16 =	sshrl.u32 s10, $0x1F;
	v29 =	vsel vm7, s18, v29;
	s18 =	sshra.s32 s13, $0xD  }
0x283: {  	v33 =	vsel vm0, s3, v33;
	s10 =	sshra.s32 s10, $0xD;
	v31 =	vsel vm1, s16, v31;
	s16 =	sshrl.u32 s11, $0x1F;
	v10 =	vsel vm6, s18, v10;
	s18 =	sshrl.u32 s14, $0x1F  }
0x284: {  	v32 =	vsel vm1, s4, v32;
	s4 =	sshra.s32 s11, $0x1F;
	s7 =	sshrl.u32 s9, $0x1F;
	v54 =	vsel vm1, s10, v33;
	s10 =	sld [smem:$0x648]  }
0x285: {  	vm13 =	vmmov vm5;
	vm5 =	vmmov vm3;
	s14 =	sld [smem:$0x64A];
	v29 =	vsel vm4, s16, v29;
	s16 =	sshra.s32 s13, $0x1F;
	s13 =	sshra.s32 s12, $0xD  }
0x286: {  	v29 =	vsel vm5, s18, v29;
	v10 =	vsel vm15, s16, v10;
	s16 =	sshra.s32 s12, $0x1F;
	s18 =	sshra.s32 s11, $0xD;
	s12 =	sld [smem:$0x649]  }
0x287: {  	v35 =	vsel vm2, s1, v54;
	v10 =	vsel vm7, s13, v10;
	s11 =	sshrl.u32 s10, $0x1F;
	s1 =	sshra.s32 s10, $0xD;
	s10 =	sld [smem:$0x64D]  }
0x288: {  	s0 =	sshra.s32 s9, $0xD;
	s9 =	sld [smem:$0x64C];
	v10 =	vsel vm10, s16, v10;
	s16 =	sshrl.u32 s14, $0x1F  }
0x289: {  	v34 =	vsel vm2, s2, v32;
	v10 =	vsel vm4, s18, v10;
	s13 =	sshra.s32 s12, $0x1F;
	v56 =	vmov s16;
	s16 =	sld [smem:$0x64E]  }
0x28a: {  	v36 =	vmov s11;
	s18 =	sshra.s32 s14, $0xD;
	v10 =	vsel vm13, s4, v10;
	v55 =	vmov s13;
	s11 =	sshrl.u32 s10, $0x1F;
	s13 =	sshra.s32 s10, $0xD  }
0x28b: {  	v32 =	vsel vm5, s8, v10;
	v33 =	vsel vm8, s18, v55;
	s8 =	sshra.s32 s14, $0x1F;
	v10 =	vnsel vm8, $0x0, v56;
	s14 =	sshra.s32 s10, $0x1F;
	s10 =	sld [smem:$0x64F]  }
0x28c: {  	v33 =	vsel vm11, s8, v33;
	v10 =	vsel vm0, s11, v10;
	s18 =	sshrl.u32 s16, $0x1F;
	s8 =	sld [smem:$0x651]  }
0x28d: {  	vm3 =	vmmov vm12;
	s3 =	sshrl.u32 s5, $0x1F;
	s2 =	sshrl.u32 s9, $0x1F;
	v33 =	vsel vm0, s13, v33;
	v10 =	vsel vm1, s18, v10;
	s18 =	sld [smem:$0x650]  }
0x28e: {  	v36 =	vsel vm0, s7, v36;
	s4 =	sshra.s32 s5, $0xD;
	s5 =	sshra.s32 s9, $0xD;
	v37 =	vsel vm3, s14, v33;
	s14 =	sld [smem:$0x652]  }
0x28f: {  	v31 =	vsel vm2, s6, v31;
	v36 =	vsel vm1, s3, v36;
	s6 =	sshra.s32 s16, $0xD;
	s9 =	sshra.s32 s16, $0x1F;
	s16 =	sshrl.u32 s10, $0x1F  }
0x290: {  	v33 =	vsel vm2, s2, v36;
	v57 =	vsel vm1, s6, v37;
	s11 =	sshrl.u32 s8, $0x1F;
	s2 =	sshrl.u32 s18, $0x1F;
	s3 =	sshra.s32 s18, $0xD  }
0x291: {  	v10 =	vsel vm2, s16, v10;
	v58 =	vmov s11;
	v36 =	vsel vm9, s9, v57;
	s18 =	sshra.s32 s10, $0xD;
	s11 =	sld [smem:$0x655];
	s13 =	sshrl.u32 s14, $0x1F  }
0x292: {  	vm12 =	vmmov vm14;
	s9 =	sshra.s32 s10, $0x1F;
	v36 =	vsel vm2, s18, v36;
	v10 =	vsel vm6, s13, v10;
	s13 =	sld [smem:$0x653]  }
0x293: {  	v38 =	vsel vm12, s9, v36;
	s9 =	sld [smem:$0x656]  }
0x294: {  	s10 =	sld [smem:$0x654]  }
0x295: {  	s16 =	sshrl.u32 s13, $0x1F  }
0x296: {  	vm14 =	vmmov vm4;
	s8 =	sshra.s32 s8, $0xD;
	s18 =	sshrl.u32 s11, $0x1F;
	s7 =	sshrl.u32 s9, $0x1F;
	v10 =	vsel vm7, s16, v10  }
0x297: {  	v39 =	vmov s8;
	s8 =	sshra.s32 s13, $0xD;
	s16 =	sshrl.u32 s10, $0x1F;
	v10 =	vsel vm14, s18, v10;
	s18 =	sshra.s32 s14, $0xD  }
0x298: {  	v37 =	vsel vm0, s2, v58;
	v59 =	vsel vm6, s18, v38;
	s18 =	sshra.s32 s9, $0xD;
	s9 =	sshra.s32 s13, $0x1F;
	s13 =	sld [smem:$0x657]  }
0x299: {  	v60 =	vmov s1;
	v37 =	vsel vm1, s16, v37;
	s16 =	sshrl.u32 s12, $0x1F  }
0x29a: {  	v39 =	vsel vm0, s3, v39;
	s6 =	sshra.s32 s10, $0xD;
	v36 =	vsel vm5, s16, v10;
	s16 =	sshra.s32 s14, $0x1F;
	v38 =	vsel vm0, s0, v60;
	s14 =	sld [smem:$0x658]  }
0x29b: {  	v39 =	vsel vm1, s6, v39;
	v10 =	vsel vm15, s16, v59;
	v38 =	vsel vm1, s4, v38;
	s4 =	sshrl.u32 s13, $0x1F;
	s0 =	sshra.s32 s13, $0xD;
	s13 =	sld [smem:$0x65A]  }
0x29c: {  	s10 =	sshra.s32 s11, $0xD;
	s11 =	sshra.s32 s11, $0x1F;
	v42 =	vsel vm2, s18, v39;
	s18 =	sld [smem:$0x659];
	v10 =	vsel vm7, s8, v10  }
0x29d: {  	s8 =	sshra.s32 s12, $0xD;
	s12 =	sld [smem:$0x65C];
	v10 =	vsel vm10, s9, v10;
	s16 =	sshrl.u32 s14, $0x1F  }
0x29e: {  	vm4 =	vmmov vm13;
	s1 =	sshra.s32 s14, $0xD;
	v10 =	vsel vm14, s10, v10;
	s10 =	sld [smem:$0x65B];
	s9 =	sshra.s32 s13, $0x1F  }
0x29f: {  	s2 =	sshrl.u32 s18, $0x1F;
	s3 =	sshra.s32 s18, $0xD;
	v10 =	vsel vm4, s11, v10;
	v63 =	vmov s9;
	s9 =	sld [smem:$0x65E]  }
0x2a0: {  	v61 =	vmov s16;
	s14 =	sshra.s32 s12, $0xD;
	s16 =	sshrl.u32 s12, $0x1F;
	v40 =	vsel vm5, s8, v10;
	s8 =	sld [smem:$0x65D]  }
0x2a1: {  	v44 =	vsel vm0, s4, v61;
	s18 =	sshra.s32 s12, $0x1F;
	s11 =	sshrl.u32 s10, $0x1F;
	v45 =	vsel vm8, s14, v63;
	s14 =	sld [smem:$0x65F]  }
0x2a2: {  	v41 =	vsel vm2, s5, v38;
	v10 =	vsel vm1, s2, v44;
	s4 =	sshra.s32 s10, $0xD;
	v38 =	vsel vm11, s18, v45;
	s18 =	sld [smem:$0x660];
	s10 =	sshra.s32 s9, $0xD  }
0x2a3: {  	vm13 =	vmmov vm3;
	v39 =	vsel vm2, s11, v10;
	s11 =	sshrl.u32 s9, $0x1F;
	s12 =	sshra.s32 s9, $0x1F;
	s9 =	sld [smem:$0x663];
	v46 =	vsel vm0, s10, v38  }
0x2a4: {  	v43 =	vmov s16;
	s16 =	sshrl.u32 s14, $0x1F;
	v10 =	vsel vm13, s12, v46;
	s12 =	sld [smem:$0x661]  }
0x2a5: {  	v47 =	vnsel vm8, $0x0, v43;
	s2 =	sshrl.u32 s8, $0x1F;
	v48 =	vmov s16;
	s10 =	sshra.s32 s18, $0xD;
	s16 =	sld [smem:$0x662]  }
0x2a6: {  	s6 =	sshra.s32 s8, $0xD;
	v38 =	vsel vm0, s11, v47;
	s5 =	sshra.s32 s14, $0xD;
	s11 =	sshra.s32 s18, $0x1F;
	v10 =	vsel vm1, s10, v10  }
0x2a7: {  	v37 =	vsel vm2, s7, v37;
	s8 =	sshrl.u32 s18, $0x1F;
	s7 =	sshrl.u32 s9, $0x1F;
	v10 =	vsel vm9, s11, v10;
	s11 =	sld [smem:$0x664]  }
0x2a8: {  	v43 =	vsel vm0, s2, v48;
	s10 =	sld [smem:$0x665];
	s14 =	sshrl.u32 s12, $0x1F;
	s18 =	sshrl.u32 s16, $0x1F  }
0x2a9: {  	s2 =	sshra.s32 s12, $0xD;
	v43 =	vsel vm1, s14, v43;
	s14 =	sshra.s32 s16, $0xD;
	s16 =	sshra.s32 s16, $0x1F  }
0x2aa: {  	v38 =	vsel vm1, s8, v38;
	s8 =	sshrl.u32 s11, $0x1F;
	v45 =	vsel vm2, s7, v43;
	s7 =	sshra.s32 s9, $0xD;
	s9 =	sld [smem:$0x666]  }
0x2ab: {  	v49 =	vmov s1;
	v10 =	vsel vm2, s14, v10;
	s12 =	sshra.s32 s11, $0xD;
	s14 =	sshra.s32 s11, $0x1F;
	s11 =	sld [smem:$0x667]  }
0x2ac: {  	v51 =	vmov s5;
	s5 =	sshra.s32 s13, $0xD;
	v38 =	vsel vm2, s18, v38;
	v10 =	vsel vm12, s16, v10;
	s16 =	sshrl.u32 s13, $0x1F;
	s13 =	sld [smem:$0x668]  }
0x2ad: {  	v11 =	vcombine.low v14, v11;
	s18 =	sshrl.u32 s10, $0x1F;
	v43 =	vsel vm0, s0, v49;
	v38 =	vsel vm6, s8, v38;
	s8 =	sshrl.u32 s9, $0x1F  }
0x2ae: {  	v50 =	vsel vm1, s3, v43;
	v38 =	vsel vm7, s18, v38;
	v10 =	vsel vm6, s12, v10;
	s12 =	sshrl.u32 s11, $0x1F;
	s0 =	sshra.s32 s11, $0xD;
	s11 =	sld [smem:$0x66B]  }
0x2af: {  	v43 =	vsel vm2, s4, v50;
	v10 =	vsel vm15, s14, v10;
	v38 =	vsel vm14, s8, v38;
	s14 =	sshrl.u32 s13, $0x1F;
	s4 =	sshra.s32 s13, $0xD;
	s13 =	sld [smem:$0x66C]  }
0x2b0: {  	v11 =	vperm.xlane v11, v62;
	s18 =	sshra.s32 s10, $0xD;
	v46 =	vsel vm5, s16, v38;
	s16 =	sld [smem:$0x669]  }
0x2b1: {  	v12 =	vperm.xlane v12, v1;
	v16 =	vcombine.low v17, v16;
	s1 =	sshra.s32 s10, $0x1F;
	s3 =	sshra.s32 s9, $0xD;
	s9 =	sshra.s32 s9, $0x1F;
	v10 =	vsel vm7, s18, v10  }
0x2b2: {  	s8 =	sld [smem:$0x66A];
	v38 =	vsel vm0, s6, v51;
	v10 =	vsel vm10, s1, v10;
	v44 =	vmov s14;
	s6 =	sshrl.u32 s11, $0x1F;
	s14 =	sshrl.u32 s13, $0x1F  }
0x2b3: {  	v15 =	vperm.xlane v15, v1;
	v47 =	vld [tilespmem:$0x200];
	v38 =	vsel vm1, s2, v38;
	v10 =	vsel vm14, s3, v10;
	s18 =	sshrl.u32 s16, $0x1F;
	s3 =	sshra.s32 s16, $0xD;
	s16 =	sld [smem:$0x66D]  }
0x2b4: {  	v44 =	vsel vm0, s12, v44;
	s2 =	sshra.s32 s11, $0xD;
	s12 =	sshra.s32 s19, $0x1F;
	v10 =	vsel vm4, s9, v10;
	v50 =	vmov s14;
	s14 =	sld [smem:$0x670]  }
0x2b5: {  	s10 =	sshrl.u32 s8, $0x1F;
	v53 =	vmov s12;
	s12 =	sld [smem:$0x66E];
	v52 =	vsel vm1, s18, v44;
	v44 =	vsel vm5, s5, v10;
	s5 =	sshra.s32 s13, $0xD  }
0x2b6: {  	v16 =	vperm.xlane v16, v62;
	v49 =	vld [tilespmem:$0x80];
	v48 =	vsel vm2, s7, v38;
	s13 =	sld [smem:$0x66F];
	v38 =	vsel vm2, s10, v52;
	s18 =	sshra.s32 s16, $0xD;
	s10 =	sshrl.u32 s16, $0x1F  }
0x2b7: {  	v13 =	vcombine.low v19, v13;
	s11 =	sshra.s32 s16, $0x1F;
	s16 =	sshra.s32 s14, $0xD;
	v10 =	vsel vm8, s18, v53;
	v51 =	vmov s10;
	s10 =	sld [smem:$0x671]  }
0x2b8: {  	v47 =	vmul.u32 $0x3F1, v47;
	v58 =	vmov s4;
	s18 =	sshrl.u32 s14, $0x1F;
	v10 =	vsel vm11, s11, v10;
	s11 =	sshra.s32 s14, $0x1F;
	s14 =	sld [smem:$0x672]  }
0x2b9: {  	s1 =	sshra.s32 s8, $0xD;
	v50 =	vsel vm0, s6, v50;
	s9 =	sshrl.u32 s12, $0x1F;
	s8 =	sshra.s32 s12, $0xD;
	v51 =	vnsel vm8, $0x0, v51;
	v52 =	vsel vm0, s16, v10  }
0x2ba: {  	v50 =	vsel vm1, s9, v50;
	s9 =	sld [smem:$0x673];
	s7 =	sshrl.u32 s13, $0x1F;
	v54 =	vsel vm0, s18, v51;
	v55 =	vsel vm13, s11, v52;
	s11 =	sshrl.u32 s10, $0x1F  }
0x2bb: {  	s6 =	sshra.s32 s13, $0xD;
	v10 =	vadd.s32 v49, v47;
	v51 =	vsel vm0, s0, v58;
	s13 =	sshra.s32 s10, $0xD;
	v47 =	vsel vm1, s11, v54;
	s16 =	sshrl.u32 s14, $0x1F  }
0x2bc: {  	vm3 =	vmmov vm9;
	s12 =	sshra.s32 s10, $0x1F;
	v60 =	vsel vm1, s3, v51;
	s3 =	sshrl.u32 s20, $0x1F;
	v56 =	vsel vm2, s16, v47;
	s16 =	sld [smem:$0x674]  }
0x2bd: {  	(v2sf) =	vpush v10, $0xD;
	v49 =	vsel vm1, s13, v55;
	s18 =	sshra.s32 s14, $0xD;
	s11 =	sshra.s32 s14, $0x1F;
	v47 =	vsel vm2, s7, v50;
	s7 =	sld [smem:$0x675]  }
0x2be: {  	v13 =	vperm.xlane v13, v62;
	s14 =	sshrl.u32 s9, $0x1F;
	s13 =	sshra.s32 s9, $0x1F;
	v58 =	vmov s3;
	s3 =	sshra.s32 s30, $0xD;
	v49 =	vsel vm3, s12, v49  }
0x2bf: {  	(v2sf) =	vpush v10, $0xC;
	v51 =	vsel vm2, s1, v60;
	s1 =	sshra.s32 s23, $0xD;
	s12 =	sshra.s32 s9, $0xD;
	v49 =	vsel vm2, s18, v49;
	s18 =	sshrl.u32 s16, $0x1F  }
0x2c0: {  	vm9 =	vmmov vm15;
	vm15 =	vmmov vm14;
	v49 =	vsel vm12, s11, v49;
	s9 =	sshra.s32 s16, $0xD;
	s10 =	sshra.s32 s16, $0x1F;
	s16 =	sshrl.u32 s7, $0x1F  }
0x2c1: {  	(v2sf) =	vpush v10, $0xE;
	v57 =	vsel vm6, s14, v56;
	s11 =	sshra.s32 s7, $0xD;
	s14 =	sshra.s32 s7, $0x1F;
	v49 =	vsel vm6, s12, v49;
	s12 =	sshra.s32 s19, $0xD  }
0x2c2: {  	vm14 =	vmmov vm13;
	s7 =	sshra.s32 s17, $0xD;
	v50 =	vsel vm7, s18, v57;
	v59 =	vsel vm9, s13, v49;
	s13 =	sshrl.u32 s17, $0x1F;
	s17 =	sld [smem:$0x676]  }
0x2c3: {  	v63 =	vmov s5;
	(v2sf) =	vpush v10, $0xF;
	s18 =	sshrl.u32 s19, $0x1F;
	s19 =	sld [smem:$0x678];
	v50 =	vsel vm15, s16, v50;
	s16 =	smov.u32 s15  }
0x2c4: {  	v56 =	vsel vm0, s2, v63;
	s15 =	sshrl.u32 s15, $0x1F;
	v61 =	vsel vm7, s9, v59;
	v59 =	vmov s13;
	s13 =	sshra.s32 s25, $0x1F;
	s0 =	sshra.s32 s16, $0xD  }
0x2c5: {  	(v2sf) =	vpush v10, $0x9;
	v49 =	vsel vm5, s18, v50;
	s18 =	sld [smem:$0x677];
	v50 =	vsel vm1, s8, v56;
	s8 =	sshrl.u32 s21, $0x1F;
	s9 =	sshrl.u32 s17, $0x1F  }
0x2c6: {  	vm13 =	vmmov vm12;
	vm12 =	vmmov vm9;
	v53 =	vsel vm10, s10, v61;
	s4 =	sshra.s32 s17, $0xD;
	s10 =	sshrl.u32 s19, $0x1F;
	s17 =	sshrl.u32 s31, $0x1F  }
0x2c7: {  	(v2sf) =	vpush v10, $0x8;
	v57 =	vsel vm15, s11, v53;
	s2 =	sshra.s32 s19, $0xD;
	s11 =	sshrl.u32 s30, $0x1F;
	v54 =	vsel vm2, s6, v50;
	s6 =	sshra.s32 s31, $0xD  }
0x2c8: {  	(v2sf) =	vpush v10, $0xA;
	s19 =	sshrl.u32 s24, $0x1F;
	s30 =	sshrl.u32 s25, $0x1F;
	s31 =	sshrl.u32 s29, $0x1F;
	v53 =	vsel vm0, s15, v59;
	v52 =	vsel vm4, s14, v57  }
0x2c9: {  	s15 =	sshra.s32 s20, $0x1F;
	s14 =	sshrl.u32 s22, $0x1F;
	v55 =	vmov s17;
	s17 =	sshrl.u32 s26, $0x1F;
	v50 =	vsel vm5, s12, v52;
	v52 =	vnsel vm8, $0x0, v58  }
0x2ca: {  	v63 =	vmov s7;
	v53 =	vsel vm1, s9, v53;
	s9 =	sshra.s32 s22, $0xD;
	s22 =	sshra.s32 s22, $0x1F;
	s16 =	sshrl.u32 s18, $0x1F;
	v52 =	vsel vm0, s8, v52  }
0x2cb: {  	(v2sf) =	vpush v10, $0xB;
	s5 =	sshra.s32 s18, $0xD;
	s18 =	sshrl.u32 s23, $0x1F;
	v55 =	vsel vm0, s10, v55;
	s10 =	sshrl.u32 s28, $0x1F;
	v52 =	vsel vm1, s14, v52  }
0x2cc: {  	(v2sf) =	vpush v10, $0x0;
	v56 =	vcombine.low v25, v20;
	s8 =	sshra.s32 s20, $0xD;
	s20 =	sshra.s32 s21, $0xD;
	v52 =	vsel vm2, s19, v52;
	s14 =	spop (v2sf)  }
0x2cd: {  	vm4 =	vmmov vm15;
	s21 =	sshra.s32 s21, $0x1F;
	v55 =	vsel vm1, s11, v55;
	v60 =	vsel vm6, s30, v52;
	s23 =	smulhi.u32 $0x14F8B589, s14;
	s11 =	sshra.s32 s14, $0x1F  }
0x2ce: {  	v0 =	vld [tilespmem:$0x1FFF0];
	v57 =	vsel vm0, s0, v63;
	v63 =	vperm.xlane v22, v1;
	s30 =	sshra.s32 s28, $0x1F;
	v14 =	vsel vm7, s31, v60;
	s31 =	spop (v2sf);
	s19 =	smul.u32 $0x14F8B589, s11  }
0x2cf: {  	v52 =	vsel vm2, s16, v53;
	v53 =	vsel vm2, s18, v55;
	s18 =	sshra.s32 s24, $0xD;
	v14 =	vsel vm15, s17, v14;
	s17 =	smulhi.u32 $0x14F8B589, s31;
	s11 =	sshra.s32 s31, $0x1F  }
0x2d0: {  	s16 =	sshra.s32 s24, $0x1F;
	(v2sf) =	vpush v10, $0x1;
	v61 =	vmov s30;
	v60 =	vcombine.low v24, v21;
	s24 =	smul.u32 $0x14F8B589, s11;
	s11 =	spop (v2sf)  }
0x2d1: {  	s14 =	sshra.s32 s25, $0xD;
	v24 =	vmov s6;
	v17 =	vsel vm8, s8, v61;
	vm15 =	vmmov vm8;
	s25 =	smulhi.u32 $0x14F8B589, s11;
	s12 =	sshra.s32 s11, $0x1F  }
0x2d2: {  	(v2sf) =	vpush v10, $0x2;
	v14 =	vsel vm5, s10, v14;
	v17 =	vsel vm11, s15, v17;
	s10 =	sshra.s32 s29, $0xD;
	s15 =	spop (v2sf);
	s7 =	smul.u32 $0x14F8B589, s12  }
0x2d3: {  	vm8 =	vnez.u8 v0;
	v61 =	vperm.xlane v18, v1;
	v17 =	vsel vm0, s20, v17;
	s11 =	sshra.s32 s26, $0xD;
	s20 =	smulhi.u32 $0x14F8B589, s15;
	s8 =	sshra.s32 s15, $0x1F  }
0x2d4: {  	(v2sf) =	vpush v10, $0x3;
	v11 =	vsel vm8, v12, v11;
	s12 =	sshra.s32 s29, $0x1F;
	v17 =	vsel vm14, s21, v17;
	s29 =	spop (v2sf);
	s21 =	smul.u32 $0x14F8B589, s8  }
0x2d5: {  	v15 =	vsel vm8, v15, v16;
	v12 =	vsel vm1, s4, v57;
	v58 =	vsel vm1, s9, v17;
	s9 =	sshra.s32 s26, $0x1F;
	s26 =	smulhi.u32 $0x14F8B589, s29;
	s0 =	sshra.s32 s29, $0x1F  }
0x2d6: {  	v16 =	vperm.xlane v60, v62;
	(v2sf) =	vpush v10, $0x4;
	s30 =	spop (v2sf);
	v59 =	vsel vm3, s22, v58;
	s22 =	smul.u32 $0x14F8B589, s0  }
0x2d7: {  	v11 =	vadd.s32 v11, v15;
	v12 =	vsel vm2, s5, v12;
	v21 =	vsel vm8, v61, v13;
	s0 =	sadd.s32 s19, s23;
	s19 =	smulhi.u32 $0x14F8B589, s30;
	s31 =	sshra.s32 s30, $0x1F  }
0x2d8: {  	v11 =	vmul.u32 $0x186A0, v11;
	v22 =	vsel vm8, v63, v16;
	s8 =	sshra.s32 s28, $0xD;
	(v2sf) =	vpush v10, $0x5;
	s28 =	spop (v2sf);
	s23 =	smul.u32 $0x14F8B589, s31  }
0x2d9: {  	s4 =	sadd.s32 s24, s17;
	v16 =	vsel vm0, s2, v24;
	v63 =	vperm.xlane v27, v1;
	v13 =	vadd.s32 v21, v22;
	s24 =	smulhi.u32 $0x14F8B589, s28;
	s29 =	sshra.s32 s28, $0x1F  }
0x2da: {  	v60 =	vsel vm1, s3, v16;
	(v2sf) =	vpush v10, $0x6;
	v2 =	vsub.s32 v2, v11;
	s5 =	sadd.s32 s7, s25;
	s30 =	spop (v2sf);
	s28 =	smul.u32 $0x14F8B589, s29  }
0x2db: {  	v58 =	vcombine.low v30, v28;
	v15 =	vsel vm2, s18, v59;
	s15 =	sshrl.u32 s0, $0x1F;
	(v2sf) =	vpush v10, $0x7;
	s25 =	smulhi.u32 $0x14F8B589, s30;
	s31 =	sshra.s32 s30, $0x1F  }
0x2dc: {  	s18 =	sshrl.u32 s5, $0x1F;
	v55 =	vadd.s32 $0x186A0, v2;
	v15 =	vsel vm13, s16, v15;
	s17 =	spop (v2sf);
	vm13 =	vlt.s32 v2, $0x0;
	s29 =	smul.u32 $0x14F8B589, s31  }
0x2dd: {  	s6 =	sadd.s32 s21, s20;
	v15 =	vsel vm6, s14, v15;
	s20 =	smulhi.u32 $0x14F8B589, s17;
	s7 =	sshra.s32 s17, $0x1F;
	v11 =	vsel vm13, v55, v2;
	v2 =	vmul.u32 $0x186A0, v13  }
0x2de: {  	v59 =	vperm.xlane v56, v62;
	s16 =	sshrl.u32 s4, $0x1F;
	v13 =	vperm.xlane v58, v62;
	v15 =	vsel vm12, s13, v15;
	s21 =	smul.u32 $0x14F8B589, s7;
	s7 =	sadd.s32 s22, s26  }
0x2df: {  	v57 =	vld [tilespmem:$0x210];
	s14 =	sshrl.u32 s6, $0x1F;
	v15 =	vsel vm7, s10, v15;
	s2 =	sshrl.u32 s7, $0x1F;
	v16 =	vsub.s32 v3, v2;
	v3 =	vperm.xlane v23, v1;
	s30 =	spop (v2sf)  }
0x2e0: {  	vm3 =	vcmask $0x3734;
	s10 =	sadd.s32 s23, s19;
	v13 =	vsel vm8, v63, v13;
	v15 =	vsel vm10, s12, v15;
	s22 =	smulhi.u32 $0x14F8B589, s30;
	s31 =	sshra.s32 s30, $0x1F  }
0x2e1: {  	v61 =	vld [tilespmem:$0x90];
	v23 =	vmov s16;
	s16 =	sadd.s32 s29, s25;
	v3 =	vsel vm8, v3, v59;
	v15 =	vsel vm4, s11, v15;
	s17 =	spop (v2sf);
	s3 =	smul.u32 $0x14F8B589, s31  }
0x2e2: {  	v24 =	vsel vm0, s15, v23;
	s15 =	sadd.s32 s21, s20;
	v13 =	vadd.s32 v3, v13;
	v15 =	vsel vm3, s9, v15;
	s23 =	smulhi.u32 $0x14F8B589, s17;
	s13 =	sshra.s32 s17, $0x1F  }
0x2e3: {  	v2 =	vsel vm2, s1, v60;
	v25 =	vmul.u32 $0x186A0, v13;
	v13 =	vsel vm5, s8, v15;
	s8 =	sshrl.u32 s15, $0x1F;
	s26 =	spop (v2sf);
	s1 =	smul.u32 $0x14F8B589, s13  }
0x2e4: {  	v22 =	vmul.u32 $0x3F1, v57;
	s13 =	sadd.s32 s28, s24;
	s24 =	smulhi.u32 $0x14F8B589, s26;
	s12 =	sshra.s32 s26, $0x1F  }
0x2e5: {  	s17 =	sshrl.u32 s10, $0x1F;
	s26 =	smul.u32 $0x14F8B589, s12;
	s28 =	spop (v2sf)  }
0x2e6: {  	v3 =	vadd.s32 v61, v22;
	s11 =	sshrl.u32 s13, $0x1F;
	s25 =	smulhi.u32 $0x14F8B589, s28;
	s30 =	sshra.s32 s28, $0x1F  }
0x2e7: {  	v26 =	vcombine.low v31, v26;
	s12 =	sshrl.u32 s16, $0x1F;
	(v2sf) =	vpush v3, $0xD;
	s31 =	spop (v2sf);
	s9 =	smul.u32 $0x14F8B589, s30  }
0x2e8: {  	v31 =	vperm.xlane v29, v1;
	v59 =	vmov s8;
	s8 =	sshra.s32 s13, $0xD;
	(v2sf) =	vpush v3, $0xC;
	s28 =	smulhi.u32 $0x14F8B589, s31;
	s19 =	sshra.s32 s31, $0x1F  }
0x2e9: {  	v27 =	vcombine.low v35, v34;
	v28 =	vsel vm1, s18, v24;
	s13 =	sshra.s32 s15, $0xD;
	s21 =	spop (v2sf);
	(v2sf) =	vpush v3, $0xE;
	s18 =	smul.u32 $0x14F8B589, s19  }
0x2ea: {  	v35 =	vperm.xlane v32, v1;
	v30 =	vperm.xlane v26, v62;
	s19 =	sadd.s32 s3, s22;
	s3 =	smulhi.u32 $0x14F8B589, s21;
	s20 =	sshra.s32 s21, $0x1F;
	(v2sf) =	vpush v3, $0xF  }
0x2eb: {  	v34 =	vperm.xlane v27, v62;
	v56 =	vcombine.low v37, v33;
	s21 =	sadd.s32 s1, s23;
	s22 =	spop (v2sf);
	s1 =	smul.u32 $0x14F8B589, s20;
	(v2sf) =	vpush v3, $0x9  }
0x2ec: {  	v57 =	vcombine.low v42, v41;
	v18 =	vsel vm8, v31, v30;
	s23 =	sadd.s32 s26, s24;
	s29 =	smulhi.u32 $0x14F8B589, s22;
	s30 =	sshra.s32 s22, $0x1F;
	(v2sf) =	vpush v3, $0x8  }
0x2ed: {  	v55 =	vsel vm8, v35, v34;
	v15 =	vsel vm2, s14, v28;
	s20 =	sadd.s32 s9, s25;
	s25 =	sshrl.u32 s19, $0x1F;
	s14 =	sshrl.u32 s21, $0x1F;
	(v2sf) =	vpush v3, $0xA  }
0x2ee: {  	v18 =	vadd.s32 v18, v55;
	s24 =	sshrl.u32 s23, $0x1F;
	s22 =	sshra.s32 s0, $0xD;
	s0 =	sshra.s32 s5, $0xD;
	(v2sf) =	vpush v3, $0xB  }
0x2ef: {  	v19 =	vperm.xlane v56, v62;
	v20 =	vperm.xlane v57, v62;
	v18 =	vmul.u32 $0x186A0, v18;
	s9 =	sshra.s32 s7, $0xD;
	s7 =	sshra.s32 s21, $0x1F;
	s5 =	sshra.s32 s23, $0xD  }
0x2f0: {  	v60 =	vperm.xlane v36, v1;
	v23 =	vnsel vm15, $0x0, v59;
	v58 =	vmov s17;
	s17 =	sshra.s32 s23, $0x1F;
	s31 =	smul.u32 $0x14F8B589, s30;
	s18 =	sadd.s32 s18, s28  }
0x2f1: {  	v63 =	vsub.s32 v5, v18;
	v31 =	vsel vm0, s2, v58;
	s26 =	sshrl.u32 s20, $0x1F;
	v29 =	vsel vm0, s25, v23;
	s25 =	sshra.s32 s19, $0xD;
	s19 =	sshra.s32 s19, $0x1F  }
0x2f2: {  	v61 =	vperm.xlane v40, v1;
	v34 =	vsel vm1, s11, v31;
	s1 =	sadd.s32 s1, s3;
	s28 =	sshrl.u32 s18, $0x1F;
	v18 =	vsel vm1, s14, v29;
	s14 =	sshra.s32 s20, $0x1F  }
0x2f3: {  	v28 =	vsel vm8, v60, v19;
	v19 =	vsel vm2, s12, v34;
	s12 =	sshra.s32 s18, $0xD;
	s3 =	sadd.s32 s31, s29;
	s29 =	sshrl.u32 s1, $0x1F  }
0x2f4: {  	v32 =	vcombine.low v45, v39;
	v30 =	vsel vm8, v61, v20;
	s31 =	sshra.s32 s4, $0xD;
	s4 =	sshra.s32 s6, $0xD;
	s6 =	sshra.s32 s16, $0xD;
	v18 =	vsel vm2, s24, v18  }
0x2f5: {  	v5 =	vadd.s32 v28, v30;
	s16 =	sshra.s32 s15, $0x1F;
	s24 =	sshra.s32 s21, $0xD;
	s15 =	sshra.s32 s20, $0xD;
	v18 =	vsel vm6, s26, v18;
	(v2sf) =	vpush v3, $0x0  }
0x2f6: {  	vm13 =	vmmov vm5;
	v33 =	vmul.u32 $0x186A0, v5;
	s30 =	sshrl.u32 s3, $0x1F;
	s2 =	sshra.s32 s3, $0x1F;
	v36 =	vsel vm7, s28, v18;
	s26 =	spop (v2sf)  }
0x2f7: {  	v40 =	vmov s2;
	v5 =	vsel vm4, s29, v36;
	(v2sf) =	vpush v3, $0x1;
	s21 =	smulhi.u32 $0x14F8B589, s26;
	s11 =	sshra.s32 s26, $0x1F;
	s29 =	spop (v2sf)  }
0x2f8: {  	v39 =	vsel vm13, s30, v5;
	v5 =	vsel vm15, s13, v40;
	s13 =	sshra.s32 s18, $0x1F;
	(v2sf) =	vpush v3, $0x2;
	s11 =	smul.u32 $0x14F8B589, s11;
	s30 =	spop (v2sf)  }
0x2f9: {  	v42 =	vmov s31;
	v5 =	vsel vm11, s16, v5;
	s2 =	smulhi.u32 $0x14F8B589, s29;
	s20 =	sshra.s32 s29, $0x1F;
	(v2sf) =	vpush v3, $0x3;
	s31 =	spop (v2sf)  }
0x2fa: {  	v4 =	vsub.s32 v4, v25;
	v5 =	vsel vm0, s25, v5;
	s23 =	smulhi.u32 $0x14F8B589, s30;
	s18 =	sshra.s32 s30, $0x1F;
	(v2sf) =	vpush v3, $0x4;
	s28 =	spop (v2sf)  }
0x2fb: {  	v25 =	vsel vm0, s22, v42;
	v5 =	vsel vm14, s19, v5;
	s19 =	smulhi.u32 $0x14F8B589, s31;
	s29 =	sshra.s32 s31, $0x1F;
	(v2sf) =	vpush v3, $0x5;
	s30 =	spop (v2sf)  }
0x2fc: {  	v37 =	vperm.xlane v46, v1;
	v25 =	vsel vm1, s0, v25;
	s31 =	smul.u32 $0x14F8B589, s29;
	s25 =	spop (v2sf);
	(v2sf) =	vpush v3, $0x6  }
0x2fd: {  	v35 =	vperm.xlane v32, v62;
	v25 =	vsel vm2, s4, v25;
	s4 =	smulhi.u32 $0x14F8B589, s28;
	s29 =	sshra.s32 s28, $0x1F;
	s28 =	spop (v2sf);
	(v2sf) =	vpush v3, $0x7  }
0x2fe: {  	v41 =	vcombine.low v48, v43;
	s20 =	smul.u32 $0x14F8B589, s20  }
0x2ff: {  	v43 =	vperm.xlane v44, v1;
	v57 =	vcombine.low v47, v38;
	v45 =	vsel vm8, v37, v35;
	s22 =	smul.u32 $0x14F8B589, s18;
	s0 =	sadd.s32 s11, s21;
	s11 =	sshra.s32 s3, $0xD  }
0x300: {  	vm9 =	vlt.s32 v16, $0x0;
	v17 =	vadd.s32 $0x186A0, v16;
	v2 =	vcombine.low v2, v12;
	s3 =	sadd.s32 s20, s2;
	s20 =	smulhi.u32 $0x14F8B589, s30;
	s30 =	sshra.s32 s30, $0x1F  }
0x301: {  	vm3 =	vmmov vm11;
	v48 =	vadd.s32 $0x186A0, v63;
	vm5 =	vmmov vm4;
	s10 =	sshra.s32 s10, $0xD;
	s26 =	smul.u32 $0x14F8B589, s30  }
0x302: {  	v6 =	vsub.s32 v6, v33;
	vm4 =	vmmov vm14;
	vm14 =	vlt.s32 v63, $0x0;
	s2 =	sadd.s32 s31, s19;
	s31 =	smulhi.u32 $0x14F8B589, s25;
	s30 =	sshra.s32 s25, $0x1F  }
0x303: {  	s16 =	sshra.s32 s1, $0xD;
	v44 =	vsel vm1, s24, v5;
	v58 =	vsel vm14, v48, v63;
	vm14 =	vcmask $0x1714;
	s18 =	sshra.s32 s1, $0x1F;
	s25 =	smul.u32 $0x14F8B589, s30  }
0x304: {  	v55 =	vadd.s32 $0x186A0, v6;
	vm15 =	vlt.s32 v6, $0x0;
	v61 =	vsel vm14, s7, v44;
	s24 =	smul.u32 $0x14F8B589, s29;
	s7 =	sadd.s32 s26, s20;
	s26 =	spop (v2sf)  }
0x305: {  	v6 =	vsel vm15, v55, v6;
	vm15 =	vcmask $0x1F1C;
	v21 =	vsel vm2, s5, v61;
	s5 =	sadd.s32 s25, s31;
	s31 =	smulhi.u32 $0x14F8B589, s28;
	s25 =	sshra.s32 s28, $0x1F  }
0x306: {  	vm10 =	vlt.s32 v4, $0x0;
	v29 =	vmov s10;
	v21 =	vsel vm15, s17, v21;
	s1 =	sadd.s32 s22, s23;
	s28 =	smul.u32 $0x14F8B589, s25;
	s29 =	spop (v2sf)  }
0x307: {  	v22 =	vadd.s32 $0x186A0, v4;
	v30 =	vsel vm0, s9, v29;
	v21 =	vsel vm6, s15, v21;
	s4 =	sadd.s32 s24, s4;
	s25 =	sshra.s32 s26, $0x1F;
	s30 =	spop (v2sf)  }
0x308: {  	v4 =	vsel vm10, v22, v4;
	v22 =	vsel vm1, s8, v30;
	v21 =	vsel vm12, s14, v21;
	s8 =	sadd.s32 s28, s31;
	s31 =	smul.u32 $0x14F8B589, s25;
	s25 =	spop (v2sf)  }
0x309: {  	v2 =	vperm.xlane v2, v62;
	vm11 =	vcmask $0x2F2C;
	v21 =	vsel vm7, s12, v21;
	s24 =	sshrl.u32 s3, $0x1F;
	s14 =	smulhi.u32 $0x14F8B589, s26;
	s17 =	spop (v2sf)  }
0x30a: {  	v60 =	vperm.xlane v57, v62;
	v32 =	vsel vm2, s6, v22;
	v21 =	vsel vm11, s13, v21;
	s6 =	smulhi.u32 $0x14F8B589, s29;
	s28 =	sshra.s32 s29, $0x1F;
	s13 =	spop (v2sf)  }
0x30b: {  	v13 =	vperm.xlane v13, v1;
	v59 =	vcombine.low v54, v51;
	s23 =	sshrl.u32 s0, $0x1F;
	v34 =	vmov s24;
	s12 =	smul.u32 $0x14F8B589, s28;
	s24 =	spop (v2sf)  }
0x30c: {  	v28 =	vperm.xlane v50, v1;
	v5 =	vsel vm9, v17, v16;
	v35 =	vsel vm5, s16, v21;
	s14 =	sadd.s32 s31, s14;
	s16 =	smulhi.u32 $0x14F8B589, s30;
	s31 =	spop (v2sf)  }
0x30d: {  	v63 =	vperm.xlane v49, v1;
	v17 =	vperm.xlane v59, v62;
	v36 =	vsel vm0, s23, v34;
	s26 =	smulhi.u32 $0x14F8B589, s31;
	s23 =	sshra.s32 s31, $0x1F  }
0x30e: {  	v13 =	vsel vm8, v13, v2;
	s29 =	sshra.s32 s30, $0x1F;
	s23 =	smul.u32 $0x14F8B589, s23  }
0x30f: {  	v2 =	vcombine.low v32, v25;
	v20 =	vsel vm8, v63, v60;
	v17 =	vsel vm8, v28, v17;
	s30 =	smul.u32 $0x14F8B589, s29  }
0x310: {  	vm10 =	vcmask $0x3734;
	v18 =	vperm.xlane v39, v1;
	v17 =	vadd.s32 v20, v17;
	s12 =	sadd.s32 s12, s6;
	s6 =	sadd.s32 s23, s26  }
0x311: {  	v20 =	vperm.xlane v2, v62;
	vm5 =	vmmov vm13;
	v12 =	vsel vm10, s18, v35;
	s15 =	sadd.s32 s30, s16;
	s30 =	sshra.s32 s6, $0x1F  }
0x312: {  	v39 =	vld [tilespmem:$0x220];
	s22 =	sshrl.u32 s1, $0x1F;
	v12 =	vsel vm13, s11, v12;
	vm13 =	vcmask $0x300;
	s31 =	sshra.s32 s14, $0xD;
	v2 =	vmov s30  }
0x313: {  	s20 =	sshrl.u32 s7, $0x1F;
	s28 =	sshrl.u32 s14, $0x1F;
	s14 =	sshra.s32 s14, $0x1F;
	v2 =	vsel vm13, s31, v2  }
0x314: {  	v24 =	vperm.xlane v41, v62;
	v42 =	vld [tilespmem:$0xA0];
	s29 =	smulhi.u32 $0x14F8B589, s25;
	s25 =	sshra.s32 s25, $0x1F;
	v41 =	vmov s28;
	s28 =	sshra.s32 s12, $0xD;
	v2 =	vsel vm3, s14, v2  }
0x315: {  	v37 =	vsel vm1, s22, v36;
	s25 =	smul.u32 $0x14F8B589, s25;
	s22 =	sshrl.u32 s12, $0x1F;
	s12 =	sshra.s32 s12, $0x1F;
	v2 =	vsel vm0, s28, v2  }
0x316: {  	v40 =	vmov s20;
	v23 =	vnsel vm13, $0x0, v41;
	s20 =	sshra.s32 s15, $0xD;
	v2 =	vsel vm4, s12, v2  }
0x317: {  	v21 =	vmul.u32 $0x3F1, v39;
	s16 =	sadd.s32 s25, s29;
	v23 =	vsel vm0, s22, v23;
	s22 =	sshra.s32 s15, $0x1F;
	v2 =	vsel vm1, s20, v2  }
0x318: {  	v33 =	vcombine.low v53, v52;
	s29 =	smulhi.u32 $0x14F8B589, s24;
	s30 =	sshra.s32 s24, $0x1F;
	s24 =	sshra.s32 s16, $0xD;
	v2 =	vsel vm14, s22, v2  }
0x319: {  	v44 =	vsel vm2, s24, v2;
	v2 =	vadd.s32 v42, v21  }
0x31a: {  	v14 =	vperm.xlane v14, v1;
	v22 =	vperm.xlane v33, v62;
	(v2sf) =	vpush v2, $0xD  }
0x31b: {  	s19 =	sshrl.u32 s4, $0x1F;
	(v2sf) =	vpush v2, $0xC  }
0x31c: {  	v14 =	vsel vm8, v14, v22;
	v17 =	vmul.u32 $0x186A0, v17;
	s9 =	sshrl.u32 s5, $0x1F;
	v22 =	vsel vm0, s19, v40;
	s11 =	smulhi.u32 $0x14F8B589, s17;
	s17 =	sshra.s32 s17, $0x1F  }
0x31d: {  	s21 =	sshrl.u32 s2, $0x1F;
	v22 =	vsel vm1, s9, v22;
	s10 =	sshrl.u32 s8, $0x1F;
	s17 =	smul.u32 $0x14F8B589, s17;
	(v2sf) =	vpush v2, $0xE  }
0x31e: {  	v9 =	vsub.s32 v9, v17;
	v17 =	vsel vm2, s21, v37;
	v22 =	vsel vm2, s10, v22;
	s18 =	smulhi.u32 $0x14F8B589, s13;
	s13 =	sshra.s32 s13, $0x1F  }
0x31f: {  	v46 =	vsel vm8, v43, v24;
	s3 =	sshra.s32 s3, $0xD;
	v17 =	vcombine.low v22, v17;
	s13 =	smul.u32 $0x14F8B589, s13;
	s23 =	sshrl.u32 s15, $0x1F  }
0x320: {  	v16 =	vadd.s32 v45, v46;
	v49 =	vadd.s32 v14, v13;
	s26 =	sshrl.u32 s16, $0x1F;
	v23 =	vsel vm1, s23, v23;
	s31 =	sadd.s32 s17, s11;
	s17 =	smul.u32 $0x14F8B589, s30  }
0x321: {  	s0 =	sshra.s32 s0, $0xD;
	v47 =	vmov s3;
	v17 =	vperm.xlane v17, v62;
	s13 =	sadd.s32 s13, s18;
	v23 =	vsel vm2, s26, v23;
	s21 =	sshrl.u32 s31, $0x1F  }
0x322: {  	s23 =	sshrl.u32 s13, $0x1F;
	s26 =	sshra.s32 s16, $0x1F;
	vm3 =	vcmask $0x3330;
	v43 =	vsel vm6, s21, v23;
	s9 =	sadd.s32 s17, s29;
	(v2sf) =	vpush v2, $0xF  }
0x323: {  	s28 =	sshra.s32 s31, $0xD;
	v23 =	vsel vm0, s0, v47;
	v22 =	vsel vm7, s23, v43;
	s25 =	sshrl.u32 s9, $0x1F;
	v46 =	vsel vm15, s26, v44  }
0x324: {  	s30 =	sshra.s32 s31, $0x1F;
	s29 =	sshra.s32 s7, $0xD;
	s7 =	sshra.s32 s1, $0xD;
	v45 =	vsel vm3, s25, v22;
	v22 =	vsel vm6, s28, v46;
	(v2sf) =	vpush v2, $0x9  }
0x325: {  	s4 =	sshra.s32 s4, $0xD;
	s31 =	sshra.s32 s13, $0xD;
	v48 =	vmov s29;
	v23 =	vsel vm1, s7, v23;
	v22 =	vsel vm12, s30, v22  }
0x326: {  	s10 =	sshra.s32 s5, $0xD;
	s11 =	sshra.s32 s13, $0x1F;
	s12 =	sshra.s32 s2, $0xD;
	v24 =	vsel vm0, s4, v48;
	v22 =	vsel vm7, s31, v22;
	(v2sf) =	vpush v2, $0x8  }
0x327: {  	s13 =	sshra.s32 s8, $0xD;
	s14 =	sshra.s32 s9, $0xD;
	v23 =	vsel vm2, s12, v23;
	v24 =	vsel vm1, s10, v24;
	v22 =	vsel vm11, s11, v22  }
0x328: {  	s15 =	sshrl.u32 s6, $0x1F;
	s16 =	sshra.s32 s9, $0x1F;
	v24 =	vsel vm2, s13, v24;
	v22 =	vsel vm3, s14, v22;
	(v2sf) =	vpush v2, $0xA  }
0x329: {  	s17 =	sshra.s32 s6, $0xD;
	v21 =	vsel vm5, s15, v45;
	v23 =	vcombine.low v24, v23;
	v22 =	vsel vm10, s16, v22;
	s18 =	spop (v2sf)  }
0x32a: {  	v21 =	vperm.xlane v21, v1;
	v22 =	vsel vm5, s17, v22;
	s19 =	spop (v2sf);
	(v2sf) =	vpush v2, $0xB  }
0x32b: {  	v56 =	vmul.u32 $0x186A0, v16;
	v50 =	vperm.xlane v23, v62;
	v51 =	vperm.xlane v22, v1  }
0x32c: {  	v52 =	vmul.u32 $0x186A0, v49;
	s21 =	smulhi.u32 $0x14F8B589, s18;
	s0 =	sshra.s32 s18, $0x1F;
	s20 =	spop (v2sf);
	(v2sf) =	vpush v2, $0x0  }
0x32d: {  	v7 =	vsub.s32 v7, v56;
	v55 =	vsel vm8, v21, v17;
	v56 =	vsel vm8, v51, v50;
	s15 =	smul.u32 $0x14F8B589, s0  }
0x32e: {  	v57 =	vadd.s32 v55, v56;
	s12 =	smulhi.u32 $0x14F8B589, s19;
	s22 =	sshra.s32 s19, $0x1F;
	(v2sf) =	vpush v2, $0x1  }
0x32f: {  	[tilespmem:$0x310] =	vst v5;
	v5 =	vsub.s32 v8, v52;
	v8 =	vmul.u32 $0x186A0, v57;
	s16 =	smul.u32 $0x14F8B589, s22  }
0x330: {  	[tilespmem:$0x330] =	vst v58;
	v58 =	vadd.s32 $0x186A0, v5;
	vm12 =	vlt.s32 v5, $0x0;
	s13 =	smulhi.u32 $0x14F8B589, s20;
	s23 =	sshra.s32 s20, $0x1F;
	(v2sf) =	vpush v2, $0x2  }
0x331: {  	v5 =	vsel vm12, v58, v5;
	v3 =	vsub.s32 v3, v8;
	s24 =	spop (v2sf);
	s17 =	smul.u32 $0x14F8B589, s23  }
0x332: {  	vm12 =	vlt.s32 v3, $0x0;
	v61 =	vadd.s32 $0x186A0, v3;
	s14 =	smulhi.u32 $0x14F8B589, s24;
	s0 =	sshra.s32 s24, $0x1F;
	(v2sf) =	vpush v2, $0x3  }
0x333: {  	v3 =	vsel vm12, v61, v3;
	s25 =	spop (v2sf);
	s19 =	smul.u32 $0x14F8B589, s0  }
0x334: {  	[tilespmem:$0x390] =	vst v3;
	v3 =	vld [tilespmem:$0x230];
	[smem:$0x679] =	sst s21;
	s18 =	smulhi.u32 $0x14F8B589, s25;
	s0 =	sshra.s32 s25, $0x1F;
	(v2sf) =	vpush v2, $0x4  }
0x335: {  	s26 =	spop (v2sf);
	s21 =	smul.u32 $0x14F8B589, s0  }
0x336: {  	v63 =	vld [tilespmem:$0xB0];
	s20 =	smulhi.u32 $0x14F8B589, s26;
	s0 =	sshra.s32 s26, $0x1F;
	(v2sf) =	vpush v2, $0x5  }
0x337: {  	s28 =	spop (v2sf);
	s23 =	smul.u32 $0x14F8B589, s0  }
0x338: {  	s22 =	smulhi.u32 $0x14F8B589, s28;
	s0 =	sshra.s32 s28, $0x1F;
	(v2sf) =	vpush v2, $0x6  }
0x339: {  	v3 =	vmul.u32 $0x3F1, v3;
	s25 =	smul.u32 $0x14F8B589, s0;
	s29 =	spop (v2sf)  }
0x33a: {  	(v2sf) =	vpush v2, $0x7;
	s24 =	smulhi.u32 $0x14F8B589, s29;
	s0 =	sshra.s32 s29, $0x1F  }
0x33b: {  	v3 =	vadd.s32 v63, v3;
	s30 =	spop (v2sf);
	s26 =	smul.u32 $0x14F8B589, s0  }
0x33c: {  	(v2sf) =	vpush v3, $0xD;
	s28 =	smulhi.u32 $0x14F8B589, s30;
	s0 =	sshra.s32 s30, $0x1F  }
0x33d: {  	s31 =	spop (v2sf);
	s5 =	smul.u32 $0x14F8B589, s0  }
0x33e: {  	s29 =	smulhi.u32 $0x14F8B589, s31;
	s0 =	sshra.s32 s31, $0x1F  }
0x33f: {  	(v2sf) =	vpush v3, $0xC;
	s1 =	spop (v2sf);
	s8 =	smul.u32 $0x14F8B589, s0  }
0x340: {  	s30 =	smulhi.u32 $0x14F8B589, s1;
	s0 =	sshra.s32 s1, $0x1F  }
0x341: {  	s2 =	spop (v2sf);
	s4 =	smul.u32 $0x14F8B589, s0  }
0x342: {  	(v2sf) =	vpush v3, $0xE;
	s31 =	smulhi.u32 $0x14F8B589, s2;
	s0 =	sshra.s32 s2, $0x1F  }
0x343: {  	s3 =	spop (v2sf);
	s6 =	smul.u32 $0x14F8B589, s0  }
0x344: {  	s7 =	smulhi.u32 $0x14F8B589, s3;
	s0 =	sshra.s32 s3, $0x1F  }
0x345: {  	(v2sf) =	vpush v3, $0xF;
	s9 =	spop (v2sf);
	s3 =	smul.u32 $0x14F8B589, s0  }
0x346: {  	s10 =	smulhi.u32 $0x14F8B589, s9;
	s0 =	sshra.s32 s9, $0x1F  }
0x347: {  	s11 =	spop (v2sf);
	s1 =	smul.u32 $0x14F8B589, s0  }
0x348: {  	(v2sf) =	vpush v3, $0x9;
	[smem:$0x67A] =	sst s7;
	s7 =	smulhi.u32 $0x14F8B589, s11  }
0x349: {  	[smem:$0x67B] =	sst s10;
	s9 =	spop (v2sf)  }
0x34a: {  	s0 =	sshra.s32 s11, $0x1F;
	[smem:$0x67C] =	sst s7;
	s10 =	smulhi.u32 $0x14F8B589, s9  }
0x34b: {  	(v2sf) =	vpush v3, $0x8;
	s7 =	smul.u32 $0x14F8B589, s0;
	s11 =	spop (v2sf)  }
0x34c: {  	s2 =	sshra.s32 s11, $0x1F;
	[smem:$0x67D] =	sst s10;
	s10 =	smulhi.u32 $0x14F8B589, s11  }
0x34d: {  	s2 =	smul.u32 $0x14F8B589, s2  }
0x34e: {  	(v2sf) =	vpush v3, $0xA;
	s11 =	spop (v2sf);
	[smem:$0x67E] =	sst s10  }
0x34f: {  	[smem:$0x67F] =	sst s2;
	s10 =	smulhi.u32 $0x14F8B589, s11;
	s2 =	sshra.s32 s11, $0x1F  }
0x350: {  	s2 =	smul.u32 $0x14F8B589, s2  }
0x351: {  	(v2sf) =	vpush v3, $0xB;
	s11 =	spop (v2sf);
	[smem:$0x680] =	sst s10  }
0x352: {  	s10 =	smulhi.u32 $0x14F8B589, s11;
	[smem:$0x681] =	sst s2;
	s2 =	sshra.s32 s11, $0x1F  }
0x353: {  	s2 =	smul.u32 $0x14F8B589, s2  }
0x354: {  	(v2sf) =	vpush v3, $0x0;
	s11 =	spop (v2sf);
	[smem:$0x682] =	sst s10  }
0x355: {  	s10 =	smulhi.u32 $0x14F8B589, s11;
	[smem:$0x683] =	sst s2;
	s2 =	sshra.s32 s11, $0x1F  }
0x356: {  	(v2sf) =	vpush v3, $0x1;
	s2 =	smul.u32 $0x14F8B589, s2  }
0x357: {  	[smem:$0x684] =	sst s10;
	s11 =	spop (v2sf)  }
0x358: {  	s10 =	smulhi.u32 $0x14F8B589, s11;
	[smem:$0x685] =	sst s2;
	s2 =	sshra.s32 s11, $0x1F  }
0x359: {  	s2 =	smul.u32 $0x14F8B589, s2  }
0x35a: {  	(v2sf) =	vpush v3, $0x2;
	[smem:$0x686] =	sst s10;
	s11 =	spop (v2sf)  }
0x35b: {  	s10 =	smulhi.u32 $0x14F8B589, s11;
	[smem:$0x687] =	sst s2;
	s2 =	sshra.s32 s11, $0x1F  }
0x35c: {  	s2 =	smul.u32 $0x14F8B589, s2  }
0x35d: {  	[smem:$0x688] =	sst s10;
	s11 =	spop (v2sf)  }
0x35e: {  	(v2sf) =	vpush v3, $0x3;
	s10 =	smulhi.u32 $0x14F8B589, s11;
	[smem:$0x689] =	sst s2;
	s2 =	sshra.s32 s11, $0x1F  }
0x35f: {  	s2 =	smul.u32 $0x14F8B589, s2  }
0x360: {  	(v2sf) =	vpush v3, $0x4;
	[smem:$0x68A] =	sst s10;
	s11 =	spop (v2sf)  }
0x361: {  	s10 =	smulhi.u32 $0x14F8B589, s11;
	[smem:$0x68B] =	sst s2;
	s2 =	sshra.s32 s11, $0x1F  }
0x362: {  	v15 =	vcombine.low v19, v15;
	s2 =	smul.u32 $0x14F8B589, s2  }
0x363: {  	[smem:$0x68C] =	sst s10;
	s11 =	spop (v2sf)  }
0x364: {  	v15 =	vperm.xlane v15, v62;
	v12 =	vperm.xlane v12, v1;
	(v2sf) =	vpush v3, $0x5;
	s10 =	smulhi.u32 $0x14F8B589, s11;
	[smem:$0x68D] =	sst s2;
	s2 =	sshra.s32 s11, $0x1F  }
0x365: {  	s0 =	sshra.s32 s9, $0x1F;
	s9 =	smul.u32 $0x14F8B589, s2;
	s2 =	spop (v2sf)  }
0x366: {  	v53 =	vsel vm8, v18, v15;
	v12 =	vsel vm8, v12, v20;
	s11 =	smulhi.u32 $0x14F8B589, s2;
	s2 =	sshra.s32 s2, $0x1F  }
0x367: {  	vm9 =	vlt.s32 v7, $0x0;
	v54 =	vadd.s32 v53, v12;
	s2 =	smul.u32 $0x14F8B589, s2  }
0x368: {  	[tilespmem:$0x320] =	vst v4;
	v31 =	vadd.s32 $0x186A0, v7;
	v4 =	vmul.u32 $0x186A0, v54;
	v8 =	vld [tilespmem:$0x240];
	(v2sf) =	vpush v3, $0x6  }
0x369: {  	v7 =	vsel vm9, v31, v7;
	vm9 =	vlt.s32 v9, $0x0;
	v38 =	vadd.s32 $0x186A0, v9;
	[smem:$0x690] =	sst s2;
	s2 =	spop (v2sf)  }
0x36a: {  	v59 =	vsel vm9, v38, v9;
	v9 =	vld [tilespmem:$0xC0];
	v4 =	vsub.s32 v10, v4;
	[smem:$0x68F] =	sst s11;
	s11 =	smulhi.u32 $0x14F8B589, s2;
	s2 =	sshra.s32 s2, $0x1F  }
0x36b: {  	v60 =	vadd.s32 $0x186A0, v4;
	vm4 =	vmmov vm5;
	vm5 =	vlt.s32 v4, $0x0;
	s2 =	smul.u32 $0x14F8B589, s2  }
0x36c: {  	v4 =	vsel vm5, v60, v4;
	(v2sf) =	vpush v3, $0x7  }
0x36d: {  	[tilespmem:$0x380] =	vst v4;
	v4 =	vmul.u32 $0x3F1, v8;
	[smem:$0x692] =	sst s2;
	s2 =	spop (v2sf)  }
0x36e: {  	[smem:$0x691] =	sst s11;
	s11 =	smulhi.u32 $0x14F8B589, s2  }
0x36f: {  	[tilespmem:$0x340] =	vst v6;
	v6 =	vadd.s32 v9, v4;
	[smem:$0x68E] =	sst s10;
	s10 =	spop (v2sf)  }
0x370: {  	(v2sf) =	vpush v6, $0xD;
	[smem:$0x693] =	sst s11;
	s11 =	smulhi.u32 $0x14F8B589, s10;
	s10 =	sshra.s32 s10, $0x1F  }
0x371: {  	s10 =	smul.u32 $0x14F8B589, s10;
	_ =	sdelay $0x1  }
0x372: {  	[smem:$0x695] =	sst s10;
	s10 =	spop (v2sf)  }
0x373: {  	(v2sf) =	vpush v6, $0xC;
	[smem:$0x694] =	sst s11;
	s11 =	smulhi.u32 $0x14F8B589, s10;
	s10 =	sshra.s32 s10, $0x1F  }
0x374: {  	s10 =	smul.u32 $0x14F8B589, s10;
	_ =	sdelay $0x1  }
0x375: {  	[smem:$0x697] =	sst s10;
	s10 =	spop (v2sf)  }
0x376: {  	(v2sf) =	vpush v6, $0xE;
	[smem:$0x696] =	sst s11;
	s11 =	smulhi.u32 $0x14F8B589, s10;
	s10 =	sshra.s32 s10, $0x1F  }
0x377: {  	s10 =	smul.u32 $0x14F8B589, s10;
	_ =	sdelay $0x1  }
0x378: {  	[smem:$0x699] =	sst s10;
	s10 =	spop (v2sf)  }
0x379: {  	(v2sf) =	vpush v6, $0xF;
	[smem:$0x698] =	sst s11;
	s11 =	smulhi.u32 $0x14F8B589, s10;
	s10 =	sshra.s32 s10, $0x1F  }
0x37a: {  	s10 =	smul.u32 $0x14F8B589, s10;
	_ =	sdelay $0x1  }
0x37b: {  	[smem:$0x69B] =	sst s10;
	s10 =	spop (v2sf)  }
0x37c: {  	(v2sf) =	vpush v6, $0x9;
	[smem:$0x69A] =	sst s11;
	s11 =	smulhi.u32 $0x14F8B589, s10;
	s10 =	sshra.s32 s10, $0x1F  }
0x37d: {  	s10 =	smul.u32 $0x14F8B589, s10;
	_ =	sdelay $0x1  }
0x37e: {  	[smem:$0x69D] =	sst s10;
	s10 =	spop (v2sf)  }
0x37f: {  	(v2sf) =	vpush v6, $0x8;
	[smem:$0x69C] =	sst s11;
	s11 =	smulhi.u32 $0x14F8B589, s10;
	s10 =	sshra.s32 s10, $0x1F  }
0x380: {  	s10 =	smul.u32 $0x14F8B589, s10;
	_ =	sdelay $0x1  }
0x381: {  	[smem:$0x69F] =	sst s10;
	s10 =	spop (v2sf)  }
0x382: {  	(v2sf) =	vpush v6, $0xA;
	[smem:$0x69E] =	sst s11;
	s11 =	smulhi.u32 $0x14F8B589, s10;
	s10 =	sshra.s32 s10, $0x1F  }
0x383: {  	s10 =	smul.u32 $0x14F8B589, s10;
	_ =	sdelay $0x1  }
0x384: {  	[smem:$0x6A1] =	sst s10;
	s10 =	spop (v2sf)  }
0x385: {  	(v2sf) =	vpush v6, $0xB;
	[smem:$0x6A0] =	sst s11;
	s11 =	smulhi.u32 $0x14F8B589, s10;
	s10 =	sshra.s32 s10, $0x1F  }
0x386: {  	s10 =	smul.u32 $0x14F8B589, s10;
	_ =	sdelay $0x1  }
0x387: {  	[smem:$0x6A3] =	sst s10;
	s10 =	spop (v2sf)  }
0x388: {  	(v2sf) =	vpush v6, $0x0;
	[smem:$0x6A2] =	sst s11;
	s11 =	smulhi.u32 $0x14F8B589, s10;
	s10 =	sshra.s32 s10, $0x1F  }
0x389: {  	s10 =	smul.u32 $0x14F8B589, s10;
	_ =	sdelay $0x1  }
0x38a: {  	[smem:$0x6A5] =	sst s10;
	s10 =	spop (v2sf)  }
0x38b: {  	(v2sf) =	vpush v6, $0x1;
	[smem:$0x6A4] =	sst s11;
	s11 =	smulhi.u32 $0x14F8B589, s10;
	s10 =	sshra.s32 s10, $0x1F  }
0x38c: {  	s10 =	smul.u32 $0x14F8B589, s10;
	_ =	sdelay $0x1  }
0x38d: {  	[smem:$0x6A7] =	sst s10;
	s10 =	spop (v2sf)  }
0x38e: {  	(v2sf) =	vpush v6, $0x2;
	[smem:$0x6A6] =	sst s11;
	s11 =	smulhi.u32 $0x14F8B589, s10;
	s10 =	sshra.s32 s10, $0x1F  }
0x38f: {  	s10 =	smul.u32 $0x14F8B589, s10;
	_ =	sdelay $0x1  }
0x390: {  	[smem:$0x6A9] =	sst s10;
	s10 =	spop (v2sf)  }
0x391: {  	(v2sf) =	vpush v6, $0x3;
	[smem:$0x6A8] =	sst s11;
	s11 =	smulhi.u32 $0x14F8B589, s10;
	s10 =	sshra.s32 s10, $0x1F  }
0x392: {  	s10 =	smul.u32 $0x14F8B589, s10;
	_ =	sdelay $0x1  }
0x393: {  	[smem:$0x6AB] =	sst s10;
	s10 =	spop (v2sf)  }
0x394: {  	(v2sf) =	vpush v6, $0x4;
	[smem:$0x6AA] =	sst s11;
	s11 =	smulhi.u32 $0x14F8B589, s10;
	s10 =	sshra.s32 s10, $0x1F  }
0x395: {  	s10 =	smul.u32 $0x14F8B589, s10;
	_ =	sdelay $0x1  }
0x396: {  	[smem:$0x6AD] =	sst s10;
	s10 =	spop (v2sf)  }
0x397: {  	(v2sf) =	vpush v6, $0x5;
	[smem:$0x6AC] =	sst s11;
	s11 =	smulhi.u32 $0x14F8B589, s10;
	s10 =	sshra.s32 s10, $0x1F  }
0x398: {  	s10 =	smul.u32 $0x14F8B589, s10;
	_ =	sdelay $0x1  }
0x399: {  	[smem:$0x6AF] =	sst s10;
	s10 =	spop (v2sf)  }
0x39a: {  	v10 =	vld [tilespmem:$0x250];
	(v2sf) =	vpush v6, $0x6;
	[smem:$0x6AE] =	sst s11;
	s11 =	smulhi.u32 $0x14F8B589, s10;
	s10 =	sshra.s32 s10, $0x1F  }
0x39b: {  	s10 =	smul.u32 $0x14F8B589, s10  }
0x39c: {  	[tilespmem:$0x300] =	vst v11;
	v11 =	vld [tilespmem:$0xD0]  }
0x39d: {  	[smem:$0x6B1] =	sst s10;
	s10 =	spop (v2sf)  }
0x39e: {  	(v2sf) =	vpush v6, $0x7;
	[smem:$0x6B0] =	sst s11;
	s11 =	smulhi.u32 $0x14F8B589, s10;
	s10 =	sshra.s32 s10, $0x1F  }
0x39f: {  	v4 =	vmul.u32 $0x3F1, v10;
	s10 =	smul.u32 $0x14F8B589, s10;
	_ =	sdelay $0x1  }
0x3a0: {  	v4 =	vadd.s32 v11, v4;
	[smem:$0x6B3] =	sst s10;
	s10 =	spop (v2sf)  }
0x3a1: {  	(v2sf) =	vpush v4, $0xD;
	[smem:$0x6B2] =	sst s11;
	s11 =	smulhi.u32 $0x14F8B589, s10;
	s10 =	sshra.s32 s10, $0x1F  }
0x3a2: {  	s10 =	smul.u32 $0x14F8B589, s10;
	_ =	sdelay $0x1  }
0x3a3: {  	[smem:$0x6B5] =	sst s10;
	s10 =	spop (v2sf)  }
0x3a4: {  	(v2sf) =	vpush v4, $0xC;
	[smem:$0x6B4] =	sst s11;
	s11 =	smulhi.u32 $0x14F8B589, s10;
	s10 =	sshra.s32 s10, $0x1F  }
0x3a5: {  	s10 =	smul.u32 $0x14F8B589, s10;
	_ =	sdelay $0x1  }
0x3a6: {  	[smem:$0x6B7] =	sst s10;
	s10 =	spop (v2sf)  }
0x3a7: {  	(v2sf) =	vpush v4, $0xE;
	[smem:$0x6B6] =	sst s11;
	s11 =	smulhi.u32 $0x14F8B589, s10;
	s10 =	sshra.s32 s10, $0x1F  }
0x3a8: {  	s10 =	smul.u32 $0x14F8B589, s10;
	_ =	sdelay $0x1  }
0x3a9: {  	[smem:$0x6B9] =	sst s10;
	s10 =	spop (v2sf)  }
0x3aa: {  	(v2sf) =	vpush v4, $0xF;
	[smem:$0x6B8] =	sst s11;
	s11 =	smulhi.u32 $0x14F8B589, s10;
	s10 =	sshra.s32 s10, $0x1F  }
0x3ab: {  	s10 =	smul.u32 $0x14F8B589, s10;
	_ =	sdelay $0x1  }
0x3ac: {  	[smem:$0x6BB] =	sst s10;
	s10 =	spop (v2sf)  }
0x3ad: {  	(v2sf) =	vpush v4, $0x9;
	[smem:$0x6BA] =	sst s11;
	s11 =	smulhi.u32 $0x14F8B589, s10;
	s10 =	sshra.s32 s10, $0x1F  }
0x3ae: {  	s10 =	smul.u32 $0x14F8B589, s10;
	_ =	sdelay $0x1  }
0x3af: {  	[smem:$0x6BD] =	sst s10;
	s10 =	spop (v2sf)  }
0x3b0: {  	(v2sf) =	vpush v4, $0x8;
	[smem:$0x6BC] =	sst s11;
	s11 =	smulhi.u32 $0x14F8B589, s10;
	s10 =	sshra.s32 s10, $0x1F  }
0x3b1: {  	s10 =	smul.u32 $0x14F8B589, s10;
	_ =	sdelay $0x1  }
0x3b2: {  	[smem:$0x6BF] =	sst s10;
	s10 =	spop (v2sf)  }
0x3b3: {  	(v2sf) =	vpush v4, $0xA;
	[smem:$0x6BE] =	sst s11;
	s11 =	smulhi.u32 $0x14F8B589, s10;
	s10 =	sshra.s32 s10, $0x1F  }
0x3b4: {  	s10 =	smul.u32 $0x14F8B589, s10;
	_ =	sdelay $0x1  }
0x3b5: {  	[smem:$0x6C1] =	sst s10;
	s10 =	spop (v2sf)  }
0x3b6: {  	(v2sf) =	vpush v4, $0xB;
	[smem:$0x6C0] =	sst s11;
	s11 =	smulhi.u32 $0x14F8B589, s10;
	s10 =	sshra.s32 s10, $0x1F  }
0x3b7: {  	s10 =	smul.u32 $0x14F8B589, s10;
	_ =	sdelay $0x1  }
0x3b8: {  	[smem:$0x6C3] =	sst s10;
	s10 =	spop (v2sf)  }
0x3b9: {  	(v2sf) =	vpush v4, $0x0;
	[smem:$0x6C2] =	sst s11;
	s11 =	smulhi.u32 $0x14F8B589, s10;
	s10 =	sshra.s32 s10, $0x1F  }
0x3ba: {  	s10 =	smul.u32 $0x14F8B589, s10;
	_ =	sdelay $0x1  }
0x3bb: {  	[smem:$0x6C5] =	sst s10;
	s10 =	spop (v2sf)  }
0x3bc: {  	(v2sf) =	vpush v4, $0x1;
	[smem:$0x6C4] =	sst s11;
	s11 =	smulhi.u32 $0x14F8B589, s10;
	s10 =	sshra.s32 s10, $0x1F  }
0x3bd: {  	s10 =	smul.u32 $0x14F8B589, s10;
	_ =	sdelay $0x1  }
0x3be: {  	[smem:$0x6C7] =	sst s10;
	s10 =	spop (v2sf)  }
0x3bf: {  	(v2sf) =	vpush v4, $0x2;
	[smem:$0x6C6] =	sst s11;
	s11 =	smulhi.u32 $0x14F8B589, s10;
	s10 =	sshra.s32 s10, $0x1F  }
0x3c0: {  	s10 =	smul.u32 $0x14F8B589, s10;
	_ =	sdelay $0x1  }
0x3c1: {  	[smem:$0x6C9] =	sst s10;
	s10 =	spop (v2sf)  }
0x3c2: {  	(v2sf) =	vpush v4, $0x3;
	[smem:$0x6C8] =	sst s11;
	s11 =	smulhi.u32 $0x14F8B589, s10;
	s10 =	sshra.s32 s10, $0x1F  }
0x3c3: {  	s10 =	smul.u32 $0x14F8B589, s10;
	_ =	sdelay $0x1  }
0x3c4: {  	[smem:$0x6CB] =	sst s10;
	s10 =	spop (v2sf)  }
0x3c5: {  	(v2sf) =	vpush v4, $0x4;
	[smem:$0x6CA] =	sst s11;
	s11 =	smulhi.u32 $0x14F8B589, s10;
	s10 =	sshra.s32 s10, $0x1F  }
0x3c6: {  	s10 =	smul.u32 $0x14F8B589, s10;
	_ =	sdelay $0x1  }
0x3c7: {  	[smem:$0x6CD] =	sst s10;
	s10 =	spop (v2sf)  }
0x3c8: {  	(v2sf) =	vpush v4, $0x5;
	[smem:$0x6CC] =	sst s11;
	s11 =	smulhi.u32 $0x14F8B589, s10;
	s10 =	sshra.s32 s10, $0x1F  }
0x3c9: {  	s10 =	smul.u32 $0x14F8B589, s10;
	_ =	sdelay $0x1  }
0x3ca: {  	[smem:$0x6CF] =	sst s10;
	s10 =	spop (v2sf)  }
0x3cb: {  	v12 =	vld [tilespmem:$0x260];
	(v2sf) =	vpush v4, $0x6;
	[smem:$0x6CE] =	sst s11;
	s11 =	smulhi.u32 $0x14F8B589, s10;
	s10 =	sshra.s32 s10, $0x1F  }
0x3cc: {  	s10 =	smul.u32 $0x14F8B589, s10  }
0x3cd: {  	v13 =	vld [tilespmem:$0xE0]  }
0x3ce: {  	[smem:$0x6D1] =	sst s10;
	s10 =	spop (v2sf)  }
0x3cf: {  	(v2sf) =	vpush v4, $0x7;
	[smem:$0x6D0] =	sst s11;
	s11 =	smulhi.u32 $0x14F8B589, s10;
	s10 =	sshra.s32 s10, $0x1F  }
0x3d0: {  	[tilespmem:$0x370] =	vst v5;
	v5 =	vmul.u32 $0x3F1, v12;
	s10 =	smul.u32 $0x14F8B589, s10;
	_ =	sdelay $0x1  }
0x3d1: {  	v5 =	vadd.s32 v13, v5;
	[smem:$0x6D3] =	sst s10;
	s10 =	spop (v2sf)  }
0x3d2: {  	(v2sf) =	vpush v5, $0xD;
	[smem:$0x6D2] =	sst s11;
	s11 =	smulhi.u32 $0x14F8B589, s10;
	s10 =	sshra.s32 s10, $0x1F  }
0x3d3: {  	s10 =	smul.u32 $0x14F8B589, s10;
	_ =	sdelay $0x1  }
0x3d4: {  	[smem:$0x6D5] =	sst s10;
	s10 =	spop (v2sf)  }
0x3d5: {  	(v2sf) =	vpush v5, $0xC;
	[smem:$0x6D4] =	sst s11;
	s11 =	smulhi.u32 $0x14F8B589, s10;
	s10 =	sshra.s32 s10, $0x1F  }
0x3d6: {  	s10 =	smul.u32 $0x14F8B589, s10;
	_ =	sdelay $0x1  }
0x3d7: {  	[smem:$0x6D7] =	sst s10;
	s10 =	spop (v2sf)  }
0x3d8: {  	(v2sf) =	vpush v5, $0xE;
	[smem:$0x6D6] =	sst s11;
	s11 =	smulhi.u32 $0x14F8B589, s10;
	s10 =	sshra.s32 s10, $0x1F  }
0x3d9: {  	s10 =	smul.u32 $0x14F8B589, s10;
	_ =	sdelay $0x1  }
0x3da: {  	[smem:$0x6D9] =	sst s10;
	s10 =	spop (v2sf)  }
0x3db: {  	(v2sf) =	vpush v5, $0xF;
	[smem:$0x6D8] =	sst s11;
	s11 =	smulhi.u32 $0x14F8B589, s10;
	s10 =	sshra.s32 s10, $0x1F  }
0x3dc: {  	s10 =	smul.u32 $0x14F8B589, s10;
	_ =	sdelay $0x1  }
0x3dd: {  	[smem:$0x6DB] =	sst s10;
	s10 =	spop (v2sf)  }
0x3de: {  	(v2sf) =	vpush v5, $0x9;
	[smem:$0x6DA] =	sst s11;
	s11 =	smulhi.u32 $0x14F8B589, s10;
	s10 =	sshra.s32 s10, $0x1F  }
0x3df: {  	s10 =	smul.u32 $0x14F8B589, s10;
	_ =	sdelay $0x1  }
0x3e0: {  	[smem:$0x6DD] =	sst s10;
	s10 =	spop (v2sf)  }
0x3e1: {  	(v2sf) =	vpush v5, $0x8;
	[smem:$0x6DC] =	sst s11;
	s11 =	smulhi.u32 $0x14F8B589, s10;
	s10 =	sshra.s32 s10, $0x1F  }
0x3e2: {  	s10 =	smul.u32 $0x14F8B589, s10;
	_ =	sdelay $0x1  }
0x3e3: {  	[smem:$0x6DF] =	sst s10;
	s10 =	spop (v2sf)  }
0x3e4: {  	(v2sf) =	vpush v5, $0xA;
	[smem:$0x6DE] =	sst s11;
	s11 =	smulhi.u32 $0x14F8B589, s10;
	s10 =	sshra.s32 s10, $0x1F  }
0x3e5: {  	s10 =	smul.u32 $0x14F8B589, s10;
	_ =	sdelay $0x1  }
0x3e6: {  	[smem:$0x6E1] =	sst s10;
	s10 =	spop (v2sf)  }
0x3e7: {  	(v2sf) =	vpush v5, $0xB;
	[smem:$0x6E0] =	sst s11;
	s11 =	smulhi.u32 $0x14F8B589, s10;
	s10 =	sshra.s32 s10, $0x1F  }
0x3e8: {  	s10 =	smul.u32 $0x14F8B589, s10;
	_ =	sdelay $0x1  }
0x3e9: {  	[smem:$0x6E3] =	sst s10;
	s10 =	spop (v2sf)  }
0x3ea: {  	(v2sf) =	vpush v5, $0x0;
	[smem:$0x6E2] =	sst s11;
	s11 =	smulhi.u32 $0x14F8B589, s10;
	s10 =	sshra.s32 s10, $0x1F  }
0x3eb: {  	s10 =	smul.u32 $0x14F8B589, s10;
	_ =	sdelay $0x1  }
0x3ec: {  	[smem:$0x6E5] =	sst s10;
	s10 =	spop (v2sf)  }
0x3ed: {  	(v2sf) =	vpush v5, $0x1;
	[smem:$0x6E4] =	sst s11;
	s11 =	smulhi.u32 $0x14F8B589, s10;
	s10 =	sshra.s32 s10, $0x1F  }
0x3ee: {  	s10 =	smul.u32 $0x14F8B589, s10;
	_ =	sdelay $0x1  }
0x3ef: {  	[smem:$0x6E7] =	sst s10;
	s10 =	spop (v2sf)  }
0x3f0: {  	(v2sf) =	vpush v5, $0x2;
	[smem:$0x6E6] =	sst s11;
	s11 =	smulhi.u32 $0x14F8B589, s10;
	s10 =	sshra.s32 s10, $0x1F  }
0x3f1: {  	s10 =	smul.u32 $0x14F8B589, s10;
	_ =	sdelay $0x1  }
0x3f2: {  	[smem:$0x6E9] =	sst s10;
	s10 =	spop (v2sf)  }
0x3f3: {  	(v2sf) =	vpush v5, $0x3;
	[smem:$0x6E8] =	sst s11;
	s11 =	smulhi.u32 $0x14F8B589, s10;
	s10 =	sshra.s32 s10, $0x1F  }
0x3f4: {  	s10 =	smul.u32 $0x14F8B589, s10;
	_ =	sdelay $0x1  }
0x3f5: {  	[smem:$0x6EB] =	sst s10;
	s10 =	spop (v2sf)  }
0x3f6: {  	(v2sf) =	vpush v5, $0x4;
	[smem:$0x6EA] =	sst s11;
	s11 =	smulhi.u32 $0x14F8B589, s10;
	s10 =	sshra.s32 s10, $0x1F  }
0x3f7: {  	s10 =	smul.u32 $0x14F8B589, s10;
	_ =	sdelay $0x1  }
0x3f8: {  	[smem:$0x6ED] =	sst s10;
	s10 =	spop (v2sf)  }
0x3f9: {  	(v2sf) =	vpush v5, $0x5;
	[smem:$0x6EC] =	sst s11;
	s11 =	smulhi.u32 $0x14F8B589, s10;
	s10 =	sshra.s32 s10, $0x1F  }
0x3fa: {  	s10 =	smul.u32 $0x14F8B589, s10;
	_ =	sdelay $0x1  }
0x3fb: {  	[smem:$0x6EF] =	sst s10;
	s10 =	spop (v2sf)  }
0x3fc: {  	v14 =	vld [tilespmem:$0x270];
	(v2sf) =	vpush v5, $0x6;
	[smem:$0x6EE] =	sst s11;
	s11 =	smulhi.u32 $0x14F8B589, s10;
	s10 =	sshra.s32 s10, $0x1F  }
0x3fd: {  	s10 =	smul.u32 $0x14F8B589, s10  }
0x3fe: {  	v15 =	vld [tilespmem:$0xF0]  }
0x3ff: {  	[smem:$0x6F1] =	sst s10;
	s10 =	spop (v2sf)  }
0x400: {  	(v2sf) =	vpush v5, $0x7;
	[smem:$0x6F0] =	sst s11;
	s11 =	smulhi.u32 $0x14F8B589, s10;
	s10 =	sshra.s32 s10, $0x1F  }
0x401: {  	[tilespmem:$0x350] =	vst v7;
	v7 =	vmul.u32 $0x3F1, v14;
	s10 =	smul.u32 $0x14F8B589, s10;
	_ =	sdelay $0x1  }
0x402: {  	v8 =	vadd.s32 v15, v7;
	[smem:$0x6F3] =	sst s10;
	s10 =	spop (v2sf)  }
0x403: {  	(v2sf) =	vpush v8, $0xD;
	[smem:$0x6F2] =	sst s11;
	s11 =	smulhi.u32 $0x14F8B589, s10;
	s10 =	sshra.s32 s10, $0x1F  }
0x404: {  	s10 =	smul.u32 $0x14F8B589, s10;
	_ =	sdelay $0x1  }
0x405: {  	[smem:$0x6F5] =	sst s10;
	s10 =	spop (v2sf)  }
0x406: {  	(v2sf) =	vpush v8, $0xC;
	[smem:$0x6F4] =	sst s11;
	s11 =	smulhi.u32 $0x14F8B589, s10;
	s10 =	sshra.s32 s10, $0x1F  }
0x407: {  	s10 =	smul.u32 $0x14F8B589, s10;
	_ =	sdelay $0x1  }
0x408: {  	[smem:$0x6F7] =	sst s10;
	s10 =	spop (v2sf)  }
0x409: {  	(v2sf) =	vpush v8, $0xE;
	[smem:$0x6F6] =	sst s11;
	s11 =	smulhi.u32 $0x14F8B589, s10;
	s10 =	sshra.s32 s10, $0x1F  }
0x40a: {  	s10 =	smul.u32 $0x14F8B589, s10;
	_ =	sdelay $0x1  }
0x40b: {  	[smem:$0x6F9] =	sst s10;
	s10 =	spop (v2sf)  }
0x40c: {  	(v2sf) =	vpush v8, $0xF;
	[smem:$0x6F8] =	sst s11;
	s11 =	smulhi.u32 $0x14F8B589, s10;
	s10 =	sshra.s32 s10, $0x1F  }
0x40d: {  	s10 =	smul.u32 $0x14F8B589, s10;
	_ =	sdelay $0x1  }
0x40e: {  	[smem:$0x6FB] =	sst s10;
	s10 =	spop (v2sf)  }
0x40f: {  	(v2sf) =	vpush v8, $0x9;
	[smem:$0x6FA] =	sst s11;
	s11 =	smulhi.u32 $0x14F8B589, s10;
	s10 =	sshra.s32 s10, $0x1F  }
0x410: {  	s10 =	smul.u32 $0x14F8B589, s10;
	_ =	sdelay $0x1  }
0x411: {  	[smem:$0x6FD] =	sst s10;
	s10 =	spop (v2sf)  }
0x412: {  	(v2sf) =	vpush v8, $0x8;
	[smem:$0x6FC] =	sst s11;
	s11 =	smulhi.u32 $0x14F8B589, s10;
	s10 =	sshra.s32 s10, $0x1F  }
0x413: {  	s10 =	smul.u32 $0x14F8B589, s10;
	_ =	sdelay $0x1  }
0x414: {  	[smem:$0x6FF] =	sst s10;
	s10 =	spop (v2sf)  }
0x415: {  	(v2sf) =	vpush v8, $0xA;
	[smem:$0x6FE] =	sst s11;
	s11 =	smulhi.u32 $0x14F8B589, s10;
	s10 =	sshra.s32 s10, $0x1F  }
0x416: {  	s10 =	smul.u32 $0x14F8B589, s10;
	_ =	sdelay $0x1  }
0x417: {  	[smem:$0x701] =	sst s10;
	s10 =	spop (v2sf)  }
0x418: {  	(v2sf) =	vpush v8, $0xB;
	[smem:$0x700] =	sst s11;
	s11 =	smulhi.u32 $0x14F8B589, s10;
	s10 =	sshra.s32 s10, $0x1F  }
0x419: {  	s10 =	smul.u32 $0x14F8B589, s10;
	_ =	sdelay $0x1  }
0x41a: {  	[smem:$0x703] =	sst s10;
	s10 =	spop (v2sf)  }
0x41b: {  	(v2sf) =	vpush v8, $0x0;
	[smem:$0x702] =	sst s11;
	s11 =	smulhi.u32 $0x14F8B589, s10;
	s10 =	sshra.s32 s10, $0x1F  }
0x41c: {  	s10 =	smul.u32 $0x14F8B589, s10;
	_ =	sdelay $0x1  }
0x41d: {  	[smem:$0x705] =	sst s10;
	s10 =	spop (v2sf)  }
0x41e: {  	(v2sf) =	vpush v8, $0x1;
	[smem:$0x704] =	sst s11;
	s11 =	smulhi.u32 $0x14F8B589, s10;
	s10 =	sshra.s32 s10, $0x1F  }
0x41f: {  	s10 =	smul.u32 $0x14F8B589, s10;
	_ =	sdelay $0x1  }
0x420: {  	[smem:$0x707] =	sst s10;
	s10 =	spop (v2sf)  }
0x421: {  	(v2sf) =	vpush v8, $0x2;
	[smem:$0x706] =	sst s11;
	s11 =	smulhi.u32 $0x14F8B589, s10;
	s10 =	sshra.s32 s10, $0x1F  }
0x422: {  	s10 =	smul.u32 $0x14F8B589, s10;
	_ =	sdelay $0x1  }
0x423: {  	[smem:$0x709] =	sst s10;
	s10 =	spop (v2sf)  }
0x424: {  	[smem:$0x708] =	sst s11;
	s11 =	smulhi.u32 $0x14F8B589, s10;
	s10 =	sshra.s32 s10, $0x1F  }
0x425: {  	s10 =	smul.u32 $0x14F8B589, s10;
	_ =	sdelay $0x1  }
0x426: {  	[smem:$0x70B] =	sst s10;
	s10 =	spop (v2sf)  }
0x427: {  	[smem:$0x70A] =	sst s11;
	s11 =	smulhi.u32 $0x14F8B589, s10;
	s10 =	sshra.s32 s10, $0x1F  }
0x428: {  	v16 =	vld [tilespmem:$0x280];
	s10 =	smul.u32 $0x14F8B589, s10;
	_ =	sdelay $0x1  }
0x429: {  	v17 =	vld [tilespmem:$0x100];
	[smem:$0x70D] =	sst s10;
	s10 =	spop (v2sf)  }
0x42a: {  	(v2sf) =	vpush v8, $0x3;
	[smem:$0x70C] =	sst s11;
	s11 =	smulhi.u32 $0x14F8B589, s10;
	s10 =	sshra.s32 s10, $0x1F  }
0x42b: {  	(v2sf) =	vpush v8, $0x4;
	s10 =	smul.u32 $0x14F8B589, s10  }
0x42c: {  	v7 =	vmul.u32 $0x3F1, v16;
	(v2sf) =	vpush v8, $0x5  }
0x42d: {  	(v2sf) =	vpush v8, $0x6;
	[smem:$0x70F] =	sst s10;
	s10 =	spop (v2sf)  }
0x42e: {  	v7 =	vadd.s32 v17, v7;
	(v2sf) =	vpush v8, $0x7;
	[smem:$0x70E] =	sst s11;
	s11 =	smulhi.u32 $0x14F8B589, s10;
	s10 =	sshra.s32 s10, $0x1F  }
0x42f: {  	(v2sf) =	vpush v7, $0xD;
	s10 =	smul.u32 $0x14F8B589, s10  }
0x430: {  	(v2sf) =	vpush v7, $0xC;
	[smem:$0x710] =	sst s11  }
0x431: {  	[tilespmem:$0x360] =	vst v59;
	s12 =	sadd.s32 s16, s12;
	(v2sf) =	vpush v7, $0xE;
	[smem:$0x711] =	sst s10  }
0x432: {  	s13 =	sadd.s32 s17, s13;
	[smem:$0x767] =	sst s12  }
0x433: {  	s20 =	sadd.s32 s23, s20;
	[smem:$0x769] =	sst s13  }
0x434: {  	s23 =	sadd.s32 s25, s22;
	[smem:$0x76E] =	sst s20  }
0x435: {  	s25 =	sadd.s32 s26, s24;
	[smem:$0x770] =	sst s23  }
0x436: {  	s5 =	sadd.s32 s5, s28;
	[smem:$0x772] =	sst s25  }
0x437: {  	s8 =	sadd.s32 s8, s29;
	[smem:$0x76A] =	sst s5  }
0x438: {  	s4 =	sadd.s32 s4, s30;
	[smem:$0x76D] =	sst s8  }
0x439: {  	s22 =	sadd.s32 s6, s31;
	[smem:$0x76F] =	sst s4  }
0x43a: {  	[smem:$0x771] =	sst s22  }
0x43b: {  	s11 =	sld [smem:$0x679]  }
0x43c: {  	s0 =	smul.u32 $0x14F8B589, s0;
	s24 =	sld [smem:$0x67A]  }
0x43d: {  	s10 =	spop (v2sf);
	s29 =	sld [smem:$0x67C]  }
0x43e: {  	s30 =	sld [smem:$0x67D];
	s16 =	spop (v2sf)  }
0x43f: {  	s22 =	sld [smem:$0x67F];
	s13 =	smulhi.u32 $0x14F8B589, s16  }
0x440: {  	s17 =	spop (v2sf);
	s3 =	sadd.s32 s3, s24;
	s24 =	sld [smem:$0x681]  }
0x441: {  	s11 =	sadd.s32 s15, s11;
	s0 =	sadd.s32 s0, s30;
	s30 =	sld [smem:$0x685]  }
0x442: {  	s15 =	smulhi.u32 $0x14F8B589, s10;
	s10 =	sshra.s32 s10, $0x1F;
	[smem:$0x766] =	sst s11  }
0x443: {  	s12 =	smul.u32 $0x14F8B589, s10;
	[smem:$0x773] =	sst s3  }
0x444: {  	s10 =	sshra.s32 s16, $0x1F;
	s16 =	sadd.s32 s19, s14;
	[smem:$0x768] =	sst s0  }
0x445: {  	s14 =	smulhi.u32 $0x14F8B589, s17;
	s3 =	sadd.s32 s7, s29;
	s29 =	sld [smem:$0x684]  }
0x446: {  	s19 =	sadd.s32 s21, s18;
	s21 =	spop (v2sf);
	[smem:$0x76B] =	sst s16  }
0x447: {  	s16 =	smul.u32 $0x14F8B589, s10;
	[smem:$0x76C] =	sst s19  }
0x448: {  	s10 =	sshra.s32 s17, $0x1F;
	s18 =	smulhi.u32 $0x14F8B589, s21;
	s26 =	spop (v2sf)  }
0x449: {  	[smem:$0x775] =	sst s3;
	s17 =	smul.u32 $0x14F8B589, s10  }
0x44a: {  	(v2sf) =	vpush v7, $0xF;
	s3 =	sld [smem:$0x68A];
	s10 =	sshra.s32 s21, $0x1F;
	s11 =	smulhi.u32 $0x14F8B589, s26  }
0x44b: {  	(v2sf) =	vpush v7, $0x9;
	s20 =	spop (v2sf);
	s19 =	smul.u32 $0x14F8B589, s10;
	s10 =	sshra.s32 s26, $0x1F  }
0x44c: {  	s23 =	spop (v2sf);
	s8 =	smul.u32 $0x14F8B589, s10  }
0x44d: {  	s21 =	sshra.s32 s20, $0x1F;
	s26 =	sld [smem:$0x67B];
	s10 =	smulhi.u32 $0x14F8B589, s20  }
0x44e: {  	(v2sf) =	vpush v7, $0x8;
	s6 =	smul.u32 $0x14F8B589, s21;
	s20 =	sld [smem:$0x67E]  }
0x44f: {  	s5 =	smulhi.u32 $0x14F8B589, s23;
	s25 =	sshra.s32 s23, $0x1F;
	s23 =	sld [smem:$0x680]  }
0x450: {  	s1 =	sadd.s32 s1, s26;
	s28 =	spop (v2sf);
	s26 =	sld [smem:$0x682]  }
0x451: {  	[smem:$0x774] =	sst s1;
	s7 =	smulhi.u32 $0x14F8B589, s28;
	s1 =	sshra.s32 s28, $0x1F  }
0x452: {  	(v2sf) =	vpush v7, $0xA;
	s28 =	sld [smem:$0x683];
	s21 =	smul.u32 $0x14F8B589, s1;
	s1 =	sadd.s32 s22, s20  }
0x453: {  	[smem:$0x776] =	sst s1;
	s1 =	sadd.s32 s24, s23  }
0x454: {  	(v2sf) =	vpush v7, $0xB;
	[smem:$0x777] =	sst s1  }
0x455: {  	s1 =	sadd.s32 s28, s26;
	s26 =	sld [smem:$0x686]  }
0x456: {  	s28 =	sld [smem:$0x687]  }
0x457: {  	[smem:$0x778] =	sst s1  }
0x458: {  	s4 =	smul.u32 $0x14F8B589, s25;
	s1 =	sadd.s32 s30, s29;
	s29 =	sld [smem:$0x688]  }
0x459: {  	s31 =	spop (v2sf);
	s30 =	sld [smem:$0x689]  }
0x45a: {  	s20 =	smulhi.u32 $0x14F8B589, s31;
	s0 =	sshra.s32 s31, $0x1F;
	s25 =	spop (v2sf)  }
0x45b: {  	[smem:$0x77A] =	sst s1;
	s22 =	smul.u32 $0x14F8B589, s0  }
0x45c: {  	s23 =	smulhi.u32 $0x14F8B589, s25;
	s1 =	sadd.s32 s28, s26;
	s28 =	sld [smem:$0x68B]  }
0x45d: {  	s0 =	sshra.s32 s25, $0x1F;
	s31 =	spop (v2sf);
	[smem:$0x77C] =	sst s1  }
0x45e: {  	s25 =	smul.u32 $0x14F8B589, s0;
	s1 =	sadd.s32 s30, s29;
	s29 =	sld [smem:$0x68C]  }
0x45f: {  	s24 =	smulhi.u32 $0x14F8B589, s31;
	s0 =	sshra.s32 s31, $0x1F;
	s30 =	sld [smem:$0x68D]  }
0x460: {  	[smem:$0x77D] =	sst s1;
	s26 =	smul.u32 $0x14F8B589, s0  }
0x461: {  	s31 =	spop (v2sf);
	s1 =	sadd.s32 s28, s3;
	s3 =	sld [smem:$0x68E]  }
0x462: {  	s28 =	smulhi.u32 $0x14F8B589, s31;
	s0 =	sshra.s32 s31, $0x1F;
	[smem:$0x77F] =	sst s1  }
0x463: {  	(v2sf) =	vpush v7, $0x0;
	s31 =	spop (v2sf);
	s1 =	sadd.s32 s30, s29;
	s30 =	sld [smem:$0x68F]  }
0x464: {  	s29 =	smul.u32 $0x14F8B589, s0;
	s0 =	sshra.s32 s31, $0x1F;
	[smem:$0x782] =	sst s1  }
0x465: {  	s1 =	sadd.s32 s9, s3;
	s9 =	smulhi.u32 $0x14F8B589, s31;
	s31 =	sld [smem:$0x690]  }
0x466: {  	s3 =	sld [smem:$0x691]  }
0x467: {  	[smem:$0x77B] =	sst s1  }
0x468: {  	s1 =	sadd.s32 s31, s30;
	s31 =	sld [smem:$0x692]  }
0x469: {  	(v2sf) =	vpush v7, $0x1  }
0x46a: {  	[smem:$0x77E] =	sst s1  }
0x46b: {  	s2 =	sshra.s32 s2, $0x1F;
	s1 =	sadd.s32 s31, s3;
	s31 =	sld [smem:$0x693]  }
0x46c: {  	s2 =	smul.u32 $0x14F8B589, s2  }
0x46d: {  	(v2sf) =	vpush v7, $0x2;
	[smem:$0x780] =	sst s1  }
0x46e: {  	s1 =	sadd.s32 s2, s31;
	s2 =	sld [smem:$0x694]  }
0x46f: {  	s31 =	sld [smem:$0x695];
	_ =	sdelay $0x1  }
0x470: {  	s30 =	smul.u32 $0x14F8B589, s0;
	[smem:$0x781] =	sst s1  }
0x471: {  	s0 =	spop (v2sf);
	s1 =	sadd.s32 s31, s2;
	s2 =	sld [smem:$0x697]  }
0x472: {  	s3 =	smulhi.u32 $0x14F8B589, s0;
	s0 =	sshra.s32 s0, $0x1F;
	[smem:$0x783] =	sst s1  }
0x473: {  	s0 =	smul.u32 $0x14F8B589, s0;
	s1 =	sld [smem:$0x696]  }
0x474: {  	_ = 	snop  }
0x475: {  	[smem:$0x712] =	sst s0  }
0x476: {  	s1 =	sadd.s32 s2, s1;
	s2 =	sld [smem:$0x699]  }
0x477: {  	s0 =	spop (v2sf);
	[smem:$0x784] =	sst s1  }
0x478: {  	(v2sf) =	vpush v7, $0x3;
	s31 =	smulhi.u32 $0x14F8B589, s0;
	s0 =	sshra.s32 s0, $0x1F;
	s1 =	sld [smem:$0x698]  }
0x479: {  	s0 =	smul.u32 $0x14F8B589, s0;
	_ =	sdelay $0x1  }
0x47a: {  	[smem:$0x713] =	sst s0;
	s0 =	spop (v2sf);
	s1 =	sadd.s32 s2, s1  }
0x47b: {  	s2 =	smulhi.u32 $0x14F8B589, s0;
	[smem:$0x785] =	sst s1  }
0x47c: {  	s1 =	sld [smem:$0x69A]  }
0x47d: {  	[smem:$0x714] =	sst s2  }
0x47e: {  	s2 =	sld [smem:$0x69B];
	_ =	sdelay $0x2  }
0x47f: {  	s1 =	sadd.s32 s2, s1;
	s2 =	sld [smem:$0x69D]  }
0x480: {  	[smem:$0x779] =	sst s1  }
0x481: {  	(v2sf) =	vpush v7, $0x4;
	s0 =	sshra.s32 s0, $0x1F;
	s1 =	sld [smem:$0x69C]  }
0x482: {  	s0 =	smul.u32 $0x14F8B589, s0;
	_ =	sdelay $0x1  }
0x483: {  	[smem:$0x715] =	sst s0;
	s0 =	spop (v2sf);
	s1 =	sadd.s32 s2, s1  }
0x484: {  	s2 =	smulhi.u32 $0x14F8B589, s0;
	[smem:$0x786] =	sst s1  }
0x485: {  	s1 =	sld [smem:$0x69E]  }
0x486: {  	[smem:$0x716] =	sst s2  }
0x487: {  	s2 =	sld [smem:$0x69F];
	_ =	sdelay $0x2  }
0x488: {  	s1 =	sadd.s32 s2, s1;
	s2 =	sld [smem:$0x6A1]  }
0x489: {  	[smem:$0x787] =	sst s1  }
0x48a: {  	(v2sf) =	vpush v7, $0x5;
	s0 =	sshra.s32 s0, $0x1F;
	s1 =	sld [smem:$0x6A0]  }
0x48b: {  	s0 =	smul.u32 $0x14F8B589, s0;
	_ =	sdelay $0x1  }
0x48c: {  	[smem:$0x717] =	sst s0;
	s0 =	spop (v2sf);
	s1 =	sadd.s32 s2, s1  }
0x48d: {  	s2 =	smulhi.u32 $0x14F8B589, s0;
	[smem:$0x788] =	sst s1  }
0x48e: {  	s1 =	sld [smem:$0x6A2]  }
0x48f: {  	[smem:$0x718] =	sst s2  }
0x490: {  	s2 =	sld [smem:$0x6A3];
	_ =	sdelay $0x2  }
0x491: {  	s1 =	sadd.s32 s2, s1;
	s2 =	sld [smem:$0x6A5]  }
0x492: {  	[smem:$0x789] =	sst s1  }
0x493: {  	(v2sf) =	vpush v7, $0x6;
	s0 =	sshra.s32 s0, $0x1F;
	s1 =	sld [smem:$0x6A4]  }
0x494: {  	s0 =	smul.u32 $0x14F8B589, s0;
	_ =	sdelay $0x1  }
0x495: {  	[smem:$0x719] =	sst s0;
	s0 =	spop (v2sf);
	s1 =	sadd.s32 s2, s1  }
0x496: {  	s2 =	smulhi.u32 $0x14F8B589, s0;
	[smem:$0x78B] =	sst s1  }
0x497: {  	s1 =	sld [smem:$0x6A6]  }
0x498: {  	[smem:$0x71A] =	sst s2  }
0x499: {  	s2 =	sld [smem:$0x6A7];
	_ =	sdelay $0x2  }
0x49a: {  	s1 =	sadd.s32 s2, s1;
	s2 =	sld [smem:$0x6A9]  }
0x49b: {  	[smem:$0x78D] =	sst s1  }
0x49c: {  	(v2sf) =	vpush v7, $0x7;
	s0 =	sshra.s32 s0, $0x1F;
	s1 =	sld [smem:$0x6A8]  }
0x49d: {  	s0 =	smul.u32 $0x14F8B589, s0;
	_ =	sdelay $0x1  }
0x49e: {  	[smem:$0x71B] =	sst s0;
	s0 =	spop (v2sf);
	s1 =	sadd.s32 s2, s1  }
0x49f: {  	v18 =	vld [tilespmem:$0x290];
	s2 =	smulhi.u32 $0x14F8B589, s0;
	[smem:$0x78E] =	sst s1  }
0x4a0: {  	s1 =	sld [smem:$0x6AA]  }
0x4a1: {  	v19 =	vld [tilespmem:$0x110];
	[smem:$0x71C] =	sst s2  }
0x4a2: {  	s2 =	sld [smem:$0x6AB];
	_ =	sdelay $0x1  }
0x4a3: {  	v9 =	vmul.u32 $0x3F1, v18  }
0x4a4: {  	s1 =	sadd.s32 s2, s1;
	s2 =	sld [smem:$0x6AD]  }
0x4a5: {  	v9 =	vadd.s32 v19, v9;
	[smem:$0x790] =	sst s1  }
0x4a6: {  	(v2sf) =	vpush v9, $0xD;
	s0 =	sshra.s32 s0, $0x1F;
	s1 =	sld [smem:$0x6AC]  }
0x4a7: {  	s0 =	smul.u32 $0x14F8B589, s0;
	_ =	sdelay $0x1  }
0x4a8: {  	[smem:$0x71D] =	sst s0;
	s0 =	spop (v2sf);
	s1 =	sadd.s32 s2, s1  }
0x4a9: {  	s2 =	smulhi.u32 $0x14F8B589, s0;
	[smem:$0x78C] =	sst s1  }
0x4aa: {  	s1 =	sld [smem:$0x6AE]  }
0x4ab: {  	[smem:$0x71E] =	sst s2  }
0x4ac: {  	s2 =	sld [smem:$0x6AF];
	_ =	sdelay $0x2  }
0x4ad: {  	s1 =	sadd.s32 s2, s1;
	s2 =	sld [smem:$0x6B1]  }
0x4ae: {  	[smem:$0x78F] =	sst s1  }
0x4af: {  	(v2sf) =	vpush v9, $0xC;
	s0 =	sshra.s32 s0, $0x1F;
	s1 =	sld [smem:$0x6B0]  }
0x4b0: {  	s0 =	smul.u32 $0x14F8B589, s0;
	_ =	sdelay $0x1  }
0x4b1: {  	[smem:$0x71F] =	sst s0;
	s0 =	spop (v2sf);
	s1 =	sadd.s32 s2, s1  }
0x4b2: {  	s2 =	smulhi.u32 $0x14F8B589, s0;
	[smem:$0x791] =	sst s1  }
0x4b3: {  	s1 =	sld [smem:$0x6B2]  }
0x4b4: {  	[smem:$0x720] =	sst s2  }
0x4b5: {  	s2 =	sld [smem:$0x6B3];
	_ =	sdelay $0x2  }
0x4b6: {  	s1 =	sadd.s32 s2, s1;
	s2 =	sld [smem:$0x6B5]  }
0x4b7: {  	[smem:$0x792] =	sst s1  }
0x4b8: {  	(v2sf) =	vpush v9, $0xE;
	s0 =	sshra.s32 s0, $0x1F;
	s1 =	sld [smem:$0x6B4]  }
0x4b9: {  	s0 =	smul.u32 $0x14F8B589, s0;
	_ =	sdelay $0x1  }
0x4ba: {  	[smem:$0x721] =	sst s0;
	s0 =	spop (v2sf);
	s1 =	sadd.s32 s2, s1  }
0x4bb: {  	s2 =	smulhi.u32 $0x14F8B589, s0;
	[smem:$0x793] =	sst s1  }
0x4bc: {  	s1 =	sld [smem:$0x6B6]  }
0x4bd: {  	[smem:$0x722] =	sst s2  }
0x4be: {  	s2 =	sld [smem:$0x6B7];
	_ =	sdelay $0x2  }
0x4bf: {  	s1 =	sadd.s32 s2, s1;
	s2 =	sld [smem:$0x6B9]  }
0x4c0: {  	[smem:$0x794] =	sst s1  }
0x4c1: {  	(v2sf) =	vpush v9, $0xF;
	s0 =	sshra.s32 s0, $0x1F;
	s1 =	sld [smem:$0x6B8]  }
0x4c2: {  	s0 =	smul.u32 $0x14F8B589, s0;
	_ =	sdelay $0x1  }
0x4c3: {  	[smem:$0x723] =	sst s0;
	s0 =	spop (v2sf);
	s1 =	sadd.s32 s2, s1  }
0x4c4: {  	s2 =	smulhi.u32 $0x14F8B589, s0;
	[smem:$0x795] =	sst s1  }
0x4c5: {  	s1 =	sld [smem:$0x6BA]  }
0x4c6: {  	[smem:$0x724] =	sst s2  }
0x4c7: {  	s2 =	sld [smem:$0x6BB];
	_ =	sdelay $0x2  }
0x4c8: {  	s1 =	sadd.s32 s2, s1;
	s2 =	sld [smem:$0x6BD]  }
0x4c9: {  	[smem:$0x78A] =	sst s1  }
0x4ca: {  	(v2sf) =	vpush v9, $0x9;
	s0 =	sshra.s32 s0, $0x1F;
	s1 =	sld [smem:$0x6BC]  }
0x4cb: {  	s0 =	smul.u32 $0x14F8B589, s0;
	_ =	sdelay $0x1  }
0x4cc: {  	[smem:$0x725] =	sst s0;
	s0 =	spop (v2sf);
	s1 =	sadd.s32 s2, s1  }
0x4cd: {  	s2 =	smulhi.u32 $0x14F8B589, s0;
	[smem:$0x796] =	sst s1  }
0x4ce: {  	s1 =	sld [smem:$0x6BE]  }
0x4cf: {  	[smem:$0x726] =	sst s2  }
0x4d0: {  	s2 =	sld [smem:$0x6BF];
	_ =	sdelay $0x2  }
0x4d1: {  	s1 =	sadd.s32 s2, s1;
	s2 =	sld [smem:$0x6C1]  }
0x4d2: {  	[smem:$0x797] =	sst s1  }
0x4d3: {  	(v2sf) =	vpush v9, $0x8;
	s0 =	sshra.s32 s0, $0x1F;
	s1 =	sld [smem:$0x6C0]  }
0x4d4: {  	s0 =	smul.u32 $0x14F8B589, s0;
	_ =	sdelay $0x1  }
0x4d5: {  	[smem:$0x727] =	sst s0;
	s0 =	spop (v2sf);
	s1 =	sadd.s32 s2, s1  }
0x4d6: {  	s2 =	smulhi.u32 $0x14F8B589, s0;
	[smem:$0x798] =	sst s1  }
0x4d7: {  	s1 =	sld [smem:$0x6C2]  }
0x4d8: {  	[smem:$0x728] =	sst s2  }
0x4d9: {  	s2 =	sld [smem:$0x6C3];
	_ =	sdelay $0x2  }
0x4da: {  	s1 =	sadd.s32 s2, s1;
	s2 =	sld [smem:$0x6C5]  }
0x4db: {  	[smem:$0x799] =	sst s1  }
0x4dc: {  	(v2sf) =	vpush v9, $0xA;
	s0 =	sshra.s32 s0, $0x1F;
	s1 =	sld [smem:$0x6C4]  }
0x4dd: {  	s0 =	smul.u32 $0x14F8B589, s0;
	_ =	sdelay $0x1  }
0x4de: {  	[smem:$0x729] =	sst s0;
	s0 =	spop (v2sf);
	s1 =	sadd.s32 s2, s1  }
0x4df: {  	s2 =	smulhi.u32 $0x14F8B589, s0;
	[smem:$0x79B] =	sst s1  }
0x4e0: {  	s1 =	sld [smem:$0x6C6]  }
0x4e1: {  	[smem:$0x72A] =	sst s2  }
0x4e2: {  	s2 =	sld [smem:$0x6C7];
	_ =	sdelay $0x2  }
0x4e3: {  	s1 =	sadd.s32 s2, s1;
	s2 =	sld [smem:$0x6C9]  }
0x4e4: {  	[smem:$0x79D] =	sst s1  }
0x4e5: {  	(v2sf) =	vpush v9, $0xB;
	s0 =	sshra.s32 s0, $0x1F;
	s1 =	sld [smem:$0x6C8]  }
0x4e6: {  	s0 =	smul.u32 $0x14F8B589, s0;
	_ =	sdelay $0x1  }
0x4e7: {  	[smem:$0x72B] =	sst s0;
	s0 =	spop (v2sf);
	s1 =	sadd.s32 s2, s1  }
0x4e8: {  	s2 =	smulhi.u32 $0x14F8B589, s0;
	[smem:$0x79F] =	sst s1  }
0x4e9: {  	s1 =	sld [smem:$0x6CA]  }
0x4ea: {  	[smem:$0x72C] =	sst s2  }
0x4eb: {  	s2 =	sld [smem:$0x6CB];
	_ =	sdelay $0x2  }
0x4ec: {  	s1 =	sadd.s32 s2, s1;
	s2 =	sld [smem:$0x6CD]  }
0x4ed: {  	[smem:$0x7A0] =	sst s1  }
0x4ee: {  	(v2sf) =	vpush v9, $0x0;
	s0 =	sshra.s32 s0, $0x1F;
	s1 =	sld [smem:$0x6CC]  }
0x4ef: {  	s0 =	smul.u32 $0x14F8B589, s0;
	_ =	sdelay $0x1  }
0x4f0: {  	[smem:$0x72D] =	sst s0;
	s0 =	spop (v2sf);
	s1 =	sadd.s32 s2, s1  }
0x4f1: {  	s2 =	smulhi.u32 $0x14F8B589, s0;
	[smem:$0x79C] =	sst s1  }
0x4f2: {  	s1 =	sld [smem:$0x6CE]  }
0x4f3: {  	[smem:$0x72E] =	sst s2  }
0x4f4: {  	s2 =	sld [smem:$0x6CF];
	_ =	sdelay $0x2  }
0x4f5: {  	s1 =	sadd.s32 s2, s1;
	s2 =	sld [smem:$0x6D1]  }
0x4f6: {  	[smem:$0x79E] =	sst s1  }
0x4f7: {  	(v2sf) =	vpush v9, $0x1;
	s0 =	sshra.s32 s0, $0x1F;
	s1 =	sld [smem:$0x6D0]  }
0x4f8: {  	s0 =	smul.u32 $0x14F8B589, s0;
	_ =	sdelay $0x1  }
0x4f9: {  	[smem:$0x72F] =	sst s0;
	s0 =	spop (v2sf);
	s1 =	sadd.s32 s2, s1  }
0x4fa: {  	s2 =	smulhi.u32 $0x14F8B589, s0;
	[smem:$0x7A1] =	sst s1  }
0x4fb: {  	s1 =	sld [smem:$0x6D2]  }
0x4fc: {  	[smem:$0x730] =	sst s2  }
0x4fd: {  	s2 =	sld [smem:$0x6D3];
	_ =	sdelay $0x2  }
0x4fe: {  	s1 =	sadd.s32 s2, s1;
	s2 =	sld [smem:$0x6D5]  }
0x4ff: {  	[smem:$0x7A2] =	sst s1  }
0x500: {  	(v2sf) =	vpush v9, $0x2;
	s0 =	sshra.s32 s0, $0x1F;
	s1 =	sld [smem:$0x6D4]  }
0x501: {  	s0 =	smul.u32 $0x14F8B589, s0;
	_ =	sdelay $0x1  }
0x502: {  	[smem:$0x731] =	sst s0;
	s0 =	spop (v2sf);
	s1 =	sadd.s32 s2, s1  }
0x503: {  	s2 =	smulhi.u32 $0x14F8B589, s0;
	[smem:$0x7A3] =	sst s1  }
0x504: {  	s1 =	sld [smem:$0x6D6]  }
0x505: {  	[smem:$0x732] =	sst s2  }
0x506: {  	s2 =	sld [smem:$0x6D7];
	_ =	sdelay $0x2  }
0x507: {  	s1 =	sadd.s32 s2, s1;
	s2 =	sld [smem:$0x6D9]  }
0x508: {  	[smem:$0x7A4] =	sst s1  }
0x509: {  	(v2sf) =	vpush v9, $0x3;
	s0 =	sshra.s32 s0, $0x1F;
	s1 =	sld [smem:$0x6D8]  }
0x50a: {  	s0 =	smul.u32 $0x14F8B589, s0;
	_ =	sdelay $0x1  }
0x50b: {  	[smem:$0x733] =	sst s0;
	s0 =	spop (v2sf);
	s1 =	sadd.s32 s2, s1  }
0x50c: {  	s2 =	smulhi.u32 $0x14F8B589, s0;
	[smem:$0x7A5] =	sst s1  }
0x50d: {  	s1 =	sld [smem:$0x6DA]  }
0x50e: {  	[smem:$0x734] =	sst s2  }
0x50f: {  	s2 =	sld [smem:$0x6DB];
	_ =	sdelay $0x2  }
0x510: {  	s1 =	sadd.s32 s2, s1;
	s2 =	sld [smem:$0x6DD]  }
0x511: {  	[smem:$0x79A] =	sst s1  }
0x512: {  	(v2sf) =	vpush v9, $0x4;
	s0 =	sshra.s32 s0, $0x1F;
	s1 =	sld [smem:$0x6DC]  }
0x513: {  	s0 =	smul.u32 $0x14F8B589, s0;
	_ =	sdelay $0x1  }
0x514: {  	[smem:$0x735] =	sst s0;
	s0 =	spop (v2sf);
	s1 =	sadd.s32 s2, s1  }
0x515: {  	s2 =	smulhi.u32 $0x14F8B589, s0;
	[smem:$0x7A6] =	sst s1  }
0x516: {  	s1 =	sld [smem:$0x6DE]  }
0x517: {  	[smem:$0x736] =	sst s2  }
0x518: {  	s2 =	sld [smem:$0x6DF];
	_ =	sdelay $0x2  }
0x519: {  	s1 =	sadd.s32 s2, s1;
	s2 =	sld [smem:$0x6E1]  }
0x51a: {  	[smem:$0x7A7] =	sst s1  }
0x51b: {  	(v2sf) =	vpush v9, $0x5;
	s0 =	sshra.s32 s0, $0x1F;
	s1 =	sld [smem:$0x6E0]  }
0x51c: {  	s0 =	smul.u32 $0x14F8B589, s0;
	_ =	sdelay $0x1  }
0x51d: {  	[smem:$0x737] =	sst s0;
	s0 =	spop (v2sf);
	s1 =	sadd.s32 s2, s1  }
0x51e: {  	s2 =	smulhi.u32 $0x14F8B589, s0;
	[smem:$0x7A8] =	sst s1  }
0x51f: {  	s1 =	sld [smem:$0x6E2]  }
0x520: {  	[smem:$0x738] =	sst s2  }
0x521: {  	s2 =	sld [smem:$0x6E3];
	_ =	sdelay $0x2  }
0x522: {  	s1 =	sadd.s32 s2, s1;
	s2 =	sld [smem:$0x6E5]  }
0x523: {  	[smem:$0x7A9] =	sst s1  }
0x524: {  	(v2sf) =	vpush v9, $0x6;
	s0 =	sshra.s32 s0, $0x1F;
	s1 =	sld [smem:$0x6E4]  }
0x525: {  	s0 =	smul.u32 $0x14F8B589, s0;
	_ =	sdelay $0x1  }
0x526: {  	[smem:$0x739] =	sst s0;
	s0 =	spop (v2sf);
	s1 =	sadd.s32 s2, s1  }
0x527: {  	s2 =	smulhi.u32 $0x14F8B589, s0;
	[smem:$0x7AA] =	sst s1  }
0x528: {  	s1 =	sld [smem:$0x6E6]  }
0x529: {  	[smem:$0x73A] =	sst s2  }
0x52a: {  	s2 =	sld [smem:$0x6E7];
	_ =	sdelay $0x2  }
0x52b: {  	s1 =	sadd.s32 s2, s1;
	s2 =	sld [smem:$0x6E9]  }
0x52c: {  	[smem:$0x7AC] =	sst s1  }
0x52d: {  	(v2sf) =	vpush v9, $0x7;
	s0 =	sshra.s32 s0, $0x1F;
	s1 =	sld [smem:$0x6E8]  }
0x52e: {  	s0 =	smul.u32 $0x14F8B589, s0;
	_ =	sdelay $0x1  }
0x52f: {  	[smem:$0x73B] =	sst s0;
	s0 =	spop (v2sf);
	s1 =	sadd.s32 s2, s1  }
0x530: {  	v20 =	vld [tilespmem:$0x2A0];
	s2 =	smulhi.u32 $0x14F8B589, s0;
	[smem:$0x7AE] =	sst s1  }
0x531: {  	s1 =	sld [smem:$0x6EA]  }
0x532: {  	v21 =	vld [tilespmem:$0x120];
	[smem:$0x73C] =	sst s2  }
0x533: {  	s2 =	sld [smem:$0x6EB];
	_ =	sdelay $0x1  }
0x534: {  	v10 =	vmul.u32 $0x3F1, v20  }
0x535: {  	s1 =	sadd.s32 s2, s1;
	s2 =	sld [smem:$0x6ED]  }
0x536: {  	v10 =	vadd.s32 v21, v10;
	[smem:$0x7B0] =	sst s1  }
0x537: {  	(v2sf) =	vpush v10, $0xD;
	s0 =	sshra.s32 s0, $0x1F;
	s1 =	sld [smem:$0x6EC]  }
0x538: {  	s0 =	smul.u32 $0x14F8B589, s0;
	_ =	sdelay $0x1  }
0x539: {  	[smem:$0x73D] =	sst s0;
	s0 =	spop (v2sf);
	s1 =	sadd.s32 s2, s1  }
0x53a: {  	s2 =	smulhi.u32 $0x14F8B589, s0;
	[smem:$0x7AD] =	sst s1  }
0x53b: {  	s1 =	sld [smem:$0x6EE]  }
0x53c: {  	[smem:$0x73E] =	sst s2  }
0x53d: {  	s2 =	sld [smem:$0x6EF];
	_ =	sdelay $0x2  }
0x53e: {  	s1 =	sadd.s32 s2, s1;
	s2 =	sld [smem:$0x6F1]  }
0x53f: {  	[smem:$0x7AF] =	sst s1  }
0x540: {  	(v2sf) =	vpush v10, $0xC;
	s0 =	sshra.s32 s0, $0x1F;
	s1 =	sld [smem:$0x6F0]  }
0x541: {  	s0 =	smul.u32 $0x14F8B589, s0;
	_ =	sdelay $0x1  }
0x542: {  	[smem:$0x73F] =	sst s0;
	s0 =	spop (v2sf);
	s1 =	sadd.s32 s2, s1  }
0x543: {  	s2 =	smulhi.u32 $0x14F8B589, s0;
	[smem:$0x7B1] =	sst s1  }
0x544: {  	s1 =	sld [smem:$0x6F2]  }
0x545: {  	[smem:$0x740] =	sst s2  }
0x546: {  	s2 =	sld [smem:$0x6F3];
	_ =	sdelay $0x2  }
0x547: {  	s1 =	sadd.s32 s2, s1;
	s2 =	sld [smem:$0x6F5]  }
0x548: {  	[smem:$0x7B2] =	sst s1  }
0x549: {  	(v2sf) =	vpush v10, $0xE;
	s0 =	sshra.s32 s0, $0x1F;
	s1 =	sld [smem:$0x6F4]  }
0x54a: {  	s0 =	smul.u32 $0x14F8B589, s0;
	_ =	sdelay $0x1  }
0x54b: {  	[smem:$0x741] =	sst s0;
	s0 =	spop (v2sf);
	s1 =	sadd.s32 s2, s1  }
0x54c: {  	s2 =	smulhi.u32 $0x14F8B589, s0;
	[smem:$0x7B3] =	sst s1  }
0x54d: {  	s1 =	sld [smem:$0x6F6]  }
0x54e: {  	[smem:$0x742] =	sst s2  }
0x54f: {  	s2 =	sld [smem:$0x6F7];
	_ =	sdelay $0x2  }
0x550: {  	s1 =	sadd.s32 s2, s1;
	s2 =	sld [smem:$0x6F9]  }
0x551: {  	[smem:$0x7B4] =	sst s1  }
0x552: {  	(v2sf) =	vpush v10, $0xF;
	s0 =	sshra.s32 s0, $0x1F;
	s1 =	sld [smem:$0x6F8]  }
0x553: {  	s0 =	smul.u32 $0x14F8B589, s0;
	_ =	sdelay $0x1  }
0x554: {  	[smem:$0x743] =	sst s0;
	s0 =	spop (v2sf);
	s1 =	sadd.s32 s2, s1  }
0x555: {  	s2 =	smulhi.u32 $0x14F8B589, s0;
	[smem:$0x7B5] =	sst s1  }
0x556: {  	s1 =	sld [smem:$0x6FA]  }
0x557: {  	[smem:$0x744] =	sst s2  }
0x558: {  	s2 =	sld [smem:$0x6FB];
	_ =	sdelay $0x2  }
0x559: {  	s1 =	sadd.s32 s2, s1;
	s2 =	sld [smem:$0x6FD]  }
0x55a: {  	[smem:$0x7AB] =	sst s1  }
0x55b: {  	(v2sf) =	vpush v10, $0x9;
	s0 =	sshra.s32 s0, $0x1F;
	s1 =	sld [smem:$0x6FC]  }
0x55c: {  	s0 =	smul.u32 $0x14F8B589, s0;
	_ =	sdelay $0x1  }
0x55d: {  	[smem:$0x745] =	sst s0;
	s0 =	spop (v2sf);
	s1 =	sadd.s32 s2, s1  }
0x55e: {  	s2 =	smulhi.u32 $0x14F8B589, s0;
	[smem:$0x7B6] =	sst s1  }
0x55f: {  	s1 =	sld [smem:$0x6FE]  }
0x560: {  	[smem:$0x746] =	sst s2  }
0x561: {  	s15 =	sadd.s32 s12, s15;
	s2 =	sld [smem:$0x6FF]  }
0x562: {  	[smem:$0x7C2] =	sst s15;
	s13 =	sadd.s32 s16, s13  }
0x563: {  	[smem:$0x7C3] =	sst s13  }
0x564: {  	s1 =	sadd.s32 s2, s1;
	s2 =	sld [smem:$0x701]  }
0x565: {  	[smem:$0x7B7] =	sst s1  }
0x566: {  	s16 =	sadd.s32 s17, s14;
	(v2sf) =	vpush v10, $0x8;
	s0 =	sshra.s32 s0, $0x1F;
	s1 =	sld [smem:$0x700]  }
0x567: {  	[smem:$0x7C4] =	sst s16;
	s19 =	sadd.s32 s19, s18;
	s0 =	smul.u32 $0x14F8B589, s0  }
0x568: {  	[smem:$0x7C5] =	sst s19  }
0x569: {  	[smem:$0x747] =	sst s0;
	s0 =	spop (v2sf);
	s1 =	sadd.s32 s2, s1  }
0x56a: {  	s2 =	smulhi.u32 $0x14F8B589, s0;
	[smem:$0x7B8] =	sst s1  }
0x56b: {  	s1 =	sld [smem:$0x702]  }
0x56c: {  	[smem:$0x748] =	sst s2  }
0x56d: {  	s8 =	sadd.s32 s8, s11;
	s2 =	sld [smem:$0x703]  }
0x56e: {  	s14 =	sadd.s32 s6, s10;
	[smem:$0x7BC] =	sst s8  }
0x56f: {  	[smem:$0x7C6] =	sst s14  }
0x570: {  	s1 =	sadd.s32 s2, s1;
	s2 =	sld [smem:$0x705]  }
0x571: {  	[smem:$0x7B9] =	sst s1  }
0x572: {  	s16 =	sadd.s32 s4, s5;
	(v2sf) =	vpush v10, $0xA;
	s0 =	sshra.s32 s0, $0x1F;
	s1 =	sld [smem:$0x704]  }
0x573: {  	[smem:$0x7C7] =	sst s16;
	s18 =	sadd.s32 s21, s7;
	s0 =	smul.u32 $0x14F8B589, s0  }
0x574: {  	[smem:$0x7C8] =	sst s18  }
0x575: {  	[smem:$0x749] =	sst s0;
	s0 =	spop (v2sf);
	s1 =	sadd.s32 s2, s1  }
0x576: {  	s2 =	smulhi.u32 $0x14F8B589, s0;
	[smem:$0x7BA] =	sst s1  }
0x577: {  	s1 =	sld [smem:$0x706]  }
0x578: {  	[smem:$0x74A] =	sst s2  }
0x579: {  	s19 =	sadd.s32 s22, s20;
	s2 =	sld [smem:$0x707]  }
0x57a: {  	[smem:$0x7C9] =	sst s19;
	s21 =	sadd.s32 s25, s23  }
0x57b: {  	[smem:$0x7CA] =	sst s21  }
0x57c: {  	s1 =	sadd.s32 s2, s1;
	s2 =	sld [smem:$0x709]  }
0x57d: {  	[smem:$0x7BB] =	sst s1  }
0x57e: {  	s22 =	sadd.s32 s26, s24;
	(v2sf) =	vpush v10, $0xB;
	s0 =	sshra.s32 s0, $0x1F;
	s1 =	sld [smem:$0x708]  }
0x57f: {  	[smem:$0x7CC] =	sst s22;
	s24 =	sadd.s32 s29, s28;
	s0 =	smul.u32 $0x14F8B589, s0  }
0x580: {  	[smem:$0x7CE] =	sst s24  }
0x581: {  	[smem:$0x74B] =	sst s0;
	s0 =	spop (v2sf);
	s1 =	sadd.s32 s2, s1  }
0x582: {  	s2 =	smulhi.u32 $0x14F8B589, s0;
	[smem:$0x7BD] =	sst s1  }
0x583: {  	s1 =	sld [smem:$0x70A]  }
0x584: {  	[smem:$0x74C] =	sst s2  }
0x585: {  	s26 =	sadd.s32 s30, s9;
	s2 =	sld [smem:$0x70B]  }
0x586: {  	[smem:$0x7CF] =	sst s26  }
0x587: {  	s29 =	sld [smem:$0x712]  }
0x588: {  	s1 =	sadd.s32 s2, s1;
	s2 =	sld [smem:$0x70D]  }
0x589: {  	[smem:$0x7BF] =	sst s1  }
0x58a: {  	(v2sf) =	vpush v10, $0x0;
	s0 =	sshra.s32 s0, $0x1F;
	s1 =	sld [smem:$0x70C]  }
0x58b: {  	s30 =	sld [smem:$0x713];
	s0 =	smul.u32 $0x14F8B589, s0  }
0x58c: {  	s10 =	sld [smem:$0x715]  }
0x58d: {  	[smem:$0x74D] =	sst s0;
	s0 =	spop (v2sf);
	s1 =	sadd.s32 s2, s1  }
0x58e: {  	(v2sf) =	vpush v10, $0x1;
	s2 =	smulhi.u32 $0x14F8B589, s0;
	[smem:$0x7BE] =	sst s1  }
0x58f: {  	s1 =	sld [smem:$0x70E]  }
0x590: {  	(v2sf) =	vpush v10, $0x2;
	[smem:$0x74E] =	sst s2  }
0x591: {  	s2 =	sld [smem:$0x70F]  }
0x592: {  	s16 =	sld [smem:$0x716];
	(v2sf) =	vpush v10, $0x3  }
0x593: {  	s19 =	sld [smem:$0x718];
	(v2sf) =	vpush v10, $0x4  }
0x594: {  	s1 =	sadd.s32 s2, s1;
	s2 =	sld [smem:$0x711]  }
0x595: {  	(v2sf) =	vpush v10, $0x5;
	[smem:$0x7C0] =	sst s1  }
0x596: {  	s0 =	sshra.s32 s0, $0x1F;
	s1 =	sld [smem:$0x710]  }
0x597: {  	s22 =	sld [smem:$0x71A];
	s0 =	smul.u32 $0x14F8B589, s0  }
0x598: {  	s26 =	sld [smem:$0x71D];
	(v2sf) =	vpush v10, $0x6  }
0x599: {  	[smem:$0x74F] =	sst s0;
	s0 =	spop (v2sf);
	s1 =	sadd.s32 s2, s1  }
0x59a: {  	v22 =	vld [tilespmem:$0x2B0];
	s2 =	smulhi.u32 $0x14F8B589, s0;
	[smem:$0x7C1] =	sst s1  }
0x59b: {  	s0 =	sshra.s32 s0, $0x1F;
	s1 =	sadd.s32 s29, s3;
	s29 =	sld [smem:$0x71E]  }
0x59c: {  	v23 =	vld [tilespmem:$0x130];
	s15 =	smul.u32 $0x14F8B589, s0;
	[smem:$0x750] =	sst s2  }
0x59d: {  	s2 =	spop (v2sf);
	[smem:$0x7CD] =	sst s1;
	s1 =	sadd.s32 s30, s31  }
0x59e: {  	s30 =	sld [smem:$0x71F];
	s12 =	smulhi.u32 $0x14F8B589, s2;
	s0 =	sshra.s32 s2, $0x1F  }
0x59f: {  	v11 =	vmul.u32 $0x3F1, v22;
	s17 =	spop (v2sf);
	s13 =	smul.u32 $0x14F8B589, s0  }
0x5a0: {  	[smem:$0x7D0] =	sst s1;
	s2 =	smulhi.u32 $0x14F8B589, s17;
	s0 =	sshra.s32 s17, $0x1F  }
0x5a1: {  	v12 =	vadd.s32 v23, v11;
	(v2sf) =	vpush v10, $0x7;
	s11 =	spop (v2sf);
	s8 =	smul.u32 $0x14F8B589, s0  }
0x5a2: {  	(v2sf) =	vpush v12, $0xD;
	s6 =	smulhi.u32 $0x14F8B589, s11;
	s0 =	sshra.s32 s11, $0x1F;
	s17 =	spop (v2sf)  }
0x5a3: {  	[smem:$0x751] =	sst s2;
	s4 =	smul.u32 $0x14F8B589, s0  }
0x5a4: {  	s5 =	smulhi.u32 $0x14F8B589, s17;
	s0 =	sshra.s32 s17, $0x1F;
	s20 =	spop (v2sf)  }
0x5a5: {  	s2 =	sld [smem:$0x714];
	s11 =	smul.u32 $0x14F8B589, s0  }
0x5a6: {  	s17 =	sld [smem:$0x717];
	s7 =	smulhi.u32 $0x14F8B589, s20  }
0x5a7: {  	s0 =	sshra.s32 s20, $0x1F;
	s23 =	spop (v2sf);
	s20 =	sld [smem:$0x719]  }
0x5a8: {  	s0 =	smul.u32 $0x14F8B589, s0;
	s1 =	sadd.s32 s10, s2;
	s2 =	sld [smem:$0x720]  }
0x5a9: {  	s25 =	smulhi.u32 $0x14F8B589, s23;
	s10 =	sld [smem:$0x721]  }
0x5aa: {  	[smem:$0x752] =	sst s0  }
0x5ab: {  	[smem:$0x753] =	sst s25  }
0x5ac: {  	[smem:$0x7D1] =	sst s1  }
0x5ad: {  	s0 =	sshra.s32 s23, $0x1F;
	s23 =	sld [smem:$0x71B]  }
0x5ae: {  	s25 =	sld [smem:$0x71C]  }
0x5af: {  	s1 =	sadd.s32 s17, s16;
	s16 =	sld [smem:$0x722]  }
0x5b0: {  	s28 =	spop (v2sf);
	s17 =	sld [smem:$0x723]  }
0x5b1: {  	(v2sf) =	vpush v12, $0xC;
	s31 =	spop (v2sf);
	[smem:$0x7D2] =	sst s1  }
0x5b2: {  	(v2sf) =	vpush v12, $0xE;
	s14 =	smulhi.u32 $0x14F8B589, s31;
	s1 =	sadd.s32 s20, s19;
	s19 =	sld [smem:$0x724]  }
0x5b3: {  	s20 =	sld [smem:$0x725]  }
0x5b4: {  	[smem:$0x755] =	sst s14  }
0x5b5: {  	(v2sf) =	vpush v12, $0xF;
	s9 =	smul.u32 $0x14F8B589, s0;
	s0 =	sshra.s32 s28, $0x1F;
	[smem:$0x7D3] =	sst s1  }
0x5b6: {  	s0 =	smul.u32 $0x14F8B589, s0;
	s1 =	sadd.s32 s23, s22;
	s22 =	sld [smem:$0x726]  }
0x5b7: {  	s23 =	sld [smem:$0x727]  }
0x5b8: {  	(v2sf) =	vpush v12, $0x9;
	[smem:$0x754] =	sst s0  }
0x5b9: {  	[smem:$0x7D4] =	sst s1  }
0x5ba: {  	s1 =	sadd.s32 s26, s25;
	s25 =	sld [smem:$0x728]  }
0x5bb: {  	(v2sf) =	vpush v12, $0x8;
	s26 =	sld [smem:$0x729]  }
0x5bc: {  	s0 =	sshra.s32 s31, $0x1F;
	[smem:$0x7D5] =	sst s1  }
0x5bd: {  	s0 =	smul.u32 $0x14F8B589, s0;
	s1 =	sadd.s32 s30, s29;
	s29 =	sld [smem:$0x72A]  }
0x5be: {  	[smem:$0x7CB] =	sst s1  }
0x5bf: {  	s3 =	smulhi.u32 $0x14F8B589, s28;
	s1 =	sadd.s32 s10, s2;
	[smem:$0x756] =	sst s0  }
0x5c0: {  	s18 =	spop (v2sf);
	[smem:$0x7D6] =	sst s1;
	s1 =	sadd.s32 s17, s16  }
0x5c1: {  	s21 =	smulhi.u32 $0x14F8B589, s18;
	s0 =	sshra.s32 s18, $0x1F;
	s24 =	spop (v2sf)  }
0x5c2: {  	[smem:$0x7D7] =	sst s1;
	s1 =	sadd.s32 s20, s19;
	s0 =	smul.u32 $0x14F8B589, s0  }
0x5c3: {  	s28 =	smulhi.u32 $0x14F8B589, s24;
	[smem:$0x7D8] =	sst s1  }
0x5c4: {  	s31 =	spop (v2sf);
	s1 =	sadd.s32 s23, s22;
	[smem:$0x757] =	sst s21  }
0x5c5: {  	s14 =	smulhi.u32 $0x14F8B589, s31;
	[smem:$0x758] =	sst s0;
	s0 =	sshra.s32 s24, $0x1F  }
0x5c6: {  	[smem:$0x7D9] =	sst s1;
	s0 =	smul.u32 $0x14F8B589, s0  }
0x5c7: {  	(v2sf) =	vpush v12, $0xA;
	s18 =	spop (v2sf);
	s1 =	sadd.s32 s26, s25;
	[smem:$0x759] =	sst s28  }
0x5c8: {  	(v2sf) =	vpush v12, $0xB;
	s21 =	smulhi.u32 $0x14F8B589, s18;
	[smem:$0x75A] =	sst s0;
	s0 =	sshra.s32 s31, $0x1F  }
0x5c9: {  	(v2sf) =	vpush v12, $0x0;
	[smem:$0x7DA] =	sst s1;
	s0 =	smul.u32 $0x14F8B589, s0  }
0x5ca: {  	(v2sf) =	vpush v12, $0x1;
	s24 =	spop (v2sf);
	[smem:$0x75B] =	sst s14  }
0x5cb: {  	(v2sf) =	vpush v12, $0x2;
	s28 =	smulhi.u32 $0x14F8B589, s24;
	[smem:$0x75C] =	sst s0;
	s0 =	sshra.s32 s18, $0x1F  }
0x5cc: {  	(v2sf) =	vpush v12, $0x3;
	[smem:$0x75D] =	sst s21;
	s0 =	smul.u32 $0x14F8B589, s0  }
0x5cd: {  	(v2sf) =	vpush v12, $0x4;
	[smem:$0x75F] =	sst s28  }
0x5ce: {  	v24 =	vld [tilespmem:$0x2C0];
	(v2sf) =	vpush v12, $0x5;
	[smem:$0x75E] =	sst s0  }
0x5cf: {  	v25 =	vld [tilespmem:$0x140];
	s6 =	sadd.s32 s4, s6;
	s30 =	sld [smem:$0x72B]  }
0x5d0: {  	s11 =	sadd.s32 s11, s5;
	[smem:$0x7F2] =	sst s6  }
0x5d1: {  	[smem:$0x7F3] =	sst s11  }
0x5d2: {  	s10 =	sld [smem:$0x72C]  }
0x5d3: {  	s14 =	sld [smem:$0x72D]  }
0x5d4: {  	s17 =	sld [smem:$0x72E]  }
0x5d5: {  	s18 =	sld [smem:$0x72F]  }
0x5d6: {  	s20 =	sld [smem:$0x730]  }
0x5d7: {  	s21 =	sld [smem:$0x731]  }
0x5d8: {  	s23 =	sld [smem:$0x732]  }
0x5d9: {  	s0 =	sshra.s32 s24, $0x1F;
	s24 =	sld [smem:$0x733]  }
0x5da: {  	s26 =	sld [smem:$0x734]  }
0x5db: {  	s28 =	sld [smem:$0x735]  }
0x5dc: {  	s0 =	smul.u32 $0x14F8B589, s0;
	s2 =	sld [smem:$0x742]  }
0x5dd: {  	s31 =	spop (v2sf);
	s5 =	sld [smem:$0x755]  }
0x5de: {  	s16 =	smulhi.u32 $0x14F8B589, s31;
	[smem:$0x760] =	sst s0  }
0x5df: {  	s0 =	sshra.s32 s31, $0x1F;
	s31 =	sld [smem:$0x737]  }
0x5e0: {  	[smem:$0x761] =	sst s16  }
0x5e1: {  	s19 =	spop (v2sf);
	s1 =	sadd.s32 s30, s29;
	s30 =	sld [smem:$0x736]  }
0x5e2: {  	s22 =	smulhi.u32 $0x14F8B589, s19;
	s16 =	sld [smem:$0x739]  }
0x5e3: {  	[smem:$0x7DB] =	sst s1  }
0x5e4: {  	[smem:$0x763] =	sst s22  }
0x5e5: {  	s25 =	spop (v2sf);
	s1 =	sadd.s32 s14, s10;
	s14 =	sld [smem:$0x738]  }
0x5e6: {  	s0 =	smul.u32 $0x14F8B589, s0;
	s22 =	sld [smem:$0x73E]  }
0x5e7: {  	s29 =	smulhi.u32 $0x14F8B589, s25;
	[smem:$0x7DD] =	sst s1  }
0x5e8: {  	[smem:$0x762] =	sst s0  }
0x5e9: {  	[smem:$0x765] =	sst s29  }
0x5ea: {  	s1 =	sadd.s32 s18, s17;
	s17 =	sld [smem:$0x73A]  }
0x5eb: {  	s18 =	sld [smem:$0x73B]  }
0x5ec: {  	[smem:$0x7DF] =	sst s1  }
0x5ed: {  	s1 =	sadd.s32 s21, s20;
	s20 =	sld [smem:$0x73C]  }
0x5ee: {  	s21 =	sld [smem:$0x73D]  }
0x5ef: {  	s0 =	sshra.s32 s19, $0x1F;
	[smem:$0x7DE] =	sst s1  }
0x5f0: {  	s0 =	smul.u32 $0x14F8B589, s0;
	s1 =	sadd.s32 s24, s23;
	s23 =	sld [smem:$0x73F]  }
0x5f1: {  	[smem:$0x7E0] =	sst s1  }
0x5f2: {  	[smem:$0x764] =	sst s0;
	s1 =	sadd.s32 s28, s26  }
0x5f3: {  	[smem:$0x7E1] =	sst s1  }
0x5f4: {  	s10 =	spop (v2sf);
	s1 =	sadd.s32 s31, s30;
	s30 =	sld [smem:$0x740]  }
0x5f5: {  	s0 =	sshra.s32 s25, $0x1F;
	s28 =	smulhi.u32 $0x14F8B589, s10;
	s31 =	sld [smem:$0x741]  }
0x5f6: {  	s26 =	smul.u32 $0x14F8B589, s0;
	s0 =	sshra.s32 s10, $0x1F;
	s10 =	sld [smem:$0x743]  }
0x5f7: {  	s19 =	spop (v2sf);
	[smem:$0x7E2] =	sst s1  }
0x5f8: {  	s25 =	smulhi.u32 $0x14F8B589, s19;
	s1 =	sadd.s32 s16, s14;
	s16 =	sld [smem:$0x744]  }
0x5f9: {  	s24 =	smul.u32 $0x14F8B589, s0;
	s0 =	sshra.s32 s19, $0x1F;
	s19 =	sld [smem:$0x747]  }
0x5fa: {  	[smem:$0x7E3] =	sst s1  }
0x5fb: {  	s1 =	sadd.s32 s18, s17;
	s17 =	sld [smem:$0x745]  }
0x5fc: {  	s18 =	sld [smem:$0x746]  }
0x5fd: {  	[smem:$0x7E4] =	sst s1;
	s1 =	sadd.s32 s21, s20  }
0x5fe: {  	s24 =	sadd.s32 s24, s28;
	[smem:$0x7E5] =	sst s1  }
0x5ff: {  	(v2sf) =	vpush v12, $0x6;
	s1 =	sadd.s32 s23, s22;
	[dreg:$0x1e] =	wrdreg s24  }
0x600: {  	[smem:$0x7DC] =	sst s1  }
0x601: {  	(v2sf) =	vpush v12, $0x7;
	s29 =	spop (v2sf);
	s1 =	sadd.s32 s31, s30;
	s30 =	sld [smem:$0x748]  }
0x602: {  	s14 =	spop (v2sf);
	s31 =	sld [smem:$0x749]  }
0x603: {  	v11 =	vmul.u32 $0x3F1, v24;
	s22 =	smul.u32 $0x14F8B589, s0;
	[smem:$0x7E6] =	sst s1  }
0x604: {  	s23 =	smulhi.u32 $0x14F8B589, s29;
	s1 =	sadd.s32 s10, s2;
	s2 =	sld [smem:$0x74A]  }
0x605: {  	v11 =	vadd.s32 v25, v11;
	s0 =	sshra.s32 s29, $0x1F;
	s29 =	spop (v2sf);
	s10 =	sld [smem:$0x74B]  }
0x606: {  	(v2sf) =	vpush v11, $0xD;
	s20 =	smul.u32 $0x14F8B589, s0;
	[smem:$0x7E7] =	sst s1  }
0x607: {  	s22 =	sadd.s32 s22, s25;
	s1 =	sadd.s32 s17, s16;
	s17 =	sld [smem:$0x74C]  }
0x608: {  	s0 =	sshra.s32 s14, $0x1F;
	[dreg:$0x1d] =	wrdreg s22;
	s20 =	sadd.s32 s20, s23  }
0x609: {  	[smem:$0x7E8] =	sst s1;
	s1 =	sadd.s32 s19, s18;
	s18 =	smul.u32 $0x14F8B589, s0  }
0x60a: {  	s19 =	smulhi.u32 $0x14F8B589, s29;
	s0 =	sshra.s32 s29, $0x1F;
	s29 =	sld [smem:$0x74D]  }
0x60b: {  	(v2sf) =	vpush v11, $0xC;
	[dreg:$0x1c] =	wrdreg s20  }
0x60c: {  	[smem:$0x7E9] =	sst s1  }
0x60d: {  	(v2sf) =	vpush v11, $0xE;
	s21 =	smulhi.u32 $0x14F8B589, s14;
	s1 =	sadd.s32 s31, s30;
	s30 =	sld [smem:$0x74E]  }
0x60e: {  	s14 =	spop (v2sf);
	s31 =	sld [smem:$0x74F]  }
0x60f: {  	s16 =	smul.u32 $0x14F8B589, s0;
	s0 =	sshra.s32 s14, $0x1F;
	[smem:$0x7EA] =	sst s1  }
0x610: {  	s1 =	sadd.s32 s10, s2;
	s10 =	spop (v2sf);
	s2 =	sld [smem:$0x751]  }
0x611: {  	[smem:$0x7EB] =	sst s1;
	s1 =	sadd.s32 s29, s17;
	s17 =	smulhi.u32 $0x14F8B589, s14  }
0x612: {  	(v2sf) =	vpush v11, $0xF;
	s14 =	smul.u32 $0x14F8B589, s0;
	s29 =	sld [smem:$0x750]  }
0x613: {  	s0 =	sshra.s32 s10, $0x1F;
	[smem:$0x7EC] =	sst s1;
	s1 =	sadd.s32 s31, s30  }
0x614: {  	s30 =	sadd.s32 s13, s12;
	s12 =	smul.u32 $0x14F8B589, s0;
	[smem:$0x7EE] =	sst s1  }
0x615: {  	s31 =	spop (v2sf);
	[smem:$0x7F0] =	sst s30  }
0x616: {  	s13 =	smulhi.u32 $0x14F8B589, s31;
	s0 =	sshra.s32 s31, $0x1F;
	s31 =	sld [smem:$0x753]  }
0x617: {  	s1 =	sadd.s32 s15, s29;
	s29 =	sld [smem:$0x752]  }
0x618: {  	s15 =	smulhi.u32 $0x14F8B589, s10;
	[smem:$0x7EF] =	sst s1  }
0x619: {  	(v2sf) =	vpush v11, $0x9;
	s10 =	smul.u32 $0x14F8B589, s0;
	s1 =	sadd.s32 s8, s2;
	s2 =	sld [smem:$0x754]  }
0x61a: {  	s8 =	spop (v2sf);
	[smem:$0x7F1] =	sst s1  }
0x61b: {  	s11 =	smulhi.u32 $0x14F8B589, s8;
	s1 =	sadd.s32 s29, s7;
	s7 =	sld [smem:$0x756]  }
0x61c: {  	s0 =	sshra.s32 s8, $0x1F;
	s30 =	spop (v2sf);
	s29 =	sld [smem:$0x757]  }
0x61d: {  	(v2sf) =	vpush v11, $0x8;
	s8 =	smul.u32 $0x14F8B589, s0;
	s0 =	sshra.s32 s30, $0x1F;
	[smem:$0x7F4] =	sst s1  }
0x61e: {  	s1 =	sadd.s32 s9, s31;
	s9 =	smulhi.u32 $0x14F8B589, s30;
	s30 =	sld [smem:$0x758]  }
0x61f: {  	[smem:$0x7F5] =	sst s1  }
0x620: {  	s1 =	sadd.s32 s2, s3;
	s3 =	sld [smem:$0x759]  }
0x621: {  	s4 =	spop (v2sf);
	s2 =	sld [smem:$0x75D]  }
0x622: {  	s6 =	smul.u32 $0x14F8B589, s0;
	s0 =	sshra.s32 s4, $0x1F;
	[smem:$0x7ED] =	sst s1  }
0x623: {  	s1 =	sadd.s32 s7, s5;
	s7 =	smulhi.u32 $0x14F8B589, s4;
	s4 =	sld [smem:$0x75A]  }
0x624: {  	[smem:$0x7F6] =	sst s1  }
0x625: {  	s1 =	sadd.s32 s30, s29;
	s29 =	sld [smem:$0x75B]  }
0x626: {  	(v2sf) =	vpush v11, $0xA;
	s30 =	sld [smem:$0x75C]  }
0x627: {  	[smem:$0x7F7] =	sst s1;
	s1 =	sadd.s32 s4, s3  }
0x628: {  	s31 =	spop (v2sf);
	[smem:$0x7F8] =	sst s1  }
0x629: {  	(v2sf) =	vpush v11, $0xB;
	s5 =	smul.u32 $0x14F8B589, s0;
	s1 =	sadd.s32 s30, s29;
	s29 =	sld [smem:$0x75E]  }
0x62a: {  	s0 =	sshra.s32 s31, $0x1F;
	s4 =	smulhi.u32 $0x14F8B589, s31;
	s30 =	sld [smem:$0x75F]  }
0x62b: {  	(v2sf) =	vpush v11, $0x0;
	s3 =	smul.u32 $0x14F8B589, s0;
	[smem:$0x7F9] =	sst s1  }
0x62c: {  	s31 =	spop (v2sf);
	s1 =	sadd.s32 s29, s2;
	s29 =	sld [smem:$0x760]  }
0x62d: {  	(v2sf) =	vpush v11, $0x1;
	s0 =	sshra.s32 s31, $0x1F;
	s2 =	smulhi.u32 $0x14F8B589, s31;
	s31 =	sld [smem:$0x761]  }
0x62e: {  	[dreg:$0x1f] =	wrdreg s1  }
0x62f: {  	s18 =	sadd.s32 s18, s21;
	(v2sf) =	vpush v11, $0x2;
	s1 =	sadd.s32 s29, s30;
	s30 =	sld [smem:$0x762]  }
0x630: {  	[dreg:$0x1b] =	wrdreg s18  }
0x631: {  	(v2sf) =	vpush v11, $0x3;
	s29 =	sld [smem:$0x763]  }
0x632: {  	s16 =	sadd.s32 s16, s19;
	s31 =	sadd.s32 s30, s31;
	s30 =	sld [smem:$0x764]  }
0x633: {  	[dreg:$0x1a] =	wrdreg s16;
	(v2sf) =	vpush v11, $0x4  }
0x634: {  	[smem:$0x7FA] =	sst s1;
	s1 =	smul.u32 $0x14F8B589, s0  }
0x635: {  	(v2sf) =	vpush v11, $0x5;
	s0 =	spop (v2sf);
	s29 =	sadd.s32 s30, s29;
	s30 =	sld [smem:$0x765]  }
0x636: {  	[smem:$0x7FB] =	sst s31;
	s31 =	smulhi.u32 $0x14F8B589, s0;
	s0 =	sshra.s32 s0, $0x1F  }
0x637: {  	s23 =	sadd.s32 s14, s17;
	s25 =	sadd.s32 s12, s15;
	s0 =	smul.u32 $0x14F8B589, s0  }
0x638: {  	[smem:$0x7FC] =	sst s29;
	s29 =	spop (v2sf);
	s26 =	sadd.s32 s26, s30  }
0x639: {  	[smem:$0x7FD] =	sst s26;
	s26 =	smulhi.u32 $0x14F8B589, s29;
	s29 =	sshra.s32 s29, $0x1F  }
0x63a: {  	s10 =	sadd.s32 s10, s13;
	s24 =	smul.u32 $0x14F8B589, s29;
	s29 =	spop (v2sf)  }
0x63b: {  	v26 =	vld [tilespmem:$0x2D0];
	[dreg:$0x19] =	wrdreg s10;
	s22 =	smulhi.u32 $0x14F8B589, s29;
	s30 =	sshra.s32 s29, $0x1F  }
0x63c: {  	s8 =	sadd.s32 s8, s11;
	(v2sf) =	vpush v11, $0x6;
	s28 =	spop (v2sf);
	s20 =	smul.u32 $0x14F8B589, s30  }
0x63d: {  	v27 =	vld [tilespmem:$0x150];
	[dreg:$0x18] =	wrdreg s8;
	s18 =	smulhi.u32 $0x14F8B589, s28;
	s29 =	sshra.s32 s28, $0x1F  }
0x63e: {  	s3 =	sadd.s32 s3, s4;
	s30 =	spop (v2sf);
	s16 =	smul.u32 $0x14F8B589, s29  }
0x63f: {  	[dreg:$0x17] =	wrdreg s3;
	s14 =	smulhi.u32 $0x14F8B589, s30;
	s19 =	sshra.s32 s30, $0x1F  }
0x640: {  	v13 =	vmul.u32 $0x3F1, v26;
	s1 =	sadd.s32 s1, s2;
	s21 =	spop (v2sf);
	s12 =	smul.u32 $0x14F8B589, s19  }
0x641: {  	[dreg:$0x16] =	wrdreg s1;
	s10 =	smulhi.u32 $0x14F8B589, s21;
	s28 =	sshra.s32 s21, $0x1F  }
0x642: {  	v13 =	vadd.s32 v27, v13;
	(v2sf) =	vpush v11, $0x7;
	s29 =	spop (v2sf);
	s21 =	sadd.s32 s20, s22;
	s8 =	smul.u32 $0x14F8B589, s28  }
0x643: {  	(v2sf) =	vpush v13, $0xD;
	s20 =	sld [smem:$0x767];
	s28 =	sadd.s32 s6, s9;
	s6 =	smulhi.u32 $0x14F8B589, s29  }
0x644: {  	s30 =	sshra.s32 s29, $0x1F;
	s29 =	sadd.s32 s5, s7;
	s11 =	spop (v2sf)  }
0x645: {  	[dreg:$0x15] =	wrdreg s21;
	s5 =	smul.u32 $0x14F8B589, s30;
	s30 =	sadd.s32 s0, s31  }
0x646: {  	s31 =	sadd.s32 s24, s26;
	s24 =	sadd.s32 s16, s18;
	s18 =	sld [smem:$0x766]  }
0x647: {  	s3 =	smulhi.u32 $0x14F8B589, s11;
	s13 =	sshra.s32 s11, $0x1F;
	s11 =	sld [smem:$0x76B]  }
0x648: {  	[dreg:$0x14] =	wrdreg s24  }
0x649: {  	s1 =	smul.u32 $0x14F8B589, s13;
	s13 =	sadd.s32 s12, s14;
	s24 =	sld [smem:$0x769]  }
0x64a: {  	s8 =	sadd.s32 s8, s10;
	[dreg:$0x13] =	wrdreg s13  }
0x64b: {  	s15 =	spop (v2sf);
	[dreg:$0x12] =	wrdreg s8  }
0x64c: {  	s17 =	smulhi.u32 $0x14F8B589, s15;
	s8 =	sld [smem:$0x76A]  }
0x64d: {  	s2 =	sshra.s32 s15, $0x1F;
	s21 =	sshrl.u32 s20, $0x1F;
	s13 =	sld [smem:$0x76C]  }
0x64e: {  	s2 =	smul.u32 $0x14F8B589, s2;
	s5 =	sadd.s32 s5, s6;
	v29 =	vmov s21;
	s21 =	sld [smem:$0x76F]  }
0x64f: {  	[dreg:$0x11] =	wrdreg s5;
	s1 =	sadd.s32 s1, s3  }
0x650: {  	s12 =	sshrl.u32 s11, $0x1F;
	[dreg:$0x10] =	wrdreg s1;
	s0 =	sadd.s32 s2, s17  }
0x651: {  	s1 =	sshra.s32 s24, $0xD;
	s19 =	spop (v2sf);
	[dreg:$0xe] =	wrdreg s0  }
0x652: {  	s22 =	smulhi.u32 $0x14F8B589, s19;
	s4 =	sshra.s32 s19, $0x1F;
	s26 =	spop (v2sf)  }
0x653: {  	s19 =	sshrl.u32 s18, $0x1F;
	s14 =	smulhi.u32 $0x14F8B589, s26;
	s9 =	sshra.s32 s26, $0x1F  }
0x654: {  	s10 =	sshrl.u32 s8, $0x1F;
	v15 =	vsel vm0, s19, v29;
	s19 =	sld [smem:$0x76E];
	s15 =	smul.u32 $0x14F8B589, s9  }
0x655: {  	s2 =	sshra.s32 s11, $0xD;
	v30 =	vmov s10;
	s10 =	sld [smem:$0x770];
	s4 =	smul.u32 $0x14F8B589, s4  }
0x656: {  	s0 =	sshra.s32 s18, $0xD;
	s17 =	sadd.s32 s15, s14;
	s14 =	sld [smem:$0x768]  }
0x657: {  	s16 =	sadd.s32 s4, s22;
	s4 =	sshra.s32 s20, $0xD;
	s20 =	sshrl.u32 s19, $0x1F  }
0x658: {  	s7 =	sshra.s32 s8, $0x1F;
	s6 =	sshra.s32 s13, $0xD;
	v32 =	vmov s20;
	s20 =	sld [smem:$0x773]  }
0x659: {  	s26 =	sshrl.u32 s24, $0x1F;
	s15 =	sld [smem:$0x76D];
	s22 =	sshra.s32 s14, $0x1F  }
0x65a: {  	vm15 =	vmmov vm6;
	s5 =	sshra.s32 s10, $0xD;
	[dreg:$0xf] =	wrdreg s16;
	s9 =	sshra.s32 s8, $0xD;
	v15 =	vsel vm1, s26, v15;
	v28 =	vmov s22  }
0x65b: {  	vm12 =	vcmask $0x704;
	s24 =	sshrl.u32 s21, $0x1F;
	s26 =	sshra.s32 s21, $0x1F;
	v56 =	vsel vm2, s12, v15;
	s12 =	sshrl.u32 s10, $0x1F;
	v14 =	vsel vm13, s9, v28  }
0x65c: {  	vm6 =	vmmov vm7;
	vm7 =	vmmov vm3;
	[dreg:$0xd] =	wrdreg s17;
	s11 =	sshra.s32 s20, $0x1F;
	s16 =	sshra.s32 s15, $0xD;
	v14 =	vsel vm12, s7, v14  }
0x65d: {  	vm3 =	vmmov vm13;
	s18 =	sshra.s32 s15, $0x1F;
	vm13 =	vcmask $0xF0C;
	s7 =	sshrl.u32 s13, $0x1F;
	s13 =	sld [smem:$0x771];
	v14 =	vsel vm0, s16, v14  }
0x65e: {  	v16 =	vnsel vm3, $0x0, v30;
	s17 =	sshrl.u32 s15, $0x1F;
	s22 =	sshra.s32 s21, $0xD;
	v14 =	vsel vm13, s18, v14;
	s18 =	sld [smem:$0x772]  }
0x65f: {  	v31 =	vsel vm0, s17, v16;
	s21 =	sshrl.u32 s20, $0x1F;
	s9 =	sshra.s32 s19, $0xD;
	v16 =	vsel vm0, s7, v32;
	v14 =	vsel vm1, s22, v14;
	s22 =	sld [smem:$0x774]  }
0x660: {  	v15 =	vsel vm1, s24, v31;
	v16 =	vsel vm1, s12, v16;
	s12 =	sld [smem:$0x778];
	s15 =	sshrl.u32 s13, $0x1F;
	s16 =	sshra.s32 s13, $0xD  }
0x661: {  	vm5 =	vmmov vm15;
	s17 =	sshra.s32 s13, $0x1F;
	s13 =	sld [smem:$0x775];
	v14 =	vsel vm14, s26, v14;
	v15 =	vsel vm2, s15, v15;
	s26 =	sshra.s32 s20, $0xD  }
0x662: {  	v14 =	vsel vm2, s16, v14;
	s19 =	sshrl.u32 s18, $0x1F;
	v15 =	vsel vm15, s21, v15;
	vm15 =	vcmask $0x1F1C;
	s8 =	sshra.s32 s18, $0xD;
	s24 =	sshrl.u32 s22, $0x1F  }
0x663: {  	vm11 =	vmmov vm10;
	v14 =	vsel vm15, s17, v14;
	s16 =	sshra.s32 s22, $0xD;
	s17 =	sshra.s32 s22, $0x1F;
	s22 =	sld [smem:$0x776]  }
0x664: {  	vm10 =	vcmask $0x2724;
	s18 =	sshrl.u32 s14, $0x1F;
	s15 =	sshrl.u32 s13, $0x1F;
	v15 =	vsel vm6, s24, v15;
	v14 =	vsel vm5, s26, v14;
	s24 =	sld [smem:$0x777]  }
0x665: {  	s21 =	sshra.s32 s14, $0xD;
	v57 =	vsel vm2, s19, v16;
	s19 =	sshra.s32 s13, $0xD;
	v15 =	vsel vm7, s15, v15;
	v14 =	vsel vm10, s11, v14;
	s15 =	sld [smem:$0x779]  }
0x666: {  	vm9 =	vcmask $0x2F2C;
	v33 =	vmov s4;
	s20 =	sshra.s32 s13, $0x1F;
	s13 =	sshrl.u32 s12, $0x1F;
	v14 =	vsel vm6, s16, v14;
	s16 =	sld [smem:$0x77A]  }
0x667: {  	v34 =	vsel vm0, s0, v33;
	v35 =	vmov s9;
	s11 =	sshrl.u32 s22, $0x1F;
	s0 =	sshra.s32 s22, $0xD;
	v14 =	vsel vm9, s17, v14;
	s17 =	sld [smem:$0x77B]  }
0x668: {  	v58 =	vsel vm4, s18, v15;
	v15 =	vsel vm1, s1, v34;
	s26 =	sshrl.u32 s24, $0x1F;
	s3 =	sshra.s32 s24, $0xD;
	s24 =	sld [smem:$0x77E];
	v14 =	vsel vm7, s19, v14  }
0x669: {  	v36 =	vsel vm0, s6, v35;
	s1 =	sshra.s32 s12, $0xD;
	v59 =	vsel vm2, s2, v15;
	s14 =	sshra.s32 s15, $0x1F;
	v14 =	vsel vm11, s20, v14;
	s20 =	sld [smem:$0x77C]  }
0x66a: {  	v15 =	vsel vm1, s5, v36;
	v39 =	vmov s26;
	v37 =	vmov s14;
	s4 =	sshrl.u32 s16, $0x1F;
	s2 =	sshra.s32 s16, $0xD;
	s14 =	sld [smem:$0x780]  }
0x66b: {  	v61 =	vsel vm2, s8, v15;
	v15 =	vsel vm0, s11, v39;
	s18 =	sshra.s32 s17, $0xD;
	v60 =	vsel vm4, s21, v14;
	s19 =	sshrl.u32 s17, $0x1F;
	s21 =	sld [smem:$0x77D]  }
0x66c: {  	s7 =	sshra.s32 s17, $0x1F;
	s26 =	sshra.s32 s24, $0xD;
	v15 =	vsel vm1, s13, v15;
	s13 =	sld [smem:$0x77F]  }
0x66d: {  	s11 =	sshrl.u32 s24, $0x1F;
	v40 =	vmov s19;
	s19 =	sld [smem:$0x781];
	s16 =	sshrl.u32 s14, $0x1F  }
0x66e: {  	v38 =	vsel vm3, s18, v37;
	s17 =	sshra.s32 s14, $0xD;
	s18 =	sshra.s32 s14, $0x1F;
	s14 =	sld [smem:$0x78A]  }
0x66f: {  	v16 =	vnsel vm3, $0x0, v40;
	s22 =	sshrl.u32 s21, $0x1F;
	s9 =	sshra.s32 s21, $0xD;
	s21 =	sld [smem:$0x782]  }
0x670: {  	s12 =	sshra.s32 s24, $0x1F;
	s8 =	sshrl.u32 s20, $0x1F;
	v14 =	vsel vm12, s7, v38;
	v16 =	vsel vm0, s11, v16;
	v42 =	vmov s22;
	s22 =	sld [smem:$0x783]  }
0x671: {  	s5 =	sshra.s32 s20, $0xD;
	v14 =	vsel vm0, s26, v14;
	s6 =	sshrl.u32 s13, $0x1F;
	v41 =	vsel vm1, s16, v16;
	s16 =	sld [smem:$0x784]  }
0x672: {  	s10 =	sshra.s32 s13, $0xD;
	v14 =	vsel vm13, s12, v14;
	s20 =	sshrl.u32 s19, $0x1F;
	s26 =	sshra.s32 s19, $0xD  }
0x673: {  	v0 =	vsel vm2, s4, v15;
	s13 =	sshra.s32 s19, $0x1F;
	v14 =	vsel vm1, s17, v14;
	v15 =	vsel vm2, s20, v41;
	s20 =	sld [smem:$0x785];
	s4 =	sshrl.u32 s21, $0x1F  }
0x674: {  	v14 =	vsel vm14, s18, v14;
	s7 =	sshra.s32 s21, $0xD;
	s24 =	sshrl.u32 s22, $0x1F;
	s17 =	sshrl.u32 s16, $0x1F  }
0x675: {  	v14 =	vsel vm2, s26, v14;
	s18 =	sshra.s32 s22, $0xD;
	s19 =	sshra.s32 s22, $0x1F;
	s22 =	sshra.s32 s16, $0xD  }
0x676: {  	s26 =	sshrl.u32 s15, $0x1F;
	v14 =	vsel vm15, s13, v14;
	s13 =	sshra.s32 s15, $0xD;
	s15 =	sld [smem:$0x786]  }
0x677: {  	v16 =	vsel vm0, s8, v42;
	v15 =	vsel vm5, s24, v15;
	s21 =	sshrl.u32 s20, $0x1F;
	s24 =	sshra.s32 s16, $0x1F;
	s16 =	sld [smem:$0x787]  }
0x678: {  	v16 =	vsel vm1, s6, v16;
	s11 =	sshra.s32 s20, $0xD;
	s12 =	sshra.s32 s20, $0x1F;
	s20 =	sld [smem:$0x789];
	v15 =	vsel vm6, s17, v15  }
0x679: {  	[tilespmem:$0x1FF00] =	vst v0;
	v0 =	vsel vm2, s4, v16;
	v14 =	vsel vm5, s18, v14;
	s18 =	sld [smem:$0x788];
	v15 =	vsel vm7, s21, v15  }
0x67a: {  	v44 =	vmov s9;
	[tilespmem:$0x1FF10] =	vst v0;
	v14 =	vsel vm10, s19, v14;
	v0 =	vsel vm4, s26, v15;
	s9 =	sshrl.u32 s15, $0x1F;
	s26 =	sld [smem:$0x78C]  }
0x67b: {  	v43 =	vmov s3;
	v14 =	vsel vm6, s22, v14;
	s17 =	sshrl.u32 s16, $0x1F;
	s4 =	sshra.s32 s16, $0xD;
	s16 =	sld [smem:$0x78E]  }
0x67c: {  	v16 =	vsel vm0, s5, v44;
	v15 =	vsel vm0, s0, v43;
	s0 =	sshra.s32 s15, $0xD;
	s21 =	sshrl.u32 s20, $0x1F;
	v14 =	vsel vm9, s24, v14;
	s24 =	sld [smem:$0x78B]  }
0x67d: {  	v45 =	vsel vm1, s10, v16;
	s22 =	sshra.s32 s14, $0x1F;
	v15 =	vsel vm1, s1, v15;
	s19 =	sshrl.u32 s18, $0x1F;
	v49 =	vmov s17;
	s17 =	sld [smem:$0x78F]  }
0x67e: {  	[tilespmem:$0x1FF40] =	vst v0;
	s3 =	sshra.s32 s18, $0xD;
	s1 =	sshra.s32 s20, $0xD;
	v48 =	vmov s22;
	s22 =	sld [smem:$0x791];
	v0 =	vsel vm2, s2, v15;
	v46 =	vsel vm7, s11, v14  }
0x67f: {  	[tilespmem:$0x1FF20] =	vst v0;
	v0 =	vsel vm2, s7, v45;
	v47 =	vsel vm11, s12, v46;
	s11 =	sshra.s32 s26, $0xD;
	s12 =	sshrl.u32 s26, $0x1F;
	s10 =	sshra.s32 s26, $0x1F  }
0x680: {  	v15 =	vsel vm0, s9, v49;
	s9 =	sshrl.u32 s16, $0x1F;
	s5 =	sshra.s32 s16, $0xD;
	[tilespmem:$0x1FF30] =	vst v0;
	v0 =	vsel vm4, s13, v47;
	v16 =	vsel vm3, s11, v48;
	s13 =	sld [smem:$0x78D]  }
0x681: {  	s16 =	sld [smem:$0x792];
	s7 =	sshrl.u32 s24, $0x1F;
	s18 =	sshra.s32 s17, $0xD;
	v16 =	vsel vm12, s10, v16  }
0x682: {  	v15 =	vsel vm1, s19, v15;
	s2 =	sshra.s32 s24, $0xD;
	s19 =	sshrl.u32 s17, $0x1F;
	s20 =	sshra.s32 s17, $0x1F;
	v16 =	vsel vm0, s18, v16  }
0x683: {  	v50 =	vmov s12;
	v30 =	vsel vm2, s21, v15;
	s21 =	sld [smem:$0x790];
	s26 =	sshra.s32 s22, $0xD;
	s15 =	sshrl.u32 s13, $0x1F;
	v16 =	vsel vm13, s20, v16  }
0x684: {  	s24 =	sshrl.u32 s22, $0x1F;
	v17 =	vnsel vm3, $0x0, v50;
	s20 =	sld [smem:$0x793];
	v52 =	vmov s15;
	v16 =	vsel vm1, s26, v16;
	s15 =	sshra.s32 s22, $0x1F  }
0x685: {  	v51 =	vsel vm0, s19, v17;
	s17 =	sshrl.u32 s16, $0x1F;
	s18 =	sshra.s32 s16, $0xD;
	s26 =	sld [smem:$0x794];
	v16 =	vsel vm14, s15, v16  }
0x686: {  	s19 =	sshra.s32 s16, $0x1F;
	s6 =	sshrl.u32 s21, $0x1F;
	v15 =	vsel vm1, s24, v51;
	s10 =	sshra.s32 s21, $0xD;
	v16 =	vsel vm2, s18, v16  }
0x687: {  	v15 =	vsel vm2, s17, v15;
	s21 =	sshrl.u32 s20, $0x1F;
	s22 =	sshra.s32 s20, $0xD;
	s18 =	sld [smem:$0x795];
	v16 =	vsel vm15, s19, v16  }
0x688: {  	s8 =	sshra.s32 s13, $0xD;
	v17 =	vsel vm0, s7, v52;
	v15 =	vsel vm5, s21, v15;
	s15 =	sshrl.u32 s26, $0x1F;
	v16 =	vsel vm5, s22, v16;
	s22 =	sld [smem:$0x796]  }
0x689: {  	v17 =	vsel vm1, s9, v17;
	s24 =	sshra.s32 s20, $0x1F;
	s9 =	sshra.s32 s14, $0xD;
	v15 =	vsel vm6, s15, v15;
	s15 =	sld [smem:$0x798]  }
0x68a: {  	s16 =	sshra.s32 s26, $0xD;
	s19 =	sshrl.u32 s18, $0x1F;
	v16 =	vsel vm10, s24, v16;
	s24 =	sld [smem:$0x797]  }
0x68b: {  	v53 =	vmov s4;
	s20 =	sshra.s32 s18, $0xD;
	s7 =	sshra.s32 s18, $0x1F;
	s18 =	sld [smem:$0x79B]  }
0x68c: {  	v54 =	vsel vm0, s0, v53;
	s17 =	sshra.s32 s26, $0x1F;
	s21 =	sshrl.u32 s14, $0x1F;
	v15 =	vsel vm7, s19, v15;
	v16 =	vsel vm6, s16, v16;
	s16 =	sld [smem:$0x799]  }
0x68d: {  	[tilespmem:$0x1FF50] =	vst v0;
	s19 =	sld [smem:$0x79C];
	v0 =	vsel vm4, s21, v15;
	s12 =	sshrl.u32 s22, $0x1F;
	s0 =	sshra.s32 s22, $0xD;
	v15 =	vsel vm1, s3, v54  }
0x68e: {  	v55 =	vmov s8;
	s8 =	sshrl.u32 s15, $0x1F;
	v14 =	vsel vm2, s1, v15;
	s1 =	sshra.s32 s15, $0xD;
	s15 =	sld [smem:$0x79A]  }
0x68f: {  	v63 =	vsel vm0, s2, v55;
	s26 =	sshrl.u32 s24, $0x1F;
	s3 =	sshra.s32 s24, $0xD;
	s24 =	sld [smem:$0x79D]  }
0x690: {  	v16 =	vsel vm9, s17, v16;
	v15 =	vsel vm1, s5, v63;
	s4 =	sshrl.u32 s18, $0x1F;
	s5 =	sshra.s32 s18, $0xD;
	s18 =	sld [smem:$0x79F]  }
0x691: {  	v16 =	vsel vm7, s20, v16;
	s11 =	sshrl.u32 s16, $0x1F;
	s2 =	sshra.s32 s16, $0xD;
	v23 =	vmov s26;
	s26 =	sld [smem:$0x79E]  }
0x692: {  	v39 =	vsel vm2, s6, v17;
	s20 =	sshra.s32 s19, $0xD;
	v47 =	vsel vm2, s10, v15;
	v21 =	vsel vm11, s7, v16;
	s21 =	sshrl.u32 s19, $0x1F;
	s22 =	sshra.s32 s19, $0x1F  }
0x693: {  	v31 =	vsel vm4, s9, v21;
	v15 =	vsel vm0, s12, v23;
	v24 =	vmov s21;
	s21 =	sld [smem:$0x7A1];
	s17 =	sshra.s32 s15, $0x1F;
	s6 =	sshrl.u32 s24, $0x1F  }
0x694: {  	s9 =	sshra.s32 s24, $0xD;
	v17 =	vnsel vm3, $0x0, v24;
	v20 =	vmov s17;
	s16 =	sshrl.u32 s26, $0x1F;
	v26 =	vmov s6;
	s6 =	sld [smem:$0x7A2]  }
0x695: {  	s19 =	sshrl.u32 s18, $0x1F;
	v15 =	vsel vm1, s8, v15;
	s8 =	sshra.s32 s18, $0xD;
	v22 =	vsel vm3, s20, v20;
	v25 =	vsel vm0, s16, v17;
	s16 =	sld [smem:$0x7A3]  }
0x696: {  	s14 =	sshra.s32 s26, $0xD;
	s17 =	sshra.s32 s26, $0x1F;
	s20 =	sld [smem:$0x7A0];
	v16 =	vsel vm12, s22, v22  }
0x697: {  	[tilespmem:$0x1FF60] =	vst v0;
	v0 =	vsel vm2, s11, v15;
	s24 =	sshrl.u32 s21, $0x1F;
	s26 =	sshra.s32 s21, $0x1F;
	v17 =	vsel vm0, s4, v26;
	s22 =	sshra.s32 s21, $0xD;
	v16 =	vsel vm0, s14, v16  }
0x698: {  	v15 =	vsel vm1, s24, v25;
	v17 =	vsel vm1, s19, v17;
	s19 =	sld [smem:$0x7A4];
	s11 =	sshrl.u32 s6, $0x1F;
	v16 =	vsel vm13, s17, v16;
	s17 =	sshrl.u32 s16, $0x1F  }
0x699: {  	v15 =	vsel vm2, s11, v15;
	s18 =	sshra.s32 s16, $0xD;
	s11 =	sshra.s32 s16, $0x1F;
	s16 =	sld [smem:$0x7A7]  }
0x69a: {  	s14 =	sshra.s32 s6, $0xD;
	s13 =	sshra.s32 s6, $0x1F;
	v16 =	vsel vm1, s22, v16;
	s22 =	sld [smem:$0x7A5]  }
0x69b: {  	s10 =	sshrl.u32 s20, $0x1F;
	s7 =	sshra.s32 s20, $0xD;
	v15 =	vsel vm5, s17, v15;
	s20 =	sshrl.u32 s19, $0x1F;
	v16 =	vsel vm14, s26, v16  }
0x69c: {  	s21 =	sshra.s32 s19, $0xD;
	v15 =	vsel vm6, s20, v15;
	s20 =	sld [smem:$0x7AA];
	v16 =	vsel vm2, s14, v16;
	s17 =	sshrl.u32 s16, $0x1F  }
0x69d: {  	v16 =	vsel vm15, s13, v16;
	s13 =	sshra.s32 s19, $0x1F;
	s24 =	sshrl.u32 s22, $0x1F;
	s19 =	sld [smem:$0x7A9]  }
0x69e: {  	v36 =	vsel vm2, s10, v17;
	s26 =	sshra.s32 s22, $0xD;
	s10 =	sshra.s32 s22, $0x1F;
	s22 =	sld [smem:$0x7AC]  }
0x69f: {  	v40 =	vmov s17;
	s17 =	sld [smem:$0x7AE]  }
0x6a0: {  	v27 =	vmov s3;
	v29 =	vmov s9;
	v16 =	vsel vm5, s18, v16;
	s18 =	sld [smem:$0x7A8]  }
0x6a1: {  	v28 =	vsel vm0, s0, v27;
	s4 =	sshrl.u32 s15, $0x1F;
	v35 =	vsel vm0, s5, v29;
	v15 =	vsel vm7, s24, v15;
	s5 =	sshra.s32 s20, $0xD;
	s24 =	sld [smem:$0x7AD]  }
0x6a2: {  	[tilespmem:$0x1FF70] =	vst v0;
	v16 =	vsel vm10, s11, v16;
	s11 =	sshra.s32 s15, $0xD;
	s15 =	sld [smem:$0x7A6];
	v0 =	vsel vm4, s4, v15;
	s4 =	sshra.s32 s16, $0xD;
	v15 =	vsel vm1, s1, v28  }
0x6a3: {  	s16 =	sld [smem:$0x7AB];
	v32 =	vsel vm2, s2, v15;
	s1 =	sshra.s32 s19, $0xD;
	s2 =	sshrl.u32 s20, $0x1F  }
0x6a4: {  	v15 =	vsel vm1, s8, v35;
	s6 =	sshrl.u32 s22, $0x1F;
	s8 =	sshra.s32 s22, $0xD;
	s22 =	sld [smem:$0x7B1]  }
0x6a5: {  	v16 =	vsel vm6, s21, v16;
	v44 =	vmov s4;
	s4 =	sld [smem:$0x7B6];
	s9 =	sshrl.u32 s18, $0x1F;
	s3 =	sshra.s32 s18, $0xD  }
0x6a6: {  	v16 =	vsel vm9, s13, v16;
	s13 =	sshrl.u32 s19, $0x1F;
	v29 =	vsel vm2, s7, v15;
	s18 =	sld [smem:$0x7AF];
	s21 =	sshra.s32 s16, $0x1F  }
0x6a7: {  	s7 =	sshra.s32 s17, $0xD;
	v43 =	vmov s6;
	s6 =	sld [smem:$0x7B7];
	v16 =	vsel vm7, s26, v16;
	s26 =	sshra.s32 s24, $0xD;
	v37 =	vmov s21  }
0x6a8: {  	s14 =	sshrl.u32 s15, $0x1F;
	s0 =	sshra.s32 s15, $0xD;
	s15 =	sshra.s32 s24, $0x1F;
	v16 =	vsel vm11, s10, v16;
	v38 =	vsel vm3, s26, v37  }
0x6a9: {  	s21 =	sld [smem:$0x7B0];
	v34 =	vsel vm4, s11, v16;
	s11 =	sshrl.u32 s24, $0x1F;
	s19 =	sshra.s32 s18, $0xD;
	v15 =	vsel vm12, s15, v38  }
0x6aa: {  	s20 =	sshrl.u32 s18, $0x1F;
	s12 =	sshra.s32 s18, $0x1F;
	s18 =	sld [smem:$0x7B2];
	v15 =	vsel vm0, s19, v15  }
0x6ab: {  	s10 =	sshrl.u32 s17, $0x1F;
	s17 =	sshra.s32 s22, $0x1F;
	v16 =	vsel vm0, s14, v40;
	s26 =	sshra.s32 s22, $0xD;
	v41 =	vmov s11;
	v15 =	vsel vm13, s12, v15  }
0x6ac: {  	s24 =	sshrl.u32 s22, $0x1F;
	s22 =	sld [smem:$0x7B3];
	v16 =	vsel vm1, s9, v16;
	s15 =	sshrl.u32 s4, $0x1F;
	v17 =	vnsel vm3, $0x0, v41;
	v15 =	vsel vm1, s26, v15  }
0x6ad: {  	[tilespmem:$0x1FF80] =	vst v0;
	s14 =	sshrl.u32 s21, $0x1F;
	v0 =	vsel vm2, s13, v16;
	s13 =	sld [smem:$0x7B4];
	v17 =	vsel vm0, s20, v17;
	s20 =	sshra.s32 s18, $0xD;
	v15 =	vsel vm14, s17, v15  }
0x6ae: {  	s9 =	sshra.s32 s21, $0xD;
	s19 =	sshrl.u32 s18, $0x1F;
	v42 =	vsel vm1, s24, v17;
	v15 =	vsel vm2, s20, v15;
	s20 =	sld [smem:$0x7B5]  }
0x6af: {  	s21 =	sshra.s32 s18, $0x1F;
	s24 =	sshrl.u32 s22, $0x1F;
	s26 =	sshra.s32 s22, $0xD;
	v16 =	vsel vm2, s19, v42  }
0x6b0: {  	v17 =	vsel vm0, s2, v43;
	s2 =	sshra.s32 s22, $0x1F;
	s17 =	sshrl.u32 s13, $0x1F;
	s18 =	sshra.s32 s13, $0xD;
	v16 =	vsel vm5, s24, v16;
	v15 =	vsel vm15, s21, v15  }
0x6b1: {  	s19 =	sshra.s32 s13, $0x1F;
	v16 =	vsel vm6, s17, v16;
	s17 =	sld [smem:$0x7B8];
	v15 =	vsel vm5, s26, v15;
	s21 =	sshrl.u32 s20, $0x1F  }
0x6b2: {  	v17 =	vsel vm1, s10, v17;
	s22 =	sshra.s32 s20, $0xD;
	s24 =	sshra.s32 s20, $0x1F;
	v15 =	vsel vm10, s2, v15;
	s20 =	sld [smem:$0x7BB]  }
0x6b3: {  	[tilespmem:$0x1FF90] =	vst v0;
	v0 =	vsel vm2, s14, v17;
	s14 =	sshra.s32 s16, $0xD;
	s26 =	sshrl.u32 s16, $0x1F;
	v15 =	vsel vm6, s18, v15;
	s18 =	sld [smem:$0x7B9]  }
0x6b4: {  	v45 =	vmov s8;
	s16 =	sshrl.u32 s6, $0x1F;
	s6 =	sshra.s32 s6, $0xD;
	v16 =	vsel vm7, s21, v16;
	v15 =	vsel vm9, s19, v15;
	s19 =	sld [smem:$0x7BA]  }
0x6b5: {  	[tilespmem:$0x1FFA0] =	vst v0;
	s2 =	sshra.s32 s4, $0xD;
	s13 =	sshrl.u32 s17, $0x1F;
	v0 =	vsel vm4, s26, v16;
	v16 =	vsel vm0, s0, v44;
	v15 =	vsel vm7, s22, v15;
	s22 =	sld [smem:$0x7BD]  }
0x6b6: {  	v17 =	vsel vm0, s5, v45;
	v16 =	vsel vm1, s3, v16;
	s10 =	sshrl.u32 s18, $0x1F;
	s0 =	sshra.s32 s18, $0xD;
	s18 =	sld [smem:$0x7BC]  }
0x6b7: {  	v46 =	vsel vm1, s7, v17;
	s4 =	sshra.s32 s17, $0xD;
	[tilespmem:$0x1FFD0] =	vst v0;
	s5 =	sshra.s32 s20, $0xD;
	v0 =	vsel vm2, s1, v16;
	v15 =	vsel vm11, s24, v15;
	s24 =	sld [smem:$0x7BE]  }
0x6b8: {  	v49 =	vmov s16;
	s1 =	sshrl.u32 s20, $0x1F;
	v55 =	vmov s5;
	s5 =	sld [smem:$0x7C9];
	s17 =	sshrl.u32 s19, $0x1F;
	[tilespmem:$0x1FFB0] =	vst v0;
	v0 =	vsel vm2, s9, v46  }
0x6b9: {  	s3 =	sshra.s32 s19, $0xD;
	[tilespmem:$0x1FFC0] =	vst v0;
	v0 =	vsel vm4, s14, v15;
	v15 =	vsel vm0, s15, v49;
	s15 =	sld [smem:$0x7C0];
	s21 =	sshra.s32 s18, $0x1F  }
0x6ba: {  	s14 =	sld [smem:$0x7BF];
	s26 =	sshra.s32 s24, $0xD;
	s12 =	sshrl.u32 s24, $0x1F;
	v48 =	vmov s21  }
0x6bb: {  	s9 =	sshrl.u32 s22, $0x1F;
	s11 =	sshra.s32 s24, $0x1F;
	v15 =	vsel vm1, s13, v15;
	s13 =	sld [smem:$0x7C2];
	v50 =	vmov s12;
	v16 =	vsel vm3, s26, v48  }
0x6bc: {  	v52 =	vmov s1;
	s21 =	sld [smem:$0x7C1];
	s16 =	sshra.s32 s15, $0xD;
	v17 =	vnsel vm3, $0x0, v50;
	s19 =	sshrl.u32 s15, $0x1F;
	v16 =	vsel vm12, s11, v16  }
0x6bd: {  	s7 =	sshra.s32 s22, $0xD;
	s20 =	sshra.s32 s15, $0x1F;
	v51 =	vsel vm0, s19, v17;
	v17 =	vsel vm0, s17, v52;
	s17 =	sld [smem:$0x7C5];
	v16 =	vsel vm0, s16, v16  }
0x6be: {  	s8 =	sshra.s32 s14, $0xD;
	s11 =	sshrl.u32 s14, $0x1F;
	v16 =	vsel vm13, s20, v16;
	s20 =	sld [smem:$0x7C3]  }
0x6bf: {  	v41 =	vsel vm2, s10, v15;
	s19 =	sshra.s32 s13, $0xD;
	s10 =	sshra.s32 s13, $0x1F;
	s24 =	sshra.s32 s21, $0xD  }
0x6c0: {  	s22 =	sshrl.u32 s21, $0x1F;
	s26 =	sshra.s32 s21, $0x1F;
	v17 =	vsel vm1, s9, v17;
	v16 =	vsel vm1, s24, v16;
	s24 =	sld [smem:$0x7C4]  }
0x6c1: {  	s16 =	sshrl.u32 s13, $0x1F;
	v49 =	vsel vm2, s11, v17;
	s11 =	sshra.s32 s17, $0x1F;
	v16 =	vsel vm14, s26, v16;
	s21 =	sshrl.u32 s20, $0x1F  }
0x6c2: {  	v15 =	vsel vm1, s22, v51;
	s22 =	sshra.s32 s20, $0xD;
	s13 =	sshra.s32 s20, $0x1F;
	v16 =	vsel vm2, s19, v16;
	s19 =	sshrl.u32 s17, $0x1F  }
0x6c3: {  	v15 =	vsel vm2, s16, v15;
	s20 =	sshra.s32 s17, $0xD;
	s17 =	sld [smem:$0x7CA];
	s26 =	sshrl.u32 s24, $0x1F  }
0x6c4: {  	v53 =	vmov s6;
	v15 =	vsel vm5, s21, v15;
	s9 =	sshra.s32 s24, $0xD;
	s14 =	sshra.s32 s24, $0x1F;
	v16 =	vsel vm15, s10, v16;
	s24 =	sld [smem:$0x7C7]  }
0x6c5: {  	v54 =	vsel vm0, s2, v53;
	s2 =	sshra.s32 s5, $0xD;
	v15 =	vsel vm6, s26, v15;
	v16 =	vsel vm5, s22, v16;
	s22 =	sld [smem:$0x7C6]  }
0x6c6: {  	s12 =	sshra.s32 s18, $0xD;
	s21 =	sshrl.u32 s18, $0x1F;
	s26 =	sld [smem:$0x7C8];
	v15 =	vsel vm7, s19, v15;
	v16 =	vsel vm10, s13, v16  }
0x6c7: {  	s19 =	sld [smem:$0x7CC];
	v45 =	vsel vm4, s21, v15;
	s13 =	sshrl.u32 s24, $0x1F;
	v15 =	vsel vm1, s4, v54;
	v16 =	vsel vm6, s9, v16;
	s9 =	sshrl.u32 s5, $0x1F  }
0x6c8: {  	v63 =	vsel vm0, s3, v55;
	s5 =	sshra.s32 s17, $0xD;
	v35 =	vsel vm2, s0, v15;
	v16 =	vsel vm9, s14, v16;
	s0 =	sshrl.u32 s17, $0x1F;
	s17 =	sld [smem:$0x7CB]  }
0x6c9: {  	s16 =	sshrl.u32 s22, $0x1F;
	s15 =	sshrl.u32 s26, $0x1F;
	v15 =	vsel vm1, s7, v63;
	v23 =	vmov s13;
	v16 =	vsel vm7, s20, v16;
	s20 =	sld [smem:$0x7CD]  }
0x6ca: {  	s4 =	sshra.s32 s26, $0xD;
	s26 =	sld [smem:$0x7CE];
	s3 =	sshrl.u32 s19, $0x1F;
	v33 =	vsel vm2, s8, v15;
	v15 =	vsel vm0, s16, v23  }
0x6cb: {  	s7 =	sshra.s32 s19, $0xD;
	s19 =	sld [smem:$0x7D0];
	v15 =	vsel vm1, s15, v15;
	s18 =	sshra.s32 s17, $0x1F  }
0x6cc: {  	s6 =	sshra.s32 s24, $0xD;
	v38 =	vsel vm2, s9, v15;
	s9 =	sld [smem:$0x7D4];
	v20 =	vmov s18;
	s21 =	sshra.s32 s20, $0xD  }
0x6cd: {  	s1 =	sshra.s32 s22, $0xD;
	s24 =	sshra.s32 s20, $0x1F;
	s18 =	sld [smem:$0x7CF];
	v22 =	vsel vm3, s21, v20  }
0x6ce: {  	v21 =	vsel vm11, s11, v16;
	s22 =	sshrl.u32 s20, $0x1F;
	s20 =	sshra.s32 s19, $0xD;
	v16 =	vsel vm12, s24, v22;
	s24 =	sld [smem:$0x7D1]  }
0x6cf: {  	v24 =	vmov s22;
	s21 =	sshrl.u32 s19, $0x1F;
	s22 =	sshra.s32 s19, $0x1F;
	s19 =	sld [smem:$0x7D2]  }
0x6d0: {  	s11 =	sshrl.u32 s26, $0x1F;
	v17 =	vnsel vm3, $0x0, v24  }
0x6d1: {  	v26 =	vmov s3;
	s8 =	sshra.s32 s26, $0xD;
	s13 =	sshra.s32 s9, $0x1F;
	v16 =	vsel vm0, s20, v16;
	v25 =	vsel vm0, s21, v17;
	s26 =	sshrl.u32 s24, $0x1F  }
0x6d2: {  	v53 =	vsel vm4, s12, v21;
	s12 =	sshrl.u32 s18, $0x1F;
	v16 =	vsel vm13, s22, v16;
	s20 =	sshrl.u32 s19, $0x1F;
	s22 =	sld [smem:$0x7D3];
	v15 =	vsel vm1, s26, v25  }
0x6d3: {  	s10 =	sshra.s32 s18, $0xD;
	v17 =	vsel vm0, s0, v26;
	s18 =	sshra.s32 s24, $0xD;
	v15 =	vsel vm2, s20, v15;
	s20 =	sld [smem:$0x7D5]  }
0x6d4: {  	s21 =	sshra.s32 s19, $0xD;
	s15 =	sshra.s32 s19, $0x1F;
	v17 =	vsel vm1, s11, v17;
	s16 =	sshra.s32 s24, $0x1F;
	v16 =	vsel vm1, s18, v16  }
0x6d5: {  	v50 =	vsel vm2, s12, v17;
	s12 =	sld [smem:$0x7D9];
	s18 =	sshrl.u32 s9, $0x1F;
	v16 =	vsel vm14, s16, v16;
	s24 =	sshrl.u32 s22, $0x1F  }
0x6d6: {  	s26 =	sshra.s32 s22, $0xD;
	s16 =	sshra.s32 s22, $0x1F;
	v16 =	vsel vm2, s21, v16;
	v15 =	vsel vm5, s24, v15;
	s21 =	sshrl.u32 s20, $0x1F  }
0x6d7: {  	v27 =	vmov s6;
	v16 =	vsel vm15, s15, v16;
	v15 =	vsel vm6, s18, v15;
	s22 =	sshra.s32 s20, $0xD;
	s15 =	sshra.s32 s20, $0x1F;
	s20 =	sld [smem:$0x7DB]  }
0x6d8: {  	v28 =	vsel vm0, s1, v27;
	s19 =	sshra.s32 s9, $0xD;
	s9 =	sld [smem:$0x7D8];
	s24 =	sshrl.u32 s17, $0x1F;
	v15 =	vsel vm7, s21, v15  }
0x6d9: {  	s6 =	sld [smem:$0x7D7];
	v37 =	vmov s7;
	s14 =	sshra.s32 s17, $0xD;
	v46 =	vsel vm4, s24, v15;
	v15 =	vsel vm1, s4, v28  }
0x6da: {  	v40 =	vsel vm0, s5, v37;
	v16 =	vsel vm5, s26, v16;
	v54 =	vsel vm2, s2, v15;
	s2 =	sshrl.u32 s20, $0x1F;
	s5 =	sshra.s32 s20, $0xD;
	s20 =	sld [smem:$0x7DC]  }
0x6db: {  	s1 =	sshra.s32 s12, $0xD;
	s18 =	sshrl.u32 s9, $0x1F;
	s26 =	sld [smem:$0x7D6];
	v16 =	vsel vm10, s16, v16  }
0x6dc: {  	s3 =	sshra.s32 s9, $0xD;
	s16 =	sshrl.u32 s6, $0x1F;
	v16 =	vsel vm6, s19, v16;
	s24 =	sld [smem:$0x7DE]  }
0x6dd: {  	s19 =	sshrl.u32 s12, $0x1F;
	v16 =	vsel vm9, s13, v16;
	s13 =	sld [smem:$0x7DA];
	s21 =	sshra.s32 s20, $0x1F  }
0x6de: {  	s17 =	sshrl.u32 s26, $0x1F;
	s0 =	sshra.s32 s26, $0xD;
	v16 =	vsel vm7, s22, v16;
	v42 =	vmov s21;
	s21 =	sld [smem:$0x7E0]  }
0x6df: {  	s22 =	sld [smem:$0x7DD];
	v16 =	vsel vm11, s15, v16;
	s26 =	sshra.s32 s24, $0xD;
	s11 =	sshrl.u32 s24, $0x1F  }
0x6e0: {  	v15 =	vsel vm1, s8, v40;
	s15 =	sld [smem:$0x7DF];
	s7 =	sshrl.u32 s13, $0x1F;
	v51 =	vsel vm4, s14, v16;
	s14 =	sshra.s32 s24, $0x1F;
	v43 =	vsel vm3, s26, v42  }
0x6e1: {  	v44 =	vmov s16;
	v37 =	vsel vm2, s10, v15;
	s4 =	sshra.s32 s13, $0xD;
	v15 =	vsel vm12, s14, v43;
	s14 =	sld [smem:$0x7E1];
	s24 =	sshra.s32 s21, $0xD  }
0x6e2: {  	v16 =	vsel vm0, s17, v44;
	s8 =	sshrl.u32 s22, $0x1F;
	s9 =	sshra.s32 s22, $0xD;
	v15 =	vsel vm0, s24, v15;
	s24 =	sld [smem:$0x7E2]  }
0x6e3: {  	v48 =	vmov s11;
	v16 =	vsel vm1, s18, v16;
	s13 =	sshrl.u32 s15, $0x1F;
	s12 =	sshra.s32 s15, $0xD;
	s26 =	sshra.s32 s21, $0x1F  }
0x6e4: {  	v17 =	vnsel vm3, $0x0, v48;
	v48 =	vsel vm2, s19, v16;
	s19 =	sld [smem:$0x7E3];
	s22 =	sshrl.u32 s21, $0x1F;
	s17 =	sshra.s32 s14, $0xD;
	v15 =	vsel vm13, s26, v15  }
0x6e5: {  	v17 =	vsel vm0, s22, v17;
	s15 =	sshrl.u32 s14, $0x1F;
	s18 =	sshra.s32 s14, $0x1F;
	v15 =	vsel vm1, s17, v15;
	s26 =	sshrl.u32 s24, $0x1F  }
0x6e6: {  	v52 =	vsel vm1, s15, v17;
	s16 =	sshra.s32 s24, $0xD;
	s17 =	sshra.s32 s24, $0x1F;
	v15 =	vsel vm14, s18, v15;
	s24 =	sld [smem:$0x7E4]  }
0x6e7: {  	s21 =	sshrl.u32 s19, $0x1F;
	s22 =	sshra.s32 s19, $0xD;
	s15 =	sld [smem:$0x7E5];
	v16 =	vsel vm2, s26, v52;
	v15 =	vsel vm2, s16, v15  }
0x6e8: {  	s18 =	sshra.s32 s20, $0xD;
	v16 =	vsel vm5, s21, v16;
	v15 =	vsel vm15, s17, v15;
	s21 =	sshrl.u32 s20, $0x1F;
	s20 =	sld [smem:$0x7EB]  }
0x6e9: {  	v55 =	vmov s2;
	s10 =	sshra.s32 s19, $0x1F;
	s26 =	sshrl.u32 s24, $0x1F;
	v15 =	vsel vm5, s22, v15;
	s22 =	sld [smem:$0x7E6]  }
0x6ea: {  	v17 =	vsel vm0, s7, v55;
	s11 =	sshra.s32 s24, $0xD;
	s7 =	sshra.s32 s24, $0x1F;
	s24 =	sld [smem:$0x7E7];
	v15 =	vsel vm10, s10, v15  }
0x6eb: {  	s6 =	sshra.s32 s6, $0xD;
	s19 =	sshrl.u32 s15, $0x1F;
	v16 =	vsel vm6, s26, v16;
	v15 =	vsel vm6, s11, v15;
	s11 =	sld [smem:$0x7EA]  }
0x6ec: {  	v63 =	vmov s6;
	v17 =	vsel vm1, s8, v17;
	s16 =	sshra.s32 s15, $0xD;
	s14 =	sshra.s32 s15, $0x1F;
	s26 =	sld [smem:$0x7E8];
	v16 =	vsel vm7, s19, v16  }
0x6ed: {  	v55 =	vsel vm2, s13, v17;
	s10 =	sld [smem:$0x7E9];
	s13 =	sshrl.u32 s22, $0x1F;
	s2 =	sshra.s32 s22, $0xD;
	v52 =	vsel vm4, s21, v16;
	v16 =	vsel vm0, s0, v63  }
0x6ee: {  	s21 =	sld [smem:$0x7EC];
	v16 =	vsel vm1, s3, v16;
	s3 =	sshrl.u32 s20, $0x1F;
	s19 =	sshrl.u32 s11, $0x1F  }
0x6ef: {  	v15 =	vsel vm9, s7, v15;
	s7 =	sshra.s32 s11, $0xD;
	s11 =	sshra.s32 s20, $0xD;
	s20 =	sld [smem:$0x7ED]  }
0x6f0: {  	s15 =	sshrl.u32 s24, $0x1F;
	s8 =	sshra.s32 s24, $0xD;
	s24 =	sld [smem:$0x7EE]  }
0x6f1: {  	v20 =	vmov s5;
	s17 =	sshrl.u32 s26, $0x1F;
	s6 =	sshra.s32 s26, $0xD;
	s26 =	sld [smem:$0x7EF]  }
0x6f2: {  	v17 =	vsel vm0, s4, v20;
	s0 =	sshrl.u32 s10, $0x1F;
	v27 =	vmov s8;
	s8 =	sld [smem:$0x7F9];
	s22 =	sshra.s32 s20, $0x1F  }
0x6f3: {  	s5 =	sshra.s32 s10, $0xD;
	v15 =	vsel vm7, s16, v15;
	v44 =	vsel vm2, s1, v16;
	s1 =	sshrl.u32 s21, $0x1F;
	v22 =	vmov s22;
	s22 =	sld [smem:$0x7F0]  }
0x6f4: {  	v21 =	vsel vm1, s9, v17;
	v15 =	vsel vm11, s14, v15;
	s10 =	sshra.s32 s21, $0xD;
	s4 =	sshrl.u32 s24, $0x1F;
	s16 =	sshra.s32 s26, $0xD  }
0x6f5: {  	v40 =	vsel vm2, s12, v21;
	s12 =	sshra.s32 s24, $0xD;
	v43 =	vsel vm4, s18, v15;
	s18 =	sld [smem:$0x7F1];
	s14 =	sshra.s32 s26, $0x1F;
	v16 =	vsel vm3, s16, v22  }
0x6f6: {  	v23 =	vmov s15;
	v21 =	vmov s11;
	s11 =	sld [smem:$0x7FA];
	s21 =	sshrl.u32 s26, $0x1F;
	v16 =	vsel vm12, s14, v16;
	s24 =	sshra.s32 s22, $0xD  }
0x6f7: {  	v20 =	vsel vm0, s2, v27;
	v24 =	vmov s21;
	s15 =	sshrl.u32 s22, $0x1F;
	s26 =	sshra.s32 s22, $0x1F;
	s22 =	sld [smem:$0x7F2];
	v16 =	vsel vm0, s24, v16  }
0x6f8: {  	v15 =	vsel vm0, s13, v23;
	s2 =	sshrl.u32 s8, $0x1F;
	v17 =	vnsel vm3, $0x0, v24;
	s21 =	sshra.s32 s18, $0xD;
	v16 =	vsel vm13, s26, v16;
	s26 =	sld [smem:$0x7F3]  }
0x6f9: {  	v15 =	vsel vm1, s17, v15;
	s16 =	sshra.s32 s18, $0x1F;
	s14 =	sshrl.u32 s18, $0x1F;
	v25 =	vsel vm0, s15, v17;
	v16 =	vsel vm1, s21, v16;
	s21 =	sld [smem:$0x7F4]  }
0x6fa: {  	v42 =	vsel vm2, s0, v15;
	v15 =	vsel vm1, s14, v25;
	s24 =	sshrl.u32 s22, $0x1F;
	s0 =	sshra.s32 s22, $0xD;
	s13 =	sshra.s32 s22, $0x1F  }
0x6fb: {  	v26 =	vmov s3;
	v15 =	vsel vm2, s24, v15;
	v16 =	vsel vm14, s16, v16;
	s24 =	sld [smem:$0x7F5];
	s15 =	sshrl.u32 s26, $0x1F;
	s3 =	sshra.s32 s26, $0xD  }
0x6fc: {  	s9 =	sshra.s32 s26, $0x1F;
	v16 =	vsel vm2, s0, v16;
	s0 =	sshrl.u32 s20, $0x1F;
	s22 =	sshrl.u32 s21, $0x1F  }
0x6fd: {  	s16 =	sshra.s32 s21, $0xD;
	s17 =	sshra.s32 s21, $0x1F;
	v15 =	vsel vm5, s15, v15;
	s21 =	sld [smem:$0x7F6]  }
0x6fe: {  	v16 =	vsel vm15, s13, v16;
	s13 =	sshra.s32 s20, $0xD;
	s26 =	sshrl.u32 s24, $0x1F;
	v15 =	vsel vm6, s22, v15;
	s22 =	sld [smem:$0x7F7]  }
0x6ff: {  	v17 =	vsel vm0, s19, v26;
	s15 =	sshra.s32 s24, $0xD;
	s19 =	sshra.s32 s24, $0x1F;
	v16 =	vsel vm5, s3, v16;
	v15 =	vsel vm7, s26, v15;
	s26 =	sld [smem:$0x7F8]  }
0x700: {  	v17 =	vsel vm1, s1, v17;
	v16 =	vsel vm10, s9, v16;
	s9 =	rddreg [dreg:$0x1f];
	s14 =	sshrl.u32 s21, $0x1F;
	s1 =	sshra.s32 s21, $0xD  }
0x701: {  	v63 =	vsel vm4, s0, v15;
	s0 =	sshra.s32 s8, $0xD;
	v15 =	vsel vm1, s6, v20;
	s6 =	sshrl.u32 s9, $0x1F;
	s8 =	sshra.s32 s9, $0xD  }
0x702: {  	v16 =	vsel vm6, s16, v16;
	s16 =	sshrl.u32 s11, $0x1F;
	s11 =	sshra.s32 s11, $0xD;
	s21 =	sld [smem:$0x7FC]  }
0x703: {  	v28 =	vsel vm2, s4, v17;
	s24 =	sshrl.u32 s22, $0x1F;
	s4 =	sshra.s32 s22, $0xD;
	v16 =	vsel vm9, s17, v16;
	s17 =	sld [smem:$0x7FB]  }
0x704: {  	v22 =	vsel vm0, s7, v21;
	s22 =	sld [smem:$0x7FD];
	s20 =	sshrl.u32 s26, $0x1F;
	s3 =	sshra.s32 s26, $0xD;
	v16 =	vsel vm7, s15, v16  }
0x705: {  	v26 =	vsel vm2, s5, v15;
	v15 =	vsel vm1, s10, v22;
	s7 =	sshrl.u32 s21, $0x1F;
	s10 =	sshra.s32 s21, $0xD;
	v20 =	vsel vm11, s19, v16;
	s19 =	rddreg [dreg:$0x1e]  }
0x706: {  	v23 =	vmov s24;
	s21 =	sshra.s32 s25, $0x1F;
	s5 =	sshrl.u32 s17, $0x1F;
	s9 =	sshra.s32 s17, $0xD  }
0x707: {  	(v2sf) =	vpush v13, $0xC;
	v21 =	vsel vm0, s14, v23;
	s24 =	sshrl.u32 s22, $0x1F;
	s26 =	sshra.s32 s22, $0xD;
	s14 =	sshra.s32 s22, $0x1F  }
0x708: {  	(v2sf) =	vpush v13, $0xE;
	s17 =	sshrl.u32 s19, $0x1F;
	v27 =	vsel vm4, s13, v20;
	s13 =	sshra.s32 s19, $0xD;
	v20 =	vmov s21;
	s22 =	rddreg [dreg:$0x1d]  }
0x709: {  	(v2sf) =	vpush v13, $0xF;
	s18 =	sshra.s32 s19, $0x1F;
	v23 =	vmov s24;
	s24 =	sshrl.u32 s22, $0x1F;
	v16 =	vsel vm3, s26, v20;
	s26 =	rddreg [dreg:$0x1c]  }
0x70a: {  	(v2sf) =	vpush v13, $0x9;
	v22 =	vsel vm1, s20, v21;
	v21 =	vmov s16;
	s15 =	sshra.s32 s22, $0xD;
	s19 =	sshra.s32 s22, $0x1F;
	s22 =	rddreg [dreg:$0x1b]  }
0x70b: {  	v25 =	vsel vm2, s12, v15;
	v24 =	vsel vm2, s2, v22;
	v17 =	vsel vm0, s6, v21;
	s6 =	sshrl.u32 s23, $0x1F;
	s2 =	sshra.s32 s28, $0xD;
	s12 =	sshrl.u32 s26, $0x1F  }
0x70c: {  	v15 =	vnsel vm3, $0x0, v23;
	s20 =	sshra.s32 s26, $0xD;
	s21 =	sshra.s32 s26, $0x1F;
	v16 =	vsel vm12, s14, v16;
	v17 =	vsel vm1, s5, v17;
	s5 =	rddreg [dreg:$0x16]  }
0x70d: {  	s14 =	sshrl.u32 s22, $0x1F;
	s16 =	sshra.s32 s22, $0xD;
	v23 =	vmov s11;
	s11 =	rddreg [dreg:$0x14];
	v15 =	vsel vm0, s17, v15;
	v16 =	vsel vm0, s13, v16  }
0x70e: {  	v56 =	vcombine.low v57, v56;
	s17 =	sshra.s32 s22, $0x1F;
	v15 =	vsel vm1, s24, v15;
	s24 =	rddreg [dreg:$0x1a];
	v16 =	vsel vm13, s18, v16;
	s18 =	sshra.s32 s23, $0xD  }
0x70f: {  	(v2sf) =	vpush v13, $0x8;
	s26 =	sshrl.u32 s24, $0x1F;
	s13 =	sshra.s32 s24, $0xD;
	s22 =	sshra.s32 s24, $0x1F;
	v15 =	vsel vm2, s12, v15  }
0x710: {  	v56 =	vperm.xlane v56, v62;
	v16 =	vsel vm1, s15, v16;
	s15 =	sshrl.u32 s25, $0x1F;
	s12 =	sshra.s32 s25, $0xD;
	s25 =	rddreg [dreg:$0x19];
	v15 =	vsel vm5, s14, v15  }
0x711: {  	v58 =	vperm.xlane v58, v1;
	v20 =	vsel vm2, s7, v17;
	s24 =	sshrl.u32 s25, $0x1F;
	s7 =	sshra.s32 s25, $0xD;
	v15 =	vsel vm6, s26, v15;
	s26 =	rddreg [dreg:$0x18]  }
0x712: {  	(v2sf) =	vpush v13, $0xA;
	v61 =	vcombine.low v61, v59;
	v16 =	vsel vm14, s19, v16;
	s25 =	sshrl.u32 s26, $0x1F;
	s14 =	sshra.s32 s26, $0xD;
	s26 =	sshrl.u32 s28, $0x1F  }
0x713: {  	v56 =	vsel vm8, v58, v56;
	v16 =	vsel vm2, s20, v16;
	v15 =	vsel vm7, s6, v15;
	s28 =	sshrl.u32 s29, $0x1F;
	s6 =	sshra.s32 s29, $0xD;
	s29 =	rddreg [dreg:$0x17]  }
0x714: {  	v22 =	vmov s4;
	v17 =	vsel vm0, s8, v23;
	s23 =	sshra.s32 s23, $0x1F;
	v16 =	vsel vm15, s21, v16;
	s21 =	sshrl.u32 s29, $0x1F;
	s4 =	sshra.s32 s29, $0xD  }
0x715: {  	v21 =	vsel vm4, s15, v15;
	v15 =	vsel vm0, s1, v22;
	v16 =	vsel vm5, s16, v16;
	s16 =	sshrl.u32 s5, $0x1F;
	s29 =	sshrl.u32 s30, $0x1F;
	s1 =	sshra.s32 s31, $0xD  }
0x716: {  	s15 =	rddreg [dreg:$0x15];
	v22 =	vsel vm1, s9, v17;
	s9 =	sshrl.u32 s11, $0x1F;
	v15 =	vsel vm1, s3, v15;
	v16 =	vsel vm10, s17, v16;
	s3 =	sshra.s32 s30, $0xD  }
0x717: {  	v57 =	vperm.xlane v61, v62;
	v60 =	vperm.xlane v60, v1;
	s30 =	sshrl.u32 s31, $0x1F;
	s17 =	sshrl.u32 s15, $0x1F;
	s31 =	sshra.s32 s15, $0xD;
	v16 =	vsel vm6, s13, v16  }
0x718: {  	s20 =	sshra.s32 s15, $0x1F;
	v18 =	vsel vm2, s10, v22;
	v22 =	vmov s25;
	s25 =	spop (v2sf);
	s13 =	rddreg [dreg:$0x13];
	v16 =	vsel vm9, s22, v16  }
0x719: {  	v57 =	vsel vm8, v60, v57;
	v19 =	vsel vm2, s0, v15;
	s0 =	sshra.s32 s11, $0x1F;
	s22 =	sshra.s32 s11, $0xD;
	s10 =	sshrl.u32 s13, $0x1F;
	v23 =	vsel vm7, s18, v16  }
0x71a: {  	v56 =	vadd.s32 v56, v57;
	v57 =	vld [tilespmem:$0x1FF00];
	s15 =	sshra.s32 s13, $0xD;
	s11 =	sshra.s32 s25, $0x1F;
	v15 =	vsel vm11, s23, v23;
	v23 =	vmov s17;
	s17 =	rddreg [dreg:$0x12]  }
0x71b: {  	(v2sf) =	vpush v13, $0xB;
	v60 =	vld [tilespmem:$0x1FF10];
	s19 =	sshra.s32 s13, $0x1F;
	v16 =	vsel vm0, s24, v22;
	s24 =	smul.u32 $0x14F8B589, s11;
	s8 =	sshrl.u32 s17, $0x1F  }
0x71c: {  	s18 =	sshra.s32 s17, $0xD;
	s23 =	smov.u32 s17;
	v22 =	vnsel vm3, $0x0, v23;
	v17 =	vsel vm4, s12, v15;
	v15 =	vsel vm1, s26, v16;
	s26 =	spop (v2sf)  }
0x71d: {  	(v2sf) =	vpush v13, $0x0;
	s17 =	sshra.s32 s23, $0x1F;
	s23 =	smulhi.u32 $0x14F8B589, s25;
	v16 =	vsel vm0, s9, v22;
	s25 =	rddreg [dreg:$0x11]  }
0x71e: {  	v22 =	vmov s16;
	v23 =	vsel vm2, s28, v15;
	s28 =	rddreg [dreg:$0xf];
	s9 =	sshrl.u32 s25, $0x1F;
	v16 =	vsel vm1, s10, v16;
	s16 =	sshra.s32 s25, $0xD  }
0x71f: {  	(v2sf) =	vpush v13, $0x1;
	s13 =	sshra.s32 s25, $0x1F;
	s25 =	smulhi.u32 $0x14F8B589, s26;
	v22 =	vsel vm0, s21, v22;
	s21 =	rddreg [dreg:$0x10];
	v16 =	vsel vm2, s8, v16  }
0x720: {  	v57 =	vcombine.low v60, v57;
	v58 =	vld [tilespmem:$0x1FF20];
	s10 =	sshra.s32 s26, $0x1F;
	s26 =	sshrl.u32 s21, $0x1F;
	v15 =	vsel vm1, s29, v22;
	v16 =	vsel vm5, s9, v16;
	s9 =	sshra.s32 s28, $0x1F  }
0x721: {  	v60 =	vld [tilespmem:$0x1FF30];
	s12 =	sshra.s32 s21, $0xD;
	s11 =	sshra.s32 s21, $0x1F;
	s21 =	smul.u32 $0x14F8B589, s10;
	v22 =	vsel vm2, s30, v15;
	v15 =	vsel vm6, s26, v16;
	v16 =	vmov s9  }
0x722: {  	(v2sf) =	vpush v13, $0x2;
	s30 =	spop (v2sf);
	s26 =	rddreg [dreg:$0xe];
	v16 =	vsel vm3, s31, v16  }
0x723: {  	[tilespmem:$0x1FFE0] =	vst v0;
	v0 =	vmov s14;
	(v2sf) =	vpush v13, $0x3;
	s14 =	smulhi.u32 $0x14F8B589, s30;
	s29 =	sshrl.u32 s26, $0x1F;
	v16 =	vsel vm12, s20, v16  }
0x724: {  	v56 =	vmul.u32 $0x186A0, v56;
	s10 =	sshra.s32 s26, $0xD;
	s8 =	sshra.s32 s26, $0x1F;
	s26 =	sshra.s32 s30, $0x1F;
	v16 =	vsel vm0, s22, v16  }
0x725: {  	s5 =	sshra.s32 s5, $0xD;
	v0 =	vsel vm0, s7, v0;
	v15 =	vsel vm7, s29, v15;
	s7 =	smul.u32 $0x14F8B589, s26;
	s29 =	spop (v2sf);
	v16 =	vsel vm13, s0, v16  }
0x726: {  	v59 =	vld [tilespmem:$0x2E0];
	v58 =	vcombine.low v60, v58;
	v39 =	vcombine.low v39, v30;
	s9 =	sshra.s32 s28, $0xD;
	s22 =	smulhi.u32 $0x14F8B589, s29;
	s26 =	sshra.s32 s29, $0x1F;
	v16 =	vsel vm1, s15, v16  }
0x727: {  	v47 =	vcombine.low v47, v14;
	(v2sf) =	vpush v13, $0x4;
	s30 =	spop (v2sf);
	s0 =	sadd.s32 s24, s23;
	s23 =	smul.u32 $0x14F8B589, s26;
	v16 =	vsel vm14, s19, v16  }
0x728: {  	v0 =	vsel vm1, s2, v0;
	s20 =	sshrl.u32 s28, $0x1F;
	(v2sf) =	vpush v13, $0x5;
	s24 =	smulhi.u32 $0x14F8B589, s30;
	s31 =	sshra.s32 s30, $0x1F;
	v61 =	vsel vm2, s18, v16  }
0x729: {  	s2 =	sadd.s32 s21, s25;
	s30 =	spop (v2sf);
	s28 =	smul.u32 $0x14F8B589, s31;
	v16 =	vsel vm4, s20, v15;
	v15 =	vsel vm2, s6, v0;
	v0 =	vsel vm15, s17, v61;
	v61 =	vld [tilespmem:$0x160]  }
0x72a: {  	v58 =	vperm.xlane v58, v62;
	v31 =	vperm.xlane v31, v1;
	s29 =	rddreg [dreg:$0xd];
	(v2sf) =	vpush v13, $0x6;
	s25 =	smulhi.u32 $0x14F8B589, s30;
	s21 =	sshra.s32 s30, $0x1F  }
0x72b: {  	v59 =	vmul.u32 $0x3F1, v59;
	v47 =	vperm.xlane v47, v62;
	v29 =	vcombine.low v29, v32;
	s15 =	sshrl.u32 s29, $0x1F;
	s31 =	spop (v2sf);
	s20 =	smul.u32 $0x14F8B589, s21  }
0x72c: {  	v2 =	vsub.s32 v2, v56;
	v39 =	vperm.xlane v39, v62;
	v41 =	vcombine.low v49, v41;
	s18 =	sshrl.u32 s0, $0x1F;
	s6 =	sadd.s32 s7, s14;
	s14 =	smulhi.u32 $0x14F8B589, s31  }
0x72d: {  	v47 =	vsel vm8, v31, v47;
	v29 =	vperm.xlane v29, v62;
	v34 =	vperm.xlane v34, v1;
	s21 =	sshra.s32 s31, $0x1F;
	s7 =	sadd.s32 s23, s22;
	s23 =	spop (v2sf)  }
0x72e: {  	v41 =	vperm.xlane v41, v62;
	v60 =	vmov s5;
	s5 =	sadd.s32 s28, s24;
	s17 =	sshrl.u32 s2, $0x1F;
	s21 =	smul.u32 $0x14F8B589, s21;
	v14 =	vadd.s32 v61, v59;
	v61 =	vld [tilespmem:$0x1FF40]  }
0x72f: {  	v33 =	vcombine.low v33, v35;
	v60 =	vsel vm0, s4, v60;
	(v2sf) =	vpush v13, $0x7;
	s26 =	smulhi.u32 $0x14F8B589, s23;
	s30 =	sshra.s32 s23, $0x1F;
	s4 =	sshrl.u32 s7, $0x1F  }
0x730: {  	v45 =	vperm.xlane v45, v1;
	v30 =	vsel vm1, s3, v60;
	s31 =	spop (v2sf);
	s3 =	sshrl.u32 s5, $0x1F;
	v0 =	vsel vm5, s16, v0;
	s22 =	smul.u32 $0x14F8B589, s30  }
0x731: {  	v33 =	vperm.xlane v33, v62;
	v38 =	vcombine.low v50, v38;
	s24 =	smulhi.u32 $0x14F8B589, s31;
	s30 =	spop (v2sf);
	v0 =	vsel vm10, s13, v0;
	s13 =	sshra.s32 s31, $0x1F  }
0x732: {  	v41 =	vsel vm8, v45, v41;
	v46 =	vperm.xlane v46, v1;
	v60 =	vperm.xlane v57, v62;
	s5 =	sshra.s32 s5, $0xD;
	s31 =	spop (v2sf);
	s28 =	smul.u32 $0x14F8B589, s13  }
0x733: {  	v0 =	vsel vm6, s12, v0;
	s12 =	sadd.s32 s20, s25;
	s20 =	smulhi.u32 $0x14F8B589, s30;
	s13 =	sshra.s32 s30, $0x1F;
	(v2sf) =	vpush v14, $0xD;
	v57 =	vperm.xlane v61, v1  }
0x734: {  	v37 =	vcombine.low v37, v54;
	v30 =	vsel vm2, s1, v30;
	s16 =	sshrl.u32 s6, $0x1F;
	s25 =	sshra.s32 s31, $0x1F;
	s1 =	smul.u32 $0x14F8B589, s13;
	(v2sf) =	vpush v14, $0xC;
	v61 =	vld [tilespmem:$0x1FF60]  }
0x735: {  	v43 =	vperm.xlane v43, v1;
	v0 =	vsel vm9, s11, v0;
	s11 =	sshrl.u32 s12, $0x1F;
	s13 =	sadd.s32 s21, s14;
	s21 =	smulhi.u32 $0x14F8B589, s31;
	v56 =	vsel vm8, v57, v60;
	v60 =	vld [tilespmem:$0x1FF50]  }
0x736: {  	v25 =	vcombine.low v25, v26;
	s14 =	sadd.s32 s22, s26;
	s22 =	smul.u32 $0x14F8B589, s25;
	s25 =	spop (v2sf);
	v0 =	vsel vm7, s10, v0;
	(v2sf) =	vpush v14, $0xE  }
0x737: {  	v20 =	vcombine.low v20, v24;
	s10 =	sshrl.u32 s13, $0x1F;
	s23 =	sshra.s32 s25, $0x1F;
	v0 =	vsel vm11, s8, v0;
	s8 =	sshrl.u32 s14, $0x1F;
	(v2sf) =	vpush v14, $0xF  }
0x738: {  	vm12 =	vmmov vm13;
	vm13 =	vmmov vm10;
	s23 =	smul.u32 $0x14F8B589, s23;
	s21 =	sadd.s32 s22, s21;
	s26 =	spop (v2sf);
	(v2sf) =	vpush v14, $0x9  }
0x739: {  	vm15 =	vmmov vm11;
	vm9 =	vlt.s32 v2, $0x0;
	s22 =	sshra.s32 s29, $0xD;
	s19 =	smulhi.u32 $0x14F8B589, s26;
	s30 =	spop (v2sf);
	(v2sf) =	vpush v14, $0x8  }
0x73a: {  	s29 =	sshra.s32 s0, $0xD;
	s31 =	sshra.s32 s30, $0x1F;
	v59 =	vperm.xlane v61, v1;
	v57 =	vperm.xlane v60, v1;
	v60 =	vmov s18;
	s18 =	smulhi.u32 $0x14F8B589, s25  }
0x73b: {  	vm11 =	vcmask $0x704;
	(v2sf) =	vpush v14, $0xA;
	v60 =	vsel vm0, s15, v60;
	s15 =	sadd.s32 s28, s24;
	s28 =	sshra.s32 s26, $0x1F;
	s26 =	smul.u32 $0x14F8B589, s31  }
0x73c: {  	s0 =	sshra.s32 s13, $0xD;
	s13 =	sshra.s32 s14, $0x1F;
	v31 =	vsel vm4, s9, v0;
	(v2sf) =	vpush v14, $0xB;
	v39 =	vsel vm8, v59, v39;
	s9 =	smul.u32 $0x14F8B589, s28  }
0x73d: {  	v39 =	vadd.s32 v39, v47;
	v57 =	vsel vm8, v57, v58;
	v0 =	vsel vm1, s17, v60;
	s25 =	sshrl.u32 s15, $0x1F;
	s17 =	sadd.s32 s1, s20;
	s1 =	smulhi.u32 $0x14F8B589, s30  }
0x73e: {  	v60 =	vmul.u32 $0x186A0, v39;
	s30 =	spop (v2sf);
	s20 =	sadd.s32 s23, s18;
	s23 =	sshrl.u32 s21, $0x1F;
	(v2sf) =	vpush v14, $0x0;
	v56 =	vadd.s32 v56, v57  }
0x73f: {  	v39 =	vsel vm2, s16, v0;
	s24 =	sshrl.u32 s17, $0x1F;
	v0 =	vmov s8;
	s31 =	smulhi.u32 $0x14F8B589, s30;
	s28 =	sshra.s32 s30, $0x1F;
	v61 =	vmul.u32 $0x186A0, v56  }
0x740: {  	s16 =	sshra.s32 s6, $0xD;
	v6 =	vsub.s32 v6, v60;
	s30 =	smul.u32 $0x14F8B589, s28;
	s9 =	sadd.s32 s9, s19;
	v56 =	vmov s3;
	v0 =	vnsel vm3, $0x0, v0  }
0x741: {  	s19 =	sshrl.u32 s20, $0x1F;
	s8 =	sadd.s32 s26, s1;
	s1 =	sshra.s32 s12, $0xD;
	v0 =	vsel vm0, s25, v0;
	v56 =	vsel vm0, s4, v56;
	v47 =	vsub.s32 v3, v61;
	v61 =	vld [tilespmem:$0x1FF70]  }
0x742: {  	s12 =	sshra.s32 s15, $0xD;
	s26 =	sshrl.u32 s9, $0x1F;
	s25 =	spop (v2sf);
	(v2sf) =	vpush v14, $0x1;
	v3 =	vadd.s32 $0x186A0, v2;
	v0 =	vsel vm1, s24, v0  }
0x743: {  	v58 =	vld [tilespmem:$0x1FF80];
	s28 =	sshrl.u32 s8, $0x1F;
	s6 =	sshra.s32 s9, $0xD;
	v56 =	vsel vm1, s11, v56;
	s24 =	spop (v2sf);
	(v2sf) =	vpush v14, $0x2;
	vm10 =	vlt.s32 v47, $0x0  }
0x744: {  	s3 =	sadd.s32 s30, s31;
	s30 =	sshra.s32 s2, $0xD;
	s2 =	sshra.s32 s7, $0xD;
	v60 =	vadd.s32 $0x186A0, v47;
	v3 =	vsel vm9, v3, v2;
	v0 =	vsel vm2, s23, v0  }
0x745: {  	s31 =	sshra.s32 s14, $0xD;
	s18 =	sshrl.u32 s3, $0x1F;
	vm9 =	vlt.s32 v6, $0x0;
	s7 =	sshra.s32 s3, $0x1F;
	v32 =	vsel vm2, s10, v56;
	v0 =	vsel vm5, s19, v0  }
0x746: {  	s10 =	sshra.s32 s21, $0xD;
	v56 =	vsel vm8, v34, v29;
	s11 =	smulhi.u32 $0x14F8B589, s24;
	s19 =	sshra.s32 s21, $0x1F;
	v0 =	vsel vm6, s26, v0;
	v36 =	vcombine.low v36, v61  }
0x747: {  	v2 =	vsel vm10, v60, v47;
	s21 =	sshra.s32 s20, $0xD;
	v59 =	vmov s7;
	s7 =	sshra.s32 s20, $0x1F;
	v0 =	vsel vm7, s28, v0;
	s28 =	spop (v2sf)  }
0x748: {  	v47 =	vperm.xlane v58, v1;
	s20 =	smulhi.u32 $0x14F8B589, s25;
	s26 =	sshra.s32 s25, $0x1F;
	v29 =	vsel vm3, s31, v59;
	s31 =	spop (v2sf);
	v36 =	vperm.xlane v36, v62  }
0x749: {  	v60 =	vmov s29;
	s29 =	sshra.s32 s24, $0x1F;
	s4 =	smul.u32 $0x14F8B589, s26;
	v61 =	vadd.s32 $0x186A0, v6;
	v34 =	vsel vm4, s18, v0;
	s26 =	spop (v2sf)  }
0x74a: {  	s18 =	smulhi.u32 $0x14F8B589, s28;
	s23 =	sshra.s32 s28, $0x1F;
	v6 =	vsel vm9, v61, v6;
	v61 =	vsel vm0, s22, v60;
	s28 =	spop (v2sf);
	v47 =	vsel vm8, v47, v36;
	v36 =	vld [tilespmem:$0x2F0]  }
0x74b: {  	s14 =	sshra.s32 s15, $0x1F;
	s24 =	smul.u32 $0x14F8B589, s29;
	v29 =	vsel vm11, s13, v29;
	(v2sf) =	vpush v14, $0x3;
	v0 =	vsel vm1, s30, v61;
	s30 =	spop (v2sf)  }
0x74c: {  	v20 =	vperm.xlane v20, v62;
	v57 =	vld [tilespmem:$0x170];
	v29 =	vsel vm0, s12, v29;
	(v2sf) =	vpush v14, $0x4;
	s23 =	smul.u32 $0x14F8B589, s23;
	s4 =	sadd.s32 s4, s20;
	s20 =	spop (v2sf)  }
0x74d: {  	v21 =	vperm.xlane v21, v1;
	s15 =	sshra.s32 s17, $0xD;
	v29 =	vsel vm12, s14, v29;
	(v2sf) =	vpush v14, $0x5;
	s25 =	smulhi.u32 $0x14F8B589, s20;
	s20 =	sshra.s32 s20, $0x1F  }
0x74e: {  	v19 =	vcombine.low v18, v19;
	s17 =	sshra.s32 s17, $0x1F;
	s13 =	sshra.s32 s9, $0x1F;
	v29 =	vsel vm1, s15, v29;
	(v2sf) =	vpush v14, $0x6;
	s20 =	smul.u32 $0x14F8B589, s20  }
0x74f: {  	s12 =	sshra.s32 s8, $0x1F;
	s29 =	sshra.s32 s31, $0x1F;
	v60 =	vmul.u32 $0x3F1, v36;
	v36 =	vsel vm2, s16, v0;
	v0 =	vsel vm14, s17, v29;
	s17 =	smulhi.u32 $0x14F8B589, s31  }
0x750: {  	v19 =	vperm.xlane v19, v62;
	s14 =	sshra.s32 s8, $0xD;
	vm12 =	vcmask $0x1F1C;
	s8 =	sshra.s32 s26, $0x1F;
	v61 =	vld [tilespmem:$0x1FF90];
	s31 =	smul.u32 $0x14F8B589, s29;
	v0 =	vsel vm2, s10, v0  }
0x751: {  	v17 =	vperm.xlane v17, v1;
	s15 =	sshra.s32 s3, $0xD;
	s22 =	spop (v2sf);
	v29 =	vadd.s32 v57, v60;
	v0 =	vsel vm12, s19, v0;
	s19 =	smulhi.u32 $0x14F8B589, s26;
	v60 =	vld [tilespmem:$0x1FFA0]  }
0x752: {  	v25 =	vperm.xlane v25, v62;
	v20 =	vsel vm8, v21, v20;
	(v2sf) =	vpush v14, $0x7;
	s16 =	sshrl.u32 s4, $0x1F;
	s4 =	sshra.s32 s4, $0xD;
	s26 =	smulhi.u32 $0x14F8B589, s28  }
0x753: {  	v17 =	vsel vm8, v17, v19;
	v57 =	vmov s5;
	s28 =	sshra.s32 s28, $0x1F;
	s5 =	sadd.s32 s23, s18;
	s23 =	smulhi.u32 $0x14F8B589, s30;
	(v2sf) =	vpush v29, $0xD  }
0x754: {  	v27 =	vperm.xlane v27, v1;
	v17 =	vadd.s32 v20, v17;
	s30 =	sshra.s32 s30, $0x1F;
	s9 =	sadd.s32 s31, s17;
	v0 =	vsel vm5, s21, v0;
	s21 =	smul.u32 $0x14F8B589, s8  }
0x755: {  	v17 =	vmul.u32 $0x186A0, v17;
	v59 =	vld [tilespmem:$0x1FFB0];
	v47 =	vadd.s32 v47, v56;
	s8 =	sadd.s32 s24, s11;
	s29 =	smul.u32 $0x14F8B589, s28;
	v56 =	vsel vm0, s2, v57;
	s24 =	spop (v2sf)  }
0x756: {  	s2 =	sshrl.u32 s5, $0x1F;
	s31 =	smul.u32 $0x14F8B589, s30;
	s28 =	sshra.s32 s22, $0x1F;
	(v2sf) =	vpush v29, $0xC;
	v58 =	vcombine.low v60, v61;
	v60 =	vld [tilespmem:$0x1FFC0];
	v61 =	vmul.u32 $0x186A0, v47  }
0x757: {  	v28 =	vcombine.low v28, v42;
	v25 =	vsel vm8, v27, v25;
	v12 =	vsub.s32 v12, v17;
	s3 =	sshrl.u32 s9, $0x1F;
	s18 =	sshrl.u32 s8, $0x1F;
	s30 =	smul.u32 $0x14F8B589, s28  }
0x758: {  	v0 =	vsel vm13, s7, v0;
	vm13 =	vcmask $0x2F2C;
	s7 =	sadd.s32 s21, s19;
	s10 =	sadd.s32 s29, s26;
	s26 =	smulhi.u32 $0x14F8B589, s22;
	v4 =	vsub.s32 v4, v61;
	v61 =	vld [tilespmem:$0x1FFE0]  }
0x759: {  	v0 =	vsel vm6, s6, v0;
	s29 =	spop (v2sf);
	(v2sf) =	vpush v29, $0xE;
	s11 =	sadd.s32 s31, s23;
	s6 =	sadd.s32 s20, s25;
	v47 =	vperm.xlane v58, v62;
	v58 =	vld [tilespmem:$0x1FFD0]  }
0x75a: {  	v15 =	vcombine.low v30, v15;
	s20 =	smulhi.u32 $0x14F8B589, s24;
	s24 =	sshra.s32 s24, $0x1F;
	s31 =	spop (v2sf);
	(v2sf) =	vpush v29, $0xF;
	v0 =	vsel vm13, s13, v0  }
0x75b: {  	s25 =	smul.u32 $0x14F8B589, s24;
	(v2sf) =	vpush v29, $0x9;
	s13 =	sadd.s32 s30, s26;
	v0 =	vsel vm7, s14, v0;
	s26 =	sshra.s32 s29, $0x1F;
	v59 =	vcombine.low v60, v59  }
0x75c: {  	v16 =	vperm.xlane v16, v1;
	s19 =	spop (v2sf);
	s30 =	sshra.s32 s31, $0x1F;
	(v2sf) =	vpush v29, $0x8;
	v0 =	vsel vm15, s12, v0;
	s28 =	smul.u32 $0x14F8B589, s26  }
0x75d: {  	s17 =	spop (v2sf);
	s12 =	sadd.s32 s25, s20;
	s25 =	smul.u32 $0x14F8B589, s30;
	(v2sf) =	vpush v29, $0xA;
	v60 =	vperm.xlane v59, v62;
	v57 =	vperm.xlane v61, v1  }
0x75e: {  	s8 =	sshra.s32 s8, $0xD;
	s26 =	smulhi.u32 $0x14F8B589, s19;
	s24 =	spop (v2sf);
	vm9 =	vlt.s32 v4, $0x0;
	(v2sf) =	vpush v29, $0xB;
	v49 =	vperm.xlane v58, v1  }
0x75f: {  	s23 =	sshrl.u32 s7, $0x1F;
	s22 =	sshrl.u32 s12, $0x1F;
	v58 =	vsel vm1, s1, v56;
	v35 =	vsel vm8, v57, v60;
	v60 =	vmov s18;
	s18 =	smulhi.u32 $0x14F8B589, s29  }
0x760: {  	s30 =	sshra.s32 s17, $0x1F;
	v59 =	vadd.s32 $0x186A0, v4;
	v47 =	vsel vm8, v49, v47;
	v57 =	vperm.xlane v53, v1;
	s29 =	smulhi.u32 $0x14F8B589, s31;
	s31 =	sshrl.u32 s10, $0x1F  }
0x761: {  	s20 =	spop (v2sf);
	s1 =	smulhi.u32 $0x14F8B589, s24;
	v53 =	vperm.xlane v38, v62;
	v35 =	vadd.s32 v47, v35;
	v56 =	vmov s31;
	s31 =	sshrl.u32 s11, $0x1F  }
0x762: {  	v61 =	vmul.u32 $0x186A0, v35;
	v35 =	vsel vm4, s15, v0;
	v0 =	vsel vm0, s16, v60;
	s16 =	spop (v2sf);
	s15 =	sadd.s32 s28, s18;
	s28 =	sshra.s32 s19, $0x1F  }
0x763: {  	v33 =	vsel vm8, v57, v33;
	(v2sf) =	vpush v29, $0x0;
	s14 =	sadd.s32 s25, s29;
	v45 =	vsel vm0, s23, v56;
	s23 =	smul.u32 $0x14F8B589, s30;
	s25 =	sshra.s32 s24, $0x1F  }
0x764: {  	v57 =	vperm.xlane v37, v62;
	s30 =	sshra.s32 s20, $0x1F;
	v41 =	vadd.s32 v41, v33;
	v33 =	vsel vm2, s0, v58;
	s0 =	sshrl.u32 s13, $0x1F;
	s18 =	smul.u32 $0x14F8B589, s28  }
0x765: {  	v0 =	vsel vm1, s2, v0;
	s29 =	sshrl.u32 s15, $0x1F;
	s21 =	spop (v2sf);
	(v2sf) =	vpush v29, $0x1;
	v50 =	vmov s0;
	s0 =	smulhi.u32 $0x14F8B589, s17  }
0x766: {  	v37 =	vsel vm2, s3, v0;
	v0 =	vsel vm1, s31, v45;
	s31 =	smul.u32 $0x14F8B589, s30;
	v54 =	vnsel vm3, $0x0, v50;
	s2 =	sadd.s32 s18, s26;
	s26 =	sshrl.u32 s6, $0x1F  }
0x767: {  	v15 =	vperm.xlane v15, v62;
	v4 =	vsel vm9, v59, v4;
	s18 =	smul.u32 $0x14F8B589, s25;
	v38 =	vsel vm0, s22, v54;
	s22 =	sshrl.u32 s14, $0x1F;
	s28 =	sshrl.u32 s2, $0x1F  }
0x768: {  	v49 =	vperm.xlane v28, v62;
	v60 =	vsel vm8, v46, v53;
	s3 =	sadd.s32 s23, s0;
	s23 =	sshra.s32 s13, $0xD;
	v38 =	vsel vm1, s29, v38;
	s29 =	smulhi.u32 $0x14F8B589, s20  }
0x769: {  	v53 =	vcombine.low v55, v48;
	v58 =	vperm.xlane v51, v1;
	s1 =	sadd.s32 s18, s1;
	s24 =	sshrl.u32 s3, $0x1F;
	v59 =	vsel vm2, s22, v38;
	s22 =	spop (v2sf)  }
0x76a: {  	v41 =	vmul.u32 $0x186A0, v41;
	v5 =	vsub.s32 v5, v61;
	(v2sf) =	vpush v29, $0x2;
	s25 =	sshrl.u32 s1, $0x1F;
	s20 =	spop (v2sf);
	s0 =	sadd.s32 s31, s29  }
0x76b: {  	vm9 =	vlt.s32 v5, $0x0;
	v38 =	vsel vm2, s26, v0;
	v0 =	vsel vm5, s28, v59;
	s28 =	sshra.s32 s5, $0xD;
	s29 =	sshra.s32 s9, $0xD;
	s9 =	sshra.s32 s7, $0xD  }
0x76c: {  	v61 =	vadd.s32 $0x186A0, v5;
	v50 =	vsel vm8, v58, v57;
	v54 =	vmov s8;
	s31 =	sshra.s32 s10, $0xD;
	s10 =	sshra.s32 s11, $0xD;
	s11 =	smulhi.u32 $0x14F8B589, s16  }
0x76d: {  	v41 =	vsub.s32 v8, v41;
	v8 =	vsel vm9, v61, v5;
	v55 =	vsel vm0, s4, v54;
	s19 =	spop (v2sf);
	s26 =	sshrl.u32 s0, $0x1F;
	s30 =	sshra.s32 s0, $0x1F  }
0x76e: {  	v0 =	vsel vm6, s24, v0;
	v56 =	vsel vm1, s28, v55;
	s24 =	sshra.s32 s13, $0x1F;
	v61 =	vmov s31;
	s28 =	sshra.s32 s21, $0x1F;
	s31 =	sshra.s32 s6, $0xD  }
0x76f: {  	vm13 =	vlt.s32 v41, $0x0;
	v51 =	vadd.s32 $0x186A0, v41;
	s13 =	smulhi.u32 $0x14F8B589, s22;
	s18 =	spop (v2sf);
	v0 =	vsel vm7, s25, v0;
	s25 =	sshra.s32 s12, $0xD  }
0x770: {  	(v2sf) =	vpush v29, $0x3;
	v5 =	vsel vm13, v51, v41;
	v59 =	vmov s30;
	s30 =	smul.u32 $0x14F8B589, s28;
	s12 =	sshra.s32 s12, $0x1F;
	s28 =	sshra.s32 s14, $0xD  }
0x771: {  	s14 =	sshra.s32 s14, $0x1F;
	v41 =	vsel vm4, s26, v0;
	v0 =	vcombine.low v40, v44;
	v40 =	vsel vm2, s29, v56;
	s26 =	smulhi.u32 $0x14F8B589, s21;
	s29 =	sshra.s32 s16, $0x1F  }
0x772: {  	v58 =	vperm.xlane v52, v1;
	v45 =	vadd.s32 v60, v50;
	s17 =	spop (v2sf);
	v60 =	vsel vm3, s23, v59;
	s23 =	sshra.s32 s22, $0x1F;
	s4 =	smul.u32 $0x14F8B589, s29  }
0x773: {  	(v2sf) =	vpush v29, $0x4;
	v52 =	vsel vm0, s9, v61;
	s8 =	spop (v2sf);
	v46 =	vsel vm11, s24, v60;
	s24 =	sshra.s32 s15, $0xD;
	s16 =	smul.u32 $0x14F8B589, s23  }
0x774: {  	v28 =	vcombine.low v32, v39;
	(v2sf) =	vpush v29, $0x5;
	v42 =	vsel vm1, s10, v52;
	s15 =	sshra.s32 s15, $0x1F;
	s23 =	smulhi.u32 $0x14F8B589, s17;
	s5 =	spop (v2sf)  }
0x775: {  	v54 =	vsel vm2, s31, v42;
	s31 =	sshra.s32 s2, $0xD;
	v48 =	vsel vm0, s25, v46;
	s25 =	smulhi.u32 $0x14F8B589, s20;
	s7 =	spop (v2sf);
	(v2sf) =	vpush v29, $0x6  }
0x776: {  	v32 =	vperm.xlane v31, v1;
	v39 =	vperm.xlane v34, v1;
	s6 =	sadd.s32 s30, s26;
	s26 =	sshra.s32 s20, $0x1F;
	s30 =	smulhi.u32 $0x14F8B589, s18;
	(v2sf) =	vpush v29, $0x7  }
0x777: {  	v50 =	vperm.xlane v63, v1;
	v45 =	vmul.u32 $0x186A0, v45;
	vm13 =	vcmask $0xF0C;
	s17 =	sshra.s32 s17, $0x1F;
	s18 =	sshra.s32 s18, $0x1F;
	s20 =	smul.u32 $0x14F8B589, s26  }
0x778: {  	v15 =	vsel vm8, v32, v15;
	v36 =	vcombine.low v33, v36;
	v51 =	vsel vm13, s12, v48;
	s12 =	sadd.s32 s4, s11;
	s29 =	sshrl.u32 s6, $0x1F;
	s18 =	smul.u32 $0x14F8B589, s18  }
0x779: {  	v57 =	vperm.xlane v53, v62;
	v26 =	vsel vm8, v50, v49;
	v7 =	vsub.s32 v7, v45;
	s16 =	sadd.s32 s16, s13;
	s26 =	smulhi.u32 $0x14F8B589, s8;
	s6 =	sshra.s32 s6, $0xD  }
0x77a: {  	vm9 =	vlt.s32 v7, $0x0;
	v53 =	vadd.s32 $0x186A0, v7;
	v24 =	vsel vm1, s24, v51;
	s11 =	sshrl.u32 s12, $0x1F;
	s24 =	sshrl.u32 s16, $0x1F;
	s12 =	sshra.s32 s12, $0xD  }
0x77b: {  	v0 =	vperm.xlane v0, v62;
	v55 =	vmov s29;
	s16 =	sshra.s32 s16, $0xD;
	v24 =	vsel vm14, s15, v24;
	s15 =	smulhi.u32 $0x14F8B589, s19;
	s19 =	sshra.s32 s19, $0x1F  }
0x77c: {  	v38 =	vcombine.low v38, v37;
	v7 =	vsel vm9, v53, v7;
	v42 =	vsel vm0, s11, v55;
	s11 =	sadd.s32 s20, s25;
	s25 =	smul.u32 $0x14F8B589, s17;
	s13 =	sadd.s32 s18, s30  }
0x77d: {  	v44 =	vsel vm8, v58, v57;
	v0 =	vsel vm8, v43, v0;
	v24 =	vsel vm2, s28, v24;
	s19 =	smul.u32 $0x14F8B589, s19;
	s28 =	sshra.s32 s8, $0x1F;
	s29 =	sshrl.u32 s13, $0x1F  }
0x77e: {  	v45 =	vperm.xlane v38, v62;
	v56 =	vadd.s32 v26, v25;
	v0 =	vadd.s32 v44, v0;
	s21 =	sshrl.u32 s11, $0x1F;
	s9 =	spop (v2sf);
	s18 =	smul.u32 $0x14F8B589, s28  }
0x77f: {  	v0 =	vmul.u32 $0x186A0, v0;
	v58 =	vsel vm1, s24, v42;
	v24 =	vsel vm12, s14, v24;
	s24 =	smulhi.u32 $0x14F8B589, s7;
	s7 =	sshra.s32 s7, $0x1F;
	s10 =	spop (v2sf)  }
0x780: {  	v47 =	vperm.xlane v41, v1;
	v18 =	vcombine.low v54, v40;
	s8 =	sadd.s32 s19, s15;
	v57 =	vsel vm5, s31, v24;
	s19 =	smulhi.u32 $0x14F8B589, s5;
	s31 =	sshra.s32 s5, $0x1F  }
0x781: {  	v59 =	vmov s29;
	v0 =	vsub.s32 v9, v0;
	v9 =	vmul.u32 $0x186A0, v56;
	s15 =	sadd.s32 s25, s23;
	s29 =	smulhi.u32 $0x14F8B589, s9;
	s9 =	sshra.s32 s9, $0x1F  }
0x782: {  	v30 =	vmov s6;
	v63 =	vsel vm2, s21, v58;
	vm9 =	vlt.s32 v0, $0x0;
	s30 =	sshrl.u32 s8, $0x1F;
	s22 =	smul.u32 $0x14F8B589, s31;
	s4 =	spop (v2sf)  }
0x783: {  	v60 =	vadd.s32 $0x186A0, v0;
	s14 =	sadd.s32 s18, s26;
	s26 =	smul.u32 $0x14F8B589, s7;
	v9 =	vsub.s32 v10, v9;
	v21 =	vsel vm0, s30, v59;
	s5 =	spop (v2sf)  }
0x784: {  	s25 =	sshrl.u32 s15, $0x1F;
	s9 =	smul.u32 $0x14F8B589, s9;
	v10 =	vsel vm9, v60, v0;
	vm13 =	vlt.s32 v9, $0x0;
	v61 =	vadd.s32 $0x186A0, v9;
	s7 =	spop (v2sf)  }
0x785: {  	v0 =	vadd.s32 $0x186A0, v12;
	s30 =	smulhi.u32 $0x14F8B589, s10;
	s10 =	sshra.s32 s10, $0x1F;
	v9 =	vsel vm13, v61, v9;
	vm13 =	vlt.s32 v12, $0x0;
	s31 =	spop (v2sf)  }
0x786: {  	s21 =	sadd.s32 s22, s19;
	v12 =	vsel vm13, v0, v12;
	v0 =	vcombine.low v22, v23;
	v22 =	vsel vm0, s12, v30;
	s18 =	smulhi.u32 $0x14F8B589, s31;
	s12 =	sshra.s32 s31, $0x1F  }
0x787: {  	v43 =	vperm.xlane v35, v1;
	v27 =	vsel vm1, s25, v21;
	s22 =	sadd.s32 s26, s24;
	v21 =	vperm.xlane v28, v62;
	s24 =	sshra.s32 s13, $0xD;
	s12 =	smul.u32 $0x14F8B589, s12  }
0x788: {  	v18 =	vperm.xlane v18, v62;
	v42 =	vperm.xlane v36, v62;
	s8 =	sshra.s32 s8, $0xD;
	s28 =	sshrl.u32 s14, $0x1F;
	s10 =	smul.u32 $0x14F8B589, s10;
	v44 =	vmov s24  }
0x789: {  	s17 =	sadd.s32 s9, s29;
	v20 =	vsel vm2, s28, v27;
	s28 =	sshra.s32 s15, $0xD;
	v21 =	vsel vm8, v39, v21;
	v23 =	vsel vm0, s8, v44;
	s6 =	sadd.s32 s12, s18  }
0x78a: {  	s9 =	sadd.s32 s10, s30;
	s30 =	sshrl.u32 s21, $0x1F;
	v17 =	vcombine.low v20, v63;
	vm13 =	vcmask $0xF0C;
	v22 =	vsel vm1, s16, v22;
	s25 =	sshra.s32 s6, $0x1F  }
0x78b: {  	s23 =	sshra.s32 s11, $0xD;
	s26 =	sshra.s32 s21, $0xD;
	v48 =	vsel vm1, s28, v23;
	v52 =	vmov s30;
	v46 =	vmov s25  }
0x78c: {  	s14 =	sshra.s32 s14, $0xD;
	s29 =	sshra.s32 s21, $0x1F;
	v0 =	vperm.xlane v0, v62;
	v22 =	vsel vm2, s23, v22;
	v24 =	vsel vm3, s26, v46  }
0x78d: {  	s2 =	sshra.s32 s2, $0x1F;
	s20 =	sshrl.u32 s17, $0x1F;
	v50 =	vsel vm2, s14, v48;
	v56 =	vperm.xlane v17, v62;
	s18 =	sshra.s32 s22, $0xD;
	v49 =	vsel vm11, s29, v24  }
0x78e: {  	s10 =	sshra.s32 s3, $0xD;
	s21 =	sshra.s32 s22, $0x1F;
	s23 =	sshra.s32 s17, $0xD;
	v20 =	vcombine.low v50, v22;
	v0 =	vsel vm8, v16, v0;
	v23 =	vsel vm0, s18, v49  }
0x78f: {  	v0 =	vadd.s32 v0, v15;
	v15 =	vsel vm8, v43, v42;
	s31 =	sshrl.u32 s22, $0x1F;
	s22 =	smulhi.u32 $0x14F8B589, s4;
	s4 =	sshra.s32 s4, $0x1F;
	v51 =	vsel vm13, s21, v23  }
0x790: {  	s24 =	sshrl.u32 s9, $0x1F;
	v22 =	vnsel vm3, $0x0, v52;
	v15 =	vadd.s32 v21, v15;
	s4 =	smul.u32 $0x14F8B589, s4;
	s25 =	sshra.s32 s17, $0x1F;
	v21 =	vsel vm1, s23, v51  }
0x791: {  	s28 =	sshra.s32 s9, $0xD;
	v16 =	vsel vm8, v47, v45;
	v0 =	vmul.u32 $0x186A0, v0;
	s26 =	smulhi.u32 $0x14F8B589, s5;
	s5 =	sshra.s32 s5, $0x1F;
	v21 =	vsel vm14, s25, v21  }
0x792: {  	s9 =	sshra.s32 s9, $0x1F;
	v15 =	vmul.u32 $0x186A0, v15;
	v22 =	vsel vm0, s31, v22;
	s4 =	sadd.s32 s4, s22;
	s5 =	smul.u32 $0x14F8B589, s5;
	v21 =	vsel vm2, s28, v21  }
0x793: {  	v22 =	vsel vm1, s20, v22;
	s29 =	smulhi.u32 $0x14F8B589, s7;
	s7 =	sshra.s32 s7, $0x1F;
	s30 =	sshra.s32 s4, $0xD;
	vm13 =	vcmask $0x2724;
	v21 =	vsel vm12, s9, v21  }
0x794: {  	v22 =	vsel vm2, s24, v22;
	s31 =	sshra.s32 s4, $0x1F;
	s7 =	smul.u32 $0x14F8B589, s7;
	s5 =	sadd.s32 s5, s26;
	v19 =	vsel vm13, s2, v57;
	v21 =	vsel vm5, s30, v21  }
0x795: {  	s3 =	sshra.s32 s3, $0x1F;
	s4 =	sshrl.u32 s4, $0x1F;
	v19 =	vsel vm6, s10, v19;
	vm14 =	vcmask $0x2F2C;
	s10 =	sshra.s32 s5, $0xD;
	v21 =	vsel vm13, s31, v21  }
0x796: {  	s8 =	sshra.s32 s1, $0xD;
	v22 =	vsel vm5, s4, v22;
	s2 =	sadd.s32 s7, s29;
	s12 =	sshra.s32 s5, $0x1F;
	v19 =	vsel vm14, s3, v19;
	v21 =	vsel vm6, s10, v21  }
0x797: {  	[tilespmem:$0x3A0] =	vst v3;
	s1 =	sshra.s32 s1, $0x1F;
	s11 =	sshrl.u32 s5, $0x1F;
	v57 =	vperm.xlane v20, v62;
	s14 =	sshra.s32 s2, $0xD;
	v19 =	vsel vm7, s8, v19;
	v21 =	vsel vm14, s12, v21  }
0x798: {  	[tilespmem:$0x3B0] =	vst v2;
	s0 =	sshra.s32 s0, $0xD;
	v53 =	vsel vm6, s11, v22;
	s13 =	sshrl.u32 s2, $0x1F;
	s16 =	sshra.s32 s2, $0x1F;
	v3 =	vsel vm15, s1, v19;
	v54 =	vsel vm7, s14, v21  }
0x799: {  	[tilespmem:$0x3C0] =	vst v6;
	s15 =	sshrl.u32 s6, $0x1F;
	s17 =	sshra.s32 s6, $0xD;
	v2 =	vsel vm4, s0, v3;
	v3 =	vsel vm7, s13, v53;
	v55 =	vsel vm15, s16, v54  }
0x79a: {  	[tilespmem:$0x3D0] =	vst v4;
	v2 =	vperm.xlane v2, v1;
	v3 =	vsel vm4, s15, v3;
	v6 =	vsel vm4, s17, v55  }
0x79b: {  	[tilespmem:$0x3E0] =	vst v8;
	v0 =	vsub.s32 v11, v0;
	v3 =	vperm.xlane v3, v1;
	v6 =	vperm.xlane v6, v1  }
0x79c: {  	[tilespmem:$0x3F0] =	vst v5;
	v58 =	vsub.s32 v13, v15;
	v60 =	vadd.s32 $0x186A0, v0;
	v2 =	vsel vm8, v2, v18  }
0x79d: {  	[tilespmem:$0x400] =	vst v7;
	v2 =	vadd.s32 v16, v2;
	v3 =	vsel vm8, v3, v56;
	v59 =	vsel vm8, v6, v57  }
0x79e: {  	[tilespmem:$0x410] =	vst v10;
	v61 =	vadd.s32 $0x186A0, v58;
	v2 =	vmul.u32 $0x186A0, v2;
	v3 =	vadd.s32 v3, v59  }
0x79f: {  	[tilespmem:$0x420] =	vst v9;
	vm12 =	vlt.s32 v0, $0x0;
	vm13 =	vlt.s32 v58, $0x0;
	v3 =	vmul.u32 $0x186A0, v3  }
0x7a0: {  	[tilespmem:$0x430] =	vst v12;
	v0 =	vsel vm12, v60, v0;
	v63 =	vsel vm13, v61, v58;
	v2 =	vsub.s32 v14, v2  }
0x7a1: {  	s19 =	rddreg [dreg:$0x1];
	[tilespmem:$0x440] =	vst v0;
	vm14 =	vlt.s32 v2, $0x0;
	v0 =	vsub.s32 v29, v3;
	v3 =	vadd.s32 $0x186A0, v2  }
0x7a2: {  	s24 =	rddreg [dreg:$0x9];
	[tilespmem:$0x450] =	vst v63;
	v2 =	vsel vm14, v3, v2;
	vm15 =	vlt.s32 v0, $0x0;
	v3 =	vadd.s32 $0x186A0, v0  }
0x7a3: {  	s22 =	rddreg [dreg:$0x7];
	v0 =	vsel vm15, v3, v0;
	[tilespmem:$0x460] =	vst v2  }
0x7a4: {  	s20 =	simm.s32 $0x80;
	s18 =	rddreg [dreg:$0x6];
	s21 =	simm.s32 $0x500;
	[tilespmem:$0x470] =	vst v0  }
0x7a5: {  	[tilespmem:s21], [sflag:$0x1] =	stream.indirect.gather [hbm4b:s19+s20], $0x80, s18, s20, $0xb8;
	[tilespmem:$0xC500] =	vst v63  }
0x7a6: {  	s23 =	rddreg [dreg:$0x8]  }
0x7a7: {  	[tilespmem:s22], [sflag:$0x1] =	stream.indirect.gather [hbm4b:s19+s20], $0x80, s23, s20, $0xb8;
	[tilespmem:$0xC500] =	vst v63  }
0x7a8: {  	s25 =	rddreg [dreg:$0xa];
	s28 =	simm.s32 $0x1  }
0x7a9: {  	[tilespmem:s24], [sflag:$0x1] =	stream.indirect.gather [hbm4b:s19+s20], $0x80, s25, s20, $0xb8;
	[tilespmem:$0xC500] =	vst v63  }
0x7aa: {  	s26 =	rddreg [dreg:$0xc];
	_ =	swait.ge [sflag:s28], $0x4000  }
0x7ab: {  	[sflag:s28] =	ssyncset.done $0x0  }
0x7ac: {  	[sflag:s28] =	ssyncadd.s32 $0xFFFFC000  }
0x7ad: {  	_ =	swait.ge [sflag:s28], $0x4000  }
0x7ae: {  	[sflag:s28] =	ssyncset.done $0x0  }
0x7af: {  	[sflag:s28] =	ssyncadd.s32 $0xFFFFC000  }
0x7b0: {  	p0 =	sne.s32 s26, $0x1;
	_ =	swait.ge [sflag:s28], $0x4000  }
0x7b1: {  	s30 =	simm.s32 $0x0;
	s31 =	simm.s32 $0x2;
	[sflag:s28] =	ssyncset.done $0x0  }
.Ltmp0:
0x7b2: {  	s29 =	rddreg [dreg:$0xb];
	[sflag:s28] =	ssyncadd.s32 $0xFFFFC000;
	(pc) =	sbr.rel @p0 .LBB2_1-.Ltmp0, $4  }
0x7b3: {  	[hbm4b:s29+s30] =	stream.linear.scatter [tilespmem:s21], [sflag:$0x2], $0xC000, $0x38;
	[tilespmem:$0xC500] =	vst v63  }
0x7b4: {  	_ =	swait.ge [sflag:s31], $0xC000  }
0x7b5: {  	[sflag:s31] =	ssyncset.done $0x0  }
0x7b6: {  	s2 =	sadd.s32 $0xFFFFFFFF, s26;
	[sflag:s31] =	ssyncadd.s32 $0xFFFF4000  }
0x7b7: {  	_ =	sfence.sel $0x180000  }
0x7b8: {  	[bflag:$0x0] =	sbarrier.arrive $0xFFFF  }
0x7b9: {  	_ =	strace $0x9000004A  }
0x7ba: {  	s0 =	stileid.u32;
	[bflag:$0x2] =	sbarrier.arrive $0xFFFF  }
0x7bb: {  	p0 =	sne.s32 s0, $0x0;
	s0 =	rddreg [dreg:$0x2]  }
0x7bc: {  	s0 =	sadd.s32 @!p0 $0x100000, s0  }
0x7bd: {  	[sflag:s0] =	ssyncadd.tile.s32 @!p0 $0x1;
	_ =	shalt  }
.Lfunc_end2:
_tile_overlayer_lowered:
.L_overlay_start_2:
0x7be: {  	(tag) =	ssettag $0x2  }
0x7bf: {  	s0 =	rddreg [dreg:$0x0];
	s2 =	stileid.u32  }
0x7c0: {  	s1 =	rddreg [dreg:$0x1];
	p0 =	sne.s32 s2, $0x0  }
0x7c1: {  	s3 =	rddreg [dreg:$0x2];
	[bflag:$0x3] =	sbarrier.arrive $0xFFFF;
	s2 =	simm.s32 @!p0 $0x1C02  }
0x7c2: {  	[timem:s3], [sflag:s2] =	dma.local @!p0 [hbm:s0], s1  }
0x7c3: {  	s0 =	simm.s32 @!p0 $0x2  }
0x7c4: {  	_ =	swait.ge @!p0 [sflag:s0], s1  }
0x7c5: {  	s1 =	ssub.s32 @!p0 $0x0, s1;
	[sflag:s0] =	ssyncset.done @!p0 $0x0  }
0x7c6: {  	[sflag:s0] =	ssyncadd.s32 @!p0 s1  }
0x7c7: {  	[bflag:$0x3] =	sbarrier.arrive $0xFFFF  }
0x7c8: {  	_ =	shalt  }

</sc_bundles>
